<compile_context>
chip_gen: v7x
topology: tpu7x:2x2x1
jax: 0.10.2.dev20260603
libtpu: 0.0.44.dev20260713+nightly
codegen_flags: <defaults>
</compile_context>

<pallas_src>
import functools

import jax
import jax.numpy as jnp
from jax import lax
from jax.experimental import pallas as pl
from jax.experimental.pallas import tpu as pltpu
from jax.experimental.pallas import tpu_sc as plsc

_THR = 3.33
_BIG = 1e9
_LANES = 16
_NSETS = 4
_NHALF = 2
_NW = _NSETS * _NHALF


def _compact_body(p_hbm, f_hbm, m_hbm, outc_hbm, cnt_hbm,
                  pb0, pb1, pb2, fb0, fb1, fb2, mb, ob0, ob1, ob2, cb, sb,
                  *, n):
    span = n // _NHALF
    pbufs = (pb0, pb1, pb2)
    fbufs = (fb0, fb1, fb2)
    obufs = (ob0, ob1, ob2)
    lanes = lax.iota(jnp.int32, _LANES)

    def _cumsum16(s):
        for k in (1, 2, 4, 8):
            sb[...] = s
            g = plsc.load_gather(sb, [jnp.maximum(lanes - k, 0)])
            s = s + jnp.where(lanes >= k, g, 0)
        return s

    w = lax.axis_index("s") * 2 + lax.axis_index("c")

    @pl.when(w < _NW)
    def _():
        for k in range(3):
            pltpu.sync_copy(
                p_hbm.at[pl.ds((w // _NHALF) * 3 * n + k * n
                               + (w % _NHALF) * span, span)], pbufs[k])
            pltpu.sync_copy(
                f_hbm.at[pl.ds((w // _NHALF) * 3 * n + k * n
                               + (w % _NHALF) * span, span)], fbufs[k])
        pltpu.sync_copy(
            m_hbm.at[pl.ds((w // _NHALF) * n + (w % _NHALF) * span, span)],
            mb)

        def body(i, base):
            mv = mb[pl.ds(i * _LANES, _LANES)]
            valid = mv > 0
            pos = base + _cumsum16(mv) - 1
            for k in range(3):
                pv = (pbufs[k][pl.ds(i * _LANES, _LANES)]
                      + fbufs[k][pl.ds(i * _LANES, _LANES)])
                plsc.store_scatter(obufs[k], [pos], pv, mask=valid)
            return base + plsc.all_reduce_population_count(valid)

        cnt = lax.fori_loop(0, span // _LANES, body,
                            jnp.zeros((_LANES,), jnp.int32))
        cb[...] = cnt
        for k in range(3):
            pltpu.sync_copy(
                obufs[k],
                outc_hbm.at[pl.ds((w // _NHALF) * 3 * n + k * n
                                  + (w % _NHALF) * span, span)])
        pltpu.sync_copy(cb, cnt_hbm.at[pl.ds(w * _LANES, _LANES)])


def _compact(p, f, m, n):
    span = n // _NHALF
    mesh = plsc.VectorSubcoreMesh(core_axis_name="c", subcore_axis_name="s")
    fvec = pltpu.VMEM((span,), jnp.float32)
    return pl.kernel(
        functools.partial(_compact_body, n=n),
        out_type=(jax.ShapeDtypeStruct((_NSETS * 3 * n,), jnp.float32),
                  jax.ShapeDtypeStruct((_NW * _LANES,), jnp.int32)),
        mesh=mesh,
        compiler_params=pltpu.CompilerParams(needs_layout_passes=False),
        scratch_types=[fvec, fvec, fvec, fvec, fvec, fvec,
                       pltpu.VMEM((span,), jnp.int32),
                       fvec, fvec, fvec,
                       pltpu.VMEM((_LANES,), jnp.int32),
                       pltpu.VMEM((_LANES,), jnp.int32)],
    )(p, f, m)


def _loss_body(cnt_ref, cw_ref, cd_ref, out_ref, u_ref, v_ref, colmin_ref,
               rmacc_ref, *, n, ti, tj):
    span = n // _NHALF
    b = pl.program_id(0)
    c1 = [cnt_ref[0, b * _NHALF + h] for h in range(_NHALF)]
    c2 = [cnt_ref[0, (2 + b) * _NHALF + h] for h in range(_NHALF)]

    iota = lax.broadcasted_iota(jnp.int32, (1, n), 1)
    ih = iota % span
    mrow = ih < jnp.where(iota < span, c1[0], c1[1])
    mcol = ih < jnp.where(iota < span, c2[0], c2[1])
    pw = jnp.where(mrow, cw_ref[0], 0.0)
    pdm = jnp.where(mcol, cd_ref[0], 0.0)
    sqw = jnp.sum(pw * pw, axis=0, keepdims=True)
    sqd = jnp.sum(pdm * pdm, axis=0, keepdims=True)
    ones = jnp.ones_like(sqw)
    zeros = jnp.zeros_like(sqw)
    pen_s = jnp.where(mrow, 0.0, _BIG)
    pen_d = jnp.where(mcol, 0.0, _BIG)

    def _split3(x):
        hi = x.astype(jnp.bfloat16).astype(jnp.float32)
        r1 = x - hi
        mid = r1.astype(jnp.bfloat16).astype(jnp.float32)
        lo = r1 - mid
        return hi, mid, lo

    sqw_h, sqw_m, sqw_l = _split3(sqw)
    sqd_h, sqd_m, sqd_l = _split3(sqd)

    u_ref[...] = jnp.concatenate(
        [-2.0 * pw, sqw_h, sqw_m, sqw_l, ones, ones, ones, pen_s, ones,
         zeros, zeros, zeros, zeros, zeros], axis=0).astype(jnp.bfloat16)
    v_ref[...] = jnp.concatenate(
        [pdm, ones, ones, ones, sqd_h, sqd_m, sqd_l, ones, pen_d,
         zeros, zeros, zeros, zeros, zeros], axis=0).astype(jnp.bfloat16)

    colmin_ref[...] = jnp.full((8, n), jnp.inf, dtype=jnp.float32)

    tiles_per_half_j = span // tj

    def make_iloop(half):
        base_i = half * (span // ti)

        def iloop(i, carry):
            sum_w, cnt_w = carry
            ut = u_ref[:, pl.ds((base_i + i) * ti, ti)]
            rmacc_ref[...] = jnp.full((ti, 128), jnp.inf, dtype=jnp.float32)
            for jh in range(_NHALF):
                for jj in range(tiles_per_half_j):
                    j = jh * tiles_per_half_j + jj

                    @pl.when(jj * tj < c2[jh])
                    def _(j=j):
                        vt = v_ref[:, pl.ds(j * tj, tj)]
                        dp = lax.dot_general(
                            ut, vt,
                            dimension_numbers=(((0,), (0,)), ((), ())),
                            preferred_element_type=jnp.float32,
                            precision=lax.Precision.DEFAULT)
                        cm8 = dp[0:8, :]
                        for r in range(1, ti // 8):
                            cm8 = jnp.minimum(cm8, dp[r * 8:(r + 1) * 8, :])
                        colmin_ref[:, pl.ds(j * tj, tj)] = jnp.minimum(
                            colmin_ref[:, pl.ds(j * tj, tj)], cm8)
                        rm = dp[:, 0:128]
                        for c in range(1, tj // 128):
                            rm = jnp.minimum(rm, dp[:, c * 128:(c + 1) * 128])
                        rmacc_ref[...] = jnp.minimum(rmacc_ref[...], rm)

            rmin = jnp.min(rmacc_ref[...], axis=1, keepdims=True)
            sel = rmin < _THR
            sum_w = sum_w + jnp.sum(jnp.where(sel, rmin, 0.0))
            cnt_w = cnt_w + jnp.sum(sel.astype(jnp.float32))
            return sum_w, cnt_w

        return iloop

    carry = (jnp.float32(0.0), jnp.float32(0.0))
    for half in range(_NHALF):
        ni = (c1[half] + ti - 1) // ti
        carry = lax.fori_loop(0, ni, make_iloop(half), carry)
    sum_w, cnt_w = carry

    colmin = jnp.min(colmin_ref[...], axis=0, keepdims=True)
    sel_c = colmin < _THR
    sum_c = jnp.sum(jnp.where(sel_c, colmin, 0.0))
    cnt_c = jnp.sum(sel_c.astype(jnp.float32))
    loss_b = sum_w / cnt_w + sum_c / cnt_c

    @pl.when(b == 0)
    def _():
        out_ref[0, 0] = loss_b

    @pl.when(b != 0)
    def _():
        out_ref[0, 0] = out_ref[0, 0] + loss_b


def kernel(points_src, points_dst, flows_pred, flows_gt, masks_src, masks_dst):
    del flows_gt
    bsz, n, _ = points_src.shape
    ti, tj = 512, 2048

    ps = jnp.swapaxes(points_src, 1, 2)
    pd = jnp.swapaxes(points_dst, 1, 2)
    fp = jnp.swapaxes(flows_pred, 1, 2)

    p_all = jnp.concatenate([ps, pd], axis=0)
    f_all = jnp.concatenate([fp, jnp.zeros_like(pd)], axis=0)
    m_all = jnp.concatenate([masks_src.astype(jnp.int32),
                             masks_dst.astype(jnp.int32)], axis=0)

    comp_flat, cntv = _compact(p_all.reshape(-1), f_all.reshape(-1),
                               m_all.reshape(-1), n)
    comp = comp_flat.reshape(_NSETS, 3, n)
    cnts = cntv.reshape(_NW, _LANES)[:, 0].reshape(1, _NW)

    point_spec_w = pl.BlockSpec((1, 3, n), lambda i: (i, 0, 0))
    point_spec_d = pl.BlockSpec((1, 3, n), lambda i: (2 + i, 0, 0))
    out = pl.pallas_call(
        functools.partial(_loss_body, n=n, ti=ti, tj=tj),
        grid=(bsz,),
        in_specs=[
            pl.BlockSpec((1, _NW), lambda i: (0, 0),
                         memory_space=pltpu.SMEM),
            point_spec_w,
            point_spec_d,
        ],
        out_specs=pl.BlockSpec((1, 1), lambda i: (0, 0),
                               memory_space=pltpu.SMEM),
        out_shape=jax.ShapeDtypeStruct((1, 1), jnp.float32),
        scratch_shapes=[pltpu.VMEM((16, n), jnp.bfloat16),
                        pltpu.VMEM((16, n), jnp.bfloat16),
                        pltpu.VMEM((8, n), jnp.float32),
                        pltpu.VMEM((ti, 128), jnp.float32)],
    )(cnts, comp, comp)
    return out[0, 0]

# --- scband reference (transcript-rebuilt; emitter-appended) ---
"""Pipeline reference for scband-un-supervised-loss-4045859193149 (READ-ONLY COPY).

The authoritative reference and input builder live on the scoring server;
editing this copy changes nothing except your own understanding.
"""

import jax, jax.numpy as jnp
import numpy as np

DIST_THRESHOLD = 3.33


def _knn1_sq_dists(p1, p2, valid2):
    # p1: [N1, 3], p2: [N2, 3] -> squared distance to nearest valid neighbor, [N1]
    d = (jnp.sum(p1 * p1, axis=1)[:, None]
         + jnp.sum(p2 * p2, axis=1)[None, :]
         - 2.0 * p1 @ p2.T)
    d = jnp.where(valid2[None, :], d, jnp.inf)
    return jnp.min(d, axis=1)


def _thresholded_mean(dists, thr, valid):
    # faithful to dists[valid][dists[valid] < thr].mean() but shape-static
    m = valid & (dists < thr)
    cnt = jnp.sum(m).astype(dists.dtype)
    return jnp.sum(jnp.where(m, dists, 0.0)) / cnt


def setup_inputs(seed: int = 0) -> dict:
    key = jax.random.key(seed)
    k1, k2, k3, k4, k5, k6 = jax.random.split(key, 6)
    B, N = 2, 8192
    points_src = jax.random.normal(k1, (B, N, 3), dtype=jnp.float32)
    points_dst = jax.random.normal(k2, (B, N, 3), dtype=jnp.float32)
    flows_pred = jax.random.normal(k3, (B, N, 3), dtype=jnp.float32)
    flows_gt = jax.random.normal(k4, (B, N, 3), dtype=jnp.float32)
    masks_src = jax.random.randint(k5, (B, N), 0, 2, dtype=jnp.int64)
    masks_dst = jax.random.randint(k6, (B, N), 0, 2, dtype=jnp.int64)
    return {"points_src": points_src, "points_dst": points_dst,
            "flows_pred": flows_pred, "flows_gt": flows_gt,
            "masks_src": masks_src, "masks_dst": masks_dst}


def reference(points_src, points_dst, flows_pred, flows_gt, masks_src, masks_dst):
    points_src_warped = points_src + flows_pred
    loss = jnp.float32(0.0)
    B = points_src.shape[0]
    for b in range(B):
        ms = masks_src[b] > 0
        md = masks_dst[b] > 0
        pw = points_src_warped[b]
        pd = points_dst[b]
        warped_to_target = _knn1_sq_dists(pw, pd, md)
        target_to_warped = _knn1_sq_dists(pd, pw, ms)
        loss = loss + _thresholded_mean(warped_to_target, DIST_THRESHOLD, ms)
        loss = loss + _thresholded_mean(target_to_warped, DIST_THRESHOLD, md)
    return loss

if __name__ == "__main__":
    import jax
    _d = setup_inputs()
    print(jax.jit(kernel)(*tuple(_d.values())))

</pallas_src>

<mosaic_0001>
#map = affine_map<(d0, d1) -> (0)>
module attributes {stable_mosaic.version = 14 : i64} {
  func.func @_compact_body(%arg0: i32, %arg1: i32, %arg2: memref<98304xf32, #tpu.memory_space<hbm>>, %arg3: memref<98304xf32, #tpu.memory_space<hbm>>, %arg4: memref<32768xi32, #tpu.memory_space<hbm>>, %arg5: memref<98304xf32, #tpu.memory_space<hbm>>, %arg6: memref<128xi32, #tpu.memory_space<hbm>>, %arg7: memref<4096xf32, #tpu.memory_space<vmem>>, %arg8: memref<4096xf32, #tpu.memory_space<vmem>>, %arg9: memref<4096xf32, #tpu.memory_space<vmem>>, %arg10: memref<4096xf32, #tpu.memory_space<vmem>>, %arg11: memref<4096xf32, #tpu.memory_space<vmem>>, %arg12: memref<4096xf32, #tpu.memory_space<vmem>>, %arg13: memref<4096xi32, #tpu.memory_space<vmem>>, %arg14: memref<4096xf32, #tpu.memory_space<vmem>>, %arg15: memref<4096xf32, #tpu.memory_space<vmem>>, %arg16: memref<4096xf32, #tpu.memory_space<vmem>>, %arg17: memref<16xi32, #tpu.memory_space<vmem>>, %arg18: memref<16xi32, #tpu.memory_space<vmem>>) attributes {dimension_semantics = [#tpu.dimension_semantics<core_parallel>, #tpu.dimension_semantics<subcore_parallel>], iteration_bounds = array<i64: 2, 16>, scalar_prefetch = 0 : i64, scratch_operands = 12 : i64, tpu.core_type = #tpu.core_type<sc_vector_subcore>, window_params = [{transform_indices = #map}, {transform_indices = #map}, {transform_indices = #map}, {transform_indices = #map}, {transform_indices = #map}]} {
    %iota3A = tpu.iota {dimensions = array<i32: 0>} : vector<16xi32>
    %mul3A = arith.constant 2 : i32
    %mul3A_0 = arith.muli %arg1, %mul3A : i32
    %add3A = arith.addi %mul3A_0, %arg0 : i32
    %lt3A = arith.constant 8 : i32
    %lt3A_1 = arith.cmpi slt, %add3A, %lt3A : i32
    %convert_element_type3A = arith.extui %lt3A_1 : i1 to i32
    %cond3A = arith.constant 0 : i32
    %cond3A_2 = arith.cmpi ne, %convert_element_type3A, %cond3A : i32
    scf.if %cond3A_2 {
      %jit3A = arith.constant 2 : i32
      %div3A = arith.divsi %add3A, %jit3A : i32
      %sign3A = arith.constant 0 : i32
      %sign3A_3 = arith.cmpi sgt, %add3A, %sign3A : i32
      %sign3A_4 = arith.extui %sign3A_3 : i1 to i32
      %sign3A_5 = arith.constant 0 : i32
      %sign3A_6 = arith.cmpi slt, %add3A, %sign3A_5 : i32
      %sign3A_7 = arith.extui %sign3A_6 : i1 to i32
      %sign3A_8 = arith.subi %sign3A_4, %sign3A_7 : i32
      %sign3A_9 = arith.constant 0 : i32
      %sign3A_10 = arith.cmpi sgt, %jit3A, %sign3A_9 : i32
      %sign3A_11 = arith.extui %sign3A_10 : i1 to i32
      %sign3A_12 = arith.constant 0 : i32
      %sign3A_13 = arith.cmpi slt, %jit3A, %sign3A_12 : i32
      %sign3A_14 = arith.extui %sign3A_13 : i1 to i32
      %sign3A_15 = arith.subi %sign3A_11, %sign3A_14 : i32
      %ne3A = arith.cmpi ne, %sign3A_8, %sign3A_15 : i32
      %rem3A = arith.remsi %add3A, %jit3A : i32
      %ne3A_16 = arith.constant 0 : i32
      %ne3A_17 = arith.cmpi ne, %rem3A, %ne3A_16 : i32
      %and3A = arith.andi %ne3A, %ne3A_17 : i1
      %sub3A = arith.constant 1 : i32
      %sub3A_18 = arith.subi %div3A, %sub3A : i32
      %select_n3A = arith.select %and3A, %sub3A_18, %div3A : i32
      %mul3A_19 = arith.constant 3 : i32
      %mul3A_20 = arith.muli %select_n3A, %mul3A_19 : i32
      %mul3A_21 = arith.constant 8192 : i32
      %mul3A_22 = arith.muli %mul3A_20, %mul3A_21 : i32
      %add3A_23 = arith.constant 0 : i32
      %add3A_24 = arith.addi %mul3A_22, %add3A_23 : i32
      %jit3A_25 = arith.constant 2 : i32
      %eq3A = arith.constant 0 : i32
      %eq3A_26 = arith.cmpi eq, %jit3A_25, %eq3A : i32
      %jit3A_27 = arith.constant 1 : i32
      %select_n3A_28 = arith.select %eq3A_26, %jit3A_27, %jit3A_25 : i32
      %rem3A_29 = arith.remsi %add3A, %select_n3A_28 : i32
      %ne3A_30 = arith.constant 0 : i32
      %ne3A_31 = arith.cmpi ne, %rem3A_29, %ne3A_30 : i32
      %lt3A_32 = arith.constant 0 : i32
      %lt3A_33 = arith.cmpi slt, %rem3A_29, %lt3A_32 : i32
      %lt3A_34 = arith.constant 0 : i32
      %lt3A_35 = arith.cmpi slt, %select_n3A_28, %lt3A_34 : i32
      %ne3A_36 = arith.xori %lt3A_33, %lt3A_35 : i1
      %and3A_37 = arith.andi %ne3A_36, %ne3A_31 : i1
      %add3A_38 = arith.addi %rem3A_29, %select_n3A_28 : i32
      %select_n3A_39 = arith.select %and3A_37, %add3A_38, %rem3A_29 : i32
      %mul3A_40 = arith.constant 4096 : i32
      %mul3A_41 = arith.muli %select_n3A_39, %mul3A_40 : i32
      %add3A_42 = arith.addi %add3A_24, %mul3A_41 : i32
      "tpu.region"() ({
        %run_scoped3A = tpu.sem_alloc : memref<!tpu.dma_semaphore, #tpu.memory_space<semaphore_mem>>
        %dma_start3A = tpu.memref_slice %arg2[%add3A_42] : memref<98304xf32, #tpu.memory_space<hbm>> -> memref<4096xf32, #tpu.memory_space<hbm>>
        %dma_start3A_489 = tpu.memref_slice %arg2[%add3A_42] : memref<98304xf32, #tpu.memory_space<hbm>> -> memref<4096xf32, #tpu.memory_space<hbm>>
        tpu.enqueue_dma source(%dma_start3A_489 : memref<4096xf32, #tpu.memory_space<hbm>>) target(%arg7 : memref<4096xf32, #tpu.memory_space<vmem>>) target_semaphore(%run_scoped3A : memref<!tpu.dma_semaphore, #tpu.memory_space<semaphore_mem>>)
        %dma_wait3A = tpu.memref_slice %arg2[%add3A_42] : memref<98304xf32, #tpu.memory_space<hbm>> -> memref<4096xf32, #tpu.memory_space<hbm>>
        %dma_wait3A_490 = tpu.memref_slice %arg2[%add3A_42] : memref<98304xf32, #tpu.memory_space<hbm>> -> memref<4096xf32, #tpu.memory_space<hbm>>
        tpu.wait_dma2 semaphore(%run_scoped3A : memref<!tpu.dma_semaphore, #tpu.memory_space<semaphore_mem>>) src(%dma_wait3A_490 : memref<4096xf32, #tpu.memory_space<hbm>>) dst(%arg7 : memref<4096xf32, #tpu.memory_space<vmem>>)
        tpu.yield
      }) : () -> ()
      %jit3A_43 = arith.constant 2 : i32
      %div3A_44 = arith.divsi %add3A, %jit3A_43 : i32
      %sign3A_45 = arith.constant 0 : i32
      %sign3A_46 = arith.cmpi sgt, %add3A, %sign3A_45 : i32
      %sign3A_47 = arith.extui %sign3A_46 : i1 to i32
      %sign3A_48 = arith.constant 0 : i32
      %sign3A_49 = arith.cmpi slt, %add3A, %sign3A_48 : i32
      %sign3A_50 = arith.extui %sign3A_49 : i1 to i32
      %sign3A_51 = arith.subi %sign3A_47, %sign3A_50 : i32
      %sign3A_52 = arith.constant 0 : i32
      %sign3A_53 = arith.cmpi sgt, %jit3A_43, %sign3A_52 : i32
      %sign3A_54 = arith.extui %sign3A_53 : i1 to i32
      %sign3A_55 = arith.constant 0 : i32
      %sign3A_56 = arith.cmpi slt, %jit3A_43, %sign3A_55 : i32
      %sign3A_57 = arith.extui %sign3A_56 : i1 to i32
      %sign3A_58 = arith.subi %sign3A_54, %sign3A_57 : i32
      %ne3A_59 = arith.cmpi ne, %sign3A_51, %sign3A_58 : i32
      %rem3A_60 = arith.remsi %add3A, %jit3A_43 : i32
      %ne3A_61 = arith.constant 0 : i32
      %ne3A_62 = arith.cmpi ne, %rem3A_60, %ne3A_61 : i32
      %and3A_63 = arith.andi %ne3A_59, %ne3A_62 : i1
      %sub3A_64 = arith.constant 1 : i32
      %sub3A_65 = arith.subi %div3A_44, %sub3A_64 : i32
      %select_n3A_66 = arith.select %and3A_63, %sub3A_65, %div3A_44 : i32
      %mul3A_67 = arith.constant 3 : i32
      %mul3A_68 = arith.muli %select_n3A_66, %mul3A_67 : i32
      %mul3A_69 = arith.constant 8192 : i32
      %mul3A_70 = arith.muli %mul3A_68, %mul3A_69 : i32
      %add3A_71 = arith.constant 0 : i32
      %add3A_72 = arith.addi %mul3A_70, %add3A_71 : i32
      %jit3A_73 = arith.constant 2 : i32
      %eq3A_74 = arith.constant 0 : i32
      %eq3A_75 = arith.cmpi eq, %jit3A_73, %eq3A_74 : i32
      %jit3A_76 = arith.constant 1 : i32
      %select_n3A_77 = arith.select %eq3A_75, %jit3A_76, %jit3A_73 : i32
      %rem3A_78 = arith.remsi %add3A, %select_n3A_77 : i32
      %ne3A_79 = arith.constant 0 : i32
      %ne3A_80 = arith.cmpi ne, %rem3A_78, %ne3A_79 : i32
      %lt3A_81 = arith.constant 0 : i32
      %lt3A_82 = arith.cmpi slt, %rem3A_78, %lt3A_81 : i32
      %lt3A_83 = arith.constant 0 : i32
      %lt3A_84 = arith.cmpi slt, %select_n3A_77, %lt3A_83 : i32
      %ne3A_85 = arith.xori %lt3A_82, %lt3A_84 : i1
      %and3A_86 = arith.andi %ne3A_85, %ne3A_80 : i1
      %add3A_87 = arith.addi %rem3A_78, %select_n3A_77 : i32
      %select_n3A_88 = arith.select %and3A_86, %add3A_87, %rem3A_78 : i32
      %mul3A_89 = arith.constant 4096 : i32
      %mul3A_90 = arith.muli %select_n3A_88, %mul3A_89 : i32
      %add3A_91 = arith.addi %add3A_72, %mul3A_90 : i32
      "tpu.region"() ({
        %run_scoped3A = tpu.sem_alloc : memref<!tpu.dma_semaphore, #tpu.memory_space<semaphore_mem>>
        %dma_start3A = tpu.memref_slice %arg3[%add3A_91] : memref<98304xf32, #tpu.memory_space<hbm>> -> memref<4096xf32, #tpu.memory_space<hbm>>
        %dma_start3A_489 = tpu.memref_slice %arg3[%add3A_91] : memref<98304xf32, #tpu.memory_space<hbm>> -> memref<4096xf32, #tpu.memory_space<hbm>>
        tpu.enqueue_dma source(%dma_start3A_489 : memref<4096xf32, #tpu.memory_space<hbm>>) target(%arg10 : memref<4096xf32, #tpu.memory_space<vmem>>) target_semaphore(%run_scoped3A : memref<!tpu.dma_semaphore, #tpu.memory_space<semaphore_mem>>)
        %dma_wait3A = tpu.memref_slice %arg3[%add3A_91] : memref<98304xf32, #tpu.memory_space<hbm>> -> memref<4096xf32, #tpu.memory_space<hbm>>
        %dma_wait3A_490 = tpu.memref_slice %arg3[%add3A_91] : memref<98304xf32, #tpu.memory_space<hbm>> -> memref<4096xf32, #tpu.memory_space<hbm>>
        tpu.wait_dma2 semaphore(%run_scoped3A : memref<!tpu.dma_semaphore, #tpu.memory_space<semaphore_mem>>) src(%dma_wait3A_490 : memref<4096xf32, #tpu.memory_space<hbm>>) dst(%arg10 : memref<4096xf32, #tpu.memory_space<vmem>>)
        tpu.yield
      }) : () -> ()
      %jit3A_92 = arith.constant 2 : i32
      %div3A_93 = arith.divsi %add3A, %jit3A_92 : i32
      %sign3A_94 = arith.constant 0 : i32
      %sign3A_95 = arith.cmpi sgt, %add3A, %sign3A_94 : i32
      %sign3A_96 = arith.extui %sign3A_95 : i1 to i32
      %sign3A_97 = arith.constant 0 : i32
      %sign3A_98 = arith.cmpi slt, %add3A, %sign3A_97 : i32
      %sign3A_99 = arith.extui %sign3A_98 : i1 to i32
      %sign3A_100 = arith.subi %sign3A_96, %sign3A_99 : i32
      %sign3A_101 = arith.constant 0 : i32
      %sign3A_102 = arith.cmpi sgt, %jit3A_92, %sign3A_101 : i32
      %sign3A_103 = arith.extui %sign3A_102 : i1 to i32
      %sign3A_104 = arith.constant 0 : i32
      %sign3A_105 = arith.cmpi slt, %jit3A_92, %sign3A_104 : i32
      %sign3A_106 = arith.extui %sign3A_105 : i1 to i32
      %sign3A_107 = arith.subi %sign3A_103, %sign3A_106 : i32
      %ne3A_108 = arith.cmpi ne, %sign3A_100, %sign3A_107 : i32
      %rem3A_109 = arith.remsi %add3A, %jit3A_92 : i32
      %ne3A_110 = arith.constant 0 : i32
      %ne3A_111 = arith.cmpi ne, %rem3A_109, %ne3A_110 : i32
      %and3A_112 = arith.andi %ne3A_108, %ne3A_111 : i1
      %sub3A_113 = arith.constant 1 : i32
      %sub3A_114 = arith.subi %div3A_93, %sub3A_113 : i32
      %select_n3A_115 = arith.select %and3A_112, %sub3A_114, %div3A_93 : i32
      %mul3A_116 = arith.constant 3 : i32
      %mul3A_117 = arith.muli %select_n3A_115, %mul3A_116 : i32
      %mul3A_118 = arith.constant 8192 : i32
      %mul3A_119 = arith.muli %mul3A_117, %mul3A_118 : i32
      %add3A_120 = arith.constant 8192 : i32
      %add3A_121 = arith.addi %mul3A_119, %add3A_120 : i32
      %jit3A_122 = arith.constant 2 : i32
      %eq3A_123 = arith.constant 0 : i32
      %eq3A_124 = arith.cmpi eq, %jit3A_122, %eq3A_123 : i32
      %jit3A_125 = arith.constant 1 : i32
      %select_n3A_126 = arith.select %eq3A_124, %jit3A_125, %jit3A_122 : i32
      %rem3A_127 = arith.remsi %add3A, %select_n3A_126 : i32
      %ne3A_128 = arith.constant 0 : i32
      %ne3A_129 = arith.cmpi ne, %rem3A_127, %ne3A_128 : i32
      %lt3A_130 = arith.constant 0 : i32
      %lt3A_131 = arith.cmpi slt, %rem3A_127, %lt3A_130 : i32
      %lt3A_132 = arith.constant 0 : i32
      %lt3A_133 = arith.cmpi slt, %select_n3A_126, %lt3A_132 : i32
      %ne3A_134 = arith.xori %lt3A_131, %lt3A_133 : i1
      %and3A_135 = arith.andi %ne3A_134, %ne3A_129 : i1
      %add3A_136 = arith.addi %rem3A_127, %select_n3A_126 : i32
      %select_n3A_137 = arith.select %and3A_135, %add3A_136, %rem3A_127 : i32
      %mul3A_138 = arith.constant 4096 : i32
      %mul3A_139 = arith.muli %select_n3A_137, %mul3A_138 : i32
      %add3A_140 = arith.addi %add3A_121, %mul3A_139 : i32
      "tpu.region"() ({
        %run_scoped3A = tpu.sem_alloc : memref<!tpu.dma_semaphore, #tpu.memory_space<semaphore_mem>>
        %dma_start3A = tpu.memref_slice %arg2[%add3A_140] : memref<98304xf32, #tpu.memory_space<hbm>> -> memref<4096xf32, #tpu.memory_space<hbm>>
        %dma_start3A_489 = tpu.memref_slice %arg2[%add3A_140] : memref<98304xf32, #tpu.memory_space<hbm>> -> memref<4096xf32, #tpu.memory_space<hbm>>
        tpu.enqueue_dma source(%dma_start3A_489 : memref<4096xf32, #tpu.memory_space<hbm>>) target(%arg8 : memref<4096xf32, #tpu.memory_space<vmem>>) target_semaphore(%run_scoped3A : memref<!tpu.dma_semaphore, #tpu.memory_space<semaphore_mem>>)
        %dma_wait3A = tpu.memref_slice %arg2[%add3A_140] : memref<98304xf32, #tpu.memory_space<hbm>> -> memref<4096xf32, #tpu.memory_space<hbm>>
        %dma_wait3A_490 = tpu.memref_slice %arg2[%add3A_140] : memref<98304xf32, #tpu.memory_space<hbm>> -> memref<4096xf32, #tpu.memory_space<hbm>>
        tpu.wait_dma2 semaphore(%run_scoped3A : memref<!tpu.dma_semaphore, #tpu.memory_space<semaphore_mem>>) src(%dma_wait3A_490 : memref<4096xf32, #tpu.memory_space<hbm>>) dst(%arg8 : memref<4096xf32, #tpu.memory_space<vmem>>)
        tpu.yield
      }) : () -> ()
      %jit3A_141 = arith.constant 2 : i32
      %div3A_142 = arith.divsi %add3A, %jit3A_141 : i32
      %sign3A_143 = arith.constant 0 : i32
      %sign3A_144 = arith.cmpi sgt, %add3A, %sign3A_143 : i32
      %sign3A_145 = arith.extui %sign3A_144 : i1 to i32
      %sign3A_146 = arith.constant 0 : i32
      %sign3A_147 = arith.cmpi slt, %add3A, %sign3A_146 : i32
      %sign3A_148 = arith.extui %sign3A_147 : i1 to i32
      %sign3A_149 = arith.subi %sign3A_145, %sign3A_148 : i32
      %sign3A_150 = arith.constant 0 : i32
      %sign3A_151 = arith.cmpi sgt, %jit3A_141, %sign3A_150 : i32
      %sign3A_152 = arith.extui %sign3A_151 : i1 to i32
      %sign3A_153 = arith.constant 0 : i32
      %sign3A_154 = arith.cmpi slt, %jit3A_141, %sign3A_153 : i32
      %sign3A_155 = arith.extui %sign3A_154 : i1 to i32
      %sign3A_156 = arith.subi %sign3A_152, %sign3A_155 : i32
      %ne3A_157 = arith.cmpi ne, %sign3A_149, %sign3A_156 : i32
      %rem3A_158 = arith.remsi %add3A, %jit3A_141 : i32
      %ne3A_159 = arith.constant 0 : i32
      %ne3A_160 = arith.cmpi ne, %rem3A_158, %ne3A_159 : i32
      %and3A_161 = arith.andi %ne3A_157, %ne3A_160 : i1
      %sub3A_162 = arith.constant 1 : i32
      %sub3A_163 = arith.subi %div3A_142, %sub3A_162 : i32
      %select_n3A_164 = arith.select %and3A_161, %sub3A_163, %div3A_142 : i32
      %mul3A_165 = arith.constant 3 : i32
      %mul3A_166 = arith.muli %select_n3A_164, %mul3A_165 : i32
      %mul3A_167 = arith.constant 8192 : i32
      %mul3A_168 = arith.muli %mul3A_166, %mul3A_167 : i32
      %add3A_169 = arith.constant 8192 : i32
      %add3A_170 = arith.addi %mul3A_168, %add3A_169 : i32
      %jit3A_171 = arith.constant 2 : i32
      %eq3A_172 = arith.constant 0 : i32
      %eq3A_173 = arith.cmpi eq, %jit3A_171, %eq3A_172 : i32
      %jit3A_174 = arith.constant 1 : i32
      %select_n3A_175 = arith.select %eq3A_173, %jit3A_174, %jit3A_171 : i32
      %rem3A_176 = arith.remsi %add3A, %select_n3A_175 : i32
      %ne3A_177 = arith.constant 0 : i32
      %ne3A_178 = arith.cmpi ne, %rem3A_176, %ne3A_177 : i32
      %lt3A_179 = arith.constant 0 : i32
      %lt3A_180 = arith.cmpi slt, %rem3A_176, %lt3A_179 : i32
      %lt3A_181 = arith.constant 0 : i32
      %lt3A_182 = arith.cmpi slt, %select_n3A_175, %lt3A_181 : i32
      %ne3A_183 = arith.xori %lt3A_180, %lt3A_182 : i1
      %and3A_184 = arith.andi %ne3A_183, %ne3A_178 : i1
      %add3A_185 = arith.addi %rem3A_176, %select_n3A_175 : i32
      %select_n3A_186 = arith.select %and3A_184, %add3A_185, %rem3A_176 : i32
      %mul3A_187 = arith.constant 4096 : i32
      %mul3A_188 = arith.muli %select_n3A_186, %mul3A_187 : i32
      %add3A_189 = arith.addi %add3A_170, %mul3A_188 : i32
      "tpu.region"() ({
        %run_scoped3A = tpu.sem_alloc : memref<!tpu.dma_semaphore, #tpu.memory_space<semaphore_mem>>
        %dma_start3A = tpu.memref_slice %arg3[%add3A_189] : memref<98304xf32, #tpu.memory_space<hbm>> -> memref<4096xf32, #tpu.memory_space<hbm>>
        %dma_start3A_489 = tpu.memref_slice %arg3[%add3A_189] : memref<98304xf32, #tpu.memory_space<hbm>> -> memref<4096xf32, #tpu.memory_space<hbm>>
        tpu.enqueue_dma source(%dma_start3A_489 : memref<4096xf32, #tpu.memory_space<hbm>>) target(%arg11 : memref<4096xf32, #tpu.memory_space<vmem>>) target_semaphore(%run_scoped3A : memref<!tpu.dma_semaphore, #tpu.memory_space<semaphore_mem>>)
        %dma_wait3A = tpu.memref_slice %arg3[%add3A_189] : memref<98304xf32, #tpu.memory_space<hbm>> -> memref<4096xf32, #tpu.memory_space<hbm>>
        %dma_wait3A_490 = tpu.memref_slice %arg3[%add3A_189] : memref<98304xf32, #tpu.memory_space<hbm>> -> memref<4096xf32, #tpu.memory_space<hbm>>
        tpu.wait_dma2 semaphore(%run_scoped3A : memref<!tpu.dma_semaphore, #tpu.memory_space<semaphore_mem>>) src(%dma_wait3A_490 : memref<4096xf32, #tpu.memory_space<hbm>>) dst(%arg11 : memref<4096xf32, #tpu.memory_space<vmem>>)
        tpu.yield
      }) : () -> ()
      %jit3A_190 = arith.constant 2 : i32
      %div3A_191 = arith.divsi %add3A, %jit3A_190 : i32
      %sign3A_192 = arith.constant 0 : i32
      %sign3A_193 = arith.cmpi sgt, %add3A, %sign3A_192 : i32
      %sign3A_194 = arith.extui %sign3A_193 : i1 to i32
      %sign3A_195 = arith.constant 0 : i32
      %sign3A_196 = arith.cmpi slt, %add3A, %sign3A_195 : i32
      %sign3A_197 = arith.extui %sign3A_196 : i1 to i32
      %sign3A_198 = arith.subi %sign3A_194, %sign3A_197 : i32
      %sign3A_199 = arith.constant 0 : i32
      %sign3A_200 = arith.cmpi sgt, %jit3A_190, %sign3A_199 : i32
      %sign3A_201 = arith.extui %sign3A_200 : i1 to i32
      %sign3A_202 = arith.constant 0 : i32
      %sign3A_203 = arith.cmpi slt, %jit3A_190, %sign3A_202 : i32
      %sign3A_204 = arith.extui %sign3A_203 : i1 to i32
      %sign3A_205 = arith.subi %sign3A_201, %sign3A_204 : i32
      %ne3A_206 = arith.cmpi ne, %sign3A_198, %sign3A_205 : i32
      %rem3A_207 = arith.remsi %add3A, %jit3A_190 : i32
      %ne3A_208 = arith.constant 0 : i32
      %ne3A_209 = arith.cmpi ne, %rem3A_207, %ne3A_208 : i32
      %and3A_210 = arith.andi %ne3A_206, %ne3A_209 : i1
      %sub3A_211 = arith.constant 1 : i32
      %sub3A_212 = arith.subi %div3A_191, %sub3A_211 : i32
      %select_n3A_213 = arith.select %and3A_210, %sub3A_212, %div3A_191 : i32
      %mul3A_214 = arith.constant 3 : i32
      %mul3A_215 = arith.muli %select_n3A_213, %mul3A_214 : i32
      %mul3A_216 = arith.constant 8192 : i32
      %mul3A_217 = arith.muli %mul3A_215, %mul3A_216 : i32
      %add3A_218 = arith.constant 16384 : i32
      %add3A_219 = arith.addi %mul3A_217, %add3A_218 : i32
      %jit3A_220 = arith.constant 2 : i32
      %eq3A_221 = arith.constant 0 : i32
      %eq3A_222 = arith.cmpi eq, %jit3A_220, %eq3A_221 : i32
      %jit3A_223 = arith.constant 1 : i32
      %select_n3A_224 = arith.select %eq3A_222, %jit3A_223, %jit3A_220 : i32
      %rem3A_225 = arith.remsi %add3A, %select_n3A_224 : i32
      %ne3A_226 = arith.constant 0 : i32
      %ne3A_227 = arith.cmpi ne, %rem3A_225, %ne3A_226 : i32
      %lt3A_228 = arith.constant 0 : i32
      %lt3A_229 = arith.cmpi slt, %rem3A_225, %lt3A_228 : i32
      %lt3A_230 = arith.constant 0 : i32
      %lt3A_231 = arith.cmpi slt, %select_n3A_224, %lt3A_230 : i32
      %ne3A_232 = arith.xori %lt3A_229, %lt3A_231 : i1
      %and3A_233 = arith.andi %ne3A_232, %ne3A_227 : i1
      %add3A_234 = arith.addi %rem3A_225, %select_n3A_224 : i32
      %select_n3A_235 = arith.select %and3A_233, %add3A_234, %rem3A_225 : i32
      %mul3A_236 = arith.constant 4096 : i32
      %mul3A_237 = arith.muli %select_n3A_235, %mul3A_236 : i32
      %add3A_238 = arith.addi %add3A_219, %mul3A_237 : i32
      "tpu.region"() ({
        %run_scoped3A = tpu.sem_alloc : memref<!tpu.dma_semaphore, #tpu.memory_space<semaphore_mem>>
        %dma_start3A = tpu.memref_slice %arg2[%add3A_238] : memref<98304xf32, #tpu.memory_space<hbm>> -> memref<4096xf32, #tpu.memory_space<hbm>>
        %dma_start3A_489 = tpu.memref_slice %arg2[%add3A_238] : memref<98304xf32, #tpu.memory_space<hbm>> -> memref<4096xf32, #tpu.memory_space<hbm>>
        tpu.enqueue_dma source(%dma_start3A_489 : memref<4096xf32, #tpu.memory_space<hbm>>) target(%arg9 : memref<4096xf32, #tpu.memory_space<vmem>>) target_semaphore(%run_scoped3A : memref<!tpu.dma_semaphore, #tpu.memory_space<semaphore_mem>>)
        %dma_wait3A = tpu.memref_slice %arg2[%add3A_238] : memref<98304xf32, #tpu.memory_space<hbm>> -> memref<4096xf32, #tpu.memory_space<hbm>>
        %dma_wait3A_490 = tpu.memref_slice %arg2[%add3A_238] : memref<98304xf32, #tpu.memory_space<hbm>> -> memref<4096xf32, #tpu.memory_space<hbm>>
        tpu.wait_dma2 semaphore(%run_scoped3A : memref<!tpu.dma_semaphore, #tpu.memory_space<semaphore_mem>>) src(%dma_wait3A_490 : memref<4096xf32, #tpu.memory_space<hbm>>) dst(%arg9 : memref<4096xf32, #tpu.memory_space<vmem>>)
        tpu.yield
      }) : () -> ()
      %jit3A_239 = arith.constant 2 : i32
      %div3A_240 = arith.divsi %add3A, %jit3A_239 : i32
      %sign3A_241 = arith.constant 0 : i32
      %sign3A_242 = arith.cmpi sgt, %add3A, %sign3A_241 : i32
      %sign3A_243 = arith.extui %sign3A_242 : i1 to i32
      %sign3A_244 = arith.constant 0 : i32
      %sign3A_245 = arith.cmpi slt, %add3A, %sign3A_244 : i32
      %sign3A_246 = arith.extui %sign3A_245 : i1 to i32
      %sign3A_247 = arith.subi %sign3A_243, %sign3A_246 : i32
      %sign3A_248 = arith.constant 0 : i32
      %sign3A_249 = arith.cmpi sgt, %jit3A_239, %sign3A_248 : i32
      %sign3A_250 = arith.extui %sign3A_249 : i1 to i32
      %sign3A_251 = arith.constant 0 : i32
      %sign3A_252 = arith.cmpi slt, %jit3A_239, %sign3A_251 : i32
      %sign3A_253 = arith.extui %sign3A_252 : i1 to i32
      %sign3A_254 = arith.subi %sign3A_250, %sign3A_253 : i32
      %ne3A_255 = arith.cmpi ne, %sign3A_247, %sign3A_254 : i32
      %rem3A_256 = arith.remsi %add3A, %jit3A_239 : i32
      %ne3A_257 = arith.constant 0 : i32
      %ne3A_258 = arith.cmpi ne, %rem3A_256, %ne3A_257 : i32
      %and3A_259 = arith.andi %ne3A_255, %ne3A_258 : i1
      %sub3A_260 = arith.constant 1 : i32
      %sub3A_261 = arith.subi %div3A_240, %sub3A_260 : i32
      %select_n3A_262 = arith.select %and3A_259, %sub3A_261, %div3A_240 : i32
      %mul3A_263 = arith.constant 3 : i32
      %mul3A_264 = arith.muli %select_n3A_262, %mul3A_263 : i32
      %mul3A_265 = arith.constant 8192 : i32
      %mul3A_266 = arith.muli %mul3A_264, %mul3A_265 : i32
      %add3A_267 = arith.constant 16384 : i32
      %add3A_268 = arith.addi %mul3A_266, %add3A_267 : i32
      %jit3A_269 = arith.constant 2 : i32
      %eq3A_270 = arith.constant 0 : i32
      %eq3A_271 = arith.cmpi eq, %jit3A_269, %eq3A_270 : i32
      %jit3A_272 = arith.constant 1 : i32
      %select_n3A_273 = arith.select %eq3A_271, %jit3A_272, %jit3A_269 : i32
      %rem3A_274 = arith.remsi %add3A, %select_n3A_273 : i32
      %ne3A_275 = arith.constant 0 : i32
      %ne3A_276 = arith.cmpi ne, %rem3A_274, %ne3A_275 : i32
      %lt3A_277 = arith.constant 0 : i32
      %lt3A_278 = arith.cmpi slt, %rem3A_274, %lt3A_277 : i32
      %lt3A_279 = arith.constant 0 : i32
      %lt3A_280 = arith.cmpi slt, %select_n3A_273, %lt3A_279 : i32
      %ne3A_281 = arith.xori %lt3A_278, %lt3A_280 : i1
      %and3A_282 = arith.andi %ne3A_281, %ne3A_276 : i1
      %add3A_283 = arith.addi %rem3A_274, %select_n3A_273 : i32
      %select_n3A_284 = arith.select %and3A_282, %add3A_283, %rem3A_274 : i32
      %mul3A_285 = arith.constant 4096 : i32
      %mul3A_286 = arith.muli %select_n3A_284, %mul3A_285 : i32
      %add3A_287 = arith.addi %add3A_268, %mul3A_286 : i32
      "tpu.region"() ({
        %run_scoped3A = tpu.sem_alloc : memref<!tpu.dma_semaphore, #tpu.memory_space<semaphore_mem>>
        %dma_start3A = tpu.memref_slice %arg3[%add3A_287] : memref<98304xf32, #tpu.memory_space<hbm>> -> memref<4096xf32, #tpu.memory_space<hbm>>
        %dma_start3A_489 = tpu.memref_slice %arg3[%add3A_287] : memref<98304xf32, #tpu.memory_space<hbm>> -> memref<4096xf32, #tpu.memory_space<hbm>>
        tpu.enqueue_dma source(%dma_start3A_489 : memref<4096xf32, #tpu.memory_space<hbm>>) target(%arg12 : memref<4096xf32, #tpu.memory_space<vmem>>) target_semaphore(%run_scoped3A : memref<!tpu.dma_semaphore, #tpu.memory_space<semaphore_mem>>)
        %dma_wait3A = tpu.memref_slice %arg3[%add3A_287] : memref<98304xf32, #tpu.memory_space<hbm>> -> memref<4096xf32, #tpu.memory_space<hbm>>
        %dma_wait3A_490 = tpu.memref_slice %arg3[%add3A_287] : memref<98304xf32, #tpu.memory_space<hbm>> -> memref<4096xf32, #tpu.memory_space<hbm>>
        tpu.wait_dma2 semaphore(%run_scoped3A : memref<!tpu.dma_semaphore, #tpu.memory_space<semaphore_mem>>) src(%dma_wait3A_490 : memref<4096xf32, #tpu.memory_space<hbm>>) dst(%arg12 : memref<4096xf32, #tpu.memory_space<vmem>>)
        tpu.yield
      }) : () -> ()
      %jit3A_288 = arith.constant 2 : i32
      %div3A_289 = arith.divsi %add3A, %jit3A_288 : i32
      %sign3A_290 = arith.constant 0 : i32
      %sign3A_291 = arith.cmpi sgt, %add3A, %sign3A_290 : i32
      %sign3A_292 = arith.extui %sign3A_291 : i1 to i32
      %sign3A_293 = arith.constant 0 : i32
      %sign3A_294 = arith.cmpi slt, %add3A, %sign3A_293 : i32
      %sign3A_295 = arith.extui %sign3A_294 : i1 to i32
      %sign3A_296 = arith.subi %sign3A_292, %sign3A_295 : i32
      %sign3A_297 = arith.constant 0 : i32
      %sign3A_298 = arith.cmpi sgt, %jit3A_288, %sign3A_297 : i32
      %sign3A_299 = arith.extui %sign3A_298 : i1 to i32
      %sign3A_300 = arith.constant 0 : i32
      %sign3A_301 = arith.cmpi slt, %jit3A_288, %sign3A_300 : i32
      %sign3A_302 = arith.extui %sign3A_301 : i1 to i32
      %sign3A_303 = arith.subi %sign3A_299, %sign3A_302 : i32
      %ne3A_304 = arith.cmpi ne, %sign3A_296, %sign3A_303 : i32
      %rem3A_305 = arith.remsi %add3A, %jit3A_288 : i32
      %ne3A_306 = arith.constant 0 : i32
      %ne3A_307 = arith.cmpi ne, %rem3A_305, %ne3A_306 : i32
      %and3A_308 = arith.andi %ne3A_304, %ne3A_307 : i1
      %sub3A_309 = arith.constant 1 : i32
      %sub3A_310 = arith.subi %div3A_289, %sub3A_309 : i32
      %select_n3A_311 = arith.select %and3A_308, %sub3A_310, %div3A_289 : i32
      %mul3A_312 = arith.constant 8192 : i32
      %mul3A_313 = arith.muli %select_n3A_311, %mul3A_312 : i32
      %jit3A_314 = arith.constant 2 : i32
      %eq3A_315 = arith.constant 0 : i32
      %eq3A_316 = arith.cmpi eq, %jit3A_314, %eq3A_315 : i32
      %jit3A_317 = arith.constant 1 : i32
      %select_n3A_318 = arith.select %eq3A_316, %jit3A_317, %jit3A_314 : i32
      %rem3A_319 = arith.remsi %add3A, %select_n3A_318 : i32
      %ne3A_320 = arith.constant 0 : i32
      %ne3A_321 = arith.cmpi ne, %rem3A_319, %ne3A_320 : i32
      %lt3A_322 = arith.constant 0 : i32
      %lt3A_323 = arith.cmpi slt, %rem3A_319, %lt3A_322 : i32
      %lt3A_324 = arith.constant 0 : i32
      %lt3A_325 = arith.cmpi slt, %select_n3A_318, %lt3A_324 : i32
      %ne3A_326 = arith.xori %lt3A_323, %lt3A_325 : i1
      %and3A_327 = arith.andi %ne3A_326, %ne3A_321 : i1
      %add3A_328 = arith.addi %rem3A_319, %select_n3A_318 : i32
      %select_n3A_329 = arith.select %and3A_327, %add3A_328, %rem3A_319 : i32
      %mul3A_330 = arith.constant 4096 : i32
      %mul3A_331 = arith.muli %select_n3A_329, %mul3A_330 : i32
      %add3A_332 = arith.addi %mul3A_313, %mul3A_331 : i32
      "tpu.region"() ({
        %run_scoped3A = tpu.sem_alloc : memref<!tpu.dma_semaphore, #tpu.memory_space<semaphore_mem>>
        %dma_start3A = tpu.memref_slice %arg4[%add3A_332] : memref<32768xi32, #tpu.memory_space<hbm>> -> memref<4096xi32, #tpu.memory_space<hbm>>
        %dma_start3A_489 = tpu.memref_slice %arg4[%add3A_332] : memref<32768xi32, #tpu.memory_space<hbm>> -> memref<4096xi32, #tpu.memory_space<hbm>>
        tpu.enqueue_dma source(%dma_start3A_489 : memref<4096xi32, #tpu.memory_space<hbm>>) target(%arg13 : memref<4096xi32, #tpu.memory_space<vmem>>) target_semaphore(%run_scoped3A : memref<!tpu.dma_semaphore, #tpu.memory_space<semaphore_mem>>)
        %dma_wait3A = tpu.memref_slice %arg4[%add3A_332] : memref<32768xi32, #tpu.memory_space<hbm>> -> memref<4096xi32, #tpu.memory_space<hbm>>
        %dma_wait3A_490 = tpu.memref_slice %arg4[%add3A_332] : memref<32768xi32, #tpu.memory_space<hbm>> -> memref<4096xi32, #tpu.memory_space<hbm>>
        tpu.wait_dma2 semaphore(%run_scoped3A : memref<!tpu.dma_semaphore, #tpu.memory_space<semaphore_mem>>) src(%dma_wait3A_490 : memref<4096xi32, #tpu.memory_space<hbm>>) dst(%arg13 : memref<4096xi32, #tpu.memory_space<vmem>>)
        tpu.yield
      }) : () -> ()
      %broadcast_in_dim3A = arith.constant 0 : i32
      %broadcast_in_dim3A_333 = vector.broadcast %broadcast_in_dim3A : i32 to vector<16xi32>
      %scan3A = arith.constant 0 : i32
      %scan3A_334 = arith.constant 256 : i32
      %scan3A_335 = arith.addi %scan3A, %scan3A_334 : i32
      %scan3A_336 = arith.constant 1 : i32
      %scan3A_337 = scf.for %scan3A_489 = %scan3A to %scan3A_335 step %scan3A_336 iter_args(%scan3A_490 = %broadcast_in_dim3A_333) -> (vector<16xi32>)  : i32 {
        %mul3A_491 = arith.constant 16 : i32
        %mul3A_492 = arith.muli %scan3A_489, %mul3A_491 : i32
        %get3A = arith.index_cast %mul3A_492 : i32 to index
        %get3A_493 = tpu.vector_load %arg13[%get3A] {strides = array<i32>} : memref<4096xi32, #tpu.memory_space<vmem>>, vector<16xi32>,
        %gt3A = arith.constant 0 : i32
        %gt3A_494 = vector.broadcast %gt3A : i32 to vector<16xi32>
        %gt3A_495 = arith.cmpi sgt, %get3A_493, %gt3A_494 : vector<16xi32>
        %swap3A_496 = arith.constant 0 : index
        %swap3A_497 = tpu.vector_load %arg18[%swap3A_496] {strides = array<i32>} : memref<16xi32, #tpu.memory_space<vmem>>, vector<16xi32>,
        tpu.vector_store %arg18[%swap3A_496], %get3A_493 {strides = array<i32>} : memref<16xi32, #tpu.memory_space<vmem>>, vector<16xi32>,
        %sub3A_498 = arith.constant 1 : i32
        %sub3A_499 = vector.broadcast %sub3A_498 : i32 to vector<16xi32>
        %sub3A_500 = arith.subi %iota3A, %sub3A_499 : vector<16xi32>
        %max3A = arith.constant 0 : i32
        %max3A_501 = vector.broadcast %max3A : i32 to vector<16xi32>
        %max3A_502 = arith.maxsi %sub3A_500, %max3A_501 : vector<16xi32>
        %gather3A = tpu.vector_load_idx %arg18[%max3A_502] : memref<16xi32, #tpu.memory_space<vmem>>[vector<16xi32>], vector<16xi32>,
        %ge3A = arith.constant 1 : i32
        %ge3A_503 = vector.broadcast %ge3A : i32 to vector<16xi32>
        %ge3A_504 = arith.cmpi sge, %iota3A, %ge3A_503 : vector<16xi32>
        %jit3A_505 = arith.constant 0 : i32
        %broadcast_in_dim3A_506 = vector.broadcast %jit3A_505 : i32 to vector<16xi32>
        %select_n3A_507 = arith.select %ge3A_504, %gather3A, %broadcast_in_dim3A_506 : vector<16xi1>, vector<16xi32>
        %add3A_508 = arith.addi %get3A_493, %select_n3A_507 : vector<16xi32>
        %swap3A_509 = arith.constant 0 : index
        %swap3A_510 = tpu.vector_load %arg18[%swap3A_509] {strides = array<i32>} : memref<16xi32, #tpu.memory_space<vmem>>, vector<16xi32>,
        tpu.vector_store %arg18[%swap3A_509], %add3A_508 {strides = array<i32>} : memref<16xi32, #tpu.memory_space<vmem>>, vector<16xi32>,
        %sub3A_511 = arith.constant 2 : i32
        %sub3A_512 = vector.broadcast %sub3A_511 : i32 to vector<16xi32>
        %sub3A_513 = arith.subi %iota3A, %sub3A_512 : vector<16xi32>
        %max3A_514 = arith.constant 0 : i32
        %max3A_515 = vector.broadcast %max3A_514 : i32 to vector<16xi32>
        %max3A_516 = arith.maxsi %sub3A_513, %max3A_515 : vector<16xi32>
        %gather3A_517 = tpu.vector_load_idx %arg18[%max3A_516] : memref<16xi32, #tpu.memory_space<vmem>>[vector<16xi32>], vector<16xi32>,
        %ge3A_518 = arith.constant 2 : i32
        %ge3A_519 = vector.broadcast %ge3A_518 : i32 to vector<16xi32>
        %ge3A_520 = arith.cmpi sge, %iota3A, %ge3A_519 : vector<16xi32>
        %jit3A_521 = arith.constant 0 : i32
        %broadcast_in_dim3A_522 = vector.broadcast %jit3A_521 : i32 to vector<16xi32>
        %select_n3A_523 = arith.select %ge3A_520, %gather3A_517, %broadcast_in_dim3A_522 : vector<16xi1>, vector<16xi32>
        %add3A_524 = arith.addi %add3A_508, %select_n3A_523 : vector<16xi32>
        %swap3A_525 = arith.constant 0 : index
        %swap3A_526 = tpu.vector_load %arg18[%swap3A_525] {strides = array<i32>} : memref<16xi32, #tpu.memory_space<vmem>>, vector<16xi32>,
        tpu.vector_store %arg18[%swap3A_525], %add3A_524 {strides = array<i32>} : memref<16xi32, #tpu.memory_space<vmem>>, vector<16xi32>,
        %sub3A_527 = arith.constant 4 : i32
        %sub3A_528 = vector.broadcast %sub3A_527 : i32 to vector<16xi32>
        %sub3A_529 = arith.subi %iota3A, %sub3A_528 : vector<16xi32>
        %max3A_530 = arith.constant 0 : i32
        %max3A_531 = vector.broadcast %max3A_530 : i32 to vector<16xi32>
        %max3A_532 = arith.maxsi %sub3A_529, %max3A_531 : vector<16xi32>
        %gather3A_533 = tpu.vector_load_idx %arg18[%max3A_532] : memref<16xi32, #tpu.memory_space<vmem>>[vector<16xi32>], vector<16xi32>,
        %ge3A_534 = arith.constant 4 : i32
        %ge3A_535 = vector.broadcast %ge3A_534 : i32 to vector<16xi32>
        %ge3A_536 = arith.cmpi sge, %iota3A, %ge3A_535 : vector<16xi32>
        %jit3A_537 = arith.constant 0 : i32
        %broadcast_in_dim3A_538 = vector.broadcast %jit3A_537 : i32 to vector<16xi32>
        %select_n3A_539 = arith.select %ge3A_536, %gather3A_533, %broadcast_in_dim3A_538 : vector<16xi1>, vector<16xi32>
        %add3A_540 = arith.addi %add3A_524, %select_n3A_539 : vector<16xi32>
        %swap3A_541 = arith.constant 0 : index
        %swap3A_542 = tpu.vector_load %arg18[%swap3A_541] {strides = array<i32>} : memref<16xi32, #tpu.memory_space<vmem>>, vector<16xi32>,
        tpu.vector_store %arg18[%swap3A_541], %add3A_540 {strides = array<i32>} : memref<16xi32, #tpu.memory_space<vmem>>, vector<16xi32>,
        %sub3A_543 = arith.constant 8 : i32
        %sub3A_544 = vector.broadcast %sub3A_543 : i32 to vector<16xi32>
        %sub3A_545 = arith.subi %iota3A, %sub3A_544 : vector<16xi32>
        %max3A_546 = arith.constant 0 : i32
        %max3A_547 = vector.broadcast %max3A_546 : i32 to vector<16xi32>
        %max3A_548 = arith.maxsi %sub3A_545, %max3A_547 : vector<16xi32>
        %gather3A_549 = tpu.vector_load_idx %arg18[%max3A_548] : memref<16xi32, #tpu.memory_space<vmem>>[vector<16xi32>], vector<16xi32>,
        %ge3A_550 = arith.constant 8 : i32
        %ge3A_551 = vector.broadcast %ge3A_550 : i32 to vector<16xi32>
        %ge3A_552 = arith.cmpi sge, %iota3A, %ge3A_551 : vector<16xi32>
        %jit3A_553 = arith.constant 0 : i32
        %broadcast_in_dim3A_554 = vector.broadcast %jit3A_553 : i32 to vector<16xi32>
        %select_n3A_555 = arith.select %ge3A_552, %gather3A_549, %broadcast_in_dim3A_554 : vector<16xi1>, vector<16xi32>
        %add3A_556 = arith.addi %add3A_540, %select_n3A_555 : vector<16xi32>
        %add3A_557 = arith.addi %scan3A_490, %add3A_556 : vector<16xi32>
        %sub3A_558 = arith.constant 1 : i32
        %sub3A_559 = vector.broadcast %sub3A_558 : i32 to vector<16xi32>
        %sub3A_560 = arith.subi %add3A_557, %sub3A_559 : vector<16xi32>
        %mul3A_561 = arith.constant 16 : i32
        %mul3A_562 = arith.muli %scan3A_489, %mul3A_561 : i32
        %get3A_563 = arith.index_cast %mul3A_562 : i32 to index
        %get3A_564 = tpu.vector_load %arg7[%get3A_563] {strides = array<i32>} : memref<4096xf32, #tpu.memory_space<vmem>>, vector<16xf32>,
        %mul3A_565 = arith.constant 16 : i32
        %mul3A_566 = arith.muli %scan3A_489, %mul3A_565 : i32
        %get3A_567 = arith.index_cast %mul3A_566 : i32 to index
        %get3A_568 = tpu.vector_load %arg10[%get3A_567] {strides = array<i32>} : memref<4096xf32, #tpu.memory_space<vmem>>, vector<16xf32>,
        %add3A_569 = arith.addf %get3A_564, %get3A_568 : vector<16xf32>
        tpu.vector_store_idx %arg14[%sub3A_560], %add3A_569 masked %gt3A_495 : memref<4096xf32, #tpu.memory_space<vmem>>[vector<16xi32>], vector<16xf32>, vector<16xi1>
        %mul3A_570 = arith.constant 16 : i32
        %mul3A_571 = arith.muli %scan3A_489, %mul3A_570 : i32
        %get3A_572 = arith.index_cast %mul3A_571 : i32 to index
        %get3A_573 = tpu.vector_load %arg8[%get3A_572] {strides = array<i32>} : memref<4096xf32, #tpu.memory_space<vmem>>, vector<16xf32>,
        %mul3A_574 = arith.constant 16 : i32
        %mul3A_575 = arith.muli %scan3A_489, %mul3A_574 : i32
        %get3A_576 = arith.index_cast %mul3A_575 : i32 to index
        %get3A_577 = tpu.vector_load %arg11[%get3A_576] {strides = array<i32>} : memref<4096xf32, #tpu.memory_space<vmem>>, vector<16xf32>,
        %add3A_578 = arith.addf %get3A_573, %get3A_577 : vector<16xf32>
        tpu.vector_store_idx %arg15[%sub3A_560], %add3A_578 masked %gt3A_495 : memref<4096xf32, #tpu.memory_space<vmem>>[vector<16xi32>], vector<16xf32>, vector<16xi1>
        %mul3A_579 = arith.constant 16 : i32
        %mul3A_580 = arith.muli %scan3A_489, %mul3A_579 : i32
        %get3A_581 = arith.index_cast %mul3A_580 : i32 to index
        %get3A_582 = tpu.vector_load %arg9[%get3A_581] {strides = array<i32>} : memref<4096xf32, #tpu.memory_space<vmem>>, vector<16xf32>,
        %mul3A_583 = arith.constant 16 : i32
        %mul3A_584 = arith.muli %scan3A_489, %mul3A_583 : i32
        %get3A_585 = arith.index_cast %mul3A_584 : i32 to index
        %get3A_586 = tpu.vector_load %arg12[%get3A_585] {strides = array<i32>} : memref<4096xf32, #tpu.memory_space<vmem>>, vector<16xf32>,
        %add3A_587 = arith.addf %get3A_582, %get3A_586 : vector<16xf32>
        tpu.vector_store_idx %arg16[%sub3A_560], %add3A_587 masked %gt3A_495 : memref<4096xf32, #tpu.memory_space<vmem>>[vector<16xi32>], vector<16xf32>, vector<16xi1>
        %all_reduce_population_count3A = tpu.all_reduce %gt3A_495 {dim = 0 : i64, kind = #tpu.reduction_kind<sum>} : vector<16xi1> -> vector<16xi32>
        %add3A_588 = arith.addi %scan3A_490, %all_reduce_population_count3A : vector<16xi32>
        scf.yield %add3A_588 : vector<16xi32>
      }
      %scan3A_338 = arith.constant 256 : i32
      %swap3A = arith.constant 0 : index
      %swap3A_339 = tpu.vector_load %arg17[%swap3A] {strides = array<i32>} : memref<16xi32, #tpu.memory_space<vmem>>, vector<16xi32>,
      tpu.vector_store %arg17[%swap3A], %scan3A_337 {strides = array<i32>} : memref<16xi32, #tpu.memory_space<vmem>>, vector<16xi32>,
      %jit3A_340 = arith.constant 2 : i32
      %div3A_341 = arith.divsi %add3A, %jit3A_340 : i32
      %sign3A_342 = arith.constant 0 : i32
      %sign3A_343 = arith.cmpi sgt, %add3A, %sign3A_342 : i32
      %sign3A_344 = arith.extui %sign3A_343 : i1 to i32
      %sign3A_345 = arith.constant 0 : i32
      %sign3A_346 = arith.cmpi slt, %add3A, %sign3A_345 : i32
      %sign3A_347 = arith.extui %sign3A_346 : i1 to i32
      %sign3A_348 = arith.subi %sign3A_344, %sign3A_347 : i32
      %sign3A_349 = arith.constant 0 : i32
      %sign3A_350 = arith.cmpi sgt, %jit3A_340, %sign3A_349 : i32
      %sign3A_351 = arith.extui %sign3A_350 : i1 to i32
      %sign3A_352 = arith.constant 0 : i32
      %sign3A_353 = arith.cmpi slt, %jit3A_340, %sign3A_352 : i32
      %sign3A_354 = arith.extui %sign3A_353 : i1 to i32
      %sign3A_355 = arith.subi %sign3A_351, %sign3A_354 : i32
      %ne3A_356 = arith.cmpi ne, %sign3A_348, %sign3A_355 : i32
      %rem3A_357 = arith.remsi %add3A, %jit3A_340 : i32
      %ne3A_358 = arith.constant 0 : i32
      %ne3A_359 = arith.cmpi ne, %rem3A_357, %ne3A_358 : i32
      %and3A_360 = arith.andi %ne3A_356, %ne3A_359 : i1
      %sub3A_361 = arith.constant 1 : i32
      %sub3A_362 = arith.subi %div3A_341, %sub3A_361 : i32
      %select_n3A_363 = arith.select %and3A_360, %sub3A_362, %div3A_341 : i32
      %mul3A_364 = arith.constant 3 : i32
      %mul3A_365 = arith.muli %select_n3A_363, %mul3A_364 : i32
      %mul3A_366 = arith.constant 8192 : i32
      %mul3A_367 = arith.muli %mul3A_365, %mul3A_366 : i32
      %add3A_368 = arith.constant 0 : i32
      %add3A_369 = arith.addi %mul3A_367, %add3A_368 : i32
      %jit3A_370 = arith.constant 2 : i32
      %eq3A_371 = arith.constant 0 : i32
      %eq3A_372 = arith.cmpi eq, %jit3A_370, %eq3A_371 : i32
      %jit3A_373 = arith.constant 1 : i32
      %select_n3A_374 = arith.select %eq3A_372, %jit3A_373, %jit3A_370 : i32
      %rem3A_375 = arith.remsi %add3A, %select_n3A_374 : i32
      %ne3A_376 = arith.constant 0 : i32
      %ne3A_377 = arith.cmpi ne, %rem3A_375, %ne3A_376 : i32
      %lt3A_378 = arith.constant 0 : i32
      %lt3A_379 = arith.cmpi slt, %rem3A_375, %lt3A_378 : i32
      %lt3A_380 = arith.constant 0 : i32
      %lt3A_381 = arith.cmpi slt, %select_n3A_374, %lt3A_380 : i32
      %ne3A_382 = arith.xori %lt3A_379, %lt3A_381 : i1
      %and3A_383 = arith.andi %ne3A_382, %ne3A_377 : i1
      %add3A_384 = arith.addi %rem3A_375, %select_n3A_374 : i32
      %select_n3A_385 = arith.select %and3A_383, %add3A_384, %rem3A_375 : i32
      %mul3A_386 = arith.constant 4096 : i32
      %mul3A_387 = arith.muli %select_n3A_385, %mul3A_386 : i32
      %add3A_388 = arith.addi %add3A_369, %mul3A_387 : i32
      "tpu.region"() ({
        %run_scoped3A = tpu.sem_alloc : memref<!tpu.dma_semaphore, #tpu.memory_space<semaphore_mem>>
        %dma_start3A = tpu.memref_slice %arg5[%add3A_388] : memref<98304xf32, #tpu.memory_space<hbm>> -> memref<4096xf32, #tpu.memory_space<hbm>>
        %dma_start3A_489 = tpu.memref_slice %arg5[%add3A_388] : memref<98304xf32, #tpu.memory_space<hbm>> -> memref<4096xf32, #tpu.memory_space<hbm>>
        tpu.enqueue_dma source(%arg14 : memref<4096xf32, #tpu.memory_space<vmem>>) target(%dma_start3A_489 : memref<4096xf32, #tpu.memory_space<hbm>>) target_semaphore(%run_scoped3A : memref<!tpu.dma_semaphore, #tpu.memory_space<semaphore_mem>>)
        %dma_wait3A = tpu.memref_slice %arg5[%add3A_388] : memref<98304xf32, #tpu.memory_space<hbm>> -> memref<4096xf32, #tpu.memory_space<hbm>>
        %dma_wait3A_490 = tpu.memref_slice %arg5[%add3A_388] : memref<98304xf32, #tpu.memory_space<hbm>> -> memref<4096xf32, #tpu.memory_space<hbm>>
        tpu.wait_dma2 semaphore(%run_scoped3A : memref<!tpu.dma_semaphore, #tpu.memory_space<semaphore_mem>>) src(%arg14 : memref<4096xf32, #tpu.memory_space<vmem>>) dst(%dma_wait3A_490 : memref<4096xf32, #tpu.memory_space<hbm>>)
        tpu.yield
      }) : () -> ()
      %jit3A_389 = arith.constant 2 : i32
      %div3A_390 = arith.divsi %add3A, %jit3A_389 : i32
      %sign3A_391 = arith.constant 0 : i32
      %sign3A_392 = arith.cmpi sgt, %add3A, %sign3A_391 : i32
      %sign3A_393 = arith.extui %sign3A_392 : i1 to i32
      %sign3A_394 = arith.constant 0 : i32
      %sign3A_395 = arith.cmpi slt, %add3A, %sign3A_394 : i32
      %sign3A_396 = arith.extui %sign3A_395 : i1 to i32
      %sign3A_397 = arith.subi %sign3A_393, %sign3A_396 : i32
      %sign3A_398 = arith.constant 0 : i32
      %sign3A_399 = arith.cmpi sgt, %jit3A_389, %sign3A_398 : i32
      %sign3A_400 = arith.extui %sign3A_399 : i1 to i32
      %sign3A_401 = arith.constant 0 : i32
      %sign3A_402 = arith.cmpi slt, %jit3A_389, %sign3A_401 : i32
      %sign3A_403 = arith.extui %sign3A_402 : i1 to i32
      %sign3A_404 = arith.subi %sign3A_400, %sign3A_403 : i32
      %ne3A_405 = arith.cmpi ne, %sign3A_397, %sign3A_404 : i32
      %rem3A_406 = arith.remsi %add3A, %jit3A_389 : i32
      %ne3A_407 = arith.constant 0 : i32
      %ne3A_408 = arith.cmpi ne, %rem3A_406, %ne3A_407 : i32
      %and3A_409 = arith.andi %ne3A_405, %ne3A_408 : i1
      %sub3A_410 = arith.constant 1 : i32
      %sub3A_411 = arith.subi %div3A_390, %sub3A_410 : i32
      %select_n3A_412 = arith.select %and3A_409, %sub3A_411, %div3A_390 : i32
      %mul3A_413 = arith.constant 3 : i32
      %mul3A_414 = arith.muli %select_n3A_412, %mul3A_413 : i32
      %mul3A_415 = arith.constant 8192 : i32
      %mul3A_416 = arith.muli %mul3A_414, %mul3A_415 : i32
      %add3A_417 = arith.constant 8192 : i32
      %add3A_418 = arith.addi %mul3A_416, %add3A_417 : i32
      %jit3A_419 = arith.constant 2 : i32
      %eq3A_420 = arith.constant 0 : i32
      %eq3A_421 = arith.cmpi eq, %jit3A_419, %eq3A_420 : i32
      %jit3A_422 = arith.constant 1 : i32
      %select_n3A_423 = arith.select %eq3A_421, %jit3A_422, %jit3A_419 : i32
      %rem3A_424 = arith.remsi %add3A, %select_n3A_423 : i32
      %ne3A_425 = arith.constant 0 : i32
      %ne3A_426 = arith.cmpi ne, %rem3A_424, %ne3A_425 : i32
      %lt3A_427 = arith.constant 0 : i32
      %lt3A_428 = arith.cmpi slt, %rem3A_424, %lt3A_427 : i32
      %lt3A_429 = arith.constant 0 : i32
      %lt3A_430 = arith.cmpi slt, %select_n3A_423, %lt3A_429 : i32
      %ne3A_431 = arith.xori %lt3A_428, %lt3A_430 : i1
      %and3A_432 = arith.andi %ne3A_431, %ne3A_426 : i1
      %add3A_433 = arith.addi %rem3A_424, %select_n3A_423 : i32
      %select_n3A_434 = arith.select %and3A_432, %add3A_433, %rem3A_424 : i32
      %mul3A_435 = arith.constant 4096 : i32
      %mul3A_436 = arith.muli %select_n3A_434, %mul3A_435 : i32
      %add3A_437 = arith.addi %add3A_418, %mul3A_436 : i32
      "tpu.region"() ({
        %run_scoped3A = tpu.sem_alloc : memref<!tpu.dma_semaphore, #tpu.memory_space<semaphore_mem>>
        %dma_start3A = tpu.memref_slice %arg5[%add3A_437] : memref<98304xf32, #tpu.memory_space<hbm>> -> memref<4096xf32, #tpu.memory_space<hbm>>
        %dma_start3A_489 = tpu.memref_slice %arg5[%add3A_437] : memref<98304xf32, #tpu.memory_space<hbm>> -> memref<4096xf32, #tpu.memory_space<hbm>>
        tpu.enqueue_dma source(%arg15 : memref<4096xf32, #tpu.memory_space<vmem>>) target(%dma_start3A_489 : memref<4096xf32, #tpu.memory_space<hbm>>) target_semaphore(%run_scoped3A : memref<!tpu.dma_semaphore, #tpu.memory_space<semaphore_mem>>)
        %dma_wait3A = tpu.memref_slice %arg5[%add3A_437] : memref<98304xf32, #tpu.memory_space<hbm>> -> memref<4096xf32, #tpu.memory_space<hbm>>
        %dma_wait3A_490 = tpu.memref_slice %arg5[%add3A_437] : memref<98304xf32, #tpu.memory_space<hbm>> -> memref<4096xf32, #tpu.memory_space<hbm>>
        tpu.wait_dma2 semaphore(%run_scoped3A : memref<!tpu.dma_semaphore, #tpu.memory_space<semaphore_mem>>) src(%arg15 : memref<4096xf32, #tpu.memory_space<vmem>>) dst(%dma_wait3A_490 : memref<4096xf32, #tpu.memory_space<hbm>>)
        tpu.yield
      }) : () -> ()
      %jit3A_438 = arith.constant 2 : i32
      %div3A_439 = arith.divsi %add3A, %jit3A_438 : i32
      %sign3A_440 = arith.constant 0 : i32
      %sign3A_441 = arith.cmpi sgt, %add3A, %sign3A_440 : i32
      %sign3A_442 = arith.extui %sign3A_441 : i1 to i32
      %sign3A_443 = arith.constant 0 : i32
      %sign3A_444 = arith.cmpi slt, %add3A, %sign3A_443 : i32
      %sign3A_445 = arith.extui %sign3A_444 : i1 to i32
      %sign3A_446 = arith.subi %sign3A_442, %sign3A_445 : i32
      %sign3A_447 = arith.constant 0 : i32
      %sign3A_448 = arith.cmpi sgt, %jit3A_438, %sign3A_447 : i32
      %sign3A_449 = arith.extui %sign3A_448 : i1 to i32
      %sign3A_450 = arith.constant 0 : i32
      %sign3A_451 = arith.cmpi slt, %jit3A_438, %sign3A_450 : i32
      %sign3A_452 = arith.extui %sign3A_451 : i1 to i32
      %sign3A_453 = arith.subi %sign3A_449, %sign3A_452 : i32
      %ne3A_454 = arith.cmpi ne, %sign3A_446, %sign3A_453 : i32
      %rem3A_455 = arith.remsi %add3A, %jit3A_438 : i32
      %ne3A_456 = arith.constant 0 : i32
      %ne3A_457 = arith.cmpi ne, %rem3A_455, %ne3A_456 : i32
      %and3A_458 = arith.andi %ne3A_454, %ne3A_457 : i1
      %sub3A_459 = arith.constant 1 : i32
      %sub3A_460 = arith.subi %div3A_439, %sub3A_459 : i32
      %select_n3A_461 = arith.select %and3A_458, %sub3A_460, %div3A_439 : i32
      %mul3A_462 = arith.constant 3 : i32
      %mul3A_463 = arith.muli %select_n3A_461, %mul3A_462 : i32
      %mul3A_464 = arith.constant 8192 : i32
      %mul3A_465 = arith.muli %mul3A_463, %mul3A_464 : i32
      %add3A_466 = arith.constant 16384 : i32
      %add3A_467 = arith.addi %mul3A_465, %add3A_466 : i32
      %jit3A_468 = arith.constant 2 : i32
      %eq3A_469 = arith.constant 0 : i32
      %eq3A_470 = arith.cmpi eq, %jit3A_468, %eq3A_469 : i32
      %jit3A_471 = arith.constant 1 : i32
      %select_n3A_472 = arith.select %eq3A_470, %jit3A_471, %jit3A_468 : i32
      %rem3A_473 = arith.remsi %add3A, %select_n3A_472 : i32
      %ne3A_474 = arith.constant 0 : i32
      %ne3A_475 = arith.cmpi ne, %rem3A_473, %ne3A_474 : i32
      %lt3A_476 = arith.constant 0 : i32
      %lt3A_477 = arith.cmpi slt, %rem3A_473, %lt3A_476 : i32
      %lt3A_478 = arith.constant 0 : i32
      %lt3A_479 = arith.cmpi slt, %select_n3A_472, %lt3A_478 : i32
      %ne3A_480 = arith.xori %lt3A_477, %lt3A_479 : i1
      %and3A_481 = arith.andi %ne3A_480, %ne3A_475 : i1
      %add3A_482 = arith.addi %rem3A_473, %select_n3A_472 : i32
      %select_n3A_483 = arith.select %and3A_481, %add3A_482, %rem3A_473 : i32
      %mul3A_484 = arith.constant 4096 : i32
      %mul3A_485 = arith.muli %select_n3A_483, %mul3A_484 : i32
      %add3A_486 = arith.addi %add3A_467, %mul3A_485 : i32
      "tpu.region"() ({
        %run_scoped3A = tpu.sem_alloc : memref<!tpu.dma_semaphore, #tpu.memory_space<semaphore_mem>>
        %dma_start3A = tpu.memref_slice %arg5[%add3A_486] : memref<98304xf32, #tpu.memory_space<hbm>> -> memref<4096xf32, #tpu.memory_space<hbm>>
        %dma_start3A_489 = tpu.memref_slice %arg5[%add3A_486] : memref<98304xf32, #tpu.memory_space<hbm>> -> memref<4096xf32, #tpu.memory_space<hbm>>
        tpu.enqueue_dma source(%arg16 : memref<4096xf32, #tpu.memory_space<vmem>>) target(%dma_start3A_489 : memref<4096xf32, #tpu.memory_space<hbm>>) target_semaphore(%run_scoped3A : memref<!tpu.dma_semaphore, #tpu.memory_space<semaphore_mem>>)
        %dma_wait3A = tpu.memref_slice %arg5[%add3A_486] : memref<98304xf32, #tpu.memory_space<hbm>> -> memref<4096xf32, #tpu.memory_space<hbm>>
        %dma_wait3A_490 = tpu.memref_slice %arg5[%add3A_486] : memref<98304xf32, #tpu.memory_space<hbm>> -> memref<4096xf32, #tpu.memory_space<hbm>>
        tpu.wait_dma2 semaphore(%run_scoped3A : memref<!tpu.dma_semaphore, #tpu.memory_space<semaphore_mem>>) src(%arg16 : memref<4096xf32, #tpu.memory_space<vmem>>) dst(%dma_wait3A_490 : memref<4096xf32, #tpu.memory_space<hbm>>)
        tpu.yield
      }) : () -> ()
      %mul3A_487 = arith.constant 16 : i32
      %mul3A_488 = arith.muli %add3A, %mul3A_487 : i32
      "tpu.region"() ({
        %run_scoped3A = tpu.sem_alloc : memref<!tpu.dma_semaphore, #tpu.memory_space<semaphore_mem>>
        %dma_start3A = tpu.memref_slice %arg6[%mul3A_488] : memref<128xi32, #tpu.memory_space<hbm>> -> memref<16xi32, #tpu.memory_space<hbm>>
        %dma_start3A_489 = tpu.memref_slice %arg6[%mul3A_488] : memref<128xi32, #tpu.memory_space<hbm>> -> memref<16xi32, #tpu.memory_space<hbm>>
        tpu.enqueue_dma source(%arg17 : memref<16xi32, #tpu.memory_space<vmem>>) target(%dma_start3A_489 : memref<16xi32, #tpu.memory_space<hbm>>) target_semaphore(%run_scoped3A : memref<!tpu.dma_semaphore, #tpu.memory_space<semaphore_mem>>)
        %dma_wait3A = tpu.memref_slice %arg6[%mul3A_488] : memref<128xi32, #tpu.memory_space<hbm>> -> memref<16xi32, #tpu.memory_space<hbm>>
        %dma_wait3A_490 = tpu.memref_slice %arg6[%mul3A_488] : memref<128xi32, #tpu.memory_space<hbm>> -> memref<16xi32, #tpu.memory_space<hbm>>
        tpu.wait_dma2 semaphore(%run_scoped3A : memref<!tpu.dma_semaphore, #tpu.memory_space<semaphore_mem>>) src(%arg17 : memref<16xi32, #tpu.memory_space<vmem>>) dst(%dma_wait3A_490 : memref<16xi32, #tpu.memory_space<hbm>>)
        tpu.yield
      }) : () -> ()
    } else {
    }
    return
  }
}

module attributes {stable_mosaic.version = 14 : i64} {
  func.func @_loss_body(%arg0: i32, %arg1: memref<1x8xi32, #tpu.memory_space<smem>>, %arg2: memref<1x3x8192xf32, #tpu.memory_space<vmem>>, %arg3: memref<1x3x8192xf32, #tpu.memory_space<vmem>>, %arg4: memref<1x1xf32, #tpu.memory_space<smem>>, %arg5: memref<16x8192xbf16, #tpu.memory_space<vmem>>, %arg6: memref<16x8192xbf16, #tpu.memory_space<vmem>>, %arg7: memref<8x8192xf32, #tpu.memory_space<vmem>>, %arg8: memref<512x128xf32, #tpu.memory_space<vmem>>) attributes {dimension_semantics = [#tpu.dimension_semantics<arbitrary>], iteration_bounds = array<i64: 2>, scalar_prefetch = 0 : i64, scratch_operands = 4 : i64, tpu.core_type = #tpu.core_type<tc>, window_params = [{transform_indices = @transform_0, window_bounds = array<i64: 1, 8>}, {transform_indices = @transform_1, window_bounds = array<i64: 1, 3, 8192>}, {transform_indices = @transform_2, window_bounds = array<i64: 1, 3, 8192>}, {transform_indices = @transform_3, window_bounds = array<i64: 1, 1>}]} {
    %mul3A = arith.constant 2 : i32
    %mul3A_0 = arith.muli %arg0, %mul3A : i32
    %add3A = arith.constant 0 : i32
    %add3A_1 = arith.addi %mul3A_0, %add3A : i32
    %get3A = arith.constant 0 : index
    %get3A_2 = arith.index_cast %add3A_1 : i32 to index
    %get3A_3 = memref.load %arg1[%get3A, %get3A_2] : memref<1x8xi32, #tpu.memory_space<smem>>
    %mul3A_4 = arith.constant 2 : i32
    %mul3A_5 = arith.muli %arg0, %mul3A_4 : i32
    %add3A_6 = arith.constant 1 : i32
    %add3A_7 = arith.addi %mul3A_5, %add3A_6 : i32
    %get3A_8 = arith.constant 0 : index
    %get3A_9 = arith.index_cast %add3A_7 : i32 to index
    %get3A_10 = memref.load %arg1[%get3A_8, %get3A_9] : memref<1x8xi32, #tpu.memory_space<smem>>
    %add3A_11 = arith.constant 2 : i32
    %add3A_12 = arith.addi %add3A_11, %arg0 : i32
    %mul3A_13 = arith.constant 2 : i32
    %mul3A_14 = arith.muli %add3A_12, %mul3A_13 : i32
    %add3A_15 = arith.constant 0 : i32
    %add3A_16 = arith.addi %mul3A_14, %add3A_15 : i32
    %get3A_17 = arith.constant 0 : index
    %get3A_18 = arith.index_cast %add3A_16 : i32 to index
    %get3A_19 = memref.load %arg1[%get3A_17, %get3A_18] : memref<1x8xi32, #tpu.memory_space<smem>>
    %add3A_20 = arith.constant 2 : i32
    %add3A_21 = arith.addi %add3A_20, %arg0 : i32
    %mul3A_22 = arith.constant 2 : i32
    %mul3A_23 = arith.muli %add3A_21, %mul3A_22 : i32
    %add3A_24 = arith.constant 1 : i32
    %add3A_25 = arith.addi %mul3A_23, %add3A_24 : i32
    %get3A_26 = arith.constant 0 : index
    %get3A_27 = arith.index_cast %add3A_25 : i32 to index
    %get3A_28 = memref.load %arg1[%get3A_26, %get3A_27] : memref<1x8xi32, #tpu.memory_space<smem>>
    %iota3A = tpu.iota {dimensions = array<i32: 1>} : vector<1x8192xi32>
    %jit3A = arith.constant 4096 : i32
    %eq3A = arith.constant 0 : i32
    %eq3A_29 = arith.cmpi eq, %jit3A, %eq3A : i32
    %jit3A_30 = arith.constant 1 : i32
    %select_n3A = arith.select %eq3A_29, %jit3A_30, %jit3A : i32
    %rem3A = vector.broadcast %select_n3A : i32 to vector<1x8192xi32>
    %rem3A_31 = arith.remsi %iota3A, %rem3A : vector<1x8192xi32>
    %ne3A = arith.constant 0 : i32
    %ne3A_32 = vector.broadcast %ne3A : i32 to vector<1x8192xi32>
    %ne3A_33 = arith.cmpi ne, %rem3A_31, %ne3A_32 : vector<1x8192xi32>
    %lt3A = arith.constant 0 : i32
    %lt3A_34 = vector.broadcast %lt3A : i32 to vector<1x8192xi32>
    %lt3A_35 = arith.cmpi slt, %rem3A_31, %lt3A_34 : vector<1x8192xi32>
    %lt3A_36 = arith.constant 0 : i32
    %lt3A_37 = arith.cmpi slt, %select_n3A, %lt3A_36 : i32
    %ne3A_38 = vector.broadcast %lt3A_37 : i1 to vector<1x8192xi1>
    %ne3A_39 = vector.broadcast %ne3A_38 : vector<1x8192xi1> to vector<1x8192xi1>
    %ne3A_40 = arith.xori %lt3A_35, %ne3A_39 : vector<1x8192xi1>
    %and3A = arith.andi %ne3A_40, %ne3A_33 : vector<1x8192xi1>
    %add3A_41 = vector.broadcast %select_n3A : i32 to vector<1x8192xi32>
    %add3A_42 = arith.addi %rem3A_31, %add3A_41 : vector<1x8192xi32>
    %select_n3A_43 = arith.select %and3A, %add3A_42, %rem3A_31 : vector<1x8192xi1>, vector<1x8192xi32>
    %lt3A_44 = arith.constant 4096 : i32
    %lt3A_45 = vector.broadcast %lt3A_44 : i32 to vector<1x8192xi32>
    %lt3A_46 = arith.cmpi slt, %iota3A, %lt3A_45 : vector<1x8192xi32>
    %broadcast_in_dim3A = vector.broadcast %get3A_3 : i32 to vector<1x8192xi32>
    %broadcast_in_dim3A_47 = vector.broadcast %get3A_10 : i32 to vector<1x8192xi32>
    %select_n3A_48 = arith.select %lt3A_46, %broadcast_in_dim3A, %broadcast_in_dim3A_47 : vector<1x8192xi1>, vector<1x8192xi32>
    %lt3A_49 = arith.cmpi slt, %select_n3A_43, %select_n3A_48 : vector<1x8192xi32>
    %lt3A_50 = arith.constant 4096 : i32
    %lt3A_51 = vector.broadcast %lt3A_50 : i32 to vector<1x8192xi32>
    %lt3A_52 = arith.cmpi slt, %iota3A, %lt3A_51 : vector<1x8192xi32>
    %broadcast_in_dim3A_53 = vector.broadcast %get3A_19 : i32 to vector<1x8192xi32>
    %broadcast_in_dim3A_54 = vector.broadcast %get3A_28 : i32 to vector<1x8192xi32>
    %select_n3A_55 = arith.select %lt3A_52, %broadcast_in_dim3A_53, %broadcast_in_dim3A_54 : vector<1x8192xi1>, vector<1x8192xi32>
    %lt3A_56 = arith.cmpi slt, %select_n3A_43, %select_n3A_55 : vector<1x8192xi32>
    %get3A_57 = arith.constant 0 : index
    %get3A_58 = arith.constant 0 : index
    %get3A_59 = arith.constant 0 : index
    %get3A_60 = vector.load %arg2[%get3A_57, %get3A_58, %get3A_59] : memref<1x3x8192xf32, #tpu.memory_space<vmem>>, vector<1x3x8192xf32>
    %get3A_61 = vector.shape_cast %get3A_60 : vector<1x3x8192xf32> to vector<3x8192xf32>
    %jit3A_62 = arith.constant 0.000000e+00 : f32
    %broadcast_in_dim3A_63 = vector.shape_cast %lt3A_49 : vector<1x8192xi1> to vector<1x8192xi1>
    %broadcast_in_dim3A_64 = vector.broadcast %broadcast_in_dim3A_63 : vector<1x8192xi1> to vector<3x8192xi1>
    %broadcast_in_dim3A_65 = vector.broadcast %jit3A_62 : f32 to vector<3x8192xf32>
    %select_n3A_66 = arith.select %broadcast_in_dim3A_64, %get3A_61, %broadcast_in_dim3A_65 : vector<3x8192xi1>, vector<3x8192xf32>
    %get3A_67 = arith.constant 0 : index
    %get3A_68 = arith.constant 0 : index
    %get3A_69 = arith.constant 0 : index
    %get3A_70 = vector.load %arg3[%get3A_67, %get3A_68, %get3A_69] : memref<1x3x8192xf32, #tpu.memory_space<vmem>>, vector<1x3x8192xf32>
    %get3A_71 = vector.shape_cast %get3A_70 : vector<1x3x8192xf32> to vector<3x8192xf32>
    %jit3A_72 = arith.constant 0.000000e+00 : f32
    %broadcast_in_dim3A_73 = vector.shape_cast %lt3A_56 : vector<1x8192xi1> to vector<1x8192xi1>
    %broadcast_in_dim3A_74 = vector.broadcast %broadcast_in_dim3A_73 : vector<1x8192xi1> to vector<3x8192xi1>
    %broadcast_in_dim3A_75 = vector.broadcast %jit3A_72 : f32 to vector<3x8192xf32>
    %select_n3A_76 = arith.select %broadcast_in_dim3A_74, %get3A_71, %broadcast_in_dim3A_75 : vector<3x8192xi1>, vector<3x8192xf32>
    %mul3A_77 = arith.mulf %select_n3A_66, %select_n3A_66 : vector<3x8192xf32>
    %reduce_sum3A = arith.constant dense<0.000000e+00> : vector<8192xf32>
    %reduce_sum3A_78 = vector.multi_reduction <add>, %mul3A_77, %reduce_sum3A [0] : vector<3x8192xf32> to vector<8192xf32>
    %broadcast_in_dim3A_79 = vector.shape_cast %reduce_sum3A_78 : vector<8192xf32> to vector<1x8192xf32>
    %mul3A_80 = arith.mulf %select_n3A_76, %select_n3A_76 : vector<3x8192xf32>
    %reduce_sum3A_81 = arith.constant dense<0.000000e+00> : vector<8192xf32>
    %reduce_sum3A_82 = vector.multi_reduction <add>, %mul3A_80, %reduce_sum3A_81 [0] : vector<3x8192xf32> to vector<8192xf32>
    %broadcast_in_dim3A_83 = vector.shape_cast %reduce_sum3A_82 : vector<8192xf32> to vector<1x8192xf32>
    %broadcast_in_dim3A_84 = arith.constant 1.000000e+00 : f32
    %broadcast_in_dim3A_85 = vector.broadcast %broadcast_in_dim3A_84 : f32 to vector<1x8192xf32>
    %broadcast_in_dim3A_86 = arith.constant 0.000000e+00 : f32
    %broadcast_in_dim3A_87 = vector.broadcast %broadcast_in_dim3A_86 : f32 to vector<1x8192xf32>
    %jit3A_88 = arith.constant 0.000000e+00 : f32
    %jit3A_89 = arith.constant 1.000000e+09 : f32
    %broadcast_in_dim3A_90 = vector.broadcast %jit3A_88 : f32 to vector<1x8192xf32>
    %broadcast_in_dim3A_91 = vector.broadcast %jit3A_89 : f32 to vector<1x8192xf32>
    %select_n3A_92 = arith.select %lt3A_49, %broadcast_in_dim3A_90, %broadcast_in_dim3A_91 : vector<1x8192xi1>, vector<1x8192xf32>
    %jit3A_93 = arith.constant 0.000000e+00 : f32
    %jit3A_94 = arith.constant 1.000000e+09 : f32
    %broadcast_in_dim3A_95 = vector.broadcast %jit3A_93 : f32 to vector<1x8192xf32>
    %broadcast_in_dim3A_96 = vector.broadcast %jit3A_94 : f32 to vector<1x8192xf32>
    %select_n3A_97 = arith.select %lt3A_56, %broadcast_in_dim3A_95, %broadcast_in_dim3A_96 : vector<1x8192xi1>, vector<1x8192xf32>
    %convert_element_type3A = arith.truncf %broadcast_in_dim3A_79 : vector<1x8192xf32> to vector<1x8192xbf16>
    %convert_element_type3A_98 = arith.extf %convert_element_type3A : vector<1x8192xbf16> to vector<1x8192xf32>
    %sub3A = arith.subf %broadcast_in_dim3A_79, %convert_element_type3A_98 : vector<1x8192xf32>
    %convert_element_type3A_99 = arith.truncf %sub3A : vector<1x8192xf32> to vector<1x8192xbf16>
    %convert_element_type3A_100 = arith.extf %convert_element_type3A_99 : vector<1x8192xbf16> to vector<1x8192xf32>
    %sub3A_101 = arith.subf %sub3A, %convert_element_type3A_100 : vector<1x8192xf32>
    %convert_element_type3A_102 = arith.truncf %broadcast_in_dim3A_83 : vector<1x8192xf32> to vector<1x8192xbf16>
    %convert_element_type3A_103 = arith.extf %convert_element_type3A_102 : vector<1x8192xbf16> to vector<1x8192xf32>
    %sub3A_104 = arith.subf %broadcast_in_dim3A_83, %convert_element_type3A_103 : vector<1x8192xf32>
    %convert_element_type3A_105 = arith.truncf %sub3A_104 : vector<1x8192xf32> to vector<1x8192xbf16>
    %convert_element_type3A_106 = arith.extf %convert_element_type3A_105 : vector<1x8192xbf16> to vector<1x8192xf32>
    %sub3A_107 = arith.subf %sub3A_104, %convert_element_type3A_106 : vector<1x8192xf32>
    %mul3A_108 = arith.constant -2.000000e+00 : f32
    %mul3A_109 = vector.broadcast %mul3A_108 : f32 to vector<3x8192xf32>
    %mul3A_110 = arith.mulf %mul3A_109, %select_n3A_66 : vector<3x8192xf32>
    %concatenate3A = tpu.concatenate %mul3A_110, %convert_element_type3A_98, %convert_element_type3A_100, %sub3A_101, %broadcast_in_dim3A_85, %broadcast_in_dim3A_85, %broadcast_in_dim3A_85, %select_n3A_92, %broadcast_in_dim3A_85, %broadcast_in_dim3A_87, %broadcast_in_dim3A_87, %broadcast_in_dim3A_87, %broadcast_in_dim3A_87, %broadcast_in_dim3A_87 in 0 : vector<3x8192xf32>, vector<1x8192xf32>, vector<1x8192xf32>, vector<1x8192xf32>, vector<1x8192xf32>, vector<1x8192xf32>, vector<1x8192xf32>, vector<1x8192xf32>, vector<1x8192xf32>, vector<1x8192xf32>, vector<1x8192xf32>, vector<1x8192xf32>, vector<1x8192xf32>, vector<1x8192xf32> -> vector<16x8192xf32>
    %convert_element_type3A_111 = arith.truncf %concatenate3A : vector<16x8192xf32> to vector<16x8192xbf16>
    %swap3A = arith.constant 0 : index
    %swap3A_112 = arith.constant 0 : index
    %swap3A_113 = vector.load %arg5[%swap3A, %swap3A_112] : memref<16x8192xbf16, #tpu.memory_space<vmem>>, vector<16x8192xbf16>
    tpu.vector_store %arg5[%swap3A, %swap3A_112], %convert_element_type3A_111 {strides = array<i32>} : memref<16x8192xbf16, #tpu.memory_space<vmem>>, vector<16x8192xbf16>,
    %concatenate3A_114 = tpu.concatenate %select_n3A_76, %broadcast_in_dim3A_85, %broadcast_in_dim3A_85, %broadcast_in_dim3A_85, %convert_element_type3A_103, %convert_element_type3A_106, %sub3A_107, %broadcast_in_dim3A_85, %select_n3A_97, %broadcast_in_dim3A_87, %broadcast_in_dim3A_87, %broadcast_in_dim3A_87, %broadcast_in_dim3A_87, %broadcast_in_dim3A_87 in 0 : vector<3x8192xf32>, vector<1x8192xf32>, vector<1x8192xf32>, vector<1x8192xf32>, vector<1x8192xf32>, vector<1x8192xf32>, vector<1x8192xf32>, vector<1x8192xf32>, vector<1x8192xf32>, vector<1x8192xf32>, vector<1x8192xf32>, vector<1x8192xf32>, vector<1x8192xf32>, vector<1x8192xf32> -> vector<16x8192xf32>
    %convert_element_type3A_115 = arith.truncf %concatenate3A_114 : vector<16x8192xf32> to vector<16x8192xbf16>
    %swap3A_116 = arith.constant 0 : index
    %swap3A_117 = arith.constant 0 : index
    %swap3A_118 = vector.load %arg6[%swap3A_116, %swap3A_117] : memref<16x8192xbf16, #tpu.memory_space<vmem>>, vector<16x8192xbf16>
    tpu.vector_store %arg6[%swap3A_116, %swap3A_117], %convert_element_type3A_115 {strides = array<i32>} : memref<16x8192xbf16, #tpu.memory_space<vmem>>, vector<16x8192xbf16>,
    %broadcast_in_dim3A_119 = arith.constant 0x7F800000 : f32
    %broadcast_in_dim3A_120 = vector.broadcast %broadcast_in_dim3A_119 : f32 to vector<8x8192xf32>
    %swap3A_121 = arith.constant 0 : index
    %swap3A_122 = arith.constant 0 : index
    %swap3A_123 = vector.load %arg7[%swap3A_121, %swap3A_122] : memref<8x8192xf32, #tpu.memory_space<vmem>>, vector<8x8192xf32>
    tpu.vector_store %arg7[%swap3A_121, %swap3A_122], %broadcast_in_dim3A_120 {strides = array<i32>} : memref<8x8192xf32, #tpu.memory_space<vmem>>, vector<8x8192xf32>,
    %add3A_124 = arith.constant 512 : i32
    %add3A_125 = arith.addi %get3A_3, %add3A_124 : i32
    %sub3A_126 = arith.constant 1 : i32
    %sub3A_127 = arith.subi %add3A_125, %sub3A_126 : i32
    %jit3A_128 = arith.constant 512 : i32
    %div3A = arith.divsi %sub3A_127, %jit3A_128 : i32
    %sign3A = arith.constant 0 : i32
    %sign3A_129 = arith.cmpi sgt, %sub3A_127, %sign3A : i32
    %sign3A_130 = arith.extui %sign3A_129 : i1 to i32
    %sign3A_131 = arith.constant 0 : i32
    %sign3A_132 = arith.cmpi slt, %sub3A_127, %sign3A_131 : i32
    %sign3A_133 = arith.extui %sign3A_132 : i1 to i32
    %sign3A_134 = arith.subi %sign3A_130, %sign3A_133 : i32
    %sign3A_135 = arith.constant 0 : i32
    %sign3A_136 = arith.cmpi sgt, %jit3A_128, %sign3A_135 : i32
    %sign3A_137 = arith.extui %sign3A_136 : i1 to i32
    %sign3A_138 = arith.constant 0 : i32
    %sign3A_139 = arith.cmpi slt, %jit3A_128, %sign3A_138 : i32
    %sign3A_140 = arith.extui %sign3A_139 : i1 to i32
    %sign3A_141 = arith.subi %sign3A_137, %sign3A_140 : i32
    %ne3A_142 = arith.cmpi ne, %sign3A_134, %sign3A_141 : i32
    %rem3A_143 = arith.remsi %sub3A_127, %jit3A_128 : i32
    %ne3A_144 = arith.constant 0 : i32
    %ne3A_145 = arith.cmpi ne, %rem3A_143, %ne3A_144 : i32
    %and3A_146 = arith.andi %ne3A_142, %ne3A_145 : i1
    %sub3A_147 = arith.constant 1 : i32
    %sub3A_148 = arith.subi %div3A, %sub3A_147 : i32
    %select_n3A_149 = arith.select %and3A_146, %sub3A_148, %div3A : i32
    %while3A = arith.constant 0 : i32
    %while3A_150 = arith.constant 0.000000e+00 : f32
    %while3A_151 = arith.constant 0.000000e+00 : f32
    %while3A_152 = arith.subi %select_n3A_149, %while3A : i32
    %while3A_153 = arith.addi %while3A, %while3A_152 : i32
    %while3A_154 = arith.constant 1 : i32
    %while3A_155 = arith.divsi %while3A_152, %while3A_154 : i32
    %while3A_156 = arith.muli %while3A_155, %while3A_154 : i32
    %while3A_157 = arith.addi %while3A, %while3A_156 : i32
    %while3A_158 = arith.constant 1 : i32
    %while3A_159:2 = scf.for %while3A_236 = %while3A to %while3A_157 step %while3A_158 iter_args(%while3A_237 = %while3A_150, %while3A_238 = %while3A_151) -> (f32, f32)  : i32 {
      %add3A_239 = arith.constant 0 : i32
      %add3A_240 = arith.addi %add3A_239, %while3A_236 : i32
      %mul3A_241 = arith.constant 512 : i32
      %mul3A_242 = arith.muli %add3A_240, %mul3A_241 : i32
      %get3A_243 = arith.constant 0 : index
      %get3A_244 = arith.index_cast %mul3A_242 : i32 to index
      %get3A_245 = vector.load %arg5[%get3A_243, %get3A_244] : memref<16x8192xbf16, #tpu.memory_space<vmem>>, vector<16x512xbf16>
      %broadcast_in_dim3A_246 = arith.constant 0x7F800000 : f32
      %broadcast_in_dim3A_247 = vector.broadcast %broadcast_in_dim3A_246 : f32 to vector<512x128xf32>
      %swap3A_248 = arith.constant 0 : index
      %swap3A_249 = arith.constant 0 : index
      %swap3A_250 = vector.load %arg8[%swap3A_248, %swap3A_249] : memref<512x128xf32, #tpu.memory_space<vmem>>, vector<512x128xf32>
      tpu.vector_store %arg8[%swap3A_248, %swap3A_249], %broadcast_in_dim3A_247 {strides = array<i32>} : memref<512x128xf32, #tpu.memory_space<vmem>>, vector<512x128xf32>,
      %gt3A = arith.constant 0 : i32
      %gt3A_251 = arith.cmpi sgt, %get3A_19, %gt3A : i32
      %convert_element_type3A_252 = arith.extui %gt3A_251 : i1 to i32
      %cond3A_253 = arith.constant 0 : i32
      %cond3A_254 = arith.cmpi ne, %convert_element_type3A_252, %cond3A_253 : i32
      scf.if %cond3A_254 {
        %get3A_296 = arith.constant 0 : index
        %get3A_297 = arith.constant 0 : index
        %get3A_298 = vector.load %arg6[%get3A_296, %get3A_297] : memref<16x8192xbf16, #tpu.memory_space<vmem>>, vector<16x2048xbf16>
        %dot_general3A = arith.constant dense<0.000000e+00> : vector<512x2048xf32>
        %dot_general3A_299 = tpu.matmul %get3A_245, %get3A_298, %dot_general3A {dimension_numbers = #tpu.dot_dimension_numbers<[0], [0], [1], [1], [0, 1, 1, 1], [], []>, transpose_lhs_hint = false} : vector<16x512xbf16>, vector<16x2048xbf16>, vector<512x2048xf32> -> vector<512x2048xf32>
        %slice3A = vector.extract_strided_slice %dot_general3A_299 {offsets = [0, 0], sizes = [8, 2048], strides = [1, 1]} : vector<512x2048xf32> to vector<8x2048xf32>
        %slice3A_300 = vector.extract_strided_slice %dot_general3A_299 {offsets = [8, 0], sizes = [8, 2048], strides = [1, 1]} : vector<512x2048xf32> to vector<8x2048xf32>
        %min3A = arith.minimumf %slice3A, %slice3A_300 : vector<8x2048xf32>
        %slice3A_301 = vector.extract_strided_slice %dot_general3A_299 {offsets = [16, 0], sizes = [8, 2048], strides = [1, 1]} : vector<512x2048xf32> to vector<8x2048xf32>
        %min3A_302 = arith.minimumf %min3A, %slice3A_301 : vector<8x2048xf32>
        %slice3A_303 = vector.extract_strided_slice %dot_general3A_299 {offsets = [24, 0], sizes = [8, 2048], strides = [1, 1]} : vector<512x2048xf32> to vector<8x2048xf32>
        %min3A_304 = arith.minimumf %min3A_302, %slice3A_303 : vector<8x2048xf32>
        %slice3A_305 = vector.extract_strided_slice %dot_general3A_299 {offsets = [32, 0], sizes = [8, 2048], strides = [1, 1]} : vector<512x2048xf32> to vector<8x2048xf32>
        %min3A_306 = arith.minimumf %min3A_304, %slice3A_305 : vector<8x2048xf32>
        %slice3A_307 = vector.extract_strided_slice %dot_general3A_299 {offsets = [40, 0], sizes = [8, 2048], strides = [1, 1]} : vector<512x2048xf32> to vector<8x2048xf32>
        %min3A_308 = arith.minimumf %min3A_306, %slice3A_307 : vector<8x2048xf32>
        %slice3A_309 = vector.extract_strided_slice %dot_general3A_299 {offsets = [48, 0], sizes = [8, 2048], strides = [1, 1]} : vector<512x2048xf32> to vector<8x2048xf32>
        %min3A_310 = arith.minimumf %min3A_308, %slice3A_309 : vector<8x2048xf32>
        %slice3A_311 = vector.extract_strided_slice %dot_general3A_299 {offsets = [56, 0], sizes = [8, 2048], strides = [1, 1]} : vector<512x2048xf32> to vector<8x2048xf32>
        %min3A_312 = arith.minimumf %min3A_310, %slice3A_311 : vector<8x2048xf32>
        %slice3A_313 = vector.extract_strided_slice %dot_general3A_299 {offsets = [64, 0], sizes = [8, 2048], strides = [1, 1]} : vector<512x2048xf32> to vector<8x2048xf32>
        %min3A_314 = arith.minimumf %min3A_312, %slice3A_313 : vector<8x2048xf32>
        %slice3A_315 = vector.extract_strided_slice %dot_general3A_299 {offsets = [72, 0], sizes = [8, 2048], strides = [1, 1]} : vector<512x2048xf32> to vector<8x2048xf32>
        %min3A_316 = arith.minimumf %min3A_314, %slice3A_315 : vector<8x2048xf32>
        %slice3A_317 = vector.extract_strided_slice %dot_general3A_299 {offsets = [80, 0], sizes = [8, 2048], strides = [1, 1]} : vector<512x2048xf32> to vector<8x2048xf32>
        %min3A_318 = arith.minimumf %min3A_316, %slice3A_317 : vector<8x2048xf32>
        %slice3A_319 = vector.extract_strided_slice %dot_general3A_299 {offsets = [88, 0], sizes = [8, 2048], strides = [1, 1]} : vector<512x2048xf32> to vector<8x2048xf32>
        %min3A_320 = arith.minimumf %min3A_318, %slice3A_319 : vector<8x2048xf32>
        %slice3A_321 = vector.extract_strided_slice %dot_general3A_299 {offsets = [96, 0], sizes = [8, 2048], strides = [1, 1]} : vector<512x2048xf32> to vector<8x2048xf32>
        %min3A_322 = arith.minimumf %min3A_320, %slice3A_321 : vector<8x2048xf32>
        %slice3A_323 = vector.extract_strided_slice %dot_general3A_299 {offsets = [104, 0], sizes = [8, 2048], strides = [1, 1]} : vector<512x2048xf32> to vector<8x2048xf32>
        %min3A_324 = arith.minimumf %min3A_322, %slice3A_323 : vector<8x2048xf32>
        %slice3A_325 = vector.extract_strided_slice %dot_general3A_299 {offsets = [112, 0], sizes = [8, 2048], strides = [1, 1]} : vector<512x2048xf32> to vector<8x2048xf32>
        %min3A_326 = arith.minimumf %min3A_324, %slice3A_325 : vector<8x2048xf32>
        %slice3A_327 = vector.extract_strided_slice %dot_general3A_299 {offsets = [120, 0], sizes = [8, 2048], strides = [1, 1]} : vector<512x2048xf32> to vector<8x2048xf32>
        %min3A_328 = arith.minimumf %min3A_326, %slice3A_327 : vector<8x2048xf32>
        %slice3A_329 = vector.extract_strided_slice %dot_general3A_299 {offsets = [128, 0], sizes = [8, 2048], strides = [1, 1]} : vector<512x2048xf32> to vector<8x2048xf32>
        %min3A_330 = arith.minimumf %min3A_328, %slice3A_329 : vector<8x2048xf32>
        %slice3A_331 = vector.extract_strided_slice %dot_general3A_299 {offsets = [136, 0], sizes = [8, 2048], strides = [1, 1]} : vector<512x2048xf32> to vector<8x2048xf32>
        %min3A_332 = arith.minimumf %min3A_330, %slice3A_331 : vector<8x2048xf32>
        %slice3A_333 = vector.extract_strided_slice %dot_general3A_299 {offsets = [144, 0], sizes = [8, 2048], strides = [1, 1]} : vector<512x2048xf32> to vector<8x2048xf32>
        %min3A_334 = arith.minimumf %min3A_332, %slice3A_333 : vector<8x2048xf32>
        %slice3A_335 = vector.extract_strided_slice %dot_general3A_299 {offsets = [152, 0], sizes = [8, 2048], strides = [1, 1]} : vector<512x2048xf32> to vector<8x2048xf32>
        %min3A_336 = arith.minimumf %min3A_334, %slice3A_335 : vector<8x2048xf32>
        %slice3A_337 = vector.extract_strided_slice %dot_general3A_299 {offsets = [160, 0], sizes = [8, 2048], strides = [1, 1]} : vector<512x2048xf32> to vector<8x2048xf32>
        %min3A_338 = arith.minimumf %min3A_336, %slice3A_337 : vector<8x2048xf32>
        %slice3A_339 = vector.extract_strided_slice %dot_general3A_299 {offsets = [168, 0], sizes = [8, 2048], strides = [1, 1]} : vector<512x2048xf32> to vector<8x2048xf32>
        %min3A_340 = arith.minimumf %min3A_338, %slice3A_339 : vector<8x2048xf32>
        %slice3A_341 = vector.extract_strided_slice %dot_general3A_299 {offsets = [176, 0], sizes = [8, 2048], strides = [1, 1]} : vector<512x2048xf32> to vector<8x2048xf32>
        %min3A_342 = arith.minimumf %min3A_340, %slice3A_341 : vector<8x2048xf32>
        %slice3A_343 = vector.extract_strided_slice %dot_general3A_299 {offsets = [184, 0], sizes = [8, 2048], strides = [1, 1]} : vector<512x2048xf32> to vector<8x2048xf32>
        %min3A_344 = arith.minimumf %min3A_342, %slice3A_343 : vector<8x2048xf32>
        %slice3A_345 = vector.extract_strided_slice %dot_general3A_299 {offsets = [192, 0], sizes = [8, 2048], strides = [1, 1]} : vector<512x2048xf32> to vector<8x2048xf32>
        %min3A_346 = arith.minimumf %min3A_344, %slice3A_345 : vector<8x2048xf32>
        %slice3A_347 = vector.extract_strided_slice %dot_general3A_299 {offsets = [200, 0], sizes = [8, 2048], strides = [1, 1]} : vector<512x2048xf32> to vector<8x2048xf32>
        %min3A_348 = arith.minimumf %min3A_346, %slice3A_347 : vector<8x2048xf32>
        %slice3A_349 = vector.extract_strided_slice %dot_general3A_299 {offsets = [208, 0], sizes = [8, 2048], strides = [1, 1]} : vector<512x2048xf32> to vector<8x2048xf32>
        %min3A_350 = arith.minimumf %min3A_348, %slice3A_349 : vector<8x2048xf32>
        %slice3A_351 = vector.extract_strided_slice %dot_general3A_299 {offsets = [216, 0], sizes = [8, 2048], strides = [1, 1]} : vector<512x2048xf32> to vector<8x2048xf32>
        %min3A_352 = arith.minimumf %min3A_350, %slice3A_351 : vector<8x2048xf32>
        %slice3A_353 = vector.extract_strided_slice %dot_general3A_299 {offsets = [224, 0], sizes = [8, 2048], strides = [1, 1]} : vector<512x2048xf32> to vector<8x2048xf32>
        %min3A_354 = arith.minimumf %min3A_352, %slice3A_353 : vector<8x2048xf32>
        %slice3A_355 = vector.extract_strided_slice %dot_general3A_299 {offsets = [232, 0], sizes = [8, 2048], strides = [1, 1]} : vector<512x2048xf32> to vector<8x2048xf32>
        %min3A_356 = arith.minimumf %min3A_354, %slice3A_355 : vector<8x2048xf32>
        %slice3A_357 = vector.extract_strided_slice %dot_general3A_299 {offsets = [240, 0], sizes = [8, 2048], strides = [1, 1]} : vector<512x2048xf32> to vector<8x2048xf32>
        %min3A_358 = arith.minimumf %min3A_356, %slice3A_357 : vector<8x2048xf32>
        %slice3A_359 = vector.extract_strided_slice %dot_general3A_299 {offsets = [248, 0], sizes = [8, 2048], strides = [1, 1]} : vector<512x2048xf32> to vector<8x2048xf32>
        %min3A_360 = arith.minimumf %min3A_358, %slice3A_359 : vector<8x2048xf32>
        %slice3A_361 = vector.extract_strided_slice %dot_general3A_299 {offsets = [256, 0], sizes = [8, 2048], strides = [1, 1]} : vector<512x2048xf32> to vector<8x2048xf32>
        %min3A_362 = arith.minimumf %min3A_360, %slice3A_361 : vector<8x2048xf32>
        %slice3A_363 = vector.extract_strided_slice %dot_general3A_299 {offsets = [264, 0], sizes = [8, 2048], strides = [1, 1]} : vector<512x2048xf32> to vector<8x2048xf32>
        %min3A_364 = arith.minimumf %min3A_362, %slice3A_363 : vector<8x2048xf32>
        %slice3A_365 = vector.extract_strided_slice %dot_general3A_299 {offsets = [272, 0], sizes = [8, 2048], strides = [1, 1]} : vector<512x2048xf32> to vector<8x2048xf32>
        %min3A_366 = arith.minimumf %min3A_364, %slice3A_365 : vector<8x2048xf32>
        %slice3A_367 = vector.extract_strided_slice %dot_general3A_299 {offsets = [280, 0], sizes = [8, 2048], strides = [1, 1]} : vector<512x2048xf32> to vector<8x2048xf32>
        %min3A_368 = arith.minimumf %min3A_366, %slice3A_367 : vector<8x2048xf32>
        %slice3A_369 = vector.extract_strided_slice %dot_general3A_299 {offsets = [288, 0], sizes = [8, 2048], strides = [1, 1]} : vector<512x2048xf32> to vector<8x2048xf32>
        %min3A_370 = arith.minimumf %min3A_368, %slice3A_369 : vector<8x2048xf32>
        %slice3A_371 = vector.extract_strided_slice %dot_general3A_299 {offsets = [296, 0], sizes = [8, 2048], strides = [1, 1]} : vector<512x2048xf32> to vector<8x2048xf32>
        %min3A_372 = arith.minimumf %min3A_370, %slice3A_371 : vector<8x2048xf32>
        %slice3A_373 = vector.extract_strided_slice %dot_general3A_299 {offsets = [304, 0], sizes = [8, 2048], strides = [1, 1]} : vector<512x2048xf32> to vector<8x2048xf32>
        %min3A_374 = arith.minimumf %min3A_372, %slice3A_373 : vector<8x2048xf32>
        %slice3A_375 = vector.extract_strided_slice %dot_general3A_299 {offsets = [312, 0], sizes = [8, 2048], strides = [1, 1]} : vector<512x2048xf32> to vector<8x2048xf32>
        %min3A_376 = arith.minimumf %min3A_374, %slice3A_375 : vector<8x2048xf32>
        %slice3A_377 = vector.extract_strided_slice %dot_general3A_299 {offsets = [320, 0], sizes = [8, 2048], strides = [1, 1]} : vector<512x2048xf32> to vector<8x2048xf32>
        %min3A_378 = arith.minimumf %min3A_376, %slice3A_377 : vector<8x2048xf32>
        %slice3A_379 = vector.extract_strided_slice %dot_general3A_299 {offsets = [328, 0], sizes = [8, 2048], strides = [1, 1]} : vector<512x2048xf32> to vector<8x2048xf32>
        %min3A_380 = arith.minimumf %min3A_378, %slice3A_379 : vector<8x2048xf32>
        %slice3A_381 = vector.extract_strided_slice %dot_general3A_299 {offsets = [336, 0], sizes = [8, 2048], strides = [1, 1]} : vector<512x2048xf32> to vector<8x2048xf32>
        %min3A_382 = arith.minimumf %min3A_380, %slice3A_381 : vector<8x2048xf32>
        %slice3A_383 = vector.extract_strided_slice %dot_general3A_299 {offsets = [344, 0], sizes = [8, 2048], strides = [1, 1]} : vector<512x2048xf32> to vector<8x2048xf32>
        %min3A_384 = arith.minimumf %min3A_382, %slice3A_383 : vector<8x2048xf32>
        %slice3A_385 = vector.extract_strided_slice %dot_general3A_299 {offsets = [352, 0], sizes = [8, 2048], strides = [1, 1]} : vector<512x2048xf32> to vector<8x2048xf32>
        %min3A_386 = arith.minimumf %min3A_384, %slice3A_385 : vector<8x2048xf32>
        %slice3A_387 = vector.extract_strided_slice %dot_general3A_299 {offsets = [360, 0], sizes = [8, 2048], strides = [1, 1]} : vector<512x2048xf32> to vector<8x2048xf32>
        %min3A_388 = arith.minimumf %min3A_386, %slice3A_387 : vector<8x2048xf32>
        %slice3A_389 = vector.extract_strided_slice %dot_general3A_299 {offsets = [368, 0], sizes = [8, 2048], strides = [1, 1]} : vector<512x2048xf32> to vector<8x2048xf32>
        %min3A_390 = arith.minimumf %min3A_388, %slice3A_389 : vector<8x2048xf32>
        %slice3A_391 = vector.extract_strided_slice %dot_general3A_299 {offsets = [376, 0], sizes = [8, 2048], strides = [1, 1]} : vector<512x2048xf32> to vector<8x2048xf32>
        %min3A_392 = arith.minimumf %min3A_390, %slice3A_391 : vector<8x2048xf32>
        %slice3A_393 = vector.extract_strided_slice %dot_general3A_299 {offsets = [384, 0], sizes = [8, 2048], strides = [1, 1]} : vector<512x2048xf32> to vector<8x2048xf32>
        %min3A_394 = arith.minimumf %min3A_392, %slice3A_393 : vector<8x2048xf32>
        %slice3A_395 = vector.extract_strided_slice %dot_general3A_299 {offsets = [392, 0], sizes = [8, 2048], strides = [1, 1]} : vector<512x2048xf32> to vector<8x2048xf32>
        %min3A_396 = arith.minimumf %min3A_394, %slice3A_395 : vector<8x2048xf32>
        %slice3A_397 = vector.extract_strided_slice %dot_general3A_299 {offsets = [400, 0], sizes = [8, 2048], strides = [1, 1]} : vector<512x2048xf32> to vector<8x2048xf32>
        %min3A_398 = arith.minimumf %min3A_396, %slice3A_397 : vector<8x2048xf32>
        %slice3A_399 = vector.extract_strided_slice %dot_general3A_299 {offsets = [408, 0], sizes = [8, 2048], strides = [1, 1]} : vector<512x2048xf32> to vector<8x2048xf32>
        %min3A_400 = arith.minimumf %min3A_398, %slice3A_399 : vector<8x2048xf32>
        %slice3A_401 = vector.extract_strided_slice %dot_general3A_299 {offsets = [416, 0], sizes = [8, 2048], strides = [1, 1]} : vector<512x2048xf32> to vector<8x2048xf32>
        %min3A_402 = arith.minimumf %min3A_400, %slice3A_401 : vector<8x2048xf32>
        %slice3A_403 = vector.extract_strided_slice %dot_general3A_299 {offsets = [424, 0], sizes = [8, 2048], strides = [1, 1]} : vector<512x2048xf32> to vector<8x2048xf32>
        %min3A_404 = arith.minimumf %min3A_402, %slice3A_403 : vector<8x2048xf32>
        %slice3A_405 = vector.extract_strided_slice %dot_general3A_299 {offsets = [432, 0], sizes = [8, 2048], strides = [1, 1]} : vector<512x2048xf32> to vector<8x2048xf32>
        %min3A_406 = arith.minimumf %min3A_404, %slice3A_405 : vector<8x2048xf32>
        %slice3A_407 = vector.extract_strided_slice %dot_general3A_299 {offsets = [440, 0], sizes = [8, 2048], strides = [1, 1]} : vector<512x2048xf32> to vector<8x2048xf32>
        %min3A_408 = arith.minimumf %min3A_406, %slice3A_407 : vector<8x2048xf32>
        %slice3A_409 = vector.extract_strided_slice %dot_general3A_299 {offsets = [448, 0], sizes = [8, 2048], strides = [1, 1]} : vector<512x2048xf32> to vector<8x2048xf32>
        %min3A_410 = arith.minimumf %min3A_408, %slice3A_409 : vector<8x2048xf32>
        %slice3A_411 = vector.extract_strided_slice %dot_general3A_299 {offsets = [456, 0], sizes = [8, 2048], strides = [1, 1]} : vector<512x2048xf32> to vector<8x2048xf32>
        %min3A_412 = arith.minimumf %min3A_410, %slice3A_411 : vector<8x2048xf32>
        %slice3A_413 = vector.extract_strided_slice %dot_general3A_299 {offsets = [464, 0], sizes = [8, 2048], strides = [1, 1]} : vector<512x2048xf32> to vector<8x2048xf32>
        %min3A_414 = arith.minimumf %min3A_412, %slice3A_413 : vector<8x2048xf32>
        %slice3A_415 = vector.extract_strided_slice %dot_general3A_299 {offsets = [472, 0], sizes = [8, 2048], strides = [1, 1]} : vector<512x2048xf32> to vector<8x2048xf32>
        %min3A_416 = arith.minimumf %min3A_414, %slice3A_415 : vector<8x2048xf32>
        %slice3A_417 = vector.extract_strided_slice %dot_general3A_299 {offsets = [480, 0], sizes = [8, 2048], strides = [1, 1]} : vector<512x2048xf32> to vector<8x2048xf32>
        %min3A_418 = arith.minimumf %min3A_416, %slice3A_417 : vector<8x2048xf32>
        %slice3A_419 = vector.extract_strided_slice %dot_general3A_299 {offsets = [488, 0], sizes = [8, 2048], strides = [1, 1]} : vector<512x2048xf32> to vector<8x2048xf32>
        %min3A_420 = arith.minimumf %min3A_418, %slice3A_419 : vector<8x2048xf32>
        %slice3A_421 = vector.extract_strided_slice %dot_general3A_299 {offsets = [496, 0], sizes = [8, 2048], strides = [1, 1]} : vector<512x2048xf32> to vector<8x2048xf32>
        %min3A_422 = arith.minimumf %min3A_420, %slice3A_421 : vector<8x2048xf32>
        %slice3A_423 = vector.extract_strided_slice %dot_general3A_299 {offsets = [504, 0], sizes = [8, 2048], strides = [1, 1]} : vector<512x2048xf32> to vector<8x2048xf32>
        %min3A_424 = arith.minimumf %min3A_422, %slice3A_423 : vector<8x2048xf32>
        %get3A_425 = arith.constant 0 : index
        %get3A_426 = arith.constant 0 : index
        %get3A_427 = vector.load %arg7[%get3A_425, %get3A_426] : memref<8x8192xf32, #tpu.memory_space<vmem>>, vector<8x2048xf32>
        %min3A_428 = arith.minimumf %get3A_427, %min3A_424 : vector<8x2048xf32>
        %swap3A_429 = arith.constant 0 : index
        %swap3A_430 = arith.constant 0 : index
        %swap3A_431 = vector.load %arg7[%swap3A_429, %swap3A_430] : memref<8x8192xf32, #tpu.memory_space<vmem>>, vector<8x2048xf32>
        tpu.vector_store %arg7[%swap3A_429, %swap3A_430], %min3A_428 {strides = array<i32>} : memref<8x8192xf32, #tpu.memory_space<vmem>>, vector<8x2048xf32>,
        %slice3A_432 = vector.extract_strided_slice %dot_general3A_299 {offsets = [0, 0], sizes = [512, 128], strides = [1, 1]} : vector<512x2048xf32> to vector<512x128xf32>
        %slice3A_433 = vector.extract_strided_slice %dot_general3A_299 {offsets = [0, 128], sizes = [512, 128], strides = [1, 1]} : vector<512x2048xf32> to vector<512x128xf32>
        %min3A_434 = arith.minimumf %slice3A_432, %slice3A_433 : vector<512x128xf32>
        %slice3A_435 = vector.extract_strided_slice %dot_general3A_299 {offsets = [0, 256], sizes = [512, 128], strides = [1, 1]} : vector<512x2048xf32> to vector<512x128xf32>
        %min3A_436 = arith.minimumf %min3A_434, %slice3A_435 : vector<512x128xf32>
        %slice3A_437 = vector.extract_strided_slice %dot_general3A_299 {offsets = [0, 384], sizes = [512, 128], strides = [1, 1]} : vector<512x2048xf32> to vector<512x128xf32>
        %min3A_438 = arith.minimumf %min3A_436, %slice3A_437 : vector<512x128xf32>
        %slice3A_439 = vector.extract_strided_slice %dot_general3A_299 {offsets = [0, 512], sizes = [512, 128], strides = [1, 1]} : vector<512x2048xf32> to vector<512x128xf32>
        %min3A_440 = arith.minimumf %min3A_438, %slice3A_439 : vector<512x128xf32>
        %slice3A_441 = vector.extract_strided_slice %dot_general3A_299 {offsets = [0, 640], sizes = [512, 128], strides = [1, 1]} : vector<512x2048xf32> to vector<512x128xf32>
        %min3A_442 = arith.minimumf %min3A_440, %slice3A_441 : vector<512x128xf32>
        %slice3A_443 = vector.extract_strided_slice %dot_general3A_299 {offsets = [0, 768], sizes = [512, 128], strides = [1, 1]} : vector<512x2048xf32> to vector<512x128xf32>
        %min3A_444 = arith.minimumf %min3A_442, %slice3A_443 : vector<512x128xf32>
        %slice3A_445 = vector.extract_strided_slice %dot_general3A_299 {offsets = [0, 896], sizes = [512, 128], strides = [1, 1]} : vector<512x2048xf32> to vector<512x128xf32>
        %min3A_446 = arith.minimumf %min3A_444, %slice3A_445 : vector<512x128xf32>
        %slice3A_447 = vector.extract_strided_slice %dot_general3A_299 {offsets = [0, 1024], sizes = [512, 128], strides = [1, 1]} : vector<512x2048xf32> to vector<512x128xf32>
        %min3A_448 = arith.minimumf %min3A_446, %slice3A_447 : vector<512x128xf32>
        %slice3A_449 = vector.extract_strided_slice %dot_general3A_299 {offsets = [0, 1152], sizes = [512, 128], strides = [1, 1]} : vector<512x2048xf32> to vector<512x128xf32>
        %min3A_450 = arith.minimumf %min3A_448, %slice3A_449 : vector<512x128xf32>
        %slice3A_451 = vector.extract_strided_slice %dot_general3A_299 {offsets = [0, 1280], sizes = [512, 128], strides = [1, 1]} : vector<512x2048xf32> to vector<512x128xf32>
        %min3A_452 = arith.minimumf %min3A_450, %slice3A_451 : vector<512x128xf32>
        %slice3A_453 = vector.extract_strided_slice %dot_general3A_299 {offsets = [0, 1408], sizes = [512, 128], strides = [1, 1]} : vector<512x2048xf32> to vector<512x128xf32>
        %min3A_454 = arith.minimumf %min3A_452, %slice3A_453 : vector<512x128xf32>
        %slice3A_455 = vector.extract_strided_slice %dot_general3A_299 {offsets = [0, 1536], sizes = [512, 128], strides = [1, 1]} : vector<512x2048xf32> to vector<512x128xf32>
        %min3A_456 = arith.minimumf %min3A_454, %slice3A_455 : vector<512x128xf32>
        %slice3A_457 = vector.extract_strided_slice %dot_general3A_299 {offsets = [0, 1664], sizes = [512, 128], strides = [1, 1]} : vector<512x2048xf32> to vector<512x128xf32>
        %min3A_458 = arith.minimumf %min3A_456, %slice3A_457 : vector<512x128xf32>
        %slice3A_459 = vector.extract_strided_slice %dot_general3A_299 {offsets = [0, 1792], sizes = [512, 128], strides = [1, 1]} : vector<512x2048xf32> to vector<512x128xf32>
        %min3A_460 = arith.minimumf %min3A_458, %slice3A_459 : vector<512x128xf32>
        %slice3A_461 = vector.extract_strided_slice %dot_general3A_299 {offsets = [0, 1920], sizes = [512, 128], strides = [1, 1]} : vector<512x2048xf32> to vector<512x128xf32>
        %min3A_462 = arith.minimumf %min3A_460, %slice3A_461 : vector<512x128xf32>
        %get3A_463 = arith.constant 0 : index
        %get3A_464 = arith.constant 0 : index
        %get3A_465 = vector.load %arg8[%get3A_463, %get3A_464] : memref<512x128xf32, #tpu.memory_space<vmem>>, vector<512x128xf32>
        %min3A_466 = arith.minimumf %get3A_465, %min3A_462 : vector<512x128xf32>
        %swap3A_467 = arith.constant 0 : index
        %swap3A_468 = arith.constant 0 : index
        %swap3A_469 = vector.load %arg8[%swap3A_467, %swap3A_468] : memref<512x128xf32, #tpu.memory_space<vmem>>, vector<512x128xf32>
        tpu.vector_store %arg8[%swap3A_467, %swap3A_468], %min3A_466 {strides = array<i32>} : memref<512x128xf32, #tpu.memory_space<vmem>>, vector<512x128xf32>,
      } else {
      }
      %gt3A_255 = arith.constant 2048 : i32
      %gt3A_256 = arith.cmpi sgt, %get3A_19, %gt3A_255 : i32
      %convert_element_type3A_257 = arith.extui %gt3A_256 : i1 to i32
      %cond3A_258 = arith.constant 0 : i32
      %cond3A_259 = arith.cmpi ne, %convert_element_type3A_257, %cond3A_258 : i32
      scf.if %cond3A_259 {
        %get3A_296 = arith.constant 0 : index
        %get3A_297 = arith.constant 2048 : index
        %get3A_298 = vector.load %arg6[%get3A_296, %get3A_297] : memref<16x8192xbf16, #tpu.memory_space<vmem>>, vector<16x2048xbf16>
        %dot_general3A = arith.constant dense<0.000000e+00> : vector<512x2048xf32>
        %dot_general3A_299 = tpu.matmul %get3A_245, %get3A_298, %dot_general3A {dimension_numbers = #tpu.dot_dimension_numbers<[0], [0], [1], [1], [0, 1, 1, 1], [], []>, transpose_lhs_hint = false} : vector<16x512xbf16>, vector<16x2048xbf16>, vector<512x2048xf32> -> vector<512x2048xf32>
        %slice3A = vector.extract_strided_slice %dot_general3A_299 {offsets = [0, 0], sizes = [8, 2048], strides = [1, 1]} : vector<512x2048xf32> to vector<8x2048xf32>
        %slice3A_300 = vector.extract_strided_slice %dot_general3A_299 {offsets = [8, 0], sizes = [8, 2048], strides = [1, 1]} : vector<512x2048xf32> to vector<8x2048xf32>
        %min3A = arith.minimumf %slice3A, %slice3A_300 : vector<8x2048xf32>
        %slice3A_301 = vector.extract_strided_slice %dot_general3A_299 {offsets = [16, 0], sizes = [8, 2048], strides = [1, 1]} : vector<512x2048xf32> to vector<8x2048xf32>
        %min3A_302 = arith.minimumf %min3A, %slice3A_301 : vector<8x2048xf32>
        %slice3A_303 = vector.extract_strided_slice %dot_general3A_299 {offsets = [24, 0], sizes = [8, 2048], strides = [1, 1]} : vector<512x2048xf32> to vector<8x2048xf32>
        %min3A_304 = arith.minimumf %min3A_302, %slice3A_303 : vector<8x2048xf32>
        %slice3A_305 = vector.extract_strided_slice %dot_general3A_299 {offsets = [32, 0], sizes = [8, 2048], strides = [1, 1]} : vector<512x2048xf32> to vector<8x2048xf32>
        %min3A_306 = arith.minimumf %min3A_304, %slice3A_305 : vector<8x2048xf32>
        %slice3A_307 = vector.extract_strided_slice %dot_general3A_299 {offsets = [40, 0], sizes = [8, 2048], strides = [1, 1]} : vector<512x2048xf32> to vector<8x2048xf32>
        %min3A_308 = arith.minimumf %min3A_306, %slice3A_307 : vector<8x2048xf32>
        %slice3A_309 = vector.extract_strided_slice %dot_general3A_299 {offsets = [48, 0], sizes = [8, 2048], strides = [1, 1]} : vector<512x2048xf32> to vector<8x2048xf32>
        %min3A_310 = arith.minimumf %min3A_308, %slice3A_309 : vector<8x2048xf32>
        %slice3A_311 = vector.extract_strided_slice %dot_general3A_299 {offsets = [56, 0], sizes = [8, 2048], strides = [1, 1]} : vector<512x2048xf32> to vector<8x2048xf32>
        %min3A_312 = arith.minimumf %min3A_310, %slice3A_311 : vector<8x2048xf32>
        %slice3A_313 = vector.extract_strided_slice %dot_general3A_299 {offsets = [64, 0], sizes = [8, 2048], strides = [1, 1]} : vector<512x2048xf32> to vector<8x2048xf32>
        %min3A_314 = arith.minimumf %min3A_312, %slice3A_313 : vector<8x2048xf32>
        %slice3A_315 = vector.extract_strided_slice %dot_general3A_299 {offsets = [72, 0], sizes = [8, 2048], strides = [1, 1]} : vector<512x2048xf32> to vector<8x2048xf32>
        %min3A_316 = arith.minimumf %min3A_314, %slice3A_315 : vector<8x2048xf32>
        %slice3A_317 = vector.extract_strided_slice %dot_general3A_299 {offsets = [80, 0], sizes = [8, 2048], strides = [1, 1]} : vector<512x2048xf32> to vector<8x2048xf32>
        %min3A_318 = arith.minimumf %min3A_316, %slice3A_317 : vector<8x2048xf32>
        %slice3A_319 = vector.extract_strided_slice %dot_general3A_299 {offsets = [88, 0], sizes = [8, 2048], strides = [1, 1]} : vector<512x2048xf32> to vector<8x2048xf32>
        %min3A_320 = arith.minimumf %min3A_318, %slice3A_319 : vector<8x2048xf32>
        %slice3A_321 = vector.extract_strided_slice %dot_general3A_299 {offsets = [96, 0], sizes = [8, 2048], strides = [1, 1]} : vector<512x2048xf32> to vector<8x2048xf32>
        %min3A_322 = arith.minimumf %min3A_320, %slice3A_321 : vector<8x2048xf32>
        %slice3A_323 = vector.extract_strided_slice %dot_general3A_299 {offsets = [104, 0], sizes = [8, 2048], strides = [1, 1]} : vector<512x2048xf32> to vector<8x2048xf32>
        %min3A_324 = arith.minimumf %min3A_322, %slice3A_323 : vector<8x2048xf32>
        %slice3A_325 = vector.extract_strided_slice %dot_general3A_299 {offsets = [112, 0], sizes = [8, 2048], strides = [1, 1]} : vector<512x2048xf32> to vector<8x2048xf32>
        %min3A_326 = arith.minimumf %min3A_324, %slice3A_325 : vector<8x2048xf32>
        %slice3A_327 = vector.extract_strided_slice %dot_general3A_299 {offsets = [120, 0], sizes = [8, 2048], strides = [1, 1]} : vector<512x2048xf32> to vector<8x2048xf32>
        %min3A_328 = arith.minimumf %min3A_326, %slice3A_327 : vector<8x2048xf32>
        %slice3A_329 = vector.extract_strided_slice %dot_general3A_299 {offsets = [128, 0], sizes = [8, 2048], strides = [1, 1]} : vector<512x2048xf32> to vector<8x2048xf32>
        %min3A_330 = arith.minimumf %min3A_328, %slice3A_329 : vector<8x2048xf32>
        %slice3A_331 = vector.extract_strided_slice %dot_general3A_299 {offsets = [136, 0], sizes = [8, 2048], strides = [1, 1]} : vector<512x2048xf32> to vector<8x2048xf32>
        %min3A_332 = arith.minimumf %min3A_330, %slice3A_331 : vector<8x2048xf32>
        %slice3A_333 = vector.extract_strided_slice %dot_general3A_299 {offsets = [144, 0], sizes = [8, 2048], strides = [1, 1]} : vector<512x2048xf32> to vector<8x2048xf32>
        %min3A_334 = arith.minimumf %min3A_332, %slice3A_333 : vector<8x2048xf32>
        %slice3A_335 = vector.extract_strided_slice %dot_general3A_299 {offsets = [152, 0], sizes = [8, 2048], strides = [1, 1]} : vector<512x2048xf32> to vector<8x2048xf32>
        %min3A_336 = arith.minimumf %min3A_334, %slice3A_335 : vector<8x2048xf32>
        %slice3A_337 = vector.extract_strided_slice %dot_general3A_299 {offsets = [160, 0], sizes = [8, 2048], strides = [1, 1]} : vector<512x2048xf32> to vector<8x2048xf32>
        %min3A_338 = arith.minimumf %min3A_336, %slice3A_337 : vector<8x2048xf32>
        %slice3A_339 = vector.extract_strided_slice %dot_general3A_299 {offsets = [168, 0], sizes = [8, 2048], strides = [1, 1]} : vector<512x2048xf32> to vector<8x2048xf32>
        %min3A_340 = arith.minimumf %min3A_338, %slice3A_339 : vector<8x2048xf32>
        %slice3A_341 = vector.extract_strided_slice %dot_general3A_299 {offsets = [176, 0], sizes = [8, 2048], strides = [1, 1]} : vector<512x2048xf32> to vector<8x2048xf32>
        %min3A_342 = arith.minimumf %min3A_340, %slice3A_341 : vector<8x2048xf32>
        %slice3A_343 = vector.extract_strided_slice %dot_general3A_299 {offsets = [184, 0], sizes = [8, 2048], strides = [1, 1]} : vector<512x2048xf32> to vector<8x2048xf32>
        %min3A_344 = arith.minimumf %min3A_342, %slice3A_343 : vector<8x2048xf32>
        %slice3A_345 = vector.extract_strided_slice %dot_general3A_299 {offsets = [192, 0], sizes = [8, 2048], strides = [1, 1]} : vector<512x2048xf32> to vector<8x2048xf32>
        %min3A_346 = arith.minimumf %min3A_344, %slice3A_345 : vector<8x2048xf32>
        %slice3A_347 = vector.extract_strided_slice %dot_general3A_299 {offsets = [200, 0], sizes = [8, 2048], strides = [1, 1]} : vector<512x2048xf32> to vector<8x2048xf32>
        %min3A_348 = arith.minimumf %min3A_346, %slice3A_347 : vector<8x2048xf32>
        %slice3A_349 = vector.extract_strided_slice %dot_general3A_299 {offsets = [208, 0], sizes = [8, 2048], strides = [1, 1]} : vector<512x2048xf32> to vector<8x2048xf32>
        %min3A_350 = arith.minimumf %min3A_348, %slice3A_349 : vector<8x2048xf32>
        %slice3A_351 = vector.extract_strided_slice %dot_general3A_299 {offsets = [216, 0], sizes = [8, 2048], strides = [1, 1]} : vector<512x2048xf32> to vector<8x2048xf32>
        %min3A_352 = arith.minimumf %min3A_350, %slice3A_351 : vector<8x2048xf32>
        %slice3A_353 = vector.extract_strided_slice %dot_general3A_299 {offsets = [224, 0], sizes = [8, 2048], strides = [1, 1]} : vector<512x2048xf32> to vector<8x2048xf32>
        %min3A_354 = arith.minimumf %min3A_352, %slice3A_353 : vector<8x2048xf32>
        %slice3A_355 = vector.extract_strided_slice %dot_general3A_299 {offsets = [232, 0], sizes = [8, 2048], strides = [1, 1]} : vector<512x2048xf32> to vector<8x2048xf32>
        %min3A_356 = arith.minimumf %min3A_354, %slice3A_355 : vector<8x2048xf32>
        %slice3A_357 = vector.extract_strided_slice %dot_general3A_299 {offsets = [240, 0], sizes = [8, 2048], strides = [1, 1]} : vector<512x2048xf32> to vector<8x2048xf32>
        %min3A_358 = arith.minimumf %min3A_356, %slice3A_357 : vector<8x2048xf32>
        %slice3A_359 = vector.extract_strided_slice %dot_general3A_299 {offsets = [248, 0], sizes = [8, 2048], strides = [1, 1]} : vector<512x2048xf32> to vector<8x2048xf32>
        %min3A_360 = arith.minimumf %min3A_358, %slice3A_359 : vector<8x2048xf32>
        %slice3A_361 = vector.extract_strided_slice %dot_general3A_299 {offsets = [256, 0], sizes = [8, 2048], strides = [1, 1]} : vector<512x2048xf32> to vector<8x2048xf32>
        %min3A_362 = arith.minimumf %min3A_360, %slice3A_361 : vector<8x2048xf32>
        %slice3A_363 = vector.extract_strided_slice %dot_general3A_299 {offsets = [264, 0], sizes = [8, 2048], strides = [1, 1]} : vector<512x2048xf32> to vector<8x2048xf32>
        %min3A_364 = arith.minimumf %min3A_362, %slice3A_363 : vector<8x2048xf32>
        %slice3A_365 = vector.extract_strided_slice %dot_general3A_299 {offsets = [272, 0], sizes = [8, 2048], strides = [1, 1]} : vector<512x2048xf32> to vector<8x2048xf32>
        %min3A_366 = arith.minimumf %min3A_364, %slice3A_365 : vector<8x2048xf32>
        %slice3A_367 = vector.extract_strided_slice %dot_general3A_299 {offsets = [280, 0], sizes = [8, 2048], strides = [1, 1]} : vector<512x2048xf32> to vector<8x2048xf32>
        %min3A_368 = arith.minimumf %min3A_366, %slice3A_367 : vector<8x2048xf32>
        %slice3A_369 = vector.extract_strided_slice %dot_general3A_299 {offsets = [288, 0], sizes = [8, 2048], strides = [1, 1]} : vector<512x2048xf32> to vector<8x2048xf32>
        %min3A_370 = arith.minimumf %min3A_368, %slice3A_369 : vector<8x2048xf32>
        %slice3A_371 = vector.extract_strided_slice %dot_general3A_299 {offsets = [296, 0], sizes = [8, 2048], strides = [1, 1]} : vector<512x2048xf32> to vector<8x2048xf32>
        %min3A_372 = arith.minimumf %min3A_370, %slice3A_371 : vector<8x2048xf32>
        %slice3A_373 = vector.extract_strided_slice %dot_general3A_299 {offsets = [304, 0], sizes = [8, 2048], strides = [1, 1]} : vector<512x2048xf32> to vector<8x2048xf32>
        %min3A_374 = arith.minimumf %min3A_372, %slice3A_373 : vector<8x2048xf32>
        %slice3A_375 = vector.extract_strided_slice %dot_general3A_299 {offsets = [312, 0], sizes = [8, 2048], strides = [1, 1]} : vector<512x2048xf32> to vector<8x2048xf32>
        %min3A_376 = arith.minimumf %min3A_374, %slice3A_375 : vector<8x2048xf32>
        %slice3A_377 = vector.extract_strided_slice %dot_general3A_299 {offsets = [320, 0], sizes = [8, 2048], strides = [1, 1]} : vector<512x2048xf32> to vector<8x2048xf32>
        %min3A_378 = arith.minimumf %min3A_376, %slice3A_377 : vector<8x2048xf32>
        %slice3A_379 = vector.extract_strided_slice %dot_general3A_299 {offsets = [328, 0], sizes = [8, 2048], strides = [1, 1]} : vector<512x2048xf32> to vector<8x2048xf32>
        %min3A_380 = arith.minimumf %min3A_378, %slice3A_379 : vector<8x2048xf32>
        %slice3A_381 = vector.extract_strided_slice %dot_general3A_299 {offsets = [336, 0], sizes = [8, 2048], strides = [1, 1]} : vector<512x2048xf32> to vector<8x2048xf32>
        %min3A_382 = arith.minimumf %min3A_380, %slice3A_381 : vector<8x2048xf32>
        %slice3A_383 = vector.extract_strided_slice %dot_general3A_299 {offsets = [344, 0], sizes = [8, 2048], strides = [1, 1]} : vector<512x2048xf32> to vector<8x2048xf32>
        %min3A_384 = arith.minimumf %min3A_382, %slice3A_383 : vector<8x2048xf32>
        %slice3A_385 = vector.extract_strided_slice %dot_general3A_299 {offsets = [352, 0], sizes = [8, 2048], strides = [1, 1]} : vector<512x2048xf32> to vector<8x2048xf32>
        %min3A_386 = arith.minimumf %min3A_384, %slice3A_385 : vector<8x2048xf32>
        %slice3A_387 = vector.extract_strided_slice %dot_general3A_299 {offsets = [360, 0], sizes = [8, 2048], strides = [1, 1]} : vector<512x2048xf32> to vector<8x2048xf32>
        %min3A_388 = arith.minimumf %min3A_386, %slice3A_387 : vector<8x2048xf32>
        %slice3A_389 = vector.extract_strided_slice %dot_general3A_299 {offsets = [368, 0], sizes = [8, 2048], strides = [1, 1]} : vector<512x2048xf32> to vector<8x2048xf32>
        %min3A_390 = arith.minimumf %min3A_388, %slice3A_389 : vector<8x2048xf32>
        %slice3A_391 = vector.extract_strided_slice %dot_general3A_299 {offsets = [376, 0], sizes = [8, 2048], strides = [1, 1]} : vector<512x2048xf32> to vector<8x2048xf32>
        %min3A_392 = arith.minimumf %min3A_390, %slice3A_391 : vector<8x2048xf32>
        %slice3A_393 = vector.extract_strided_slice %dot_general3A_299 {offsets = [384, 0], sizes = [8, 2048], strides = [1, 1]} : vector<512x2048xf32> to vector<8x2048xf32>
        %min3A_394 = arith.minimumf %min3A_392, %slice3A_393 : vector<8x2048xf32>
        %slice3A_395 = vector.extract_strided_slice %dot_general3A_299 {offsets = [392, 0], sizes = [8, 2048], strides = [1, 1]} : vector<512x2048xf32> to vector<8x2048xf32>
        %min3A_396 = arith.minimumf %min3A_394, %slice3A_395 : vector<8x2048xf32>
        %slice3A_397 = vector.extract_strided_slice %dot_general3A_299 {offsets = [400, 0], sizes = [8, 2048], strides = [1, 1]} : vector<512x2048xf32> to vector<8x2048xf32>
        %min3A_398 = arith.minimumf %min3A_396, %slice3A_397 : vector<8x2048xf32>
        %slice3A_399 = vector.extract_strided_slice %dot_general3A_299 {offsets = [408, 0], sizes = [8, 2048], strides = [1, 1]} : vector<512x2048xf32> to vector<8x2048xf32>
        %min3A_400 = arith.minimumf %min3A_398, %slice3A_399 : vector<8x2048xf32>
        %slice3A_401 = vector.extract_strided_slice %dot_general3A_299 {offsets = [416, 0], sizes = [8, 2048], strides = [1, 1]} : vector<512x2048xf32> to vector<8x2048xf32>
        %min3A_402 = arith.minimumf %min3A_400, %slice3A_401 : vector<8x2048xf32>
        %slice3A_403 = vector.extract_strided_slice %dot_general3A_299 {offsets = [424, 0], sizes = [8, 2048], strides = [1, 1]} : vector<512x2048xf32> to vector<8x2048xf32>
        %min3A_404 = arith.minimumf %min3A_402, %slice3A_403 : vector<8x2048xf32>
        %slice3A_405 = vector.extract_strided_slice %dot_general3A_299 {offsets = [432, 0], sizes = [8, 2048], strides = [1, 1]} : vector<512x2048xf32> to vector<8x2048xf32>
        %min3A_406 = arith.minimumf %min3A_404, %slice3A_405 : vector<8x2048xf32>
        %slice3A_407 = vector.extract_strided_slice %dot_general3A_299 {offsets = [440, 0], sizes = [8, 2048], strides = [1, 1]} : vector<512x2048xf32> to vector<8x2048xf32>
        %min3A_408 = arith.minimumf %min3A_406, %slice3A_407 : vector<8x2048xf32>
        %slice3A_409 = vector.extract_strided_slice %dot_general3A_299 {offsets = [448, 0], sizes = [8, 2048], strides = [1, 1]} : vector<512x2048xf32> to vector<8x2048xf32>
        %min3A_410 = arith.minimumf %min3A_408, %slice3A_409 : vector<8x2048xf32>
        %slice3A_411 = vector.extract_strided_slice %dot_general3A_299 {offsets = [456, 0], sizes = [8, 2048], strides = [1, 1]} : vector<512x2048xf32> to vector<8x2048xf32>
        %min3A_412 = arith.minimumf %min3A_410, %slice3A_411 : vector<8x2048xf32>
        %slice3A_413 = vector.extract_strided_slice %dot_general3A_299 {offsets = [464, 0], sizes = [8, 2048], strides = [1, 1]} : vector<512x2048xf32> to vector<8x2048xf32>
        %min3A_414 = arith.minimumf %min3A_412, %slice3A_413 : vector<8x2048xf32>
        %slice3A_415 = vector.extract_strided_slice %dot_general3A_299 {offsets = [472, 0], sizes = [8, 2048], strides = [1, 1]} : vector<512x2048xf32> to vector<8x2048xf32>
        %min3A_416 = arith.minimumf %min3A_414, %slice3A_415 : vector<8x2048xf32>
        %slice3A_417 = vector.extract_strided_slice %dot_general3A_299 {offsets = [480, 0], sizes = [8, 2048], strides = [1, 1]} : vector<512x2048xf32> to vector<8x2048xf32>
        %min3A_418 = arith.minimumf %min3A_416, %slice3A_417 : vector<8x2048xf32>
        %slice3A_419 = vector.extract_strided_slice %dot_general3A_299 {offsets = [488, 0], sizes = [8, 2048], strides = [1, 1]} : vector<512x2048xf32> to vector<8x2048xf32>
        %min3A_420 = arith.minimumf %min3A_418, %slice3A_419 : vector<8x2048xf32>
        %slice3A_421 = vector.extract_strided_slice %dot_general3A_299 {offsets = [496, 0], sizes = [8, 2048], strides = [1, 1]} : vector<512x2048xf32> to vector<8x2048xf32>
        %min3A_422 = arith.minimumf %min3A_420, %slice3A_421 : vector<8x2048xf32>
        %slice3A_423 = vector.extract_strided_slice %dot_general3A_299 {offsets = [504, 0], sizes = [8, 2048], strides = [1, 1]} : vector<512x2048xf32> to vector<8x2048xf32>
        %min3A_424 = arith.minimumf %min3A_422, %slice3A_423 : vector<8x2048xf32>
        %get3A_425 = arith.constant 0 : index
        %get3A_426 = arith.constant 2048 : index
        %get3A_427 = vector.load %arg7[%get3A_425, %get3A_426] : memref<8x8192xf32, #tpu.memory_space<vmem>>, vector<8x2048xf32>
        %min3A_428 = arith.minimumf %get3A_427, %min3A_424 : vector<8x2048xf32>
        %swap3A_429 = arith.constant 0 : index
        %swap3A_430 = arith.constant 2048 : index
        %swap3A_431 = vector.load %arg7[%swap3A_429, %swap3A_430] : memref<8x8192xf32, #tpu.memory_space<vmem>>, vector<8x2048xf32>
        tpu.vector_store %arg7[%swap3A_429, %swap3A_430], %min3A_428 {strides = array<i32>} : memref<8x8192xf32, #tpu.memory_space<vmem>>, vector<8x2048xf32>,
        %slice3A_432 = vector.extract_strided_slice %dot_general3A_299 {offsets = [0, 0], sizes = [512, 128], strides = [1, 1]} : vector<512x2048xf32> to vector<512x128xf32>
        %slice3A_433 = vector.extract_strided_slice %dot_general3A_299 {offsets = [0, 128], sizes = [512, 128], strides = [1, 1]} : vector<512x2048xf32> to vector<512x128xf32>
        %min3A_434 = arith.minimumf %slice3A_432, %slice3A_433 : vector<512x128xf32>
        %slice3A_435 = vector.extract_strided_slice %dot_general3A_299 {offsets = [0, 256], sizes = [512, 128], strides = [1, 1]} : vector<512x2048xf32> to vector<512x128xf32>
        %min3A_436 = arith.minimumf %min3A_434, %slice3A_435 : vector<512x128xf32>
        %slice3A_437 = vector.extract_strided_slice %dot_general3A_299 {offsets = [0, 384], sizes = [512, 128], strides = [1, 1]} : vector<512x2048xf32> to vector<512x128xf32>
        %min3A_438 = arith.minimumf %min3A_436, %slice3A_437 : vector<512x128xf32>
        %slice3A_439 = vector.extract_strided_slice %dot_general3A_299 {offsets = [0, 512], sizes = [512, 128], strides = [1, 1]} : vector<512x2048xf32> to vector<512x128xf32>
        %min3A_440 = arith.minimumf %min3A_438, %slice3A_439 : vector<512x128xf32>
        %slice3A_441 = vector.extract_strided_slice %dot_general3A_299 {offsets = [0, 640], sizes = [512, 128], strides = [1, 1]} : vector<512x2048xf32> to vector<512x128xf32>
        %min3A_442 = arith.minimumf %min3A_440, %slice3A_441 : vector<512x128xf32>
        %slice3A_443 = vector.extract_strided_slice %dot_general3A_299 {offsets = [0, 768], sizes = [512, 128], strides = [1, 1]} : vector<512x2048xf32> to vector<512x128xf32>
        %min3A_444 = arith.minimumf %min3A_442, %slice3A_443 : vector<512x128xf32>
        %slice3A_445 = vector.extract_strided_slice %dot_general3A_299 {offsets = [0, 896], sizes = [512, 128], strides = [1, 1]} : vector<512x2048xf32> to vector<512x128xf32>
        %min3A_446 = arith.minimumf %min3A_444, %slice3A_445 : vector<512x128xf32>
        %slice3A_447 = vector.extract_strided_slice %dot_general3A_299 {offsets = [0, 1024], sizes = [512, 128], strides = [1, 1]} : vector<512x2048xf32> to vector<512x128xf32>
        %min3A_448 = arith.minimumf %min3A_446, %slice3A_447 : vector<512x128xf32>
        %slice3A_449 = vector.extract_strided_slice %dot_general3A_299 {offsets = [0, 1152], sizes = [512, 128], strides = [1, 1]} : vector<512x2048xf32> to vector<512x128xf32>
        %min3A_450 = arith.minimumf %min3A_448, %slice3A_449 : vector<512x128xf32>
        %slice3A_451 = vector.extract_strided_slice %dot_general3A_299 {offsets = [0, 1280], sizes = [512, 128], strides = [1, 1]} : vector<512x2048xf32> to vector<512x128xf32>
        %min3A_452 = arith.minimumf %min3A_450, %slice3A_451 : vector<512x128xf32>
        %slice3A_453 = vector.extract_strided_slice %dot_general3A_299 {offsets = [0, 1408], sizes = [512, 128], strides = [1, 1]} : vector<512x2048xf32> to vector<512x128xf32>
        %min3A_454 = arith.minimumf %min3A_452, %slice3A_453 : vector<512x128xf32>
        %slice3A_455 = vector.extract_strided_slice %dot_general3A_299 {offsets = [0, 1536], sizes = [512, 128], strides = [1, 1]} : vector<512x2048xf32> to vector<512x128xf32>
        %min3A_456 = arith.minimumf %min3A_454, %slice3A_455 : vector<512x128xf32>
        %slice3A_457 = vector.extract_strided_slice %dot_general3A_299 {offsets = [0, 1664], sizes = [512, 128], strides = [1, 1]} : vector<512x2048xf32> to vector<512x128xf32>
        %min3A_458 = arith.minimumf %min3A_456, %slice3A_457 : vector<512x128xf32>
        %slice3A_459 = vector.extract_strided_slice %dot_general3A_299 {offsets = [0, 1792], sizes = [512, 128], strides = [1, 1]} : vector<512x2048xf32> to vector<512x128xf32>
        %min3A_460 = arith.minimumf %min3A_458, %slice3A_459 : vector<512x128xf32>
        %slice3A_461 = vector.extract_strided_slice %dot_general3A_299 {offsets = [0, 1920], sizes = [512, 128], strides = [1, 1]} : vector<512x2048xf32> to vector<512x128xf32>
        %min3A_462 = arith.minimumf %min3A_460, %slice3A_461 : vector<512x128xf32>
        %get3A_463 = arith.constant 0 : index
        %get3A_464 = arith.constant 0 : index
        %get3A_465 = vector.load %arg8[%get3A_463, %get3A_464] : memref<512x128xf32, #tpu.memory_space<vmem>>, vector<512x128xf32>
        %min3A_466 = arith.minimumf %get3A_465, %min3A_462 : vector<512x128xf32>
        %swap3A_467 = arith.constant 0 : index
        %swap3A_468 = arith.constant 0 : index
        %swap3A_469 = vector.load %arg8[%swap3A_467, %swap3A_468] : memref<512x128xf32, #tpu.memory_space<vmem>>, vector<512x128xf32>
        tpu.vector_store %arg8[%swap3A_467, %swap3A_468], %min3A_466 {strides = array<i32>} : memref<512x128xf32, #tpu.memory_space<vmem>>, vector<512x128xf32>,
      } else {
      }
      %gt3A_260 = arith.constant 0 : i32
      %gt3A_261 = arith.cmpi sgt, %get3A_28, %gt3A_260 : i32
      %convert_element_type3A_262 = arith.extui %gt3A_261 : i1 to i32
      %cond3A_263 = arith.constant 0 : i32
      %cond3A_264 = arith.cmpi ne, %convert_element_type3A_262, %cond3A_263 : i32
      scf.if %cond3A_264 {
        %get3A_296 = arith.constant 0 : index
        %get3A_297 = arith.constant 4096 : index
        %get3A_298 = vector.load %arg6[%get3A_296, %get3A_297] : memref<16x8192xbf16, #tpu.memory_space<vmem>>, vector<16x2048xbf16>
        %dot_general3A = arith.constant dense<0.000000e+00> : vector<512x2048xf32>
        %dot_general3A_299 = tpu.matmul %get3A_245, %get3A_298, %dot_general3A {dimension_numbers = #tpu.dot_dimension_numbers<[0], [0], [1], [1], [0, 1, 1, 1], [], []>, transpose_lhs_hint = false} : vector<16x512xbf16>, vector<16x2048xbf16>, vector<512x2048xf32> -> vector<512x2048xf32>
        %slice3A = vector.extract_strided_slice %dot_general3A_299 {offsets = [0, 0], sizes = [8, 2048], strides = [1, 1]} : vector<512x2048xf32> to vector<8x2048xf32>
        %slice3A_300 = vector.extract_strided_slice %dot_general3A_299 {offsets = [8, 0], sizes = [8, 2048], strides = [1, 1]} : vector<512x2048xf32> to vector<8x2048xf32>
        %min3A = arith.minimumf %slice3A, %slice3A_300 : vector<8x2048xf32>
        %slice3A_301 = vector.extract_strided_slice %dot_general3A_299 {offsets = [16, 0], sizes = [8, 2048], strides = [1, 1]} : vector<512x2048xf32> to vector<8x2048xf32>
        %min3A_302 = arith.minimumf %min3A, %slice3A_301 : vector<8x2048xf32>
        %slice3A_303 = vector.extract_strided_slice %dot_general3A_299 {offsets = [24, 0], sizes = [8, 2048], strides = [1, 1]} : vector<512x2048xf32> to vector<8x2048xf32>
        %min3A_304 = arith.minimumf %min3A_302, %slice3A_303 : vector<8x2048xf32>
        %slice3A_305 = vector.extract_strided_slice %dot_general3A_299 {offsets = [32, 0], sizes = [8, 2048], strides = [1, 1]} : vector<512x2048xf32> to vector<8x2048xf32>
        %min3A_306 = arith.minimumf %min3A_304, %slice3A_305 : vector<8x2048xf32>
        %slice3A_307 = vector.extract_strided_slice %dot_general3A_299 {offsets = [40, 0], sizes = [8, 2048], strides = [1, 1]} : vector<512x2048xf32> to vector<8x2048xf32>
        %min3A_308 = arith.minimumf %min3A_306, %slice3A_307 : vector<8x2048xf32>
        %slice3A_309 = vector.extract_strided_slice %dot_general3A_299 {offsets = [48, 0], sizes = [8, 2048], strides = [1, 1]} : vector<512x2048xf32> to vector<8x2048xf32>
        %min3A_310 = arith.minimumf %min3A_308, %slice3A_309 : vector<8x2048xf32>
        %slice3A_311 = vector.extract_strided_slice %dot_general3A_299 {offsets = [56, 0], sizes = [8, 2048], strides = [1, 1]} : vector<512x2048xf32> to vector<8x2048xf32>
        %min3A_312 = arith.minimumf %min3A_310, %slice3A_311 : vector<8x2048xf32>
        %slice3A_313 = vector.extract_strided_slice %dot_general3A_299 {offsets = [64, 0], sizes = [8, 2048], strides = [1, 1]} : vector<512x2048xf32> to vector<8x2048xf32>
        %min3A_314 = arith.minimumf %min3A_312, %slice3A_313 : vector<8x2048xf32>
        %slice3A_315 = vector.extract_strided_slice %dot_general3A_299 {offsets = [72, 0], sizes = [8, 2048], strides = [1, 1]} : vector<512x2048xf32> to vector<8x2048xf32>
        %min3A_316 = arith.minimumf %min3A_314, %slice3A_315 : vector<8x2048xf32>
        %slice3A_317 = vector.extract_strided_slice %dot_general3A_299 {offsets = [80, 0], sizes = [8, 2048], strides = [1, 1]} : vector<512x2048xf32> to vector<8x2048xf32>
        %min3A_318 = arith.minimumf %min3A_316, %slice3A_317 : vector<8x2048xf32>
        %slice3A_319 = vector.extract_strided_slice %dot_general3A_299 {offsets = [88, 0], sizes = [8, 2048], strides = [1, 1]} : vector<512x2048xf32> to vector<8x2048xf32>
        %min3A_320 = arith.minimumf %min3A_318, %slice3A_319 : vector<8x2048xf32>
        %slice3A_321 = vector.extract_strided_slice %dot_general3A_299 {offsets = [96, 0], sizes = [8, 2048], strides = [1, 1]} : vector<512x2048xf32> to vector<8x2048xf32>
        %min3A_322 = arith.minimumf %min3A_320, %slice3A_321 : vector<8x2048xf32>
        %slice3A_323 = vector.extract_strided_slice %dot_general3A_299 {offsets = [104, 0], sizes = [8, 2048], strides = [1, 1]} : vector<512x2048xf32> to vector<8x2048xf32>
        %min3A_324 = arith.minimumf %min3A_322, %slice3A_323 : vector<8x2048xf32>
        %slice3A_325 = vector.extract_strided_slice %dot_general3A_299 {offsets = [112, 0], sizes = [8, 2048], strides = [1, 1]} : vector<512x2048xf32> to vector<8x2048xf32>
        %min3A_326 = arith.minimumf %min3A_324, %slice3A_325 : vector<8x2048xf32>
        %slice3A_327 = vector.extract_strided_slice %dot_general3A_299 {offsets = [120, 0], sizes = [8, 2048], strides = [1, 1]} : vector<512x2048xf32> to vector<8x2048xf32>
        %min3A_328 = arith.minimumf %min3A_326, %slice3A_327 : vector<8x2048xf32>
        %slice3A_329 = vector.extract_strided_slice %dot_general3A_299 {offsets = [128, 0], sizes = [8, 2048], strides = [1, 1]} : vector<512x2048xf32> to vector<8x2048xf32>
        %min3A_330 = arith.minimumf %min3A_328, %slice3A_329 : vector<8x2048xf32>
        %slice3A_331 = vector.extract_strided_slice %dot_general3A_299 {offsets = [136, 0], sizes = [8, 2048], strides = [1, 1]} : vector<512x2048xf32> to vector<8x2048xf32>
        %min3A_332 = arith.minimumf %min3A_330, %slice3A_331 : vector<8x2048xf32>
        %slice3A_333 = vector.extract_strided_slice %dot_general3A_299 {offsets = [144, 0], sizes = [8, 2048], strides = [1, 1]} : vector<512x2048xf32> to vector<8x2048xf32>
        %min3A_334 = arith.minimumf %min3A_332, %slice3A_333 : vector<8x2048xf32>
        %slice3A_335 = vector.extract_strided_slice %dot_general3A_299 {offsets = [152, 0], sizes = [8, 2048], strides = [1, 1]} : vector<512x2048xf32> to vector<8x2048xf32>
        %min3A_336 = arith.minimumf %min3A_334, %slice3A_335 : vector<8x2048xf32>
        %slice3A_337 = vector.extract_strided_slice %dot_general3A_299 {offsets = [160, 0], sizes = [8, 2048], strides = [1, 1]} : vector<512x2048xf32> to vector<8x2048xf32>
        %min3A_338 = arith.minimumf %min3A_336, %slice3A_337 : vector<8x2048xf32>
        %slice3A_339 = vector.extract_strided_slice %dot_general3A_299 {offsets = [168, 0], sizes = [8, 2048], strides = [1, 1]} : vector<512x2048xf32> to vector<8x2048xf32>
        %min3A_340 = arith.minimumf %min3A_338, %slice3A_339 : vector<8x2048xf32>
        %slice3A_341 = vector.extract_strided_slice %dot_general3A_299 {offsets = [176, 0], sizes = [8, 2048], strides = [1, 1]} : vector<512x2048xf32> to vector<8x2048xf32>
        %min3A_342 = arith.minimumf %min3A_340, %slice3A_341 : vector<8x2048xf32>
        %slice3A_343 = vector.extract_strided_slice %dot_general3A_299 {offsets = [184, 0], sizes = [8, 2048], strides = [1, 1]} : vector<512x2048xf32> to vector<8x2048xf32>
        %min3A_344 = arith.minimumf %min3A_342, %slice3A_343 : vector<8x2048xf32>
        %slice3A_345 = vector.extract_strided_slice %dot_general3A_299 {offsets = [192, 0], sizes = [8, 2048], strides = [1, 1]} : vector<512x2048xf32> to vector<8x2048xf32>
        %min3A_346 = arith.minimumf %min3A_344, %slice3A_345 : vector<8x2048xf32>
        %slice3A_347 = vector.extract_strided_slice %dot_general3A_299 {offsets = [200, 0], sizes = [8, 2048], strides = [1, 1]} : vector<512x2048xf32> to vector<8x2048xf32>
        %min3A_348 = arith.minimumf %min3A_346, %slice3A_347 : vector<8x2048xf32>
        %slice3A_349 = vector.extract_strided_slice %dot_general3A_299 {offsets = [208, 0], sizes = [8, 2048], strides = [1, 1]} : vector<512x2048xf32> to vector<8x2048xf32>
        %min3A_350 = arith.minimumf %min3A_348, %slice3A_349 : vector<8x2048xf32>
        %slice3A_351 = vector.extract_strided_slice %dot_general3A_299 {offsets = [216, 0], sizes = [8, 2048], strides = [1, 1]} : vector<512x2048xf32> to vector<8x2048xf32>
        %min3A_352 = arith.minimumf %min3A_350, %slice3A_351 : vector<8x2048xf32>
        %slice3A_353 = vector.extract_strided_slice %dot_general3A_299 {offsets = [224, 0], sizes = [8, 2048], strides = [1, 1]} : vector<512x2048xf32> to vector<8x2048xf32>
        %min3A_354 = arith.minimumf %min3A_352, %slice3A_353 : vector<8x2048xf32>
        %slice3A_355 = vector.extract_strided_slice %dot_general3A_299 {offsets = [232, 0], sizes = [8, 2048], strides = [1, 1]} : vector<512x2048xf32> to vector<8x2048xf32>
        %min3A_356 = arith.minimumf %min3A_354, %slice3A_355 : vector<8x2048xf32>
        %slice3A_357 = vector.extract_strided_slice %dot_general3A_299 {offsets = [240, 0], sizes = [8, 2048], strides = [1, 1]} : vector<512x2048xf32> to vector<8x2048xf32>
        %min3A_358 = arith.minimumf %min3A_356, %slice3A_357 : vector<8x2048xf32>
        %slice3A_359 = vector.extract_strided_slice %dot_general3A_299 {offsets = [248, 0], sizes = [8, 2048], strides = [1, 1]} : vector<512x2048xf32> to vector<8x2048xf32>
        %min3A_360 = arith.minimumf %min3A_358, %slice3A_359 : vector<8x2048xf32>
        %slice3A_361 = vector.extract_strided_slice %dot_general3A_299 {offsets = [256, 0], sizes = [8, 2048], strides = [1, 1]} : vector<512x2048xf32> to vector<8x2048xf32>
        %min3A_362 = arith.minimumf %min3A_360, %slice3A_361 : vector<8x2048xf32>
        %slice3A_363 = vector.extract_strided_slice %dot_general3A_299 {offsets = [264, 0], sizes = [8, 2048], strides = [1, 1]} : vector<512x2048xf32> to vector<8x2048xf32>
        %min3A_364 = arith.minimumf %min3A_362, %slice3A_363 : vector<8x2048xf32>
        %slice3A_365 = vector.extract_strided_slice %dot_general3A_299 {offsets = [272, 0], sizes = [8, 2048], strides = [1, 1]} : vector<512x2048xf32> to vector<8x2048xf32>
        %min3A_366 = arith.minimumf %min3A_364, %slice3A_365 : vector<8x2048xf32>
        %slice3A_367 = vector.extract_strided_slice %dot_general3A_299 {offsets = [280, 0], sizes = [8, 2048], strides = [1, 1]} : vector<512x2048xf32> to vector<8x2048xf32>
        %min3A_368 = arith.minimumf %min3A_366, %slice3A_367 : vector<8x2048xf32>
        %slice3A_369 = vector.extract_strided_slice %dot_general3A_299 {offsets = [288, 0], sizes = [8, 2048], strides = [1, 1]} : vector<512x2048xf32> to vector<8x2048xf32>
        %min3A_370 = arith.minimumf %min3A_368, %slice3A_369 : vector<8x2048xf32>
        %slice3A_371 = vector.extract_strided_slice %dot_general3A_299 {offsets = [296, 0], sizes = [8, 2048], strides = [1, 1]} : vector<512x2048xf32> to vector<8x2048xf32>
        %min3A_372 = arith.minimumf %min3A_370, %slice3A_371 : vector<8x2048xf32>
        %slice3A_373 = vector.extract_strided_slice %dot_general3A_299 {offsets = [304, 0], sizes = [8, 2048], strides = [1, 1]} : vector<512x2048xf32> to vector<8x2048xf32>
        %min3A_374 = arith.minimumf %min3A_372, %slice3A_373 : vector<8x2048xf32>
        %slice3A_375 = vector.extract_strided_slice %dot_general3A_299 {offsets = [312, 0], sizes = [8, 2048], strides = [1, 1]} : vector<512x2048xf32> to vector<8x2048xf32>
        %min3A_376 = arith.minimumf %min3A_374, %slice3A_375 : vector<8x2048xf32>
        %slice3A_377 = vector.extract_strided_slice %dot_general3A_299 {offsets = [320, 0], sizes = [8, 2048], strides = [1, 1]} : vector<512x2048xf32> to vector<8x2048xf32>
        %min3A_378 = arith.minimumf %min3A_376, %slice3A_377 : vector<8x2048xf32>
        %slice3A_379 = vector.extract_strided_slice %dot_general3A_299 {offsets = [328, 0], sizes = [8, 2048], strides = [1, 1]} : vector<512x2048xf32> to vector<8x2048xf32>
        %min3A_380 = arith.minimumf %min3A_378, %slice3A_379 : vector<8x2048xf32>
        %slice3A_381 = vector.extract_strided_slice %dot_general3A_299 {offsets = [336, 0], sizes = [8, 2048], strides = [1, 1]} : vector<512x2048xf32> to vector<8x2048xf32>
        %min3A_382 = arith.minimumf %min3A_380, %slice3A_381 : vector<8x2048xf32>
        %slice3A_383 = vector.extract_strided_slice %dot_general3A_299 {offsets = [344, 0], sizes = [8, 2048], strides = [1, 1]} : vector<512x2048xf32> to vector<8x2048xf32>
        %min3A_384 = arith.minimumf %min3A_382, %slice3A_383 : vector<8x2048xf32>
        %slice3A_385 = vector.extract_strided_slice %dot_general3A_299 {offsets = [352, 0], sizes = [8, 2048], strides = [1, 1]} : vector<512x2048xf32> to vector<8x2048xf32>
        %min3A_386 = arith.minimumf %min3A_384, %slice3A_385 : vector<8x2048xf32>
        %slice3A_387 = vector.extract_strided_slice %dot_general3A_299 {offsets = [360, 0], sizes = [8, 2048], strides = [1, 1]} : vector<512x2048xf32> to vector<8x2048xf32>
        %min3A_388 = arith.minimumf %min3A_386, %slice3A_387 : vector<8x2048xf32>
        %slice3A_389 = vector.extract_strided_slice %dot_general3A_299 {offsets = [368, 0], sizes = [8, 2048], strides = [1, 1]} : vector<512x2048xf32> to vector<8x2048xf32>
        %min3A_390 = arith.minimumf %min3A_388, %slice3A_389 : vector<8x2048xf32>
        %slice3A_391 = vector.extract_strided_slice %dot_general3A_299 {offsets = [376, 0], sizes = [8, 2048], strides = [1, 1]} : vector<512x2048xf32> to vector<8x2048xf32>
        %min3A_392 = arith.minimumf %min3A_390, %slice3A_391 : vector<8x2048xf32>
        %slice3A_393 = vector.extract_strided_slice %dot_general3A_299 {offsets = [384, 0], sizes = [8, 2048], strides = [1, 1]} : vector<512x2048xf32> to vector<8x2048xf32>
        %min3A_394 = arith.minimumf %min3A_392, %slice3A_393 : vector<8x2048xf32>
        %slice3A_395 = vector.extract_strided_slice %dot_general3A_299 {offsets = [392, 0], sizes = [8, 2048], strides = [1, 1]} : vector<512x2048xf32> to vector<8x2048xf32>
        %min3A_396 = arith.minimumf %min3A_394, %slice3A_395 : vector<8x2048xf32>
        %slice3A_397 = vector.extract_strided_slice %dot_general3A_299 {offsets = [400, 0], sizes = [8, 2048], strides = [1, 1]} : vector<512x2048xf32> to vector<8x2048xf32>
        %min3A_398 = arith.minimumf %min3A_396, %slice3A_397 : vector<8x2048xf32>
        %slice3A_399 = vector.extract_strided_slice %dot_general3A_299 {offsets = [408, 0], sizes = [8, 2048], strides = [1, 1]} : vector<512x2048xf32> to vector<8x2048xf32>
        %min3A_400 = arith.minimumf %min3A_398, %slice3A_399 : vector<8x2048xf32>
        %slice3A_401 = vector.extract_strided_slice %dot_general3A_299 {offsets = [416, 0], sizes = [8, 2048], strides = [1, 1]} : vector<512x2048xf32> to vector<8x2048xf32>
        %min3A_402 = arith.minimumf %min3A_400, %slice3A_401 : vector<8x2048xf32>
        %slice3A_403 = vector.extract_strided_slice %dot_general3A_299 {offsets = [424, 0], sizes = [8, 2048], strides = [1, 1]} : vector<512x2048xf32> to vector<8x2048xf32>
        %min3A_404 = arith.minimumf %min3A_402, %slice3A_403 : vector<8x2048xf32>
        %slice3A_405 = vector.extract_strided_slice %dot_general3A_299 {offsets = [432, 0], sizes = [8, 2048], strides = [1, 1]} : vector<512x2048xf32> to vector<8x2048xf32>
        %min3A_406 = arith.minimumf %min3A_404, %slice3A_405 : vector<8x2048xf32>
        %slice3A_407 = vector.extract_strided_slice %dot_general3A_299 {offsets = [440, 0], sizes = [8, 2048], strides = [1, 1]} : vector<512x2048xf32> to vector<8x2048xf32>
        %min3A_408 = arith.minimumf %min3A_406, %slice3A_407 : vector<8x2048xf32>
        %slice3A_409 = vector.extract_strided_slice %dot_general3A_299 {offsets = [448, 0], sizes = [8, 2048], strides = [1, 1]} : vector<512x2048xf32> to vector<8x2048xf32>
        %min3A_410 = arith.minimumf %min3A_408, %slice3A_409 : vector<8x2048xf32>
        %slice3A_411 = vector.extract_strided_slice %dot_general3A_299 {offsets = [456, 0], sizes = [8, 2048], strides = [1, 1]} : vector<512x2048xf32> to vector<8x2048xf32>
        %min3A_412 = arith.minimumf %min3A_410, %slice3A_411 : vector<8x2048xf32>
        %slice3A_413 = vector.extract_strided_slice %dot_general3A_299 {offsets = [464, 0], sizes = [8, 2048], strides = [1, 1]} : vector<512x2048xf32> to vector<8x2048xf32>
        %min3A_414 = arith.minimumf %min3A_412, %slice3A_413 : vector<8x2048xf32>
        %slice3A_415 = vector.extract_strided_slice %dot_general3A_299 {offsets = [472, 0], sizes = [8, 2048], strides = [1, 1]} : vector<512x2048xf32> to vector<8x2048xf32>
        %min3A_416 = arith.minimumf %min3A_414, %slice3A_415 : vector<8x2048xf32>
        %slice3A_417 = vector.extract_strided_slice %dot_general3A_299 {offsets = [480, 0], sizes = [8, 2048], strides = [1, 1]} : vector<512x2048xf32> to vector<8x2048xf32>
        %min3A_418 = arith.minimumf %min3A_416, %slice3A_417 : vector<8x2048xf32>
        %slice3A_419 = vector.extract_strided_slice %dot_general3A_299 {offsets = [488, 0], sizes = [8, 2048], strides = [1, 1]} : vector<512x2048xf32> to vector<8x2048xf32>
        %min3A_420 = arith.minimumf %min3A_418, %slice3A_419 : vector<8x2048xf32>
        %slice3A_421 = vector.extract_strided_slice %dot_general3A_299 {offsets = [496, 0], sizes = [8, 2048], strides = [1, 1]} : vector<512x2048xf32> to vector<8x2048xf32>
        %min3A_422 = arith.minimumf %min3A_420, %slice3A_421 : vector<8x2048xf32>
        %slice3A_423 = vector.extract_strided_slice %dot_general3A_299 {offsets = [504, 0], sizes = [8, 2048], strides = [1, 1]} : vector<512x2048xf32> to vector<8x2048xf32>
        %min3A_424 = arith.minimumf %min3A_422, %slice3A_423 : vector<8x2048xf32>
        %get3A_425 = arith.constant 0 : index
        %get3A_426 = arith.constant 4096 : index
        %get3A_427 = vector.load %arg7[%get3A_425, %get3A_426] : memref<8x8192xf32, #tpu.memory_space<vmem>>, vector<8x2048xf32>
        %min3A_428 = arith.minimumf %get3A_427, %min3A_424 : vector<8x2048xf32>
        %swap3A_429 = arith.constant 0 : index
        %swap3A_430 = arith.constant 4096 : index
        %swap3A_431 = vector.load %arg7[%swap3A_429, %swap3A_430] : memref<8x8192xf32, #tpu.memory_space<vmem>>, vector<8x2048xf32>
        tpu.vector_store %arg7[%swap3A_429, %swap3A_430], %min3A_428 {strides = array<i32>} : memref<8x8192xf32, #tpu.memory_space<vmem>>, vector<8x2048xf32>,
        %slice3A_432 = vector.extract_strided_slice %dot_general3A_299 {offsets = [0, 0], sizes = [512, 128], strides = [1, 1]} : vector<512x2048xf32> to vector<512x128xf32>
        %slice3A_433 = vector.extract_strided_slice %dot_general3A_299 {offsets = [0, 128], sizes = [512, 128], strides = [1, 1]} : vector<512x2048xf32> to vector<512x128xf32>
        %min3A_434 = arith.minimumf %slice3A_432, %slice3A_433 : vector<512x128xf32>
        %slice3A_435 = vector.extract_strided_slice %dot_general3A_299 {offsets = [0, 256], sizes = [512, 128], strides = [1, 1]} : vector<512x2048xf32> to vector<512x128xf32>
        %min3A_436 = arith.minimumf %min3A_434, %slice3A_435 : vector<512x128xf32>
        %slice3A_437 = vector.extract_strided_slice %dot_general3A_299 {offsets = [0, 384], sizes = [512, 128], strides = [1, 1]} : vector<512x2048xf32> to vector<512x128xf32>
        %min3A_438 = arith.minimumf %min3A_436, %slice3A_437 : vector<512x128xf32>
        %slice3A_439 = vector.extract_strided_slice %dot_general3A_299 {offsets = [0, 512], sizes = [512, 128], strides = [1, 1]} : vector<512x2048xf32> to vector<512x128xf32>
        %min3A_440 = arith.minimumf %min3A_438, %slice3A_439 : vector<512x128xf32>
        %slice3A_441 = vector.extract_strided_slice %dot_general3A_299 {offsets = [0, 640], sizes = [512, 128], strides = [1, 1]} : vector<512x2048xf32> to vector<512x128xf32>
        %min3A_442 = arith.minimumf %min3A_440, %slice3A_441 : vector<512x128xf32>
        %slice3A_443 = vector.extract_strided_slice %dot_general3A_299 {offsets = [0, 768], sizes = [512, 128], strides = [1, 1]} : vector<512x2048xf32> to vector<512x128xf32>
        %min3A_444 = arith.minimumf %min3A_442, %slice3A_443 : vector<512x128xf32>
        %slice3A_445 = vector.extract_strided_slice %dot_general3A_299 {offsets = [0, 896], sizes = [512, 128], strides = [1, 1]} : vector<512x2048xf32> to vector<512x128xf32>
        %min3A_446 = arith.minimumf %min3A_444, %slice3A_445 : vector<512x128xf32>
        %slice3A_447 = vector.extract_strided_slice %dot_general3A_299 {offsets = [0, 1024], sizes = [512, 128], strides = [1, 1]} : vector<512x2048xf32> to vector<512x128xf32>
        %min3A_448 = arith.minimumf %min3A_446, %slice3A_447 : vector<512x128xf32>
        %slice3A_449 = vector.extract_strided_slice %dot_general3A_299 {offsets = [0, 1152], sizes = [512, 128], strides = [1, 1]} : vector<512x2048xf32> to vector<512x128xf32>
        %min3A_450 = arith.minimumf %min3A_448, %slice3A_449 : vector<512x128xf32>
        %slice3A_451 = vector.extract_strided_slice %dot_general3A_299 {offsets = [0, 1280], sizes = [512, 128], strides = [1, 1]} : vector<512x2048xf32> to vector<512x128xf32>
        %min3A_452 = arith.minimumf %min3A_450, %slice3A_451 : vector<512x128xf32>
        %slice3A_453 = vector.extract_strided_slice %dot_general3A_299 {offsets = [0, 1408], sizes = [512, 128], strides = [1, 1]} : vector<512x2048xf32> to vector<512x128xf32>
        %min3A_454 = arith.minimumf %min3A_452, %slice3A_453 : vector<512x128xf32>
        %slice3A_455 = vector.extract_strided_slice %dot_general3A_299 {offsets = [0, 1536], sizes = [512, 128], strides = [1, 1]} : vector<512x2048xf32> to vector<512x128xf32>
        %min3A_456 = arith.minimumf %min3A_454, %slice3A_455 : vector<512x128xf32>
        %slice3A_457 = vector.extract_strided_slice %dot_general3A_299 {offsets = [0, 1664], sizes = [512, 128], strides = [1, 1]} : vector<512x2048xf32> to vector<512x128xf32>
        %min3A_458 = arith.minimumf %min3A_456, %slice3A_457 : vector<512x128xf32>
        %slice3A_459 = vector.extract_strided_slice %dot_general3A_299 {offsets = [0, 1792], sizes = [512, 128], strides = [1, 1]} : vector<512x2048xf32> to vector<512x128xf32>
        %min3A_460 = arith.minimumf %min3A_458, %slice3A_459 : vector<512x128xf32>
        %slice3A_461 = vector.extract_strided_slice %dot_general3A_299 {offsets = [0, 1920], sizes = [512, 128], strides = [1, 1]} : vector<512x2048xf32> to vector<512x128xf32>
        %min3A_462 = arith.minimumf %min3A_460, %slice3A_461 : vector<512x128xf32>
        %get3A_463 = arith.constant 0 : index
        %get3A_464 = arith.constant 0 : index
        %get3A_465 = vector.load %arg8[%get3A_463, %get3A_464] : memref<512x128xf32, #tpu.memory_space<vmem>>, vector<512x128xf32>
        %min3A_466 = arith.minimumf %get3A_465, %min3A_462 : vector<512x128xf32>
        %swap3A_467 = arith.constant 0 : index
        %swap3A_468 = arith.constant 0 : index
        %swap3A_469 = vector.load %arg8[%swap3A_467, %swap3A_468] : memref<512x128xf32, #tpu.memory_space<vmem>>, vector<512x128xf32>
        tpu.vector_store %arg8[%swap3A_467, %swap3A_468], %min3A_466 {strides = array<i32>} : memref<512x128xf32, #tpu.memory_space<vmem>>, vector<512x128xf32>,
      } else {
      }
      %gt3A_265 = arith.constant 2048 : i32
      %gt3A_266 = arith.cmpi sgt, %get3A_28, %gt3A_265 : i32
      %convert_element_type3A_267 = arith.extui %gt3A_266 : i1 to i32
      %cond3A_268 = arith.constant 0 : i32
      %cond3A_269 = arith.cmpi ne, %convert_element_type3A_267, %cond3A_268 : i32
      scf.if %cond3A_269 {
        %get3A_296 = arith.constant 0 : index
        %get3A_297 = arith.constant 6144 : index
        %get3A_298 = vector.load %arg6[%get3A_296, %get3A_297] : memref<16x8192xbf16, #tpu.memory_space<vmem>>, vector<16x2048xbf16>
        %dot_general3A = arith.constant dense<0.000000e+00> : vector<512x2048xf32>
        %dot_general3A_299 = tpu.matmul %get3A_245, %get3A_298, %dot_general3A {dimension_numbers = #tpu.dot_dimension_numbers<[0], [0], [1], [1], [0, 1, 1, 1], [], []>, transpose_lhs_hint = false} : vector<16x512xbf16>, vector<16x2048xbf16>, vector<512x2048xf32> -> vector<512x2048xf32>
        %slice3A = vector.extract_strided_slice %dot_general3A_299 {offsets = [0, 0], sizes = [8, 2048], strides = [1, 1]} : vector<512x2048xf32> to vector<8x2048xf32>
        %slice3A_300 = vector.extract_strided_slice %dot_general3A_299 {offsets = [8, 0], sizes = [8, 2048], strides = [1, 1]} : vector<512x2048xf32> to vector<8x2048xf32>
        %min3A = arith.minimumf %slice3A, %slice3A_300 : vector<8x2048xf32>
        %slice3A_301 = vector.extract_strided_slice %dot_general3A_299 {offsets = [16, 0], sizes = [8, 2048], strides = [1, 1]} : vector<512x2048xf32> to vector<8x2048xf32>
        %min3A_302 = arith.minimumf %min3A, %slice3A_301 : vector<8x2048xf32>
        %slice3A_303 = vector.extract_strided_slice %dot_general3A_299 {offsets = [24, 0], sizes = [8, 2048], strides = [1, 1]} : vector<512x2048xf32> to vector<8x2048xf32>
        %min3A_304 = arith.minimumf %min3A_302, %slice3A_303 : vector<8x2048xf32>
        %slice3A_305 = vector.extract_strided_slice %dot_general3A_299 {offsets = [32, 0], sizes = [8, 2048], strides = [1, 1]} : vector<512x2048xf32> to vector<8x2048xf32>
        %min3A_306 = arith.minimumf %min3A_304, %slice3A_305 : vector<8x2048xf32>
        %slice3A_307 = vector.extract_strided_slice %dot_general3A_299 {offsets = [40, 0], sizes = [8, 2048], strides = [1, 1]} : vector<512x2048xf32> to vector<8x2048xf32>
        %min3A_308 = arith.minimumf %min3A_306, %slice3A_307 : vector<8x2048xf32>
        %slice3A_309 = vector.extract_strided_slice %dot_general3A_299 {offsets = [48, 0], sizes = [8, 2048], strides = [1, 1]} : vector<512x2048xf32> to vector<8x2048xf32>
        %min3A_310 = arith.minimumf %min3A_308, %slice3A_309 : vector<8x2048xf32>
        %slice3A_311 = vector.extract_strided_slice %dot_general3A_299 {offsets = [56, 0], sizes = [8, 2048], strides = [1, 1]} : vector<512x2048xf32> to vector<8x2048xf32>
        %min3A_312 = arith.minimumf %min3A_310, %slice3A_311 : vector<8x2048xf32>
        %slice3A_313 = vector.extract_strided_slice %dot_general3A_299 {offsets = [64, 0], sizes = [8, 2048], strides = [1, 1]} : vector<512x2048xf32> to vector<8x2048xf32>
        %min3A_314 = arith.minimumf %min3A_312, %slice3A_313 : vector<8x2048xf32>
        %slice3A_315 = vector.extract_strided_slice %dot_general3A_299 {offsets = [72, 0], sizes = [8, 2048], strides = [1, 1]} : vector<512x2048xf32> to vector<8x2048xf32>
        %min3A_316 = arith.minimumf %min3A_314, %slice3A_315 : vector<8x2048xf32>
        %slice3A_317 = vector.extract_strided_slice %dot_general3A_299 {offsets = [80, 0], sizes = [8, 2048], strides = [1, 1]} : vector<512x2048xf32> to vector<8x2048xf32>
        %min3A_318 = arith.minimumf %min3A_316, %slice3A_317 : vector<8x2048xf32>
        %slice3A_319 = vector.extract_strided_slice %dot_general3A_299 {offsets = [88, 0], sizes = [8, 2048], strides = [1, 1]} : vector<512x2048xf32> to vector<8x2048xf32>
        %min3A_320 = arith.minimumf %min3A_318, %slice3A_319 : vector<8x2048xf32>
        %slice3A_321 = vector.extract_strided_slice %dot_general3A_299 {offsets = [96, 0], sizes = [8, 2048], strides = [1, 1]} : vector<512x2048xf32> to vector<8x2048xf32>
        %min3A_322 = arith.minimumf %min3A_320, %slice3A_321 : vector<8x2048xf32>
        %slice3A_323 = vector.extract_strided_slice %dot_general3A_299 {offsets = [104, 0], sizes = [8, 2048], strides = [1, 1]} : vector<512x2048xf32> to vector<8x2048xf32>
        %min3A_324 = arith.minimumf %min3A_322, %slice3A_323 : vector<8x2048xf32>
        %slice3A_325 = vector.extract_strided_slice %dot_general3A_299 {offsets = [112, 0], sizes = [8, 2048], strides = [1, 1]} : vector<512x2048xf32> to vector<8x2048xf32>
        %min3A_326 = arith.minimumf %min3A_324, %slice3A_325 : vector<8x2048xf32>
        %slice3A_327 = vector.extract_strided_slice %dot_general3A_299 {offsets = [120, 0], sizes = [8, 2048], strides = [1, 1]} : vector<512x2048xf32> to vector<8x2048xf32>
        %min3A_328 = arith.minimumf %min3A_326, %slice3A_327 : vector<8x2048xf32>
        %slice3A_329 = vector.extract_strided_slice %dot_general3A_299 {offsets = [128, 0], sizes = [8, 2048], strides = [1, 1]} : vector<512x2048xf32> to vector<8x2048xf32>
        %min3A_330 = arith.minimumf %min3A_328, %slice3A_329 : vector<8x2048xf32>
        %slice3A_331 = vector.extract_strided_slice %dot_general3A_299 {offsets = [136, 0], sizes = [8, 2048], strides = [1, 1]} : vector<512x2048xf32> to vector<8x2048xf32>
        %min3A_332 = arith.minimumf %min3A_330, %slice3A_331 : vector<8x2048xf32>
        %slice3A_333 = vector.extract_strided_slice %dot_general3A_299 {offsets = [144, 0], sizes = [8, 2048], strides = [1, 1]} : vector<512x2048xf32> to vector<8x2048xf32>
        %min3A_334 = arith.minimumf %min3A_332, %slice3A_333 : vector<8x2048xf32>
        %slice3A_335 = vector.extract_strided_slice %dot_general3A_299 {offsets = [152, 0], sizes = [8, 2048], strides = [1, 1]} : vector<512x2048xf32> to vector<8x2048xf32>
        %min3A_336 = arith.minimumf %min3A_334, %slice3A_335 : vector<8x2048xf32>
        %slice3A_337 = vector.extract_strided_slice %dot_general3A_299 {offsets = [160, 0], sizes = [8, 2048], strides = [1, 1]} : vector<512x2048xf32> to vector<8x2048xf32>
        %min3A_338 = arith.minimumf %min3A_336, %slice3A_337 : vector<8x2048xf32>
        %slice3A_339 = vector.extract_strided_slice %dot_general3A_299 {offsets = [168, 0], sizes = [8, 2048], strides = [1, 1]} : vector<512x2048xf32> to vector<8x2048xf32>
        %min3A_340 = arith.minimumf %min3A_338, %slice3A_339 : vector<8x2048xf32>
        %slice3A_341 = vector.extract_strided_slice %dot_general3A_299 {offsets = [176, 0], sizes = [8, 2048], strides = [1, 1]} : vector<512x2048xf32> to vector<8x2048xf32>
        %min3A_342 = arith.minimumf %min3A_340, %slice3A_341 : vector<8x2048xf32>
        %slice3A_343 = vector.extract_strided_slice %dot_general3A_299 {offsets = [184, 0], sizes = [8, 2048], strides = [1, 1]} : vector<512x2048xf32> to vector<8x2048xf32>
        %min3A_344 = arith.minimumf %min3A_342, %slice3A_343 : vector<8x2048xf32>
        %slice3A_345 = vector.extract_strided_slice %dot_general3A_299 {offsets = [192, 0], sizes = [8, 2048], strides = [1, 1]} : vector<512x2048xf32> to vector<8x2048xf32>
        %min3A_346 = arith.minimumf %min3A_344, %slice3A_345 : vector<8x2048xf32>
        %slice3A_347 = vector.extract_strided_slice %dot_general3A_299 {offsets = [200, 0], sizes = [8, 2048], strides = [1, 1]} : vector<512x2048xf32> to vector<8x2048xf32>
        %min3A_348 = arith.minimumf %min3A_346, %slice3A_347 : vector<8x2048xf32>
        %slice3A_349 = vector.extract_strided_slice %dot_general3A_299 {offsets = [208, 0], sizes = [8, 2048], strides = [1, 1]} : vector<512x2048xf32> to vector<8x2048xf32>
        %min3A_350 = arith.minimumf %min3A_348, %slice3A_349 : vector<8x2048xf32>
        %slice3A_351 = vector.extract_strided_slice %dot_general3A_299 {offsets = [216, 0], sizes = [8, 2048], strides = [1, 1]} : vector<512x2048xf32> to vector<8x2048xf32>
        %min3A_352 = arith.minimumf %min3A_350, %slice3A_351 : vector<8x2048xf32>
        %slice3A_353 = vector.extract_strided_slice %dot_general3A_299 {offsets = [224, 0], sizes = [8, 2048], strides = [1, 1]} : vector<512x2048xf32> to vector<8x2048xf32>
        %min3A_354 = arith.minimumf %min3A_352, %slice3A_353 : vector<8x2048xf32>
        %slice3A_355 = vector.extract_strided_slice %dot_general3A_299 {offsets = [232, 0], sizes = [8, 2048], strides = [1, 1]} : vector<512x2048xf32> to vector<8x2048xf32>
        %min3A_356 = arith.minimumf %min3A_354, %slice3A_355 : vector<8x2048xf32>
        %slice3A_357 = vector.extract_strided_slice %dot_general3A_299 {offsets = [240, 0], sizes = [8, 2048], strides = [1, 1]} : vector<512x2048xf32> to vector<8x2048xf32>
        %min3A_358 = arith.minimumf %min3A_356, %slice3A_357 : vector<8x2048xf32>
        %slice3A_359 = vector.extract_strided_slice %dot_general3A_299 {offsets = [248, 0], sizes = [8, 2048], strides = [1, 1]} : vector<512x2048xf32> to vector<8x2048xf32>
        %min3A_360 = arith.minimumf %min3A_358, %slice3A_359 : vector<8x2048xf32>
        %slice3A_361 = vector.extract_strided_slice %dot_general3A_299 {offsets = [256, 0], sizes = [8, 2048], strides = [1, 1]} : vector<512x2048xf32> to vector<8x2048xf32>
        %min3A_362 = arith.minimumf %min3A_360, %slice3A_361 : vector<8x2048xf32>
        %slice3A_363 = vector.extract_strided_slice %dot_general3A_299 {offsets = [264, 0], sizes = [8, 2048], strides = [1, 1]} : vector<512x2048xf32> to vector<8x2048xf32>
        %min3A_364 = arith.minimumf %min3A_362, %slice3A_363 : vector<8x2048xf32>
        %slice3A_365 = vector.extract_strided_slice %dot_general3A_299 {offsets = [272, 0], sizes = [8, 2048], strides = [1, 1]} : vector<512x2048xf32> to vector<8x2048xf32>
        %min3A_366 = arith.minimumf %min3A_364, %slice3A_365 : vector<8x2048xf32>
        %slice3A_367 = vector.extract_strided_slice %dot_general3A_299 {offsets = [280, 0], sizes = [8, 2048], strides = [1, 1]} : vector<512x2048xf32> to vector<8x2048xf32>
        %min3A_368 = arith.minimumf %min3A_366, %slice3A_367 : vector<8x2048xf32>
        %slice3A_369 = vector.extract_strided_slice %dot_general3A_299 {offsets = [288, 0], sizes = [8, 2048], strides = [1, 1]} : vector<512x2048xf32> to vector<8x2048xf32>
        %min3A_370 = arith.minimumf %min3A_368, %slice3A_369 : vector<8x2048xf32>
        %slice3A_371 = vector.extract_strided_slice %dot_general3A_299 {offsets = [296, 0], sizes = [8, 2048], strides = [1, 1]} : vector<512x2048xf32> to vector<8x2048xf32>
        %min3A_372 = arith.minimumf %min3A_370, %slice3A_371 : vector<8x2048xf32>
        %slice3A_373 = vector.extract_strided_slice %dot_general3A_299 {offsets = [304, 0], sizes = [8, 2048], strides = [1, 1]} : vector<512x2048xf32> to vector<8x2048xf32>
        %min3A_374 = arith.minimumf %min3A_372, %slice3A_373 : vector<8x2048xf32>
        %slice3A_375 = vector.extract_strided_slice %dot_general3A_299 {offsets = [312, 0], sizes = [8, 2048], strides = [1, 1]} : vector<512x2048xf32> to vector<8x2048xf32>
        %min3A_376 = arith.minimumf %min3A_374, %slice3A_375 : vector<8x2048xf32>
        %slice3A_377 = vector.extract_strided_slice %dot_general3A_299 {offsets = [320, 0], sizes = [8, 2048], strides = [1, 1]} : vector<512x2048xf32> to vector<8x2048xf32>
        %min3A_378 = arith.minimumf %min3A_376, %slice3A_377 : vector<8x2048xf32>
        %slice3A_379 = vector.extract_strided_slice %dot_general3A_299 {offsets = [328, 0], sizes = [8, 2048], strides = [1, 1]} : vector<512x2048xf32> to vector<8x2048xf32>
        %min3A_380 = arith.minimumf %min3A_378, %slice3A_379 : vector<8x2048xf32>
        %slice3A_381 = vector.extract_strided_slice %dot_general3A_299 {offsets = [336, 0], sizes = [8, 2048], strides = [1, 1]} : vector<512x2048xf32> to vector<8x2048xf32>
        %min3A_382 = arith.minimumf %min3A_380, %slice3A_381 : vector<8x2048xf32>
        %slice3A_383 = vector.extract_strided_slice %dot_general3A_299 {offsets = [344, 0], sizes = [8, 2048], strides = [1, 1]} : vector<512x2048xf32> to vector<8x2048xf32>
        %min3A_384 = arith.minimumf %min3A_382, %slice3A_383 : vector<8x2048xf32>
        %slice3A_385 = vector.extract_strided_slice %dot_general3A_299 {offsets = [352, 0], sizes = [8, 2048], strides = [1, 1]} : vector<512x2048xf32> to vector<8x2048xf32>
        %min3A_386 = arith.minimumf %min3A_384, %slice3A_385 : vector<8x2048xf32>
        %slice3A_387 = vector.extract_strided_slice %dot_general3A_299 {offsets = [360, 0], sizes = [8, 2048], strides = [1, 1]} : vector<512x2048xf32> to vector<8x2048xf32>
        %min3A_388 = arith.minimumf %min3A_386, %slice3A_387 : vector<8x2048xf32>
        %slice3A_389 = vector.extract_strided_slice %dot_general3A_299 {offsets = [368, 0], sizes = [8, 2048], strides = [1, 1]} : vector<512x2048xf32> to vector<8x2048xf32>
        %min3A_390 = arith.minimumf %min3A_388, %slice3A_389 : vector<8x2048xf32>
        %slice3A_391 = vector.extract_strided_slice %dot_general3A_299 {offsets = [376, 0], sizes = [8, 2048], strides = [1, 1]} : vector<512x2048xf32> to vector<8x2048xf32>
        %min3A_392 = arith.minimumf %min3A_390, %slice3A_391 : vector<8x2048xf32>
        %slice3A_393 = vector.extract_strided_slice %dot_general3A_299 {offsets = [384, 0], sizes = [8, 2048], strides = [1, 1]} : vector<512x2048xf32> to vector<8x2048xf32>
        %min3A_394 = arith.minimumf %min3A_392, %slice3A_393 : vector<8x2048xf32>
        %slice3A_395 = vector.extract_strided_slice %dot_general3A_299 {offsets = [392, 0], sizes = [8, 2048], strides = [1, 1]} : vector<512x2048xf32> to vector<8x2048xf32>
        %min3A_396 = arith.minimumf %min3A_394, %slice3A_395 : vector<8x2048xf32>
        %slice3A_397 = vector.extract_strided_slice %dot_general3A_299 {offsets = [400, 0], sizes = [8, 2048], strides = [1, 1]} : vector<512x2048xf32> to vector<8x2048xf32>
        %min3A_398 = arith.minimumf %min3A_396, %slice3A_397 : vector<8x2048xf32>
        %slice3A_399 = vector.extract_strided_slice %dot_general3A_299 {offsets = [408, 0], sizes = [8, 2048], strides = [1, 1]} : vector<512x2048xf32> to vector<8x2048xf32>
        %min3A_400 = arith.minimumf %min3A_398, %slice3A_399 : vector<8x2048xf32>
        %slice3A_401 = vector.extract_strided_slice %dot_general3A_299 {offsets = [416, 0], sizes = [8, 2048], strides = [1, 1]} : vector<512x2048xf32> to vector<8x2048xf32>
        %min3A_402 = arith.minimumf %min3A_400, %slice3A_401 : vector<8x2048xf32>
        %slice3A_403 = vector.extract_strided_slice %dot_general3A_299 {offsets = [424, 0], sizes = [8, 2048], strides = [1, 1]} : vector<512x2048xf32> to vector<8x2048xf32>
        %min3A_404 = arith.minimumf %min3A_402, %slice3A_403 : vector<8x2048xf32>
        %slice3A_405 = vector.extract_strided_slice %dot_general3A_299 {offsets = [432, 0], sizes = [8, 2048], strides = [1, 1]} : vector<512x2048xf32> to vector<8x2048xf32>
        %min3A_406 = arith.minimumf %min3A_404, %slice3A_405 : vector<8x2048xf32>
        %slice3A_407 = vector.extract_strided_slice %dot_general3A_299 {offsets = [440, 0], sizes = [8, 2048], strides = [1, 1]} : vector<512x2048xf32> to vector<8x2048xf32>
        %min3A_408 = arith.minimumf %min3A_406, %slice3A_407 : vector<8x2048xf32>
        %slice3A_409 = vector.extract_strided_slice %dot_general3A_299 {offsets = [448, 0], sizes = [8, 2048], strides = [1, 1]} : vector<512x2048xf32> to vector<8x2048xf32>
        %min3A_410 = arith.minimumf %min3A_408, %slice3A_409 : vector<8x2048xf32>
        %slice3A_411 = vector.extract_strided_slice %dot_general3A_299 {offsets = [456, 0], sizes = [8, 2048], strides = [1, 1]} : vector<512x2048xf32> to vector<8x2048xf32>
        %min3A_412 = arith.minimumf %min3A_410, %slice3A_411 : vector<8x2048xf32>
        %slice3A_413 = vector.extract_strided_slice %dot_general3A_299 {offsets = [464, 0], sizes = [8, 2048], strides = [1, 1]} : vector<512x2048xf32> to vector<8x2048xf32>
        %min3A_414 = arith.minimumf %min3A_412, %slice3A_413 : vector<8x2048xf32>
        %slice3A_415 = vector.extract_strided_slice %dot_general3A_299 {offsets = [472, 0], sizes = [8, 2048], strides = [1, 1]} : vector<512x2048xf32> to vector<8x2048xf32>
        %min3A_416 = arith.minimumf %min3A_414, %slice3A_415 : vector<8x2048xf32>
        %slice3A_417 = vector.extract_strided_slice %dot_general3A_299 {offsets = [480, 0], sizes = [8, 2048], strides = [1, 1]} : vector<512x2048xf32> to vector<8x2048xf32>
        %min3A_418 = arith.minimumf %min3A_416, %slice3A_417 : vector<8x2048xf32>
        %slice3A_419 = vector.extract_strided_slice %dot_general3A_299 {offsets = [488, 0], sizes = [8, 2048], strides = [1, 1]} : vector<512x2048xf32> to vector<8x2048xf32>
        %min3A_420 = arith.minimumf %min3A_418, %slice3A_419 : vector<8x2048xf32>
        %slice3A_421 = vector.extract_strided_slice %dot_general3A_299 {offsets = [496, 0], sizes = [8, 2048], strides = [1, 1]} : vector<512x2048xf32> to vector<8x2048xf32>
        %min3A_422 = arith.minimumf %min3A_420, %slice3A_421 : vector<8x2048xf32>
        %slice3A_423 = vector.extract_strided_slice %dot_general3A_299 {offsets = [504, 0], sizes = [8, 2048], strides = [1, 1]} : vector<512x2048xf32> to vector<8x2048xf32>
        %min3A_424 = arith.minimumf %min3A_422, %slice3A_423 : vector<8x2048xf32>
        %get3A_425 = arith.constant 0 : index
        %get3A_426 = arith.constant 6144 : index
        %get3A_427 = vector.load %arg7[%get3A_425, %get3A_426] : memref<8x8192xf32, #tpu.memory_space<vmem>>, vector<8x2048xf32>
        %min3A_428 = arith.minimumf %get3A_427, %min3A_424 : vector<8x2048xf32>
        %swap3A_429 = arith.constant 0 : index
        %swap3A_430 = arith.constant 6144 : index
        %swap3A_431 = vector.load %arg7[%swap3A_429, %swap3A_430] : memref<8x8192xf32, #tpu.memory_space<vmem>>, vector<8x2048xf32>
        tpu.vector_store %arg7[%swap3A_429, %swap3A_430], %min3A_428 {strides = array<i32>} : memref<8x8192xf32, #tpu.memory_space<vmem>>, vector<8x2048xf32>,
        %slice3A_432 = vector.extract_strided_slice %dot_general3A_299 {offsets = [0, 0], sizes = [512, 128], strides = [1, 1]} : vector<512x2048xf32> to vector<512x128xf32>
        %slice3A_433 = vector.extract_strided_slice %dot_general3A_299 {offsets = [0, 128], sizes = [512, 128], strides = [1, 1]} : vector<512x2048xf32> to vector<512x128xf32>
        %min3A_434 = arith.minimumf %slice3A_432, %slice3A_433 : vector<512x128xf32>
        %slice3A_435 = vector.extract_strided_slice %dot_general3A_299 {offsets = [0, 256], sizes = [512, 128], strides = [1, 1]} : vector<512x2048xf32> to vector<512x128xf32>
        %min3A_436 = arith.minimumf %min3A_434, %slice3A_435 : vector<512x128xf32>
        %slice3A_437 = vector.extract_strided_slice %dot_general3A_299 {offsets = [0, 384], sizes = [512, 128], strides = [1, 1]} : vector<512x2048xf32> to vector<512x128xf32>
        %min3A_438 = arith.minimumf %min3A_436, %slice3A_437 : vector<512x128xf32>
        %slice3A_439 = vector.extract_strided_slice %dot_general3A_299 {offsets = [0, 512], sizes = [512, 128], strides = [1, 1]} : vector<512x2048xf32> to vector<512x128xf32>
        %min3A_440 = arith.minimumf %min3A_438, %slice3A_439 : vector<512x128xf32>
        %slice3A_441 = vector.extract_strided_slice %dot_general3A_299 {offsets = [0, 640], sizes = [512, 128], strides = [1, 1]} : vector<512x2048xf32> to vector<512x128xf32>
        %min3A_442 = arith.minimumf %min3A_440, %slice3A_441 : vector<512x128xf32>
        %slice3A_443 = vector.extract_strided_slice %dot_general3A_299 {offsets = [0, 768], sizes = [512, 128], strides = [1, 1]} : vector<512x2048xf32> to vector<512x128xf32>
        %min3A_444 = arith.minimumf %min3A_442, %slice3A_443 : vector<512x128xf32>
        %slice3A_445 = vector.extract_strided_slice %dot_general3A_299 {offsets = [0, 896], sizes = [512, 128], strides = [1, 1]} : vector<512x2048xf32> to vector<512x128xf32>
        %min3A_446 = arith.minimumf %min3A_444, %slice3A_445 : vector<512x128xf32>
        %slice3A_447 = vector.extract_strided_slice %dot_general3A_299 {offsets = [0, 1024], sizes = [512, 128], strides = [1, 1]} : vector<512x2048xf32> to vector<512x128xf32>
        %min3A_448 = arith.minimumf %min3A_446, %slice3A_447 : vector<512x128xf32>
        %slice3A_449 = vector.extract_strided_slice %dot_general3A_299 {offsets = [0, 1152], sizes = [512, 128], strides = [1, 1]} : vector<512x2048xf32> to vector<512x128xf32>
        %min3A_450 = arith.minimumf %min3A_448, %slice3A_449 : vector<512x128xf32>
        %slice3A_451 = vector.extract_strided_slice %dot_general3A_299 {offsets = [0, 1280], sizes = [512, 128], strides = [1, 1]} : vector<512x2048xf32> to vector<512x128xf32>
        %min3A_452 = arith.minimumf %min3A_450, %slice3A_451 : vector<512x128xf32>
        %slice3A_453 = vector.extract_strided_slice %dot_general3A_299 {offsets = [0, 1408], sizes = [512, 128], strides = [1, 1]} : vector<512x2048xf32> to vector<512x128xf32>
        %min3A_454 = arith.minimumf %min3A_452, %slice3A_453 : vector<512x128xf32>
        %slice3A_455 = vector.extract_strided_slice %dot_general3A_299 {offsets = [0, 1536], sizes = [512, 128], strides = [1, 1]} : vector<512x2048xf32> to vector<512x128xf32>
        %min3A_456 = arith.minimumf %min3A_454, %slice3A_455 : vector<512x128xf32>
        %slice3A_457 = vector.extract_strided_slice %dot_general3A_299 {offsets = [0, 1664], sizes = [512, 128], strides = [1, 1]} : vector<512x2048xf32> to vector<512x128xf32>
        %min3A_458 = arith.minimumf %min3A_456, %slice3A_457 : vector<512x128xf32>
        %slice3A_459 = vector.extract_strided_slice %dot_general3A_299 {offsets = [0, 1792], sizes = [512, 128], strides = [1, 1]} : vector<512x2048xf32> to vector<512x128xf32>
        %min3A_460 = arith.minimumf %min3A_458, %slice3A_459 : vector<512x128xf32>
        %slice3A_461 = vector.extract_strided_slice %dot_general3A_299 {offsets = [0, 1920], sizes = [512, 128], strides = [1, 1]} : vector<512x2048xf32> to vector<512x128xf32>
        %min3A_462 = arith.minimumf %min3A_460, %slice3A_461 : vector<512x128xf32>
        %get3A_463 = arith.constant 0 : index
        %get3A_464 = arith.constant 0 : index
        %get3A_465 = vector.load %arg8[%get3A_463, %get3A_464] : memref<512x128xf32, #tpu.memory_space<vmem>>, vector<512x128xf32>
        %min3A_466 = arith.minimumf %get3A_465, %min3A_462 : vector<512x128xf32>
        %swap3A_467 = arith.constant 0 : index
        %swap3A_468 = arith.constant 0 : index
        %swap3A_469 = vector.load %arg8[%swap3A_467, %swap3A_468] : memref<512x128xf32, #tpu.memory_space<vmem>>, vector<512x128xf32>
        tpu.vector_store %arg8[%swap3A_467, %swap3A_468], %min3A_466 {strides = array<i32>} : memref<512x128xf32, #tpu.memory_space<vmem>>, vector<512x128xf32>,
      } else {
      }
      %get3A_270 = arith.constant 0 : index
      %get3A_271 = arith.constant 0 : index
      %get3A_272 = vector.load %arg8[%get3A_270, %get3A_271] : memref<512x128xf32, #tpu.memory_space<vmem>>, vector<512x128xf32>
      %reduce_min3A_273 = arith.constant dense<0x7F800000> : vector<512xf32>
      %reduce_min3A_274 = vector.multi_reduction <minimumf>, %get3A_272, %reduce_min3A_273 [1] : vector<512x128xf32> to vector<512xf32>
      %broadcast_in_dim3A_275 = vector.shape_cast %reduce_min3A_274 : vector<512xf32> to vector<512x1xf32>
      %lt3A_276 = arith.constant 3.330000e+00 : f32
      %lt3A_277 = vector.broadcast %lt3A_276 : f32 to vector<512x1xf32>
      %lt3A_278 = arith.cmpf olt, %broadcast_in_dim3A_275, %lt3A_277 : vector<512x1xf32>
      %jit3A_279 = arith.constant 0.000000e+00 : f32
      %broadcast_in_dim3A_280 = vector.broadcast %jit3A_279 : f32 to vector<512x1xf32>
      %select_n3A_281 = arith.select %lt3A_278, %broadcast_in_dim3A_275, %broadcast_in_dim3A_280 : vector<512x1xi1>, vector<512x1xf32>
      %reduce_sum3A_282 = vector.shape_cast %select_n3A_281 : vector<512x1xf32> to vector<1x512x1xf32>
      %reduce_sum3A_283 = arith.constant dense<0.000000e+00> : vector<1xf32>
      %reduce_sum3A_284 = vector.multi_reduction <add>, %reduce_sum3A_282, %reduce_sum3A_283 [1, 2] : vector<1x512x1xf32> to vector<1xf32>
      %reduce_sum3A_285 = vector.shape_cast %reduce_sum3A_284 : vector<1xf32> to vector<1x1x1xf32>
      %reduce_sum3A_286 = vector.extract %reduce_sum3A_285[0, 0, 0] : f32 from vector<1x1x1xf32>
      %add3A_287 = arith.addf %while3A_237, %reduce_sum3A_286 : f32
      %convert_element_type3A_288 = arith.extui %lt3A_278 : vector<512x1xi1> to vector<512x1xi32>
      %convert_element_type3A_289 = arith.sitofp %convert_element_type3A_288 : vector<512x1xi32> to vector<512x1xf32>
      %reduce_sum3A_290 = vector.shape_cast %convert_element_type3A_289 : vector<512x1xf32> to vector<1x512x1xf32>
      %reduce_sum3A_291 = arith.constant dense<0.000000e+00> : vector<1xf32>
      %reduce_sum3A_292 = vector.multi_reduction <add>, %reduce_sum3A_290, %reduce_sum3A_291 [1, 2] : vector<1x512x1xf32> to vector<1xf32>
      %reduce_sum3A_293 = vector.shape_cast %reduce_sum3A_292 : vector<1xf32> to vector<1x1x1xf32>
      %reduce_sum3A_294 = vector.extract %reduce_sum3A_293[0, 0, 0] : f32 from vector<1x1x1xf32>
      %add3A_295 = arith.addf %while3A_238, %reduce_sum3A_294 : f32
      scf.yield %add3A_287, %add3A_295 : f32, f32
    }
    %while3A_160 = arith.constant 1 : i32
    %while3A_161:2 = scf.for %while3A_236 = %while3A_157 to %while3A_153 step %while3A_160 iter_args(%while3A_237 = %while3A_159#0, %while3A_238 = %while3A_159#1) -> (f32, f32)  : i32 {
      %add3A_239 = arith.constant 0 : i32
      %add3A_240 = arith.addi %add3A_239, %while3A_236 : i32
      %mul3A_241 = arith.constant 512 : i32
      %mul3A_242 = arith.muli %add3A_240, %mul3A_241 : i32
      %get3A_243 = arith.constant 0 : index
      %get3A_244 = arith.index_cast %mul3A_242 : i32 to index
      %get3A_245 = vector.load %arg5[%get3A_243, %get3A_244] : memref<16x8192xbf16, #tpu.memory_space<vmem>>, vector<16x512xbf16>
      %broadcast_in_dim3A_246 = arith.constant 0x7F800000 : f32
      %broadcast_in_dim3A_247 = vector.broadcast %broadcast_in_dim3A_246 : f32 to vector<512x128xf32>
      %swap3A_248 = arith.constant 0 : index
      %swap3A_249 = arith.constant 0 : index
      %swap3A_250 = vector.load %arg8[%swap3A_248, %swap3A_249] : memref<512x128xf32, #tpu.memory_space<vmem>>, vector<512x128xf32>
      tpu.vector_store %arg8[%swap3A_248, %swap3A_249], %broadcast_in_dim3A_247 {strides = array<i32>} : memref<512x128xf32, #tpu.memory_space<vmem>>, vector<512x128xf32>,
      %gt3A = arith.constant 0 : i32
      %gt3A_251 = arith.cmpi sgt, %get3A_19, %gt3A : i32
      %convert_element_type3A_252 = arith.extui %gt3A_251 : i1 to i32
      %cond3A_253 = arith.constant 0 : i32
      %cond3A_254 = arith.cmpi ne, %convert_element_type3A_252, %cond3A_253 : i32
      scf.if %cond3A_254 {
        %get3A_296 = arith.constant 0 : index
        %get3A_297 = arith.constant 0 : index
        %get3A_298 = vector.load %arg6[%get3A_296, %get3A_297] : memref<16x8192xbf16, #tpu.memory_space<vmem>>, vector<16x2048xbf16>
        %dot_general3A = arith.constant dense<0.000000e+00> : vector<512x2048xf32>
        %dot_general3A_299 = tpu.matmul %get3A_245, %get3A_298, %dot_general3A {dimension_numbers = #tpu.dot_dimension_numbers<[0], [0], [1], [1], [0, 1, 1, 1], [], []>, transpose_lhs_hint = false} : vector<16x512xbf16>, vector<16x2048xbf16>, vector<512x2048xf32> -> vector<512x2048xf32>
        %slice3A = vector.extract_strided_slice %dot_general3A_299 {offsets = [0, 0], sizes = [8, 2048], strides = [1, 1]} : vector<512x2048xf32> to vector<8x2048xf32>
        %slice3A_300 = vector.extract_strided_slice %dot_general3A_299 {offsets = [8, 0], sizes = [8, 2048], strides = [1, 1]} : vector<512x2048xf32> to vector<8x2048xf32>
        %min3A = arith.minimumf %slice3A, %slice3A_300 : vector<8x2048xf32>
        %slice3A_301 = vector.extract_strided_slice %dot_general3A_299 {offsets = [16, 0], sizes = [8, 2048], strides = [1, 1]} : vector<512x2048xf32> to vector<8x2048xf32>
        %min3A_302 = arith.minimumf %min3A, %slice3A_301 : vector<8x2048xf32>
        %slice3A_303 = vector.extract_strided_slice %dot_general3A_299 {offsets = [24, 0], sizes = [8, 2048], strides = [1, 1]} : vector<512x2048xf32> to vector<8x2048xf32>
        %min3A_304 = arith.minimumf %min3A_302, %slice3A_303 : vector<8x2048xf32>
        %slice3A_305 = vector.extract_strided_slice %dot_general3A_299 {offsets = [32, 0], sizes = [8, 2048], strides = [1, 1]} : vector<512x2048xf32> to vector<8x2048xf32>
        %min3A_306 = arith.minimumf %min3A_304, %slice3A_305 : vector<8x2048xf32>
        %slice3A_307 = vector.extract_strided_slice %dot_general3A_299 {offsets = [40, 0], sizes = [8, 2048], strides = [1, 1]} : vector<512x2048xf32> to vector<8x2048xf32>
        %min3A_308 = arith.minimumf %min3A_306, %slice3A_307 : vector<8x2048xf32>
        %slice3A_309 = vector.extract_strided_slice %dot_general3A_299 {offsets = [48, 0], sizes = [8, 2048], strides = [1, 1]} : vector<512x2048xf32> to vector<8x2048xf32>
        %min3A_310 = arith.minimumf %min3A_308, %slice3A_309 : vector<8x2048xf32>
        %slice3A_311 = vector.extract_strided_slice %dot_general3A_299 {offsets = [56, 0], sizes = [8, 2048], strides = [1, 1]} : vector<512x2048xf32> to vector<8x2048xf32>
        %min3A_312 = arith.minimumf %min3A_310, %slice3A_311 : vector<8x2048xf32>
        %slice3A_313 = vector.extract_strided_slice %dot_general3A_299 {offsets = [64, 0], sizes = [8, 2048], strides = [1, 1]} : vector<512x2048xf32> to vector<8x2048xf32>
        %min3A_314 = arith.minimumf %min3A_312, %slice3A_313 : vector<8x2048xf32>
        %slice3A_315 = vector.extract_strided_slice %dot_general3A_299 {offsets = [72, 0], sizes = [8, 2048], strides = [1, 1]} : vector<512x2048xf32> to vector<8x2048xf32>
        %min3A_316 = arith.minimumf %min3A_314, %slice3A_315 : vector<8x2048xf32>
        %slice3A_317 = vector.extract_strided_slice %dot_general3A_299 {offsets = [80, 0], sizes = [8, 2048], strides = [1, 1]} : vector<512x2048xf32> to vector<8x2048xf32>
        %min3A_318 = arith.minimumf %min3A_316, %slice3A_317 : vector<8x2048xf32>
        %slice3A_319 = vector.extract_strided_slice %dot_general3A_299 {offsets = [88, 0], sizes = [8, 2048], strides = [1, 1]} : vector<512x2048xf32> to vector<8x2048xf32>
        %min3A_320 = arith.minimumf %min3A_318, %slice3A_319 : vector<8x2048xf32>
        %slice3A_321 = vector.extract_strided_slice %dot_general3A_299 {offsets = [96, 0], sizes = [8, 2048], strides = [1, 1]} : vector<512x2048xf32> to vector<8x2048xf32>
        %min3A_322 = arith.minimumf %min3A_320, %slice3A_321 : vector<8x2048xf32>
        %slice3A_323 = vector.extract_strided_slice %dot_general3A_299 {offsets = [104, 0], sizes = [8, 2048], strides = [1, 1]} : vector<512x2048xf32> to vector<8x2048xf32>
        %min3A_324 = arith.minimumf %min3A_322, %slice3A_323 : vector<8x2048xf32>
        %slice3A_325 = vector.extract_strided_slice %dot_general3A_299 {offsets = [112, 0], sizes = [8, 2048], strides = [1, 1]} : vector<512x2048xf32> to vector<8x2048xf32>
        %min3A_326 = arith.minimumf %min3A_324, %slice3A_325 : vector<8x2048xf32>
        %slice3A_327 = vector.extract_strided_slice %dot_general3A_299 {offsets = [120, 0], sizes = [8, 2048], strides = [1, 1]} : vector<512x2048xf32> to vector<8x2048xf32>
        %min3A_328 = arith.minimumf %min3A_326, %slice3A_327 : vector<8x2048xf32>
        %slice3A_329 = vector.extract_strided_slice %dot_general3A_299 {offsets = [128, 0], sizes = [8, 2048], strides = [1, 1]} : vector<512x2048xf32> to vector<8x2048xf32>
        %min3A_330 = arith.minimumf %min3A_328, %slice3A_329 : vector<8x2048xf32>
        %slice3A_331 = vector.extract_strided_slice %dot_general3A_299 {offsets = [136, 0], sizes = [8, 2048], strides = [1, 1]} : vector<512x2048xf32> to vector<8x2048xf32>
        %min3A_332 = arith.minimumf %min3A_330, %slice3A_331 : vector<8x2048xf32>
        %slice3A_333 = vector.extract_strided_slice %dot_general3A_299 {offsets = [144, 0], sizes = [8, 2048], strides = [1, 1]} : vector<512x2048xf32> to vector<8x2048xf32>
        %min3A_334 = arith.minimumf %min3A_332, %slice3A_333 : vector<8x2048xf32>
        %slice3A_335 = vector.extract_strided_slice %dot_general3A_299 {offsets = [152, 0], sizes = [8, 2048], strides = [1, 1]} : vector<512x2048xf32> to vector<8x2048xf32>
        %min3A_336 = arith.minimumf %min3A_334, %slice3A_335 : vector<8x2048xf32>
        %slice3A_337 = vector.extract_strided_slice %dot_general3A_299 {offsets = [160, 0], sizes = [8, 2048], strides = [1, 1]} : vector<512x2048xf32> to vector<8x2048xf32>
        %min3A_338 = arith.minimumf %min3A_336, %slice3A_337 : vector<8x2048xf32>
        %slice3A_339 = vector.extract_strided_slice %dot_general3A_299 {offsets = [168, 0], sizes = [8, 2048], strides = [1, 1]} : vector<512x2048xf32> to vector<8x2048xf32>
        %min3A_340 = arith.minimumf %min3A_338, %slice3A_339 : vector<8x2048xf32>
        %slice3A_341 = vector.extract_strided_slice %dot_general3A_299 {offsets = [176, 0], sizes = [8, 2048], strides = [1, 1]} : vector<512x2048xf32> to vector<8x2048xf32>
        %min3A_342 = arith.minimumf %min3A_340, %slice3A_341 : vector<8x2048xf32>
        %slice3A_343 = vector.extract_strided_slice %dot_general3A_299 {offsets = [184, 0], sizes = [8, 2048], strides = [1, 1]} : vector<512x2048xf32> to vector<8x2048xf32>
        %min3A_344 = arith.minimumf %min3A_342, %slice3A_343 : vector<8x2048xf32>
        %slice3A_345 = vector.extract_strided_slice %dot_general3A_299 {offsets = [192, 0], sizes = [8, 2048], strides = [1, 1]} : vector<512x2048xf32> to vector<8x2048xf32>
        %min3A_346 = arith.minimumf %min3A_344, %slice3A_345 : vector<8x2048xf32>
        %slice3A_347 = vector.extract_strided_slice %dot_general3A_299 {offsets = [200, 0], sizes = [8, 2048], strides = [1, 1]} : vector<512x2048xf32> to vector<8x2048xf32>
        %min3A_348 = arith.minimumf %min3A_346, %slice3A_347 : vector<8x2048xf32>
        %slice3A_349 = vector.extract_strided_slice %dot_general3A_299 {offsets = [208, 0], sizes = [8, 2048], strides = [1, 1]} : vector<512x2048xf32> to vector<8x2048xf32>
        %min3A_350 = arith.minimumf %min3A_348, %slice3A_349 : vector<8x2048xf32>
        %slice3A_351 = vector.extract_strided_slice %dot_general3A_299 {offsets = [216, 0], sizes = [8, 2048], strides = [1, 1]} : vector<512x2048xf32> to vector<8x2048xf32>
        %min3A_352 = arith.minimumf %min3A_350, %slice3A_351 : vector<8x2048xf32>
        %slice3A_353 = vector.extract_strided_slice %dot_general3A_299 {offsets = [224, 0], sizes = [8, 2048], strides = [1, 1]} : vector<512x2048xf32> to vector<8x2048xf32>
        %min3A_354 = arith.minimumf %min3A_352, %slice3A_353 : vector<8x2048xf32>
        %slice3A_355 = vector.extract_strided_slice %dot_general3A_299 {offsets = [232, 0], sizes = [8, 2048], strides = [1, 1]} : vector<512x2048xf32> to vector<8x2048xf32>
        %min3A_356 = arith.minimumf %min3A_354, %slice3A_355 : vector<8x2048xf32>
        %slice3A_357 = vector.extract_strided_slice %dot_general3A_299 {offsets = [240, 0], sizes = [8, 2048], strides = [1, 1]} : vector<512x2048xf32> to vector<8x2048xf32>
        %min3A_358 = arith.minimumf %min3A_356, %slice3A_357 : vector<8x2048xf32>
        %slice3A_359 = vector.extract_strided_slice %dot_general3A_299 {offsets = [248, 0], sizes = [8, 2048], strides = [1, 1]} : vector<512x2048xf32> to vector<8x2048xf32>
        %min3A_360 = arith.minimumf %min3A_358, %slice3A_359 : vector<8x2048xf32>
        %slice3A_361 = vector.extract_strided_slice %dot_general3A_299 {offsets = [256, 0], sizes = [8, 2048], strides = [1, 1]} : vector<512x2048xf32> to vector<8x2048xf32>
        %min3A_362 = arith.minimumf %min3A_360, %slice3A_361 : vector<8x2048xf32>
        %slice3A_363 = vector.extract_strided_slice %dot_general3A_299 {offsets = [264, 0], sizes = [8, 2048], strides = [1, 1]} : vector<512x2048xf32> to vector<8x2048xf32>
        %min3A_364 = arith.minimumf %min3A_362, %slice3A_363 : vector<8x2048xf32>
        %slice3A_365 = vector.extract_strided_slice %dot_general3A_299 {offsets = [272, 0], sizes = [8, 2048], strides = [1, 1]} : vector<512x2048xf32> to vector<8x2048xf32>
        %min3A_366 = arith.minimumf %min3A_364, %slice3A_365 : vector<8x2048xf32>
        %slice3A_367 = vector.extract_strided_slice %dot_general3A_299 {offsets = [280, 0], sizes = [8, 2048], strides = [1, 1]} : vector<512x2048xf32> to vector<8x2048xf32>
        %min3A_368 = arith.minimumf %min3A_366, %slice3A_367 : vector<8x2048xf32>
        %slice3A_369 = vector.extract_strided_slice %dot_general3A_299 {offsets = [288, 0], sizes = [8, 2048], strides = [1, 1]} : vector<512x2048xf32> to vector<8x2048xf32>
        %min3A_370 = arith.minimumf %min3A_368, %slice3A_369 : vector<8x2048xf32>
        %slice3A_371 = vector.extract_strided_slice %dot_general3A_299 {offsets = [296, 0], sizes = [8, 2048], strides = [1, 1]} : vector<512x2048xf32> to vector<8x2048xf32>
        %min3A_372 = arith.minimumf %min3A_370, %slice3A_371 : vector<8x2048xf32>
        %slice3A_373 = vector.extract_strided_slice %dot_general3A_299 {offsets = [304, 0], sizes = [8, 2048], strides = [1, 1]} : vector<512x2048xf32> to vector<8x2048xf32>
        %min3A_374 = arith.minimumf %min3A_372, %slice3A_373 : vector<8x2048xf32>
        %slice3A_375 = vector.extract_strided_slice %dot_general3A_299 {offsets = [312, 0], sizes = [8, 2048], strides = [1, 1]} : vector<512x2048xf32> to vector<8x2048xf32>
        %min3A_376 = arith.minimumf %min3A_374, %slice3A_375 : vector<8x2048xf32>
        %slice3A_377 = vector.extract_strided_slice %dot_general3A_299 {offsets = [320, 0], sizes = [8, 2048], strides = [1, 1]} : vector<512x2048xf32> to vector<8x2048xf32>
        %min3A_378 = arith.minimumf %min3A_376, %slice3A_377 : vector<8x2048xf32>
        %slice3A_379 = vector.extract_strided_slice %dot_general3A_299 {offsets = [328, 0], sizes = [8, 2048], strides = [1, 1]} : vector<512x2048xf32> to vector<8x2048xf32>
        %min3A_380 = arith.minimumf %min3A_378, %slice3A_379 : vector<8x2048xf32>
        %slice3A_381 = vector.extract_strided_slice %dot_general3A_299 {offsets = [336, 0], sizes = [8, 2048], strides = [1, 1]} : vector<512x2048xf32> to vector<8x2048xf32>
        %min3A_382 = arith.minimumf %min3A_380, %slice3A_381 : vector<8x2048xf32>
        %slice3A_383 = vector.extract_strided_slice %dot_general3A_299 {offsets = [344, 0], sizes = [8, 2048], strides = [1, 1]} : vector<512x2048xf32> to vector<8x2048xf32>
        %min3A_384 = arith.minimumf %min3A_382, %slice3A_383 : vector<8x2048xf32>
        %slice3A_385 = vector.extract_strided_slice %dot_general3A_299 {offsets = [352, 0], sizes = [8, 2048], strides = [1, 1]} : vector<512x2048xf32> to vector<8x2048xf32>
        %min3A_386 = arith.minimumf %min3A_384, %slice3A_385 : vector<8x2048xf32>
        %slice3A_387 = vector.extract_strided_slice %dot_general3A_299 {offsets = [360, 0], sizes = [8, 2048], strides = [1, 1]} : vector<512x2048xf32> to vector<8x2048xf32>
        %min3A_388 = arith.minimumf %min3A_386, %slice3A_387 : vector<8x2048xf32>
        %slice3A_389 = vector.extract_strided_slice %dot_general3A_299 {offsets = [368, 0], sizes = [8, 2048], strides = [1, 1]} : vector<512x2048xf32> to vector<8x2048xf32>
        %min3A_390 = arith.minimumf %min3A_388, %slice3A_389 : vector<8x2048xf32>
        %slice3A_391 = vector.extract_strided_slice %dot_general3A_299 {offsets = [376, 0], sizes = [8, 2048], strides = [1, 1]} : vector<512x2048xf32> to vector<8x2048xf32>
        %min3A_392 = arith.minimumf %min3A_390, %slice3A_391 : vector<8x2048xf32>
        %slice3A_393 = vector.extract_strided_slice %dot_general3A_299 {offsets = [384, 0], sizes = [8, 2048], strides = [1, 1]} : vector<512x2048xf32> to vector<8x2048xf32>
        %min3A_394 = arith.minimumf %min3A_392, %slice3A_393 : vector<8x2048xf32>
        %slice3A_395 = vector.extract_strided_slice %dot_general3A_299 {offsets = [392, 0], sizes = [8, 2048], strides = [1, 1]} : vector<512x2048xf32> to vector<8x2048xf32>
        %min3A_396 = arith.minimumf %min3A_394, %slice3A_395 : vector<8x2048xf32>
        %slice3A_397 = vector.extract_strided_slice %dot_general3A_299 {offsets = [400, 0], sizes = [8, 2048], strides = [1, 1]} : vector<512x2048xf32> to vector<8x2048xf32>
        %min3A_398 = arith.minimumf %min3A_396, %slice3A_397 : vector<8x2048xf32>
        %slice3A_399 = vector.extract_strided_slice %dot_general3A_299 {offsets = [408, 0], sizes = [8, 2048], strides = [1, 1]} : vector<512x2048xf32> to vector<8x2048xf32>
        %min3A_400 = arith.minimumf %min3A_398, %slice3A_399 : vector<8x2048xf32>
        %slice3A_401 = vector.extract_strided_slice %dot_general3A_299 {offsets = [416, 0], sizes = [8, 2048], strides = [1, 1]} : vector<512x2048xf32> to vector<8x2048xf32>
        %min3A_402 = arith.minimumf %min3A_400, %slice3A_401 : vector<8x2048xf32>
        %slice3A_403 = vector.extract_strided_slice %dot_general3A_299 {offsets = [424, 0], sizes = [8, 2048], strides = [1, 1]} : vector<512x2048xf32> to vector<8x2048xf32>
        %min3A_404 = arith.minimumf %min3A_402, %slice3A_403 : vector<8x2048xf32>
        %slice3A_405 = vector.extract_strided_slice %dot_general3A_299 {offsets = [432, 0], sizes = [8, 2048], strides = [1, 1]} : vector<512x2048xf32> to vector<8x2048xf32>
        %min3A_406 = arith.minimumf %min3A_404, %slice3A_405 : vector<8x2048xf32>
        %slice3A_407 = vector.extract_strided_slice %dot_general3A_299 {offsets = [440, 0], sizes = [8, 2048], strides = [1, 1]} : vector<512x2048xf32> to vector<8x2048xf32>
        %min3A_408 = arith.minimumf %min3A_406, %slice3A_407 : vector<8x2048xf32>
        %slice3A_409 = vector.extract_strided_slice %dot_general3A_299 {offsets = [448, 0], sizes = [8, 2048], strides = [1, 1]} : vector<512x2048xf32> to vector<8x2048xf32>
        %min3A_410 = arith.minimumf %min3A_408, %slice3A_409 : vector<8x2048xf32>
        %slice3A_411 = vector.extract_strided_slice %dot_general3A_299 {offsets = [456, 0], sizes = [8, 2048], strides = [1, 1]} : vector<512x2048xf32> to vector<8x2048xf32>
        %min3A_412 = arith.minimumf %min3A_410, %slice3A_411 : vector<8x2048xf32>
        %slice3A_413 = vector.extract_strided_slice %dot_general3A_299 {offsets = [464, 0], sizes = [8, 2048], strides = [1, 1]} : vector<512x2048xf32> to vector<8x2048xf32>
        %min3A_414 = arith.minimumf %min3A_412, %slice3A_413 : vector<8x2048xf32>
        %slice3A_415 = vector.extract_strided_slice %dot_general3A_299 {offsets = [472, 0], sizes = [8, 2048], strides = [1, 1]} : vector<512x2048xf32> to vector<8x2048xf32>
        %min3A_416 = arith.minimumf %min3A_414, %slice3A_415 : vector<8x2048xf32>
        %slice3A_417 = vector.extract_strided_slice %dot_general3A_299 {offsets = [480, 0], sizes = [8, 2048], strides = [1, 1]} : vector<512x2048xf32> to vector<8x2048xf32>
        %min3A_418 = arith.minimumf %min3A_416, %slice3A_417 : vector<8x2048xf32>
        %slice3A_419 = vector.extract_strided_slice %dot_general3A_299 {offsets = [488, 0], sizes = [8, 2048], strides = [1, 1]} : vector<512x2048xf32> to vector<8x2048xf32>
        %min3A_420 = arith.minimumf %min3A_418, %slice3A_419 : vector<8x2048xf32>
        %slice3A_421 = vector.extract_strided_slice %dot_general3A_299 {offsets = [496, 0], sizes = [8, 2048], strides = [1, 1]} : vector<512x2048xf32> to vector<8x2048xf32>
        %min3A_422 = arith.minimumf %min3A_420, %slice3A_421 : vector<8x2048xf32>
        %slice3A_423 = vector.extract_strided_slice %dot_general3A_299 {offsets = [504, 0], sizes = [8, 2048], strides = [1, 1]} : vector<512x2048xf32> to vector<8x2048xf32>
        %min3A_424 = arith.minimumf %min3A_422, %slice3A_423 : vector<8x2048xf32>
        %get3A_425 = arith.constant 0 : index
        %get3A_426 = arith.constant 0 : index
        %get3A_427 = vector.load %arg7[%get3A_425, %get3A_426] : memref<8x8192xf32, #tpu.memory_space<vmem>>, vector<8x2048xf32>
        %min3A_428 = arith.minimumf %get3A_427, %min3A_424 : vector<8x2048xf32>
        %swap3A_429 = arith.constant 0 : index
        %swap3A_430 = arith.constant 0 : index
        %swap3A_431 = vector.load %arg7[%swap3A_429, %swap3A_430] : memref<8x8192xf32, #tpu.memory_space<vmem>>, vector<8x2048xf32>
        tpu.vector_store %arg7[%swap3A_429, %swap3A_430], %min3A_428 {strides = array<i32>} : memref<8x8192xf32, #tpu.memory_space<vmem>>, vector<8x2048xf32>,
        %slice3A_432 = vector.extract_strided_slice %dot_general3A_299 {offsets = [0, 0], sizes = [512, 128], strides = [1, 1]} : vector<512x2048xf32> to vector<512x128xf32>
        %slice3A_433 = vector.extract_strided_slice %dot_general3A_299 {offsets = [0, 128], sizes = [512, 128], strides = [1, 1]} : vector<512x2048xf32> to vector<512x128xf32>
        %min3A_434 = arith.minimumf %slice3A_432, %slice3A_433 : vector<512x128xf32>
        %slice3A_435 = vector.extract_strided_slice %dot_general3A_299 {offsets = [0, 256], sizes = [512, 128], strides = [1, 1]} : vector<512x2048xf32> to vector<512x128xf32>
        %min3A_436 = arith.minimumf %min3A_434, %slice3A_435 : vector<512x128xf32>
        %slice3A_437 = vector.extract_strided_slice %dot_general3A_299 {offsets = [0, 384], sizes = [512, 128], strides = [1, 1]} : vector<512x2048xf32> to vector<512x128xf32>
        %min3A_438 = arith.minimumf %min3A_436, %slice3A_437 : vector<512x128xf32>
        %slice3A_439 = vector.extract_strided_slice %dot_general3A_299 {offsets = [0, 512], sizes = [512, 128], strides = [1, 1]} : vector<512x2048xf32> to vector<512x128xf32>
        %min3A_440 = arith.minimumf %min3A_438, %slice3A_439 : vector<512x128xf32>
        %slice3A_441 = vector.extract_strided_slice %dot_general3A_299 {offsets = [0, 640], sizes = [512, 128], strides = [1, 1]} : vector<512x2048xf32> to vector<512x128xf32>
        %min3A_442 = arith.minimumf %min3A_440, %slice3A_441 : vector<512x128xf32>
        %slice3A_443 = vector.extract_strided_slice %dot_general3A_299 {offsets = [0, 768], sizes = [512, 128], strides = [1, 1]} : vector<512x2048xf32> to vector<512x128xf32>
        %min3A_444 = arith.minimumf %min3A_442, %slice3A_443 : vector<512x128xf32>
        %slice3A_445 = vector.extract_strided_slice %dot_general3A_299 {offsets = [0, 896], sizes = [512, 128], strides = [1, 1]} : vector<512x2048xf32> to vector<512x128xf32>
        %min3A_446 = arith.minimumf %min3A_444, %slice3A_445 : vector<512x128xf32>
        %slice3A_447 = vector.extract_strided_slice %dot_general3A_299 {offsets = [0, 1024], sizes = [512, 128], strides = [1, 1]} : vector<512x2048xf32> to vector<512x128xf32>
        %min3A_448 = arith.minimumf %min3A_446, %slice3A_447 : vector<512x128xf32>
        %slice3A_449 = vector.extract_strided_slice %dot_general3A_299 {offsets = [0, 1152], sizes = [512, 128], strides = [1, 1]} : vector<512x2048xf32> to vector<512x128xf32>
        %min3A_450 = arith.minimumf %min3A_448, %slice3A_449 : vector<512x128xf32>
        %slice3A_451 = vector.extract_strided_slice %dot_general3A_299 {offsets = [0, 1280], sizes = [512, 128], strides = [1, 1]} : vector<512x2048xf32> to vector<512x128xf32>
        %min3A_452 = arith.minimumf %min3A_450, %slice3A_451 : vector<512x128xf32>
        %slice3A_453 = vector.extract_strided_slice %dot_general3A_299 {offsets = [0, 1408], sizes = [512, 128], strides = [1, 1]} : vector<512x2048xf32> to vector<512x128xf32>
        %min3A_454 = arith.minimumf %min3A_452, %slice3A_453 : vector<512x128xf32>
        %slice3A_455 = vector.extract_strided_slice %dot_general3A_299 {offsets = [0, 1536], sizes = [512, 128], strides = [1, 1]} : vector<512x2048xf32> to vector<512x128xf32>
        %min3A_456 = arith.minimumf %min3A_454, %slice3A_455 : vector<512x128xf32>
        %slice3A_457 = vector.extract_strided_slice %dot_general3A_299 {offsets = [0, 1664], sizes = [512, 128], strides = [1, 1]} : vector<512x2048xf32> to vector<512x128xf32>
        %min3A_458 = arith.minimumf %min3A_456, %slice3A_457 : vector<512x128xf32>
        %slice3A_459 = vector.extract_strided_slice %dot_general3A_299 {offsets = [0, 1792], sizes = [512, 128], strides = [1, 1]} : vector<512x2048xf32> to vector<512x128xf32>
        %min3A_460 = arith.minimumf %min3A_458, %slice3A_459 : vector<512x128xf32>
        %slice3A_461 = vector.extract_strided_slice %dot_general3A_299 {offsets = [0, 1920], sizes = [512, 128], strides = [1, 1]} : vector<512x2048xf32> to vector<512x128xf32>
        %min3A_462 = arith.minimumf %min3A_460, %slice3A_461 : vector<512x128xf32>
        %get3A_463 = arith.constant 0 : index
        %get3A_464 = arith.constant 0 : index
        %get3A_465 = vector.load %arg8[%get3A_463, %get3A_464] : memref<512x128xf32, #tpu.memory_space<vmem>>, vector<512x128xf32>
        %min3A_466 = arith.minimumf %get3A_465, %min3A_462 : vector<512x128xf32>
        %swap3A_467 = arith.constant 0 : index
        %swap3A_468 = arith.constant 0 : index
        %swap3A_469 = vector.load %arg8[%swap3A_467, %swap3A_468] : memref<512x128xf32, #tpu.memory_space<vmem>>, vector<512x128xf32>
        tpu.vector_store %arg8[%swap3A_467, %swap3A_468], %min3A_466 {strides = array<i32>} : memref<512x128xf32, #tpu.memory_space<vmem>>, vector<512x128xf32>,
      } else {
      }
      %gt3A_255 = arith.constant 2048 : i32
      %gt3A_256 = arith.cmpi sgt, %get3A_19, %gt3A_255 : i32
      %convert_element_type3A_257 = arith.extui %gt3A_256 : i1 to i32
      %cond3A_258 = arith.constant 0 : i32
      %cond3A_259 = arith.cmpi ne, %convert_element_type3A_257, %cond3A_258 : i32
      scf.if %cond3A_259 {
        %get3A_296 = arith.constant 0 : index
        %get3A_297 = arith.constant 2048 : index
        %get3A_298 = vector.load %arg6[%get3A_296, %get3A_297] : memref<16x8192xbf16, #tpu.memory_space<vmem>>, vector<16x2048xbf16>
        %dot_general3A = arith.constant dense<0.000000e+00> : vector<512x2048xf32>
        %dot_general3A_299 = tpu.matmul %get3A_245, %get3A_298, %dot_general3A {dimension_numbers = #tpu.dot_dimension_numbers<[0], [0], [1], [1], [0, 1, 1, 1], [], []>, transpose_lhs_hint = false} : vector<16x512xbf16>, vector<16x2048xbf16>, vector<512x2048xf32> -> vector<512x2048xf32>
        %slice3A = vector.extract_strided_slice %dot_general3A_299 {offsets = [0, 0], sizes = [8, 2048], strides = [1, 1]} : vector<512x2048xf32> to vector<8x2048xf32>
        %slice3A_300 = vector.extract_strided_slice %dot_general3A_299 {offsets = [8, 0], sizes = [8, 2048], strides = [1, 1]} : vector<512x2048xf32> to vector<8x2048xf32>
        %min3A = arith.minimumf %slice3A, %slice3A_300 : vector<8x2048xf32>
        %slice3A_301 = vector.extract_strided_slice %dot_general3A_299 {offsets = [16, 0], sizes = [8, 2048], strides = [1, 1]} : vector<512x2048xf32> to vector<8x2048xf32>
        %min3A_302 = arith.minimumf %min3A, %slice3A_301 : vector<8x2048xf32>
        %slice3A_303 = vector.extract_strided_slice %dot_general3A_299 {offsets = [24, 0], sizes = [8, 2048], strides = [1, 1]} : vector<512x2048xf32> to vector<8x2048xf32>
        %min3A_304 = arith.minimumf %min3A_302, %slice3A_303 : vector<8x2048xf32>
        %slice3A_305 = vector.extract_strided_slice %dot_general3A_299 {offsets = [32, 0], sizes = [8, 2048], strides = [1, 1]} : vector<512x2048xf32> to vector<8x2048xf32>
        %min3A_306 = arith.minimumf %min3A_304, %slice3A_305 : vector<8x2048xf32>
        %slice3A_307 = vector.extract_strided_slice %dot_general3A_299 {offsets = [40, 0], sizes = [8, 2048], strides = [1, 1]} : vector<512x2048xf32> to vector<8x2048xf32>
        %min3A_308 = arith.minimumf %min3A_306, %slice3A_307 : vector<8x2048xf32>
        %slice3A_309 = vector.extract_strided_slice %dot_general3A_299 {offsets = [48, 0], sizes = [8, 2048], strides = [1, 1]} : vector<512x2048xf32> to vector<8x2048xf32>
        %min3A_310 = arith.minimumf %min3A_308, %slice3A_309 : vector<8x2048xf32>
        %slice3A_311 = vector.extract_strided_slice %dot_general3A_299 {offsets = [56, 0], sizes = [8, 2048], strides = [1, 1]} : vector<512x2048xf32> to vector<8x2048xf32>
        %min3A_312 = arith.minimumf %min3A_310, %slice3A_311 : vector<8x2048xf32>
        %slice3A_313 = vector.extract_strided_slice %dot_general3A_299 {offsets = [64, 0], sizes = [8, 2048], strides = [1, 1]} : vector<512x2048xf32> to vector<8x2048xf32>
        %min3A_314 = arith.minimumf %min3A_312, %slice3A_313 : vector<8x2048xf32>
        %slice3A_315 = vector.extract_strided_slice %dot_general3A_299 {offsets = [72, 0], sizes = [8, 2048], strides = [1, 1]} : vector<512x2048xf32> to vector<8x2048xf32>
        %min3A_316 = arith.minimumf %min3A_314, %slice3A_315 : vector<8x2048xf32>
        %slice3A_317 = vector.extract_strided_slice %dot_general3A_299 {offsets = [80, 0], sizes = [8, 2048], strides = [1, 1]} : vector<512x2048xf32> to vector<8x2048xf32>
        %min3A_318 = arith.minimumf %min3A_316, %slice3A_317 : vector<8x2048xf32>
        %slice3A_319 = vector.extract_strided_slice %dot_general3A_299 {offsets = [88, 0], sizes = [8, 2048], strides = [1, 1]} : vector<512x2048xf32> to vector<8x2048xf32>
        %min3A_320 = arith.minimumf %min3A_318, %slice3A_319 : vector<8x2048xf32>
        %slice3A_321 = vector.extract_strided_slice %dot_general3A_299 {offsets = [96, 0], sizes = [8, 2048], strides = [1, 1]} : vector<512x2048xf32> to vector<8x2048xf32>
        %min3A_322 = arith.minimumf %min3A_320, %slice3A_321 : vector<8x2048xf32>
        %slice3A_323 = vector.extract_strided_slice %dot_general3A_299 {offsets = [104, 0], sizes = [8, 2048], strides = [1, 1]} : vector<512x2048xf32> to vector<8x2048xf32>
        %min3A_324 = arith.minimumf %min3A_322, %slice3A_323 : vector<8x2048xf32>
        %slice3A_325 = vector.extract_strided_slice %dot_general3A_299 {offsets = [112, 0], sizes = [8, 2048], strides = [1, 1]} : vector<512x2048xf32> to vector<8x2048xf32>
        %min3A_326 = arith.minimumf %min3A_324, %slice3A_325 : vector<8x2048xf32>
        %slice3A_327 = vector.extract_strided_slice %dot_general3A_299 {offsets = [120, 0], sizes = [8, 2048], strides = [1, 1]} : vector<512x2048xf32> to vector<8x2048xf32>
        %min3A_328 = arith.minimumf %min3A_326, %slice3A_327 : vector<8x2048xf32>
        %slice3A_329 = vector.extract_strided_slice %dot_general3A_299 {offsets = [128, 0], sizes = [8, 2048], strides = [1, 1]} : vector<512x2048xf32> to vector<8x2048xf32>
        %min3A_330 = arith.minimumf %min3A_328, %slice3A_329 : vector<8x2048xf32>
        %slice3A_331 = vector.extract_strided_slice %dot_general3A_299 {offsets = [136, 0], sizes = [8, 2048], strides = [1, 1]} : vector<512x2048xf32> to vector<8x2048xf32>
        %min3A_332 = arith.minimumf %min3A_330, %slice3A_331 : vector<8x2048xf32>
        %slice3A_333 = vector.extract_strided_slice %dot_general3A_299 {offsets = [144, 0], sizes = [8, 2048], strides = [1, 1]} : vector<512x2048xf32> to vector<8x2048xf32>
        %min3A_334 = arith.minimumf %min3A_332, %slice3A_333 : vector<8x2048xf32>
        %slice3A_335 = vector.extract_strided_slice %dot_general3A_299 {offsets = [152, 0], sizes = [8, 2048], strides = [1, 1]} : vector<512x2048xf32> to vector<8x2048xf32>
        %min3A_336 = arith.minimumf %min3A_334, %slice3A_335 : vector<8x2048xf32>
        %slice3A_337 = vector.extract_strided_slice %dot_general3A_299 {offsets = [160, 0], sizes = [8, 2048], strides = [1, 1]} : vector<512x2048xf32> to vector<8x2048xf32>
        %min3A_338 = arith.minimumf %min3A_336, %slice3A_337 : vector<8x2048xf32>
        %slice3A_339 = vector.extract_strided_slice %dot_general3A_299 {offsets = [168, 0], sizes = [8, 2048], strides = [1, 1]} : vector<512x2048xf32> to vector<8x2048xf32>
        %min3A_340 = arith.minimumf %min3A_338, %slice3A_339 : vector<8x2048xf32>
        %slice3A_341 = vector.extract_strided_slice %dot_general3A_299 {offsets = [176, 0], sizes = [8, 2048], strides = [1, 1]} : vector<512x2048xf32> to vector<8x2048xf32>
        %min3A_342 = arith.minimumf %min3A_340, %slice3A_341 : vector<8x2048xf32>
        %slice3A_343 = vector.extract_strided_slice %dot_general3A_299 {offsets = [184, 0], sizes = [8, 2048], strides = [1, 1]} : vector<512x2048xf32> to vector<8x2048xf32>
        %min3A_344 = arith.minimumf %min3A_342, %slice3A_343 : vector<8x2048xf32>
        %slice3A_345 = vector.extract_strided_slice %dot_general3A_299 {offsets = [192, 0], sizes = [8, 2048], strides = [1, 1]} : vector<512x2048xf32> to vector<8x2048xf32>
        %min3A_346 = arith.minimumf %min3A_344, %slice3A_345 : vector<8x2048xf32>
        %slice3A_347 = vector.extract_strided_slice %dot_general3A_299 {offsets = [200, 0], sizes = [8, 2048], strides = [1, 1]} : vector<512x2048xf32> to vector<8x2048xf32>
        %min3A_348 = arith.minimumf %min3A_346, %slice3A_347 : vector<8x2048xf32>
        %slice3A_349 = vector.extract_strided_slice %dot_general3A_299 {offsets = [208, 0], sizes = [8, 2048], strides = [1, 1]} : vector<512x2048xf32> to vector<8x2048xf32>
        %min3A_350 = arith.minimumf %min3A_348, %slice3A_349 : vector<8x2048xf32>
        %slice3A_351 = vector.extract_strided_slice %dot_general3A_299 {offsets = [216, 0], sizes = [8, 2048], strides = [1, 1]} : vector<512x2048xf32> to vector<8x2048xf32>
        %min3A_352 = arith.minimumf %min3A_350, %slice3A_351 : vector<8x2048xf32>
        %slice3A_353 = vector.extract_strided_slice %dot_general3A_299 {offsets = [224, 0], sizes = [8, 2048], strides = [1, 1]} : vector<512x2048xf32> to vector<8x2048xf32>
        %min3A_354 = arith.minimumf %min3A_352, %slice3A_353 : vector<8x2048xf32>
        %slice3A_355 = vector.extract_strided_slice %dot_general3A_299 {offsets = [232, 0], sizes = [8, 2048], strides = [1, 1]} : vector<512x2048xf32> to vector<8x2048xf32>
        %min3A_356 = arith.minimumf %min3A_354, %slice3A_355 : vector<8x2048xf32>
        %slice3A_357 = vector.extract_strided_slice %dot_general3A_299 {offsets = [240, 0], sizes = [8, 2048], strides = [1, 1]} : vector<512x2048xf32> to vector<8x2048xf32>
        %min3A_358 = arith.minimumf %min3A_356, %slice3A_357 : vector<8x2048xf32>
        %slice3A_359 = vector.extract_strided_slice %dot_general3A_299 {offsets = [248, 0], sizes = [8, 2048], strides = [1, 1]} : vector<512x2048xf32> to vector<8x2048xf32>
        %min3A_360 = arith.minimumf %min3A_358, %slice3A_359 : vector<8x2048xf32>
        %slice3A_361 = vector.extract_strided_slice %dot_general3A_299 {offsets = [256, 0], sizes = [8, 2048], strides = [1, 1]} : vector<512x2048xf32> to vector<8x2048xf32>
        %min3A_362 = arith.minimumf %min3A_360, %slice3A_361 : vector<8x2048xf32>
        %slice3A_363 = vector.extract_strided_slice %dot_general3A_299 {offsets = [264, 0], sizes = [8, 2048], strides = [1, 1]} : vector<512x2048xf32> to vector<8x2048xf32>
        %min3A_364 = arith.minimumf %min3A_362, %slice3A_363 : vector<8x2048xf32>
        %slice3A_365 = vector.extract_strided_slice %dot_general3A_299 {offsets = [272, 0], sizes = [8, 2048], strides = [1, 1]} : vector<512x2048xf32> to vector<8x2048xf32>
        %min3A_366 = arith.minimumf %min3A_364, %slice3A_365 : vector<8x2048xf32>
        %slice3A_367 = vector.extract_strided_slice %dot_general3A_299 {offsets = [280, 0], sizes = [8, 2048], strides = [1, 1]} : vector<512x2048xf32> to vector<8x2048xf32>
        %min3A_368 = arith.minimumf %min3A_366, %slice3A_367 : vector<8x2048xf32>
        %slice3A_369 = vector.extract_strided_slice %dot_general3A_299 {offsets = [288, 0], sizes = [8, 2048], strides = [1, 1]} : vector<512x2048xf32> to vector<8x2048xf32>
        %min3A_370 = arith.minimumf %min3A_368, %slice3A_369 : vector<8x2048xf32>
        %slice3A_371 = vector.extract_strided_slice %dot_general3A_299 {offsets = [296, 0], sizes = [8, 2048], strides = [1, 1]} : vector<512x2048xf32> to vector<8x2048xf32>
        %min3A_372 = arith.minimumf %min3A_370, %slice3A_371 : vector<8x2048xf32>
        %slice3A_373 = vector.extract_strided_slice %dot_general3A_299 {offsets = [304, 0], sizes = [8, 2048], strides = [1, 1]} : vector<512x2048xf32> to vector<8x2048xf32>
        %min3A_374 = arith.minimumf %min3A_372, %slice3A_373 : vector<8x2048xf32>
        %slice3A_375 = vector.extract_strided_slice %dot_general3A_299 {offsets = [312, 0], sizes = [8, 2048], strides = [1, 1]} : vector<512x2048xf32> to vector<8x2048xf32>
        %min3A_376 = arith.minimumf %min3A_374, %slice3A_375 : vector<8x2048xf32>
        %slice3A_377 = vector.extract_strided_slice %dot_general3A_299 {offsets = [320, 0], sizes = [8, 2048], strides = [1, 1]} : vector<512x2048xf32> to vector<8x2048xf32>
        %min3A_378 = arith.minimumf %min3A_376, %slice3A_377 : vector<8x2048xf32>
        %slice3A_379 = vector.extract_strided_slice %dot_general3A_299 {offsets = [328, 0], sizes = [8, 2048], strides = [1, 1]} : vector<512x2048xf32> to vector<8x2048xf32>
        %min3A_380 = arith.minimumf %min3A_378, %slice3A_379 : vector<8x2048xf32>
        %slice3A_381 = vector.extract_strided_slice %dot_general3A_299 {offsets = [336, 0], sizes = [8, 2048], strides = [1, 1]} : vector<512x2048xf32> to vector<8x2048xf32>
        %min3A_382 = arith.minimumf %min3A_380, %slice3A_381 : vector<8x2048xf32>
        %slice3A_383 = vector.extract_strided_slice %dot_general3A_299 {offsets = [344, 0], sizes = [8, 2048], strides = [1, 1]} : vector<512x2048xf32> to vector<8x2048xf32>
        %min3A_384 = arith.minimumf %min3A_382, %slice3A_383 : vector<8x2048xf32>
        %slice3A_385 = vector.extract_strided_slice %dot_general3A_299 {offsets = [352, 0], sizes = [8, 2048], strides = [1, 1]} : vector<512x2048xf32> to vector<8x2048xf32>
        %min3A_386 = arith.minimumf %min3A_384, %slice3A_385 : vector<8x2048xf32>
        %slice3A_387 = vector.extract_strided_slice %dot_general3A_299 {offsets = [360, 0], sizes = [8, 2048], strides = [1, 1]} : vector<512x2048xf32> to vector<8x2048xf32>
        %min3A_388 = arith.minimumf %min3A_386, %slice3A_387 : vector<8x2048xf32>
        %slice3A_389 = vector.extract_strided_slice %dot_general3A_299 {offsets = [368, 0], sizes = [8, 2048], strides = [1, 1]} : vector<512x2048xf32> to vector<8x2048xf32>
        %min3A_390 = arith.minimumf %min3A_388, %slice3A_389 : vector<8x2048xf32>
        %slice3A_391 = vector.extract_strided_slice %dot_general3A_299 {offsets = [376, 0], sizes = [8, 2048], strides = [1, 1]} : vector<512x2048xf32> to vector<8x2048xf32>
        %min3A_392 = arith.minimumf %min3A_390, %slice3A_391 : vector<8x2048xf32>
        %slice3A_393 = vector.extract_strided_slice %dot_general3A_299 {offsets = [384, 0], sizes = [8, 2048], strides = [1, 1]} : vector<512x2048xf32> to vector<8x2048xf32>
        %min3A_394 = arith.minimumf %min3A_392, %slice3A_393 : vector<8x2048xf32>
        %slice3A_395 = vector.extract_strided_slice %dot_general3A_299 {offsets = [392, 0], sizes = [8, 2048], strides = [1, 1]} : vector<512x2048xf32> to vector<8x2048xf32>
        %min3A_396 = arith.minimumf %min3A_394, %slice3A_395 : vector<8x2048xf32>
        %slice3A_397 = vector.extract_strided_slice %dot_general3A_299 {offsets = [400, 0], sizes = [8, 2048], strides = [1, 1]} : vector<512x2048xf32> to vector<8x2048xf32>
        %min3A_398 = arith.minimumf %min3A_396, %slice3A_397 : vector<8x2048xf32>
        %slice3A_399 = vector.extract_strided_slice %dot_general3A_299 {offsets = [408, 0], sizes = [8, 2048], strides = [1, 1]} : vector<512x2048xf32> to vector<8x2048xf32>
        %min3A_400 = arith.minimumf %min3A_398, %slice3A_399 : vector<8x2048xf32>
        %slice3A_401 = vector.extract_strided_slice %dot_general3A_299 {offsets = [416, 0], sizes = [8, 2048], strides = [1, 1]} : vector<512x2048xf32> to vector<8x2048xf32>
        %min3A_402 = arith.minimumf %min3A_400, %slice3A_401 : vector<8x2048xf32>
        %slice3A_403 = vector.extract_strided_slice %dot_general3A_299 {offsets = [424, 0], sizes = [8, 2048], strides = [1, 1]} : vector<512x2048xf32> to vector<8x2048xf32>
        %min3A_404 = arith.minimumf %min3A_402, %slice3A_403 : vector<8x2048xf32>
        %slice3A_405 = vector.extract_strided_slice %dot_general3A_299 {offsets = [432, 0], sizes = [8, 2048], strides = [1, 1]} : vector<512x2048xf32> to vector<8x2048xf32>
        %min3A_406 = arith.minimumf %min3A_404, %slice3A_405 : vector<8x2048xf32>
        %slice3A_407 = vector.extract_strided_slice %dot_general3A_299 {offsets = [440, 0], sizes = [8, 2048], strides = [1, 1]} : vector<512x2048xf32> to vector<8x2048xf32>
        %min3A_408 = arith.minimumf %min3A_406, %slice3A_407 : vector<8x2048xf32>
        %slice3A_409 = vector.extract_strided_slice %dot_general3A_299 {offsets = [448, 0], sizes = [8, 2048], strides = [1, 1]} : vector<512x2048xf32> to vector<8x2048xf32>
        %min3A_410 = arith.minimumf %min3A_408, %slice3A_409 : vector<8x2048xf32>
        %slice3A_411 = vector.extract_strided_slice %dot_general3A_299 {offsets = [456, 0], sizes = [8, 2048], strides = [1, 1]} : vector<512x2048xf32> to vector<8x2048xf32>
        %min3A_412 = arith.minimumf %min3A_410, %slice3A_411 : vector<8x2048xf32>
        %slice3A_413 = vector.extract_strided_slice %dot_general3A_299 {offsets = [464, 0], sizes = [8, 2048], strides = [1, 1]} : vector<512x2048xf32> to vector<8x2048xf32>
        %min3A_414 = arith.minimumf %min3A_412, %slice3A_413 : vector<8x2048xf32>
        %slice3A_415 = vector.extract_strided_slice %dot_general3A_299 {offsets = [472, 0], sizes = [8, 2048], strides = [1, 1]} : vector<512x2048xf32> to vector<8x2048xf32>
        %min3A_416 = arith.minimumf %min3A_414, %slice3A_415 : vector<8x2048xf32>
        %slice3A_417 = vector.extract_strided_slice %dot_general3A_299 {offsets = [480, 0], sizes = [8, 2048], strides = [1, 1]} : vector<512x2048xf32> to vector<8x2048xf32>
        %min3A_418 = arith.minimumf %min3A_416, %slice3A_417 : vector<8x2048xf32>
        %slice3A_419 = vector.extract_strided_slice %dot_general3A_299 {offsets = [488, 0], sizes = [8, 2048], strides = [1, 1]} : vector<512x2048xf32> to vector<8x2048xf32>
        %min3A_420 = arith.minimumf %min3A_418, %slice3A_419 : vector<8x2048xf32>
        %slice3A_421 = vector.extract_strided_slice %dot_general3A_299 {offsets = [496, 0], sizes = [8, 2048], strides = [1, 1]} : vector<512x2048xf32> to vector<8x2048xf32>
        %min3A_422 = arith.minimumf %min3A_420, %slice3A_421 : vector<8x2048xf32>
        %slice3A_423 = vector.extract_strided_slice %dot_general3A_299 {offsets = [504, 0], sizes = [8, 2048], strides = [1, 1]} : vector<512x2048xf32> to vector<8x2048xf32>
        %min3A_424 = arith.minimumf %min3A_422, %slice3A_423 : vector<8x2048xf32>
        %get3A_425 = arith.constant 0 : index
        %get3A_426 = arith.constant 2048 : index
        %get3A_427 = vector.load %arg7[%get3A_425, %get3A_426] : memref<8x8192xf32, #tpu.memory_space<vmem>>, vector<8x2048xf32>
        %min3A_428 = arith.minimumf %get3A_427, %min3A_424 : vector<8x2048xf32>
        %swap3A_429 = arith.constant 0 : index
        %swap3A_430 = arith.constant 2048 : index
        %swap3A_431 = vector.load %arg7[%swap3A_429, %swap3A_430] : memref<8x8192xf32, #tpu.memory_space<vmem>>, vector<8x2048xf32>
        tpu.vector_store %arg7[%swap3A_429, %swap3A_430], %min3A_428 {strides = array<i32>} : memref<8x8192xf32, #tpu.memory_space<vmem>>, vector<8x2048xf32>,
        %slice3A_432 = vector.extract_strided_slice %dot_general3A_299 {offsets = [0, 0], sizes = [512, 128], strides = [1, 1]} : vector<512x2048xf32> to vector<512x128xf32>
        %slice3A_433 = vector.extract_strided_slice %dot_general3A_299 {offsets = [0, 128], sizes = [512, 128], strides = [1, 1]} : vector<512x2048xf32> to vector<512x128xf32>
        %min3A_434 = arith.minimumf %slice3A_432, %slice3A_433 : vector<512x128xf32>
        %slice3A_435 = vector.extract_strided_slice %dot_general3A_299 {offsets = [0, 256], sizes = [512, 128], strides = [1, 1]} : vector<512x2048xf32> to vector<512x128xf32>
        %min3A_436 = arith.minimumf %min3A_434, %slice3A_435 : vector<512x128xf32>
        %slice3A_437 = vector.extract_strided_slice %dot_general3A_299 {offsets = [0, 384], sizes = [512, 128], strides = [1, 1]} : vector<512x2048xf32> to vector<512x128xf32>
        %min3A_438 = arith.minimumf %min3A_436, %slice3A_437 : vector<512x128xf32>
        %slice3A_439 = vector.extract_strided_slice %dot_general3A_299 {offsets = [0, 512], sizes = [512, 128], strides = [1, 1]} : vector<512x2048xf32> to vector<512x128xf32>
        %min3A_440 = arith.minimumf %min3A_438, %slice3A_439 : vector<512x128xf32>
        %slice3A_441 = vector.extract_strided_slice %dot_general3A_299 {offsets = [0, 640], sizes = [512, 128], strides = [1, 1]} : vector<512x2048xf32> to vector<512x128xf32>
        %min3A_442 = arith.minimumf %min3A_440, %slice3A_441 : vector<512x128xf32>
        %slice3A_443 = vector.extract_strided_slice %dot_general3A_299 {offsets = [0, 768], sizes = [512, 128], strides = [1, 1]} : vector<512x2048xf32> to vector<512x128xf32>
        %min3A_444 = arith.minimumf %min3A_442, %slice3A_443 : vector<512x128xf32>
        %slice3A_445 = vector.extract_strided_slice %dot_general3A_299 {offsets = [0, 896], sizes = [512, 128], strides = [1, 1]} : vector<512x2048xf32> to vector<512x128xf32>
        %min3A_446 = arith.minimumf %min3A_444, %slice3A_445 : vector<512x128xf32>
        %slice3A_447 = vector.extract_strided_slice %dot_general3A_299 {offsets = [0, 1024], sizes = [512, 128], strides = [1, 1]} : vector<512x2048xf32> to vector<512x128xf32>
        %min3A_448 = arith.minimumf %min3A_446, %slice3A_447 : vector<512x128xf32>
        %slice3A_449 = vector.extract_strided_slice %dot_general3A_299 {offsets = [0, 1152], sizes = [512, 128], strides = [1, 1]} : vector<512x2048xf32> to vector<512x128xf32>
        %min3A_450 = arith.minimumf %min3A_448, %slice3A_449 : vector<512x128xf32>
        %slice3A_451 = vector.extract_strided_slice %dot_general3A_299 {offsets = [0, 1280], sizes = [512, 128], strides = [1, 1]} : vector<512x2048xf32> to vector<512x128xf32>
        %min3A_452 = arith.minimumf %min3A_450, %slice3A_451 : vector<512x128xf32>
        %slice3A_453 = vector.extract_strided_slice %dot_general3A_299 {offsets = [0, 1408], sizes = [512, 128], strides = [1, 1]} : vector<512x2048xf32> to vector<512x128xf32>
        %min3A_454 = arith.minimumf %min3A_452, %slice3A_453 : vector<512x128xf32>
        %slice3A_455 = vector.extract_strided_slice %dot_general3A_299 {offsets = [0, 1536], sizes = [512, 128], strides = [1, 1]} : vector<512x2048xf32> to vector<512x128xf32>
        %min3A_456 = arith.minimumf %min3A_454, %slice3A_455 : vector<512x128xf32>
        %slice3A_457 = vector.extract_strided_slice %dot_general3A_299 {offsets = [0, 1664], sizes = [512, 128], strides = [1, 1]} : vector<512x2048xf32> to vector<512x128xf32>
        %min3A_458 = arith.minimumf %min3A_456, %slice3A_457 : vector<512x128xf32>
        %slice3A_459 = vector.extract_strided_slice %dot_general3A_299 {offsets = [0, 1792], sizes = [512, 128], strides = [1, 1]} : vector<512x2048xf32> to vector<512x128xf32>
        %min3A_460 = arith.minimumf %min3A_458, %slice3A_459 : vector<512x128xf32>
        %slice3A_461 = vector.extract_strided_slice %dot_general3A_299 {offsets = [0, 1920], sizes = [512, 128], strides = [1, 1]} : vector<512x2048xf32> to vector<512x128xf32>
        %min3A_462 = arith.minimumf %min3A_460, %slice3A_461 : vector<512x128xf32>
        %get3A_463 = arith.constant 0 : index
        %get3A_464 = arith.constant 0 : index
        %get3A_465 = vector.load %arg8[%get3A_463, %get3A_464] : memref<512x128xf32, #tpu.memory_space<vmem>>, vector<512x128xf32>
        %min3A_466 = arith.minimumf %get3A_465, %min3A_462 : vector<512x128xf32>
        %swap3A_467 = arith.constant 0 : index
        %swap3A_468 = arith.constant 0 : index
        %swap3A_469 = vector.load %arg8[%swap3A_467, %swap3A_468] : memref<512x128xf32, #tpu.memory_space<vmem>>, vector<512x128xf32>
        tpu.vector_store %arg8[%swap3A_467, %swap3A_468], %min3A_466 {strides = array<i32>} : memref<512x128xf32, #tpu.memory_space<vmem>>, vector<512x128xf32>,
      } else {
      }
      %gt3A_260 = arith.constant 0 : i32
      %gt3A_261 = arith.cmpi sgt, %get3A_28, %gt3A_260 : i32
      %convert_element_type3A_262 = arith.extui %gt3A_261 : i1 to i32
      %cond3A_263 = arith.constant 0 : i32
      %cond3A_264 = arith.cmpi ne, %convert_element_type3A_262, %cond3A_263 : i32
      scf.if %cond3A_264 {
        %get3A_296 = arith.constant 0 : index
        %get3A_297 = arith.constant 4096 : index
        %get3A_298 = vector.load %arg6[%get3A_296, %get3A_297] : memref<16x8192xbf16, #tpu.memory_space<vmem>>, vector<16x2048xbf16>
        %dot_general3A = arith.constant dense<0.000000e+00> : vector<512x2048xf32>
        %dot_general3A_299 = tpu.matmul %get3A_245, %get3A_298, %dot_general3A {dimension_numbers = #tpu.dot_dimension_numbers<[0], [0], [1], [1], [0, 1, 1, 1], [], []>, transpose_lhs_hint = false} : vector<16x512xbf16>, vector<16x2048xbf16>, vector<512x2048xf32> -> vector<512x2048xf32>
        %slice3A = vector.extract_strided_slice %dot_general3A_299 {offsets = [0, 0], sizes = [8, 2048], strides = [1, 1]} : vector<512x2048xf32> to vector<8x2048xf32>
        %slice3A_300 = vector.extract_strided_slice %dot_general3A_299 {offsets = [8, 0], sizes = [8, 2048], strides = [1, 1]} : vector<512x2048xf32> to vector<8x2048xf32>
        %min3A = arith.minimumf %slice3A, %slice3A_300 : vector<8x2048xf32>
        %slice3A_301 = vector.extract_strided_slice %dot_general3A_299 {offsets = [16, 0], sizes = [8, 2048], strides = [1, 1]} : vector<512x2048xf32> to vector<8x2048xf32>
        %min3A_302 = arith.minimumf %min3A, %slice3A_301 : vector<8x2048xf32>
        %slice3A_303 = vector.extract_strided_slice %dot_general3A_299 {offsets = [24, 0], sizes = [8, 2048], strides = [1, 1]} : vector<512x2048xf32> to vector<8x2048xf32>
        %min3A_304 = arith.minimumf %min3A_302, %slice3A_303 : vector<8x2048xf32>
        %slice3A_305 = vector.extract_strided_slice %dot_general3A_299 {offsets = [32, 0], sizes = [8, 2048], strides = [1, 1]} : vector<512x2048xf32> to vector<8x2048xf32>
        %min3A_306 = arith.minimumf %min3A_304, %slice3A_305 : vector<8x2048xf32>
        %slice3A_307 = vector.extract_strided_slice %dot_general3A_299 {offsets = [40, 0], sizes = [8, 2048], strides = [1, 1]} : vector<512x2048xf32> to vector<8x2048xf32>
        %min3A_308 = arith.minimumf %min3A_306, %slice3A_307 : vector<8x2048xf32>
        %slice3A_309 = vector.extract_strided_slice %dot_general3A_299 {offsets = [48, 0], sizes = [8, 2048], strides = [1, 1]} : vector<512x2048xf32> to vector<8x2048xf32>
        %min3A_310 = arith.minimumf %min3A_308, %slice3A_309 : vector<8x2048xf32>
        %slice3A_311 = vector.extract_strided_slice %dot_general3A_299 {offsets = [56, 0], sizes = [8, 2048], strides = [1, 1]} : vector<512x2048xf32> to vector<8x2048xf32>
        %min3A_312 = arith.minimumf %min3A_310, %slice3A_311 : vector<8x2048xf32>
        %slice3A_313 = vector.extract_strided_slice %dot_general3A_299 {offsets = [64, 0], sizes = [8, 2048], strides = [1, 1]} : vector<512x2048xf32> to vector<8x2048xf32>
        %min3A_314 = arith.minimumf %min3A_312, %slice3A_313 : vector<8x2048xf32>
        %slice3A_315 = vector.extract_strided_slice %dot_general3A_299 {offsets = [72, 0], sizes = [8, 2048], strides = [1, 1]} : vector<512x2048xf32> to vector<8x2048xf32>
        %min3A_316 = arith.minimumf %min3A_314, %slice3A_315 : vector<8x2048xf32>
        %slice3A_317 = vector.extract_strided_slice %dot_general3A_299 {offsets = [80, 0], sizes = [8, 2048], strides = [1, 1]} : vector<512x2048xf32> to vector<8x2048xf32>
        %min3A_318 = arith.minimumf %min3A_316, %slice3A_317 : vector<8x2048xf32>
        %slice3A_319 = vector.extract_strided_slice %dot_general3A_299 {offsets = [88, 0], sizes = [8, 2048], strides = [1, 1]} : vector<512x2048xf32> to vector<8x2048xf32>
        %min3A_320 = arith.minimumf %min3A_318, %slice3A_319 : vector<8x2048xf32>
        %slice3A_321 = vector.extract_strided_slice %dot_general3A_299 {offsets = [96, 0], sizes = [8, 2048], strides = [1, 1]} : vector<512x2048xf32> to vector<8x2048xf32>
        %min3A_322 = arith.minimumf %min3A_320, %slice3A_321 : vector<8x2048xf32>
        %slice3A_323 = vector.extract_strided_slice %dot_general3A_299 {offsets = [104, 0], sizes = [8, 2048], strides = [1, 1]} : vector<512x2048xf32> to vector<8x2048xf32>
        %min3A_324 = arith.minimumf %min3A_322, %slice3A_323 : vector<8x2048xf32>
        %slice3A_325 = vector.extract_strided_slice %dot_general3A_299 {offsets = [112, 0], sizes = [8, 2048], strides = [1, 1]} : vector<512x2048xf32> to vector<8x2048xf32>
        %min3A_326 = arith.minimumf %min3A_324, %slice3A_325 : vector<8x2048xf32>
        %slice3A_327 = vector.extract_strided_slice %dot_general3A_299 {offsets = [120, 0], sizes = [8, 2048], strides = [1, 1]} : vector<512x2048xf32> to vector<8x2048xf32>
        %min3A_328 = arith.minimumf %min3A_326, %slice3A_327 : vector<8x2048xf32>
        %slice3A_329 = vector.extract_strided_slice %dot_general3A_299 {offsets = [128, 0], sizes = [8, 2048], strides = [1, 1]} : vector<512x2048xf32> to vector<8x2048xf32>
        %min3A_330 = arith.minimumf %min3A_328, %slice3A_329 : vector<8x2048xf32>
        %slice3A_331 = vector.extract_strided_slice %dot_general3A_299 {offsets = [136, 0], sizes = [8, 2048], strides = [1, 1]} : vector<512x2048xf32> to vector<8x2048xf32>
        %min3A_332 = arith.minimumf %min3A_330, %slice3A_331 : vector<8x2048xf32>
        %slice3A_333 = vector.extract_strided_slice %dot_general3A_299 {offsets = [144, 0], sizes = [8, 2048], strides = [1, 1]} : vector<512x2048xf32> to vector<8x2048xf32>
        %min3A_334 = arith.minimumf %min3A_332, %slice3A_333 : vector<8x2048xf32>
        %slice3A_335 = vector.extract_strided_slice %dot_general3A_299 {offsets = [152, 0], sizes = [8, 2048], strides = [1, 1]} : vector<512x2048xf32> to vector<8x2048xf32>
        %min3A_336 = arith.minimumf %min3A_334, %slice3A_335 : vector<8x2048xf32>
        %slice3A_337 = vector.extract_strided_slice %dot_general3A_299 {offsets = [160, 0], sizes = [8, 2048], strides = [1, 1]} : vector<512x2048xf32> to vector<8x2048xf32>
        %min3A_338 = arith.minimumf %min3A_336, %slice3A_337 : vector<8x2048xf32>
        %slice3A_339 = vector.extract_strided_slice %dot_general3A_299 {offsets = [168, 0], sizes = [8, 2048], strides = [1, 1]} : vector<512x2048xf32> to vector<8x2048xf32>
        %min3A_340 = arith.minimumf %min3A_338, %slice3A_339 : vector<8x2048xf32>
        %slice3A_341 = vector.extract_strided_slice %dot_general3A_299 {offsets = [176, 0], sizes = [8, 2048], strides = [1, 1]} : vector<512x2048xf32> to vector<8x2048xf32>
        %min3A_342 = arith.minimumf %min3A_340, %slice3A_341 : vector<8x2048xf32>
        %slice3A_343 = vector.extract_strided_slice %dot_general3A_299 {offsets = [184, 0], sizes = [8, 2048], strides = [1, 1]} : vector<512x2048xf32> to vector<8x2048xf32>
        %min3A_344 = arith.minimumf %min3A_342, %slice3A_343 : vector<8x2048xf32>
        %slice3A_345 = vector.extract_strided_slice %dot_general3A_299 {offsets = [192, 0], sizes = [8, 2048], strides = [1, 1]} : vector<512x2048xf32> to vector<8x2048xf32>
        %min3A_346 = arith.minimumf %min3A_344, %slice3A_345 : vector<8x2048xf32>
        %slice3A_347 = vector.extract_strided_slice %dot_general3A_299 {offsets = [200, 0], sizes = [8, 2048], strides = [1, 1]} : vector<512x2048xf32> to vector<8x2048xf32>
        %min3A_348 = arith.minimumf %min3A_346, %slice3A_347 : vector<8x2048xf32>
        %slice3A_349 = vector.extract_strided_slice %dot_general3A_299 {offsets = [208, 0], sizes = [8, 2048], strides = [1, 1]} : vector<512x2048xf32> to vector<8x2048xf32>
        %min3A_350 = arith.minimumf %min3A_348, %slice3A_349 : vector<8x2048xf32>
        %slice3A_351 = vector.extract_strided_slice %dot_general3A_299 {offsets = [216, 0], sizes = [8, 2048], strides = [1, 1]} : vector<512x2048xf32> to vector<8x2048xf32>
        %min3A_352 = arith.minimumf %min3A_350, %slice3A_351 : vector<8x2048xf32>
        %slice3A_353 = vector.extract_strided_slice %dot_general3A_299 {offsets = [224, 0], sizes = [8, 2048], strides = [1, 1]} : vector<512x2048xf32> to vector<8x2048xf32>
        %min3A_354 = arith.minimumf %min3A_352, %slice3A_353 : vector<8x2048xf32>
        %slice3A_355 = vector.extract_strided_slice %dot_general3A_299 {offsets = [232, 0], sizes = [8, 2048], strides = [1, 1]} : vector<512x2048xf32> to vector<8x2048xf32>
        %min3A_356 = arith.minimumf %min3A_354, %slice3A_355 : vector<8x2048xf32>
        %slice3A_357 = vector.extract_strided_slice %dot_general3A_299 {offsets = [240, 0], sizes = [8, 2048], strides = [1, 1]} : vector<512x2048xf32> to vector<8x2048xf32>
        %min3A_358 = arith.minimumf %min3A_356, %slice3A_357 : vector<8x2048xf32>
        %slice3A_359 = vector.extract_strided_slice %dot_general3A_299 {offsets = [248, 0], sizes = [8, 2048], strides = [1, 1]} : vector<512x2048xf32> to vector<8x2048xf32>
        %min3A_360 = arith.minimumf %min3A_358, %slice3A_359 : vector<8x2048xf32>
        %slice3A_361 = vector.extract_strided_slice %dot_general3A_299 {offsets = [256, 0], sizes = [8, 2048], strides = [1, 1]} : vector<512x2048xf32> to vector<8x2048xf32>
        %min3A_362 = arith.minimumf %min3A_360, %slice3A_361 : vector<8x2048xf32>
        %slice3A_363 = vector.extract_strided_slice %dot_general3A_299 {offsets = [264, 0], sizes = [8, 2048], strides = [1, 1]} : vector<512x2048xf32> to vector<8x2048xf32>
        %min3A_364 = arith.minimumf %min3A_362, %slice3A_363 : vector<8x2048xf32>
        %slice3A_365 = vector.extract_strided_slice %dot_general3A_299 {offsets = [272, 0], sizes = [8, 2048], strides = [1, 1]} : vector<512x2048xf32> to vector<8x2048xf32>
        %min3A_366 = arith.minimumf %min3A_364, %slice3A_365 : vector<8x2048xf32>
        %slice3A_367 = vector.extract_strided_slice %dot_general3A_299 {offsets = [280, 0], sizes = [8, 2048], strides = [1, 1]} : vector<512x2048xf32> to vector<8x2048xf32>
        %min3A_368 = arith.minimumf %min3A_366, %slice3A_367 : vector<8x2048xf32>
        %slice3A_369 = vector.extract_strided_slice %dot_general3A_299 {offsets = [288, 0], sizes = [8, 2048], strides = [1, 1]} : vector<512x2048xf32> to vector<8x2048xf32>
        %min3A_370 = arith.minimumf %min3A_368, %slice3A_369 : vector<8x2048xf32>
        %slice3A_371 = vector.extract_strided_slice %dot_general3A_299 {offsets = [296, 0], sizes = [8, 2048], strides = [1, 1]} : vector<512x2048xf32> to vector<8x2048xf32>
        %min3A_372 = arith.minimumf %min3A_370, %slice3A_371 : vector<8x2048xf32>
        %slice3A_373 = vector.extract_strided_slice %dot_general3A_299 {offsets = [304, 0], sizes = [8, 2048], strides = [1, 1]} : vector<512x2048xf32> to vector<8x2048xf32>
        %min3A_374 = arith.minimumf %min3A_372, %slice3A_373 : vector<8x2048xf32>
        %slice3A_375 = vector.extract_strided_slice %dot_general3A_299 {offsets = [312, 0], sizes = [8, 2048], strides = [1, 1]} : vector<512x2048xf32> to vector<8x2048xf32>
        %min3A_376 = arith.minimumf %min3A_374, %slice3A_375 : vector<8x2048xf32>
        %slice3A_377 = vector.extract_strided_slice %dot_general3A_299 {offsets = [320, 0], sizes = [8, 2048], strides = [1, 1]} : vector<512x2048xf32> to vector<8x2048xf32>
        %min3A_378 = arith.minimumf %min3A_376, %slice3A_377 : vector<8x2048xf32>
        %slice3A_379 = vector.extract_strided_slice %dot_general3A_299 {offsets = [328, 0], sizes = [8, 2048], strides = [1, 1]} : vector<512x2048xf32> to vector<8x2048xf32>
        %min3A_380 = arith.minimumf %min3A_378, %slice3A_379 : vector<8x2048xf32>
        %slice3A_381 = vector.extract_strided_slice %dot_general3A_299 {offsets = [336, 0], sizes = [8, 2048], strides = [1, 1]} : vector<512x2048xf32> to vector<8x2048xf32>
        %min3A_382 = arith.minimumf %min3A_380, %slice3A_381 : vector<8x2048xf32>
        %slice3A_383 = vector.extract_strided_slice %dot_general3A_299 {offsets = [344, 0], sizes = [8, 2048], strides = [1, 1]} : vector<512x2048xf32> to vector<8x2048xf32>
        %min3A_384 = arith.minimumf %min3A_382, %slice3A_383 : vector<8x2048xf32>
        %slice3A_385 = vector.extract_strided_slice %dot_general3A_299 {offsets = [352, 0], sizes = [8, 2048], strides = [1, 1]} : vector<512x2048xf32> to vector<8x2048xf32>
        %min3A_386 = arith.minimumf %min3A_384, %slice3A_385 : vector<8x2048xf32>
        %slice3A_387 = vector.extract_strided_slice %dot_general3A_299 {offsets = [360, 0], sizes = [8, 2048], strides = [1, 1]} : vector<512x2048xf32> to vector<8x2048xf32>
        %min3A_388 = arith.minimumf %min3A_386, %slice3A_387 : vector<8x2048xf32>
        %slice3A_389 = vector.extract_strided_slice %dot_general3A_299 {offsets = [368, 0], sizes = [8, 2048], strides = [1, 1]} : vector<512x2048xf32> to vector<8x2048xf32>
        %min3A_390 = arith.minimumf %min3A_388, %slice3A_389 : vector<8x2048xf32>
        %slice3A_391 = vector.extract_strided_slice %dot_general3A_299 {offsets = [376, 0], sizes = [8, 2048], strides = [1, 1]} : vector<512x2048xf32> to vector<8x2048xf32>
        %min3A_392 = arith.minimumf %min3A_390, %slice3A_391 : vector<8x2048xf32>
        %slice3A_393 = vector.extract_strided_slice %dot_general3A_299 {offsets = [384, 0], sizes = [8, 2048], strides = [1, 1]} : vector<512x2048xf32> to vector<8x2048xf32>
        %min3A_394 = arith.minimumf %min3A_392, %slice3A_393 : vector<8x2048xf32>
        %slice3A_395 = vector.extract_strided_slice %dot_general3A_299 {offsets = [392, 0], sizes = [8, 2048], strides = [1, 1]} : vector<512x2048xf32> to vector<8x2048xf32>
        %min3A_396 = arith.minimumf %min3A_394, %slice3A_395 : vector<8x2048xf32>
        %slice3A_397 = vector.extract_strided_slice %dot_general3A_299 {offsets = [400, 0], sizes = [8, 2048], strides = [1, 1]} : vector<512x2048xf32> to vector<8x2048xf32>
        %min3A_398 = arith.minimumf %min3A_396, %slice3A_397 : vector<8x2048xf32>
        %slice3A_399 = vector.extract_strided_slice %dot_general3A_299 {offsets = [408, 0], sizes = [8, 2048], strides = [1, 1]} : vector<512x2048xf32> to vector<8x2048xf32>
        %min3A_400 = arith.minimumf %min3A_398, %slice3A_399 : vector<8x2048xf32>
        %slice3A_401 = vector.extract_strided_slice %dot_general3A_299 {offsets = [416, 0], sizes = [8, 2048], strides = [1, 1]} : vector<512x2048xf32> to vector<8x2048xf32>
        %min3A_402 = arith.minimumf %min3A_400, %slice3A_401 : vector<8x2048xf32>
        %slice3A_403 = vector.extract_strided_slice %dot_general3A_299 {offsets = [424, 0], sizes = [8, 2048], strides = [1, 1]} : vector<512x2048xf32> to vector<8x2048xf32>
        %min3A_404 = arith.minimumf %min3A_402, %slice3A_403 : vector<8x2048xf32>
        %slice3A_405 = vector.extract_strided_slice %dot_general3A_299 {offsets = [432, 0], sizes = [8, 2048], strides = [1, 1]} : vector<512x2048xf32> to vector<8x2048xf32>
        %min3A_406 = arith.minimumf %min3A_404, %slice3A_405 : vector<8x2048xf32>
        %slice3A_407 = vector.extract_strided_slice %dot_general3A_299 {offsets = [440, 0], sizes = [8, 2048], strides = [1, 1]} : vector<512x2048xf32> to vector<8x2048xf32>
        %min3A_408 = arith.minimumf %min3A_406, %slice3A_407 : vector<8x2048xf32>
        %slice3A_409 = vector.extract_strided_slice %dot_general3A_299 {offsets = [448, 0], sizes = [8, 2048], strides = [1, 1]} : vector<512x2048xf32> to vector<8x2048xf32>
        %min3A_410 = arith.minimumf %min3A_408, %slice3A_409 : vector<8x2048xf32>
        %slice3A_411 = vector.extract_strided_slice %dot_general3A_299 {offsets = [456, 0], sizes = [8, 2048], strides = [1, 1]} : vector<512x2048xf32> to vector<8x2048xf32>
        %min3A_412 = arith.minimumf %min3A_410, %slice3A_411 : vector<8x2048xf32>
        %slice3A_413 = vector.extract_strided_slice %dot_general3A_299 {offsets = [464, 0], sizes = [8, 2048], strides = [1, 1]} : vector<512x2048xf32> to vector<8x2048xf32>
        %min3A_414 = arith.minimumf %min3A_412, %slice3A_413 : vector<8x2048xf32>
        %slice3A_415 = vector.extract_strided_slice %dot_general3A_299 {offsets = [472, 0], sizes = [8, 2048], strides = [1, 1]} : vector<512x2048xf32> to vector<8x2048xf32>
        %min3A_416 = arith.minimumf %min3A_414, %slice3A_415 : vector<8x2048xf32>
        %slice3A_417 = vector.extract_strided_slice %dot_general3A_299 {offsets = [480, 0], sizes = [8, 2048], strides = [1, 1]} : vector<512x2048xf32> to vector<8x2048xf32>
        %min3A_418 = arith.minimumf %min3A_416, %slice3A_417 : vector<8x2048xf32>
        %slice3A_419 = vector.extract_strided_slice %dot_general3A_299 {offsets = [488, 0], sizes = [8, 2048], strides = [1, 1]} : vector<512x2048xf32> to vector<8x2048xf32>
        %min3A_420 = arith.minimumf %min3A_418, %slice3A_419 : vector<8x2048xf32>
        %slice3A_421 = vector.extract_strided_slice %dot_general3A_299 {offsets = [496, 0], sizes = [8, 2048], strides = [1, 1]} : vector<512x2048xf32> to vector<8x2048xf32>
        %min3A_422 = arith.minimumf %min3A_420, %slice3A_421 : vector<8x2048xf32>
        %slice3A_423 = vector.extract_strided_slice %dot_general3A_299 {offsets = [504, 0], sizes = [8, 2048], strides = [1, 1]} : vector<512x2048xf32> to vector<8x2048xf32>
        %min3A_424 = arith.minimumf %min3A_422, %slice3A_423 : vector<8x2048xf32>
        %get3A_425 = arith.constant 0 : index
        %get3A_426 = arith.constant 4096 : index
        %get3A_427 = vector.load %arg7[%get3A_425, %get3A_426] : memref<8x8192xf32, #tpu.memory_space<vmem>>, vector<8x2048xf32>
        %min3A_428 = arith.minimumf %get3A_427, %min3A_424 : vector<8x2048xf32>
        %swap3A_429 = arith.constant 0 : index
        %swap3A_430 = arith.constant 4096 : index
        %swap3A_431 = vector.load %arg7[%swap3A_429, %swap3A_430] : memref<8x8192xf32, #tpu.memory_space<vmem>>, vector<8x2048xf32>
        tpu.vector_store %arg7[%swap3A_429, %swap3A_430], %min3A_428 {strides = array<i32>} : memref<8x8192xf32, #tpu.memory_space<vmem>>, vector<8x2048xf32>,
        %slice3A_432 = vector.extract_strided_slice %dot_general3A_299 {offsets = [0, 0], sizes = [512, 128], strides = [1, 1]} : vector<512x2048xf32> to vector<512x128xf32>
        %slice3A_433 = vector.extract_strided_slice %dot_general3A_299 {offsets = [0, 128], sizes = [512, 128], strides = [1, 1]} : vector<512x2048xf32> to vector<512x128xf32>
        %min3A_434 = arith.minimumf %slice3A_432, %slice3A_433 : vector<512x128xf32>
        %slice3A_435 = vector.extract_strided_slice %dot_general3A_299 {offsets = [0, 256], sizes = [512, 128], strides = [1, 1]} : vector<512x2048xf32> to vector<512x128xf32>
        %min3A_436 = arith.minimumf %min3A_434, %slice3A_435 : vector<512x128xf32>
        %slice3A_437 = vector.extract_strided_slice %dot_general3A_299 {offsets = [0, 384], sizes = [512, 128], strides = [1, 1]} : vector<512x2048xf32> to vector<512x128xf32>
        %min3A_438 = arith.minimumf %min3A_436, %slice3A_437 : vector<512x128xf32>
        %slice3A_439 = vector.extract_strided_slice %dot_general3A_299 {offsets = [0, 512], sizes = [512, 128], strides = [1, 1]} : vector<512x2048xf32> to vector<512x128xf32>
        %min3A_440 = arith.minimumf %min3A_438, %slice3A_439 : vector<512x128xf32>
        %slice3A_441 = vector.extract_strided_slice %dot_general3A_299 {offsets = [0, 640], sizes = [512, 128], strides = [1, 1]} : vector<512x2048xf32> to vector<512x128xf32>
        %min3A_442 = arith.minimumf %min3A_440, %slice3A_441 : vector<512x128xf32>
        %slice3A_443 = vector.extract_strided_slice %dot_general3A_299 {offsets = [0, 768], sizes = [512, 128], strides = [1, 1]} : vector<512x2048xf32> to vector<512x128xf32>
        %min3A_444 = arith.minimumf %min3A_442, %slice3A_443 : vector<512x128xf32>
        %slice3A_445 = vector.extract_strided_slice %dot_general3A_299 {offsets = [0, 896], sizes = [512, 128], strides = [1, 1]} : vector<512x2048xf32> to vector<512x128xf32>
        %min3A_446 = arith.minimumf %min3A_444, %slice3A_445 : vector<512x128xf32>
        %slice3A_447 = vector.extract_strided_slice %dot_general3A_299 {offsets = [0, 1024], sizes = [512, 128], strides = [1, 1]} : vector<512x2048xf32> to vector<512x128xf32>
        %min3A_448 = arith.minimumf %min3A_446, %slice3A_447 : vector<512x128xf32>
        %slice3A_449 = vector.extract_strided_slice %dot_general3A_299 {offsets = [0, 1152], sizes = [512, 128], strides = [1, 1]} : vector<512x2048xf32> to vector<512x128xf32>
        %min3A_450 = arith.minimumf %min3A_448, %slice3A_449 : vector<512x128xf32>
        %slice3A_451 = vector.extract_strided_slice %dot_general3A_299 {offsets = [0, 1280], sizes = [512, 128], strides = [1, 1]} : vector<512x2048xf32> to vector<512x128xf32>
        %min3A_452 = arith.minimumf %min3A_450, %slice3A_451 : vector<512x128xf32>
        %slice3A_453 = vector.extract_strided_slice %dot_general3A_299 {offsets = [0, 1408], sizes = [512, 128], strides = [1, 1]} : vector<512x2048xf32> to vector<512x128xf32>
        %min3A_454 = arith.minimumf %min3A_452, %slice3A_453 : vector<512x128xf32>
        %slice3A_455 = vector.extract_strided_slice %dot_general3A_299 {offsets = [0, 1536], sizes = [512, 128], strides = [1, 1]} : vector<512x2048xf32> to vector<512x128xf32>
        %min3A_456 = arith.minimumf %min3A_454, %slice3A_455 : vector<512x128xf32>
        %slice3A_457 = vector.extract_strided_slice %dot_general3A_299 {offsets = [0, 1664], sizes = [512, 128], strides = [1, 1]} : vector<512x2048xf32> to vector<512x128xf32>
        %min3A_458 = arith.minimumf %min3A_456, %slice3A_457 : vector<512x128xf32>
        %slice3A_459 = vector.extract_strided_slice %dot_general3A_299 {offsets = [0, 1792], sizes = [512, 128], strides = [1, 1]} : vector<512x2048xf32> to vector<512x128xf32>
        %min3A_460 = arith.minimumf %min3A_458, %slice3A_459 : vector<512x128xf32>
        %slice3A_461 = vector.extract_strided_slice %dot_general3A_299 {offsets = [0, 1920], sizes = [512, 128], strides = [1, 1]} : vector<512x2048xf32> to vector<512x128xf32>
        %min3A_462 = arith.minimumf %min3A_460, %slice3A_461 : vector<512x128xf32>
        %get3A_463 = arith.constant 0 : index
        %get3A_464 = arith.constant 0 : index
        %get3A_465 = vector.load %arg8[%get3A_463, %get3A_464] : memref<512x128xf32, #tpu.memory_space<vmem>>, vector<512x128xf32>
        %min3A_466 = arith.minimumf %get3A_465, %min3A_462 : vector<512x128xf32>
        %swap3A_467 = arith.constant 0 : index
        %swap3A_468 = arith.constant 0 : index
        %swap3A_469 = vector.load %arg8[%swap3A_467, %swap3A_468] : memref<512x128xf32, #tpu.memory_space<vmem>>, vector<512x128xf32>
        tpu.vector_store %arg8[%swap3A_467, %swap3A_468], %min3A_466 {strides = array<i32>} : memref<512x128xf32, #tpu.memory_space<vmem>>, vector<512x128xf32>,
      } else {
      }
      %gt3A_265 = arith.constant 2048 : i32
      %gt3A_266 = arith.cmpi sgt, %get3A_28, %gt3A_265 : i32
      %convert_element_type3A_267 = arith.extui %gt3A_266 : i1 to i32
      %cond3A_268 = arith.constant 0 : i32
      %cond3A_269 = arith.cmpi ne, %convert_element_type3A_267, %cond3A_268 : i32
      scf.if %cond3A_269 {
        %get3A_296 = arith.constant 0 : index
        %get3A_297 = arith.constant 6144 : index
        %get3A_298 = vector.load %arg6[%get3A_296, %get3A_297] : memref<16x8192xbf16, #tpu.memory_space<vmem>>, vector<16x2048xbf16>
        %dot_general3A = arith.constant dense<0.000000e+00> : vector<512x2048xf32>
        %dot_general3A_299 = tpu.matmul %get3A_245, %get3A_298, %dot_general3A {dimension_numbers = #tpu.dot_dimension_numbers<[0], [0], [1], [1], [0, 1, 1, 1], [], []>, transpose_lhs_hint = false} : vector<16x512xbf16>, vector<16x2048xbf16>, vector<512x2048xf32> -> vector<512x2048xf32>
        %slice3A = vector.extract_strided_slice %dot_general3A_299 {offsets = [0, 0], sizes = [8, 2048], strides = [1, 1]} : vector<512x2048xf32> to vector<8x2048xf32>
        %slice3A_300 = vector.extract_strided_slice %dot_general3A_299 {offsets = [8, 0], sizes = [8, 2048], strides = [1, 1]} : vector<512x2048xf32> to vector<8x2048xf32>
        %min3A = arith.minimumf %slice3A, %slice3A_300 : vector<8x2048xf32>
        %slice3A_301 = vector.extract_strided_slice %dot_general3A_299 {offsets = [16, 0], sizes = [8, 2048], strides = [1, 1]} : vector<512x2048xf32> to vector<8x2048xf32>
        %min3A_302 = arith.minimumf %min3A, %slice3A_301 : vector<8x2048xf32>
        %slice3A_303 = vector.extract_strided_slice %dot_general3A_299 {offsets = [24, 0], sizes = [8, 2048], strides = [1, 1]} : vector<512x2048xf32> to vector<8x2048xf32>
        %min3A_304 = arith.minimumf %min3A_302, %slice3A_303 : vector<8x2048xf32>
        %slice3A_305 = vector.extract_strided_slice %dot_general3A_299 {offsets = [32, 0], sizes = [8, 2048], strides = [1, 1]} : vector<512x2048xf32> to vector<8x2048xf32>
        %min3A_306 = arith.minimumf %min3A_304, %slice3A_305 : vector<8x2048xf32>
        %slice3A_307 = vector.extract_strided_slice %dot_general3A_299 {offsets = [40, 0], sizes = [8, 2048], strides = [1, 1]} : vector<512x2048xf32> to vector<8x2048xf32>
        %min3A_308 = arith.minimumf %min3A_306, %slice3A_307 : vector<8x2048xf32>
        %slice3A_309 = vector.extract_strided_slice %dot_general3A_299 {offsets = [48, 0], sizes = [8, 2048], strides = [1, 1]} : vector<512x2048xf32> to vector<8x2048xf32>
        %min3A_310 = arith.minimumf %min3A_308, %slice3A_309 : vector<8x2048xf32>
        %slice3A_311 = vector.extract_strided_slice %dot_general3A_299 {offsets = [56, 0], sizes = [8, 2048], strides = [1, 1]} : vector<512x2048xf32> to vector<8x2048xf32>
        %min3A_312 = arith.minimumf %min3A_310, %slice3A_311 : vector<8x2048xf32>
        %slice3A_313 = vector.extract_strided_slice %dot_general3A_299 {offsets = [64, 0], sizes = [8, 2048], strides = [1, 1]} : vector<512x2048xf32> to vector<8x2048xf32>
        %min3A_314 = arith.minimumf %min3A_312, %slice3A_313 : vector<8x2048xf32>
        %slice3A_315 = vector.extract_strided_slice %dot_general3A_299 {offsets = [72, 0], sizes = [8, 2048], strides = [1, 1]} : vector<512x2048xf32> to vector<8x2048xf32>
        %min3A_316 = arith.minimumf %min3A_314, %slice3A_315 : vector<8x2048xf32>
        %slice3A_317 = vector.extract_strided_slice %dot_general3A_299 {offsets = [80, 0], sizes = [8, 2048], strides = [1, 1]} : vector<512x2048xf32> to vector<8x2048xf32>
        %min3A_318 = arith.minimumf %min3A_316, %slice3A_317 : vector<8x2048xf32>
        %slice3A_319 = vector.extract_strided_slice %dot_general3A_299 {offsets = [88, 0], sizes = [8, 2048], strides = [1, 1]} : vector<512x2048xf32> to vector<8x2048xf32>
        %min3A_320 = arith.minimumf %min3A_318, %slice3A_319 : vector<8x2048xf32>
        %slice3A_321 = vector.extract_strided_slice %dot_general3A_299 {offsets = [96, 0], sizes = [8, 2048], strides = [1, 1]} : vector<512x2048xf32> to vector<8x2048xf32>
        %min3A_322 = arith.minimumf %min3A_320, %slice3A_321 : vector<8x2048xf32>
        %slice3A_323 = vector.extract_strided_slice %dot_general3A_299 {offsets = [104, 0], sizes = [8, 2048], strides = [1, 1]} : vector<512x2048xf32> to vector<8x2048xf32>
        %min3A_324 = arith.minimumf %min3A_322, %slice3A_323 : vector<8x2048xf32>
        %slice3A_325 = vector.extract_strided_slice %dot_general3A_299 {offsets = [112, 0], sizes = [8, 2048], strides = [1, 1]} : vector<512x2048xf32> to vector<8x2048xf32>
        %min3A_326 = arith.minimumf %min3A_324, %slice3A_325 : vector<8x2048xf32>
        %slice3A_327 = vector.extract_strided_slice %dot_general3A_299 {offsets = [120, 0], sizes = [8, 2048], strides = [1, 1]} : vector<512x2048xf32> to vector<8x2048xf32>
        %min3A_328 = arith.minimumf %min3A_326, %slice3A_327 : vector<8x2048xf32>
        %slice3A_329 = vector.extract_strided_slice %dot_general3A_299 {offsets = [128, 0], sizes = [8, 2048], strides = [1, 1]} : vector<512x2048xf32> to vector<8x2048xf32>
        %min3A_330 = arith.minimumf %min3A_328, %slice3A_329 : vector<8x2048xf32>
        %slice3A_331 = vector.extract_strided_slice %dot_general3A_299 {offsets = [136, 0], sizes = [8, 2048], strides = [1, 1]} : vector<512x2048xf32> to vector<8x2048xf32>
        %min3A_332 = arith.minimumf %min3A_330, %slice3A_331 : vector<8x2048xf32>
        %slice3A_333 = vector.extract_strided_slice %dot_general3A_299 {offsets = [144, 0], sizes = [8, 2048], strides = [1, 1]} : vector<512x2048xf32> to vector<8x2048xf32>
        %min3A_334 = arith.minimumf %min3A_332, %slice3A_333 : vector<8x2048xf32>
        %slice3A_335 = vector.extract_strided_slice %dot_general3A_299 {offsets = [152, 0], sizes = [8, 2048], strides = [1, 1]} : vector<512x2048xf32> to vector<8x2048xf32>
        %min3A_336 = arith.minimumf %min3A_334, %slice3A_335 : vector<8x2048xf32>
        %slice3A_337 = vector.extract_strided_slice %dot_general3A_299 {offsets = [160, 0], sizes = [8, 2048], strides = [1, 1]} : vector<512x2048xf32> to vector<8x2048xf32>
        %min3A_338 = arith.minimumf %min3A_336, %slice3A_337 : vector<8x2048xf32>
        %slice3A_339 = vector.extract_strided_slice %dot_general3A_299 {offsets = [168, 0], sizes = [8, 2048], strides = [1, 1]} : vector<512x2048xf32> to vector<8x2048xf32>
        %min3A_340 = arith.minimumf %min3A_338, %slice3A_339 : vector<8x2048xf32>
        %slice3A_341 = vector.extract_strided_slice %dot_general3A_299 {offsets = [176, 0], sizes = [8, 2048], strides = [1, 1]} : vector<512x2048xf32> to vector<8x2048xf32>
        %min3A_342 = arith.minimumf %min3A_340, %slice3A_341 : vector<8x2048xf32>
        %slice3A_343 = vector.extract_strided_slice %dot_general3A_299 {offsets = [184, 0], sizes = [8, 2048], strides = [1, 1]} : vector<512x2048xf32> to vector<8x2048xf32>
        %min3A_344 = arith.minimumf %min3A_342, %slice3A_343 : vector<8x2048xf32>
        %slice3A_345 = vector.extract_strided_slice %dot_general3A_299 {offsets = [192, 0], sizes = [8, 2048], strides = [1, 1]} : vector<512x2048xf32> to vector<8x2048xf32>
        %min3A_346 = arith.minimumf %min3A_344, %slice3A_345 : vector<8x2048xf32>
        %slice3A_347 = vector.extract_strided_slice %dot_general3A_299 {offsets = [200, 0], sizes = [8, 2048], strides = [1, 1]} : vector<512x2048xf32> to vector<8x2048xf32>
        %min3A_348 = arith.minimumf %min3A_346, %slice3A_347 : vector<8x2048xf32>
        %slice3A_349 = vector.extract_strided_slice %dot_general3A_299 {offsets = [208, 0], sizes = [8, 2048], strides = [1, 1]} : vector<512x2048xf32> to vector<8x2048xf32>
        %min3A_350 = arith.minimumf %min3A_348, %slice3A_349 : vector<8x2048xf32>
        %slice3A_351 = vector.extract_strided_slice %dot_general3A_299 {offsets = [216, 0], sizes = [8, 2048], strides = [1, 1]} : vector<512x2048xf32> to vector<8x2048xf32>
        %min3A_352 = arith.minimumf %min3A_350, %slice3A_351 : vector<8x2048xf32>
        %slice3A_353 = vector.extract_strided_slice %dot_general3A_299 {offsets = [224, 0], sizes = [8, 2048], strides = [1, 1]} : vector<512x2048xf32> to vector<8x2048xf32>
        %min3A_354 = arith.minimumf %min3A_352, %slice3A_353 : vector<8x2048xf32>
        %slice3A_355 = vector.extract_strided_slice %dot_general3A_299 {offsets = [232, 0], sizes = [8, 2048], strides = [1, 1]} : vector<512x2048xf32> to vector<8x2048xf32>
        %min3A_356 = arith.minimumf %min3A_354, %slice3A_355 : vector<8x2048xf32>
        %slice3A_357 = vector.extract_strided_slice %dot_general3A_299 {offsets = [240, 0], sizes = [8, 2048], strides = [1, 1]} : vector<512x2048xf32> to vector<8x2048xf32>
        %min3A_358 = arith.minimumf %min3A_356, %slice3A_357 : vector<8x2048xf32>
        %slice3A_359 = vector.extract_strided_slice %dot_general3A_299 {offsets = [248, 0], sizes = [8, 2048], strides = [1, 1]} : vector<512x2048xf32> to vector<8x2048xf32>
        %min3A_360 = arith.minimumf %min3A_358, %slice3A_359 : vector<8x2048xf32>
        %slice3A_361 = vector.extract_strided_slice %dot_general3A_299 {offsets = [256, 0], sizes = [8, 2048], strides = [1, 1]} : vector<512x2048xf32> to vector<8x2048xf32>
        %min3A_362 = arith.minimumf %min3A_360, %slice3A_361 : vector<8x2048xf32>
        %slice3A_363 = vector.extract_strided_slice %dot_general3A_299 {offsets = [264, 0], sizes = [8, 2048], strides = [1, 1]} : vector<512x2048xf32> to vector<8x2048xf32>
        %min3A_364 = arith.minimumf %min3A_362, %slice3A_363 : vector<8x2048xf32>
        %slice3A_365 = vector.extract_strided_slice %dot_general3A_299 {offsets = [272, 0], sizes = [8, 2048], strides = [1, 1]} : vector<512x2048xf32> to vector<8x2048xf32>
        %min3A_366 = arith.minimumf %min3A_364, %slice3A_365 : vector<8x2048xf32>
        %slice3A_367 = vector.extract_strided_slice %dot_general3A_299 {offsets = [280, 0], sizes = [8, 2048], strides = [1, 1]} : vector<512x2048xf32> to vector<8x2048xf32>
        %min3A_368 = arith.minimumf %min3A_366, %slice3A_367 : vector<8x2048xf32>
        %slice3A_369 = vector.extract_strided_slice %dot_general3A_299 {offsets = [288, 0], sizes = [8, 2048], strides = [1, 1]} : vector<512x2048xf32> to vector<8x2048xf32>
        %min3A_370 = arith.minimumf %min3A_368, %slice3A_369 : vector<8x2048xf32>
        %slice3A_371 = vector.extract_strided_slice %dot_general3A_299 {offsets = [296, 0], sizes = [8, 2048], strides = [1, 1]} : vector<512x2048xf32> to vector<8x2048xf32>
        %min3A_372 = arith.minimumf %min3A_370, %slice3A_371 : vector<8x2048xf32>
        %slice3A_373 = vector.extract_strided_slice %dot_general3A_299 {offsets = [304, 0], sizes = [8, 2048], strides = [1, 1]} : vector<512x2048xf32> to vector<8x2048xf32>
        %min3A_374 = arith.minimumf %min3A_372, %slice3A_373 : vector<8x2048xf32>
        %slice3A_375 = vector.extract_strided_slice %dot_general3A_299 {offsets = [312, 0], sizes = [8, 2048], strides = [1, 1]} : vector<512x2048xf32> to vector<8x2048xf32>
        %min3A_376 = arith.minimumf %min3A_374, %slice3A_375 : vector<8x2048xf32>
        %slice3A_377 = vector.extract_strided_slice %dot_general3A_299 {offsets = [320, 0], sizes = [8, 2048], strides = [1, 1]} : vector<512x2048xf32> to vector<8x2048xf32>
        %min3A_378 = arith.minimumf %min3A_376, %slice3A_377 : vector<8x2048xf32>
        %slice3A_379 = vector.extract_strided_slice %dot_general3A_299 {offsets = [328, 0], sizes = [8, 2048], strides = [1, 1]} : vector<512x2048xf32> to vector<8x2048xf32>
        %min3A_380 = arith.minimumf %min3A_378, %slice3A_379 : vector<8x2048xf32>
        %slice3A_381 = vector.extract_strided_slice %dot_general3A_299 {offsets = [336, 0], sizes = [8, 2048], strides = [1, 1]} : vector<512x2048xf32> to vector<8x2048xf32>
        %min3A_382 = arith.minimumf %min3A_380, %slice3A_381 : vector<8x2048xf32>
        %slice3A_383 = vector.extract_strided_slice %dot_general3A_299 {offsets = [344, 0], sizes = [8, 2048], strides = [1, 1]} : vector<512x2048xf32> to vector<8x2048xf32>
        %min3A_384 = arith.minimumf %min3A_382, %slice3A_383 : vector<8x2048xf32>
        %slice3A_385 = vector.extract_strided_slice %dot_general3A_299 {offsets = [352, 0], sizes = [8, 2048], strides = [1, 1]} : vector<512x2048xf32> to vector<8x2048xf32>
        %min3A_386 = arith.minimumf %min3A_384, %slice3A_385 : vector<8x2048xf32>
        %slice3A_387 = vector.extract_strided_slice %dot_general3A_299 {offsets = [360, 0], sizes = [8, 2048], strides = [1, 1]} : vector<512x2048xf32> to vector<8x2048xf32>
        %min3A_388 = arith.minimumf %min3A_386, %slice3A_387 : vector<8x2048xf32>
        %slice3A_389 = vector.extract_strided_slice %dot_general3A_299 {offsets = [368, 0], sizes = [8, 2048], strides = [1, 1]} : vector<512x2048xf32> to vector<8x2048xf32>
        %min3A_390 = arith.minimumf %min3A_388, %slice3A_389 : vector<8x2048xf32>
        %slice3A_391 = vector.extract_strided_slice %dot_general3A_299 {offsets = [376, 0], sizes = [8, 2048], strides = [1, 1]} : vector<512x2048xf32> to vector<8x2048xf32>
        %min3A_392 = arith.minimumf %min3A_390, %slice3A_391 : vector<8x2048xf32>
        %slice3A_393 = vector.extract_strided_slice %dot_general3A_299 {offsets = [384, 0], sizes = [8, 2048], strides = [1, 1]} : vector<512x2048xf32> to vector<8x2048xf32>
        %min3A_394 = arith.minimumf %min3A_392, %slice3A_393 : vector<8x2048xf32>
        %slice3A_395 = vector.extract_strided_slice %dot_general3A_299 {offsets = [392, 0], sizes = [8, 2048], strides = [1, 1]} : vector<512x2048xf32> to vector<8x2048xf32>
        %min3A_396 = arith.minimumf %min3A_394, %slice3A_395 : vector<8x2048xf32>
        %slice3A_397 = vector.extract_strided_slice %dot_general3A_299 {offsets = [400, 0], sizes = [8, 2048], strides = [1, 1]} : vector<512x2048xf32> to vector<8x2048xf32>
        %min3A_398 = arith.minimumf %min3A_396, %slice3A_397 : vector<8x2048xf32>
        %slice3A_399 = vector.extract_strided_slice %dot_general3A_299 {offsets = [408, 0], sizes = [8, 2048], strides = [1, 1]} : vector<512x2048xf32> to vector<8x2048xf32>
        %min3A_400 = arith.minimumf %min3A_398, %slice3A_399 : vector<8x2048xf32>
        %slice3A_401 = vector.extract_strided_slice %dot_general3A_299 {offsets = [416, 0], sizes = [8, 2048], strides = [1, 1]} : vector<512x2048xf32> to vector<8x2048xf32>
        %min3A_402 = arith.minimumf %min3A_400, %slice3A_401 : vector<8x2048xf32>
        %slice3A_403 = vector.extract_strided_slice %dot_general3A_299 {offsets = [424, 0], sizes = [8, 2048], strides = [1, 1]} : vector<512x2048xf32> to vector<8x2048xf32>
        %min3A_404 = arith.minimumf %min3A_402, %slice3A_403 : vector<8x2048xf32>
        %slice3A_405 = vector.extract_strided_slice %dot_general3A_299 {offsets = [432, 0], sizes = [8, 2048], strides = [1, 1]} : vector<512x2048xf32> to vector<8x2048xf32>
        %min3A_406 = arith.minimumf %min3A_404, %slice3A_405 : vector<8x2048xf32>
        %slice3A_407 = vector.extract_strided_slice %dot_general3A_299 {offsets = [440, 0], sizes = [8, 2048], strides = [1, 1]} : vector<512x2048xf32> to vector<8x2048xf32>
        %min3A_408 = arith.minimumf %min3A_406, %slice3A_407 : vector<8x2048xf32>
        %slice3A_409 = vector.extract_strided_slice %dot_general3A_299 {offsets = [448, 0], sizes = [8, 2048], strides = [1, 1]} : vector<512x2048xf32> to vector<8x2048xf32>
        %min3A_410 = arith.minimumf %min3A_408, %slice3A_409 : vector<8x2048xf32>
        %slice3A_411 = vector.extract_strided_slice %dot_general3A_299 {offsets = [456, 0], sizes = [8, 2048], strides = [1, 1]} : vector<512x2048xf32> to vector<8x2048xf32>
        %min3A_412 = arith.minimumf %min3A_410, %slice3A_411 : vector<8x2048xf32>
        %slice3A_413 = vector.extract_strided_slice %dot_general3A_299 {offsets = [464, 0], sizes = [8, 2048], strides = [1, 1]} : vector<512x2048xf32> to vector<8x2048xf32>
        %min3A_414 = arith.minimumf %min3A_412, %slice3A_413 : vector<8x2048xf32>
        %slice3A_415 = vector.extract_strided_slice %dot_general3A_299 {offsets = [472, 0], sizes = [8, 2048], strides = [1, 1]} : vector<512x2048xf32> to vector<8x2048xf32>
        %min3A_416 = arith.minimumf %min3A_414, %slice3A_415 : vector<8x2048xf32>
        %slice3A_417 = vector.extract_strided_slice %dot_general3A_299 {offsets = [480, 0], sizes = [8, 2048], strides = [1, 1]} : vector<512x2048xf32> to vector<8x2048xf32>
        %min3A_418 = arith.minimumf %min3A_416, %slice3A_417 : vector<8x2048xf32>
        %slice3A_419 = vector.extract_strided_slice %dot_general3A_299 {offsets = [488, 0], sizes = [8, 2048], strides = [1, 1]} : vector<512x2048xf32> to vector<8x2048xf32>
        %min3A_420 = arith.minimumf %min3A_418, %slice3A_419 : vector<8x2048xf32>
        %slice3A_421 = vector.extract_strided_slice %dot_general3A_299 {offsets = [496, 0], sizes = [8, 2048], strides = [1, 1]} : vector<512x2048xf32> to vector<8x2048xf32>
        %min3A_422 = arith.minimumf %min3A_420, %slice3A_421 : vector<8x2048xf32>
        %slice3A_423 = vector.extract_strided_slice %dot_general3A_299 {offsets = [504, 0], sizes = [8, 2048], strides = [1, 1]} : vector<512x2048xf32> to vector<8x2048xf32>
        %min3A_424 = arith.minimumf %min3A_422, %slice3A_423 : vector<8x2048xf32>
        %get3A_425 = arith.constant 0 : index
        %get3A_426 = arith.constant 6144 : index
        %get3A_427 = vector.load %arg7[%get3A_425, %get3A_426] : memref<8x8192xf32, #tpu.memory_space<vmem>>, vector<8x2048xf32>
        %min3A_428 = arith.minimumf %get3A_427, %min3A_424 : vector<8x2048xf32>
        %swap3A_429 = arith.constant 0 : index
        %swap3A_430 = arith.constant 6144 : index
        %swap3A_431 = vector.load %arg7[%swap3A_429, %swap3A_430] : memref<8x8192xf32, #tpu.memory_space<vmem>>, vector<8x2048xf32>
        tpu.vector_store %arg7[%swap3A_429, %swap3A_430], %min3A_428 {strides = array<i32>} : memref<8x8192xf32, #tpu.memory_space<vmem>>, vector<8x2048xf32>,
        %slice3A_432 = vector.extract_strided_slice %dot_general3A_299 {offsets = [0, 0], sizes = [512, 128], strides = [1, 1]} : vector<512x2048xf32> to vector<512x128xf32>
        %slice3A_433 = vector.extract_strided_slice %dot_general3A_299 {offsets = [0, 128], sizes = [512, 128], strides = [1, 1]} : vector<512x2048xf32> to vector<512x128xf32>
        %min3A_434 = arith.minimumf %slice3A_432, %slice3A_433 : vector<512x128xf32>
        %slice3A_435 = vector.extract_strided_slice %dot_general3A_299 {offsets = [0, 256], sizes = [512, 128], strides = [1, 1]} : vector<512x2048xf32> to vector<512x128xf32>
        %min3A_436 = arith.minimumf %min3A_434, %slice3A_435 : vector<512x128xf32>
        %slice3A_437 = vector.extract_strided_slice %dot_general3A_299 {offsets = [0, 384], sizes = [512, 128], strides = [1, 1]} : vector<512x2048xf32> to vector<512x128xf32>
        %min3A_438 = arith.minimumf %min3A_436, %slice3A_437 : vector<512x128xf32>
        %slice3A_439 = vector.extract_strided_slice %dot_general3A_299 {offsets = [0, 512], sizes = [512, 128], strides = [1, 1]} : vector<512x2048xf32> to vector<512x128xf32>
        %min3A_440 = arith.minimumf %min3A_438, %slice3A_439 : vector<512x128xf32>
        %slice3A_441 = vector.extract_strided_slice %dot_general3A_299 {offsets = [0, 640], sizes = [512, 128], strides = [1, 1]} : vector<512x2048xf32> to vector<512x128xf32>
        %min3A_442 = arith.minimumf %min3A_440, %slice3A_441 : vector<512x128xf32>
        %slice3A_443 = vector.extract_strided_slice %dot_general3A_299 {offsets = [0, 768], sizes = [512, 128], strides = [1, 1]} : vector<512x2048xf32> to vector<512x128xf32>
        %min3A_444 = arith.minimumf %min3A_442, %slice3A_443 : vector<512x128xf32>
        %slice3A_445 = vector.extract_strided_slice %dot_general3A_299 {offsets = [0, 896], sizes = [512, 128], strides = [1, 1]} : vector<512x2048xf32> to vector<512x128xf32>
        %min3A_446 = arith.minimumf %min3A_444, %slice3A_445 : vector<512x128xf32>
        %slice3A_447 = vector.extract_strided_slice %dot_general3A_299 {offsets = [0, 1024], sizes = [512, 128], strides = [1, 1]} : vector<512x2048xf32> to vector<512x128xf32>
        %min3A_448 = arith.minimumf %min3A_446, %slice3A_447 : vector<512x128xf32>
        %slice3A_449 = vector.extract_strided_slice %dot_general3A_299 {offsets = [0, 1152], sizes = [512, 128], strides = [1, 1]} : vector<512x2048xf32> to vector<512x128xf32>
        %min3A_450 = arith.minimumf %min3A_448, %slice3A_449 : vector<512x128xf32>
        %slice3A_451 = vector.extract_strided_slice %dot_general3A_299 {offsets = [0, 1280], sizes = [512, 128], strides = [1, 1]} : vector<512x2048xf32> to vector<512x128xf32>
        %min3A_452 = arith.minimumf %min3A_450, %slice3A_451 : vector<512x128xf32>
        %slice3A_453 = vector.extract_strided_slice %dot_general3A_299 {offsets = [0, 1408], sizes = [512, 128], strides = [1, 1]} : vector<512x2048xf32> to vector<512x128xf32>
        %min3A_454 = arith.minimumf %min3A_452, %slice3A_453 : vector<512x128xf32>
        %slice3A_455 = vector.extract_strided_slice %dot_general3A_299 {offsets = [0, 1536], sizes = [512, 128], strides = [1, 1]} : vector<512x2048xf32> to vector<512x128xf32>
        %min3A_456 = arith.minimumf %min3A_454, %slice3A_455 : vector<512x128xf32>
        %slice3A_457 = vector.extract_strided_slice %dot_general3A_299 {offsets = [0, 1664], sizes = [512, 128], strides = [1, 1]} : vector<512x2048xf32> to vector<512x128xf32>
        %min3A_458 = arith.minimumf %min3A_456, %slice3A_457 : vector<512x128xf32>
        %slice3A_459 = vector.extract_strided_slice %dot_general3A_299 {offsets = [0, 1792], sizes = [512, 128], strides = [1, 1]} : vector<512x2048xf32> to vector<512x128xf32>
        %min3A_460 = arith.minimumf %min3A_458, %slice3A_459 : vector<512x128xf32>
        %slice3A_461 = vector.extract_strided_slice %dot_general3A_299 {offsets = [0, 1920], sizes = [512, 128], strides = [1, 1]} : vector<512x2048xf32> to vector<512x128xf32>
        %min3A_462 = arith.minimumf %min3A_460, %slice3A_461 : vector<512x128xf32>
        %get3A_463 = arith.constant 0 : index
        %get3A_464 = arith.constant 0 : index
        %get3A_465 = vector.load %arg8[%get3A_463, %get3A_464] : memref<512x128xf32, #tpu.memory_space<vmem>>, vector<512x128xf32>
        %min3A_466 = arith.minimumf %get3A_465, %min3A_462 : vector<512x128xf32>
        %swap3A_467 = arith.constant 0 : index
        %swap3A_468 = arith.constant 0 : index
        %swap3A_469 = vector.load %arg8[%swap3A_467, %swap3A_468] : memref<512x128xf32, #tpu.memory_space<vmem>>, vector<512x128xf32>
        tpu.vector_store %arg8[%swap3A_467, %swap3A_468], %min3A_466 {strides = array<i32>} : memref<512x128xf32, #tpu.memory_space<vmem>>, vector<512x128xf32>,
      } else {
      }
      %get3A_270 = arith.constant 0 : index
      %get3A_271 = arith.constant 0 : index
      %get3A_272 = vector.load %arg8[%get3A_270, %get3A_271] : memref<512x128xf32, #tpu.memory_space<vmem>>, vector<512x128xf32>
      %reduce_min3A_273 = arith.constant dense<0x7F800000> : vector<512xf32>
      %reduce_min3A_274 = vector.multi_reduction <minimumf>, %get3A_272, %reduce_min3A_273 [1] : vector<512x128xf32> to vector<512xf32>
      %broadcast_in_dim3A_275 = vector.shape_cast %reduce_min3A_274 : vector<512xf32> to vector<512x1xf32>
      %lt3A_276 = arith.constant 3.330000e+00 : f32
      %lt3A_277 = vector.broadcast %lt3A_276 : f32 to vector<512x1xf32>
      %lt3A_278 = arith.cmpf olt, %broadcast_in_dim3A_275, %lt3A_277 : vector<512x1xf32>
      %jit3A_279 = arith.constant 0.000000e+00 : f32
      %broadcast_in_dim3A_280 = vector.broadcast %jit3A_279 : f32 to vector<512x1xf32>
      %select_n3A_281 = arith.select %lt3A_278, %broadcast_in_dim3A_275, %broadcast_in_dim3A_280 : vector<512x1xi1>, vector<512x1xf32>
      %reduce_sum3A_282 = vector.shape_cast %select_n3A_281 : vector<512x1xf32> to vector<1x512x1xf32>
      %reduce_sum3A_283 = arith.constant dense<0.000000e+00> : vector<1xf32>
      %reduce_sum3A_284 = vector.multi_reduction <add>, %reduce_sum3A_282, %reduce_sum3A_283 [1, 2] : vector<1x512x1xf32> to vector<1xf32>
      %reduce_sum3A_285 = vector.shape_cast %reduce_sum3A_284 : vector<1xf32> to vector<1x1x1xf32>
      %reduce_sum3A_286 = vector.extract %reduce_sum3A_285[0, 0, 0] : f32 from vector<1x1x1xf32>
      %add3A_287 = arith.addf %while3A_237, %reduce_sum3A_286 : f32
      %convert_element_type3A_288 = arith.extui %lt3A_278 : vector<512x1xi1> to vector<512x1xi32>
      %convert_element_type3A_289 = arith.sitofp %convert_element_type3A_288 : vector<512x1xi32> to vector<512x1xf32>
      %reduce_sum3A_290 = vector.shape_cast %convert_element_type3A_289 : vector<512x1xf32> to vector<1x512x1xf32>
      %reduce_sum3A_291 = arith.constant dense<0.000000e+00> : vector<1xf32>
      %reduce_sum3A_292 = vector.multi_reduction <add>, %reduce_sum3A_290, %reduce_sum3A_291 [1, 2] : vector<1x512x1xf32> to vector<1xf32>
      %reduce_sum3A_293 = vector.shape_cast %reduce_sum3A_292 : vector<1xf32> to vector<1x1x1xf32>
      %reduce_sum3A_294 = vector.extract %reduce_sum3A_293[0, 0, 0] : f32 from vector<1x1x1xf32>
      %add3A_295 = arith.addf %while3A_238, %reduce_sum3A_294 : f32
      scf.yield %add3A_287, %add3A_295 : f32, f32
    }
    %add3A_162 = arith.constant 512 : i32
    %add3A_163 = arith.addi %get3A_10, %add3A_162 : i32
    %sub3A_164 = arith.constant 1 : i32
    %sub3A_165 = arith.subi %add3A_163, %sub3A_164 : i32
    %jit3A_166 = arith.constant 512 : i32
    %div3A_167 = arith.divsi %sub3A_165, %jit3A_166 : i32
    %sign3A_168 = arith.constant 0 : i32
    %sign3A_169 = arith.cmpi sgt, %sub3A_165, %sign3A_168 : i32
    %sign3A_170 = arith.extui %sign3A_169 : i1 to i32
    %sign3A_171 = arith.constant 0 : i32
    %sign3A_172 = arith.cmpi slt, %sub3A_165, %sign3A_171 : i32
    %sign3A_173 = arith.extui %sign3A_172 : i1 to i32
    %sign3A_174 = arith.subi %sign3A_170, %sign3A_173 : i32
    %sign3A_175 = arith.constant 0 : i32
    %sign3A_176 = arith.cmpi sgt, %jit3A_166, %sign3A_175 : i32
    %sign3A_177 = arith.extui %sign3A_176 : i1 to i32
    %sign3A_178 = arith.constant 0 : i32
    %sign3A_179 = arith.cmpi slt, %jit3A_166, %sign3A_178 : i32
    %sign3A_180 = arith.extui %sign3A_179 : i1 to i32
    %sign3A_181 = arith.subi %sign3A_177, %sign3A_180 : i32
    %ne3A_182 = arith.cmpi ne, %sign3A_174, %sign3A_181 : i32
    %rem3A_183 = arith.remsi %sub3A_165, %jit3A_166 : i32
    %ne3A_184 = arith.constant 0 : i32
    %ne3A_185 = arith.cmpi ne, %rem3A_183, %ne3A_184 : i32
    %and3A_186 = arith.andi %ne3A_182, %ne3A_185 : i1
    %sub3A_187 = arith.constant 1 : i32
    %sub3A_188 = arith.subi %div3A_167, %sub3A_187 : i32
    %select_n3A_189 = arith.select %and3A_186, %sub3A_188, %div3A_167 : i32
    %while3A_190 = arith.constant 0 : i32
    %while3A_191 = arith.subi %select_n3A_189, %while3A_190 : i32
    %while3A_192 = arith.addi %while3A_190, %while3A_191 : i32
    %while3A_193 = arith.constant 1 : i32
    %while3A_194 = arith.divsi %while3A_191, %while3A_193 : i32
    %while3A_195 = arith.muli %while3A_194, %while3A_193 : i32
    %while3A_196 = arith.addi %while3A_190, %while3A_195 : i32
    %while3A_197 = arith.constant 1 : i32
    %while3A_198:2 = scf.for %while3A_236 = %while3A_190 to %while3A_196 step %while3A_197 iter_args(%while3A_237 = %while3A_161#0, %while3A_238 = %while3A_161#1) -> (f32, f32)  : i32 {
      %add3A_239 = arith.constant 8 : i32
      %add3A_240 = arith.addi %add3A_239, %while3A_236 : i32
      %mul3A_241 = arith.constant 512 : i32
      %mul3A_242 = arith.muli %add3A_240, %mul3A_241 : i32
      %get3A_243 = arith.constant 0 : index
      %get3A_244 = arith.index_cast %mul3A_242 : i32 to index
      %get3A_245 = vector.load %arg5[%get3A_243, %get3A_244] : memref<16x8192xbf16, #tpu.memory_space<vmem>>, vector<16x512xbf16>
      %broadcast_in_dim3A_246 = arith.constant 0x7F800000 : f32
      %broadcast_in_dim3A_247 = vector.broadcast %broadcast_in_dim3A_246 : f32 to vector<512x128xf32>
      %swap3A_248 = arith.constant 0 : index
      %swap3A_249 = arith.constant 0 : index
      %swap3A_250 = vector.load %arg8[%swap3A_248, %swap3A_249] : memref<512x128xf32, #tpu.memory_space<vmem>>, vector<512x128xf32>
      tpu.vector_store %arg8[%swap3A_248, %swap3A_249], %broadcast_in_dim3A_247 {strides = array<i32>} : memref<512x128xf32, #tpu.memory_space<vmem>>, vector<512x128xf32>,
      %gt3A = arith.constant 0 : i32
      %gt3A_251 = arith.cmpi sgt, %get3A_19, %gt3A : i32
      %convert_element_type3A_252 = arith.extui %gt3A_251 : i1 to i32
      %cond3A_253 = arith.constant 0 : i32
      %cond3A_254 = arith.cmpi ne, %convert_element_type3A_252, %cond3A_253 : i32
      scf.if %cond3A_254 {
        %get3A_296 = arith.constant 0 : index
        %get3A_297 = arith.constant 0 : index
        %get3A_298 = vector.load %arg6[%get3A_296, %get3A_297] : memref<16x8192xbf16, #tpu.memory_space<vmem>>, vector<16x2048xbf16>
        %dot_general3A = arith.constant dense<0.000000e+00> : vector<512x2048xf32>
        %dot_general3A_299 = tpu.matmul %get3A_245, %get3A_298, %dot_general3A {dimension_numbers = #tpu.dot_dimension_numbers<[0], [0], [1], [1], [0, 1, 1, 1], [], []>, transpose_lhs_hint = false} : vector<16x512xbf16>, vector<16x2048xbf16>, vector<512x2048xf32> -> vector<512x2048xf32>
        %slice3A = vector.extract_strided_slice %dot_general3A_299 {offsets = [0, 0], sizes = [8, 2048], strides = [1, 1]} : vector<512x2048xf32> to vector<8x2048xf32>
        %slice3A_300 = vector.extract_strided_slice %dot_general3A_299 {offsets = [8, 0], sizes = [8, 2048], strides = [1, 1]} : vector<512x2048xf32> to vector<8x2048xf32>
        %min3A = arith.minimumf %slice3A, %slice3A_300 : vector<8x2048xf32>
        %slice3A_301 = vector.extract_strided_slice %dot_general3A_299 {offsets = [16, 0], sizes = [8, 2048], strides = [1, 1]} : vector<512x2048xf32> to vector<8x2048xf32>
        %min3A_302 = arith.minimumf %min3A, %slice3A_301 : vector<8x2048xf32>
        %slice3A_303 = vector.extract_strided_slice %dot_general3A_299 {offsets = [24, 0], sizes = [8, 2048], strides = [1, 1]} : vector<512x2048xf32> to vector<8x2048xf32>
        %min3A_304 = arith.minimumf %min3A_302, %slice3A_303 : vector<8x2048xf32>
        %slice3A_305 = vector.extract_strided_slice %dot_general3A_299 {offsets = [32, 0], sizes = [8, 2048], strides = [1, 1]} : vector<512x2048xf32> to vector<8x2048xf32>
        %min3A_306 = arith.minimumf %min3A_304, %slice3A_305 : vector<8x2048xf32>
        %slice3A_307 = vector.extract_strided_slice %dot_general3A_299 {offsets = [40, 0], sizes = [8, 2048], strides = [1, 1]} : vector<512x2048xf32> to vector<8x2048xf32>
        %min3A_308 = arith.minimumf %min3A_306, %slice3A_307 : vector<8x2048xf32>
        %slice3A_309 = vector.extract_strided_slice %dot_general3A_299 {offsets = [48, 0], sizes = [8, 2048], strides = [1, 1]} : vector<512x2048xf32> to vector<8x2048xf32>
        %min3A_310 = arith.minimumf %min3A_308, %slice3A_309 : vector<8x2048xf32>
        %slice3A_311 = vector.extract_strided_slice %dot_general3A_299 {offsets = [56, 0], sizes = [8, 2048], strides = [1, 1]} : vector<512x2048xf32> to vector<8x2048xf32>
        %min3A_312 = arith.minimumf %min3A_310, %slice3A_311 : vector<8x2048xf32>
        %slice3A_313 = vector.extract_strided_slice %dot_general3A_299 {offsets = [64, 0], sizes = [8, 2048], strides = [1, 1]} : vector<512x2048xf32> to vector<8x2048xf32>
        %min3A_314 = arith.minimumf %min3A_312, %slice3A_313 : vector<8x2048xf32>
        %slice3A_315 = vector.extract_strided_slice %dot_general3A_299 {offsets = [72, 0], sizes = [8, 2048], strides = [1, 1]} : vector<512x2048xf32> to vector<8x2048xf32>
        %min3A_316 = arith.minimumf %min3A_314, %slice3A_315 : vector<8x2048xf32>
        %slice3A_317 = vector.extract_strided_slice %dot_general3A_299 {offsets = [80, 0], sizes = [8, 2048], strides = [1, 1]} : vector<512x2048xf32> to vector<8x2048xf32>
        %min3A_318 = arith.minimumf %min3A_316, %slice3A_317 : vector<8x2048xf32>
        %slice3A_319 = vector.extract_strided_slice %dot_general3A_299 {offsets = [88, 0], sizes = [8, 2048], strides = [1, 1]} : vector<512x2048xf32> to vector<8x2048xf32>
        %min3A_320 = arith.minimumf %min3A_318, %slice3A_319 : vector<8x2048xf32>
        %slice3A_321 = vector.extract_strided_slice %dot_general3A_299 {offsets = [96, 0], sizes = [8, 2048], strides = [1, 1]} : vector<512x2048xf32> to vector<8x2048xf32>
        %min3A_322 = arith.minimumf %min3A_320, %slice3A_321 : vector<8x2048xf32>
        %slice3A_323 = vector.extract_strided_slice %dot_general3A_299 {offsets = [104, 0], sizes = [8, 2048], strides = [1, 1]} : vector<512x2048xf32> to vector<8x2048xf32>
        %min3A_324 = arith.minimumf %min3A_322, %slice3A_323 : vector<8x2048xf32>
        %slice3A_325 = vector.extract_strided_slice %dot_general3A_299 {offsets = [112, 0], sizes = [8, 2048], strides = [1, 1]} : vector<512x2048xf32> to vector<8x2048xf32>
        %min3A_326 = arith.minimumf %min3A_324, %slice3A_325 : vector<8x2048xf32>
        %slice3A_327 = vector.extract_strided_slice %dot_general3A_299 {offsets = [120, 0], sizes = [8, 2048], strides = [1, 1]} : vector<512x2048xf32> to vector<8x2048xf32>
        %min3A_328 = arith.minimumf %min3A_326, %slice3A_327 : vector<8x2048xf32>
        %slice3A_329 = vector.extract_strided_slice %dot_general3A_299 {offsets = [128, 0], sizes = [8, 2048], strides = [1, 1]} : vector<512x2048xf32> to vector<8x2048xf32>
        %min3A_330 = arith.minimumf %min3A_328, %slice3A_329 : vector<8x2048xf32>
        %slice3A_331 = vector.extract_strided_slice %dot_general3A_299 {offsets = [136, 0], sizes = [8, 2048], strides = [1, 1]} : vector<512x2048xf32> to vector<8x2048xf32>
        %min3A_332 = arith.minimumf %min3A_330, %slice3A_331 : vector<8x2048xf32>
        %slice3A_333 = vector.extract_strided_slice %dot_general3A_299 {offsets = [144, 0], sizes = [8, 2048], strides = [1, 1]} : vector<512x2048xf32> to vector<8x2048xf32>
        %min3A_334 = arith.minimumf %min3A_332, %slice3A_333 : vector<8x2048xf32>
        %slice3A_335 = vector.extract_strided_slice %dot_general3A_299 {offsets = [152, 0], sizes = [8, 2048], strides = [1, 1]} : vector<512x2048xf32> to vector<8x2048xf32>
        %min3A_336 = arith.minimumf %min3A_334, %slice3A_335 : vector<8x2048xf32>
        %slice3A_337 = vector.extract_strided_slice %dot_general3A_299 {offsets = [160, 0], sizes = [8, 2048], strides = [1, 1]} : vector<512x2048xf32> to vector<8x2048xf32>
        %min3A_338 = arith.minimumf %min3A_336, %slice3A_337 : vector<8x2048xf32>
        %slice3A_339 = vector.extract_strided_slice %dot_general3A_299 {offsets = [168, 0], sizes = [8, 2048], strides = [1, 1]} : vector<512x2048xf32> to vector<8x2048xf32>
        %min3A_340 = arith.minimumf %min3A_338, %slice3A_339 : vector<8x2048xf32>
        %slice3A_341 = vector.extract_strided_slice %dot_general3A_299 {offsets = [176, 0], sizes = [8, 2048], strides = [1, 1]} : vector<512x2048xf32> to vector<8x2048xf32>
        %min3A_342 = arith.minimumf %min3A_340, %slice3A_341 : vector<8x2048xf32>
        %slice3A_343 = vector.extract_strided_slice %dot_general3A_299 {offsets = [184, 0], sizes = [8, 2048], strides = [1, 1]} : vector<512x2048xf32> to vector<8x2048xf32>
        %min3A_344 = arith.minimumf %min3A_342, %slice3A_343 : vector<8x2048xf32>
        %slice3A_345 = vector.extract_strided_slice %dot_general3A_299 {offsets = [192, 0], sizes = [8, 2048], strides = [1, 1]} : vector<512x2048xf32> to vector<8x2048xf32>
        %min3A_346 = arith.minimumf %min3A_344, %slice3A_345 : vector<8x2048xf32>
        %slice3A_347 = vector.extract_strided_slice %dot_general3A_299 {offsets = [200, 0], sizes = [8, 2048], strides = [1, 1]} : vector<512x2048xf32> to vector<8x2048xf32>
        %min3A_348 = arith.minimumf %min3A_346, %slice3A_347 : vector<8x2048xf32>
        %slice3A_349 = vector.extract_strided_slice %dot_general3A_299 {offsets = [208, 0], sizes = [8, 2048], strides = [1, 1]} : vector<512x2048xf32> to vector<8x2048xf32>
        %min3A_350 = arith.minimumf %min3A_348, %slice3A_349 : vector<8x2048xf32>
        %slice3A_351 = vector.extract_strided_slice %dot_general3A_299 {offsets = [216, 0], sizes = [8, 2048], strides = [1, 1]} : vector<512x2048xf32> to vector<8x2048xf32>
        %min3A_352 = arith.minimumf %min3A_350, %slice3A_351 : vector<8x2048xf32>
        %slice3A_353 = vector.extract_strided_slice %dot_general3A_299 {offsets = [224, 0], sizes = [8, 2048], strides = [1, 1]} : vector<512x2048xf32> to vector<8x2048xf32>
        %min3A_354 = arith.minimumf %min3A_352, %slice3A_353 : vector<8x2048xf32>
        %slice3A_355 = vector.extract_strided_slice %dot_general3A_299 {offsets = [232, 0], sizes = [8, 2048], strides = [1, 1]} : vector<512x2048xf32> to vector<8x2048xf32>
        %min3A_356 = arith.minimumf %min3A_354, %slice3A_355 : vector<8x2048xf32>
        %slice3A_357 = vector.extract_strided_slice %dot_general3A_299 {offsets = [240, 0], sizes = [8, 2048], strides = [1, 1]} : vector<512x2048xf32> to vector<8x2048xf32>
        %min3A_358 = arith.minimumf %min3A_356, %slice3A_357 : vector<8x2048xf32>
        %slice3A_359 = vector.extract_strided_slice %dot_general3A_299 {offsets = [248, 0], sizes = [8, 2048], strides = [1, 1]} : vector<512x2048xf32> to vector<8x2048xf32>
        %min3A_360 = arith.minimumf %min3A_358, %slice3A_359 : vector<8x2048xf32>
        %slice3A_361 = vector.extract_strided_slice %dot_general3A_299 {offsets = [256, 0], sizes = [8, 2048], strides = [1, 1]} : vector<512x2048xf32> to vector<8x2048xf32>
        %min3A_362 = arith.minimumf %min3A_360, %slice3A_361 : vector<8x2048xf32>
        %slice3A_363 = vector.extract_strided_slice %dot_general3A_299 {offsets = [264, 0], sizes = [8, 2048], strides = [1, 1]} : vector<512x2048xf32> to vector<8x2048xf32>
        %min3A_364 = arith.minimumf %min3A_362, %slice3A_363 : vector<8x2048xf32>
        %slice3A_365 = vector.extract_strided_slice %dot_general3A_299 {offsets = [272, 0], sizes = [8, 2048], strides = [1, 1]} : vector<512x2048xf32> to vector<8x2048xf32>
        %min3A_366 = arith.minimumf %min3A_364, %slice3A_365 : vector<8x2048xf32>
        %slice3A_367 = vector.extract_strided_slice %dot_general3A_299 {offsets = [280, 0], sizes = [8, 2048], strides = [1, 1]} : vector<512x2048xf32> to vector<8x2048xf32>
        %min3A_368 = arith.minimumf %min3A_366, %slice3A_367 : vector<8x2048xf32>
        %slice3A_369 = vector.extract_strided_slice %dot_general3A_299 {offsets = [288, 0], sizes = [8, 2048], strides = [1, 1]} : vector<512x2048xf32> to vector<8x2048xf32>
        %min3A_370 = arith.minimumf %min3A_368, %slice3A_369 : vector<8x2048xf32>
        %slice3A_371 = vector.extract_strided_slice %dot_general3A_299 {offsets = [296, 0], sizes = [8, 2048], strides = [1, 1]} : vector<512x2048xf32> to vector<8x2048xf32>
        %min3A_372 = arith.minimumf %min3A_370, %slice3A_371 : vector<8x2048xf32>
        %slice3A_373 = vector.extract_strided_slice %dot_general3A_299 {offsets = [304, 0], sizes = [8, 2048], strides = [1, 1]} : vector<512x2048xf32> to vector<8x2048xf32>
        %min3A_374 = arith.minimumf %min3A_372, %slice3A_373 : vector<8x2048xf32>
        %slice3A_375 = vector.extract_strided_slice %dot_general3A_299 {offsets = [312, 0], sizes = [8, 2048], strides = [1, 1]} : vector<512x2048xf32> to vector<8x2048xf32>
        %min3A_376 = arith.minimumf %min3A_374, %slice3A_375 : vector<8x2048xf32>
        %slice3A_377 = vector.extract_strided_slice %dot_general3A_299 {offsets = [320, 0], sizes = [8, 2048], strides = [1, 1]} : vector<512x2048xf32> to vector<8x2048xf32>
        %min3A_378 = arith.minimumf %min3A_376, %slice3A_377 : vector<8x2048xf32>
        %slice3A_379 = vector.extract_strided_slice %dot_general3A_299 {offsets = [328, 0], sizes = [8, 2048], strides = [1, 1]} : vector<512x2048xf32> to vector<8x2048xf32>
        %min3A_380 = arith.minimumf %min3A_378, %slice3A_379 : vector<8x2048xf32>
        %slice3A_381 = vector.extract_strided_slice %dot_general3A_299 {offsets = [336, 0], sizes = [8, 2048], strides = [1, 1]} : vector<512x2048xf32> to vector<8x2048xf32>
        %min3A_382 = arith.minimumf %min3A_380, %slice3A_381 : vector<8x2048xf32>
        %slice3A_383 = vector.extract_strided_slice %dot_general3A_299 {offsets = [344, 0], sizes = [8, 2048], strides = [1, 1]} : vector<512x2048xf32> to vector<8x2048xf32>
        %min3A_384 = arith.minimumf %min3A_382, %slice3A_383 : vector<8x2048xf32>
        %slice3A_385 = vector.extract_strided_slice %dot_general3A_299 {offsets = [352, 0], sizes = [8, 2048], strides = [1, 1]} : vector<512x2048xf32> to vector<8x2048xf32>
        %min3A_386 = arith.minimumf %min3A_384, %slice3A_385 : vector<8x2048xf32>
        %slice3A_387 = vector.extract_strided_slice %dot_general3A_299 {offsets = [360, 0], sizes = [8, 2048], strides = [1, 1]} : vector<512x2048xf32> to vector<8x2048xf32>
        %min3A_388 = arith.minimumf %min3A_386, %slice3A_387 : vector<8x2048xf32>
        %slice3A_389 = vector.extract_strided_slice %dot_general3A_299 {offsets = [368, 0], sizes = [8, 2048], strides = [1, 1]} : vector<512x2048xf32> to vector<8x2048xf32>
        %min3A_390 = arith.minimumf %min3A_388, %slice3A_389 : vector<8x2048xf32>
        %slice3A_391 = vector.extract_strided_slice %dot_general3A_299 {offsets = [376, 0], sizes = [8, 2048], strides = [1, 1]} : vector<512x2048xf32> to vector<8x2048xf32>
        %min3A_392 = arith.minimumf %min3A_390, %slice3A_391 : vector<8x2048xf32>
        %slice3A_393 = vector.extract_strided_slice %dot_general3A_299 {offsets = [384, 0], sizes = [8, 2048], strides = [1, 1]} : vector<512x2048xf32> to vector<8x2048xf32>
        %min3A_394 = arith.minimumf %min3A_392, %slice3A_393 : vector<8x2048xf32>
        %slice3A_395 = vector.extract_strided_slice %dot_general3A_299 {offsets = [392, 0], sizes = [8, 2048], strides = [1, 1]} : vector<512x2048xf32> to vector<8x2048xf32>
        %min3A_396 = arith.minimumf %min3A_394, %slice3A_395 : vector<8x2048xf32>
        %slice3A_397 = vector.extract_strided_slice %dot_general3A_299 {offsets = [400, 0], sizes = [8, 2048], strides = [1, 1]} : vector<512x2048xf32> to vector<8x2048xf32>
        %min3A_398 = arith.minimumf %min3A_396, %slice3A_397 : vector<8x2048xf32>
        %slice3A_399 = vector.extract_strided_slice %dot_general3A_299 {offsets = [408, 0], sizes = [8, 2048], strides = [1, 1]} : vector<512x2048xf32> to vector<8x2048xf32>
        %min3A_400 = arith.minimumf %min3A_398, %slice3A_399 : vector<8x2048xf32>
        %slice3A_401 = vector.extract_strided_slice %dot_general3A_299 {offsets = [416, 0], sizes = [8, 2048], strides = [1, 1]} : vector<512x2048xf32> to vector<8x2048xf32>
        %min3A_402 = arith.minimumf %min3A_400, %slice3A_401 : vector<8x2048xf32>
        %slice3A_403 = vector.extract_strided_slice %dot_general3A_299 {offsets = [424, 0], sizes = [8, 2048], strides = [1, 1]} : vector<512x2048xf32> to vector<8x2048xf32>
        %min3A_404 = arith.minimumf %min3A_402, %slice3A_403 : vector<8x2048xf32>
        %slice3A_405 = vector.extract_strided_slice %dot_general3A_299 {offsets = [432, 0], sizes = [8, 2048], strides = [1, 1]} : vector<512x2048xf32> to vector<8x2048xf32>
        %min3A_406 = arith.minimumf %min3A_404, %slice3A_405 : vector<8x2048xf32>
        %slice3A_407 = vector.extract_strided_slice %dot_general3A_299 {offsets = [440, 0], sizes = [8, 2048], strides = [1, 1]} : vector<512x2048xf32> to vector<8x2048xf32>
        %min3A_408 = arith.minimumf %min3A_406, %slice3A_407 : vector<8x2048xf32>
        %slice3A_409 = vector.extract_strided_slice %dot_general3A_299 {offsets = [448, 0], sizes = [8, 2048], strides = [1, 1]} : vector<512x2048xf32> to vector<8x2048xf32>
        %min3A_410 = arith.minimumf %min3A_408, %slice3A_409 : vector<8x2048xf32>
        %slice3A_411 = vector.extract_strided_slice %dot_general3A_299 {offsets = [456, 0], sizes = [8, 2048], strides = [1, 1]} : vector<512x2048xf32> to vector<8x2048xf32>
        %min3A_412 = arith.minimumf %min3A_410, %slice3A_411 : vector<8x2048xf32>
        %slice3A_413 = vector.extract_strided_slice %dot_general3A_299 {offsets = [464, 0], sizes = [8, 2048], strides = [1, 1]} : vector<512x2048xf32> to vector<8x2048xf32>
        %min3A_414 = arith.minimumf %min3A_412, %slice3A_413 : vector<8x2048xf32>
        %slice3A_415 = vector.extract_strided_slice %dot_general3A_299 {offsets = [472, 0], sizes = [8, 2048], strides = [1, 1]} : vector<512x2048xf32> to vector<8x2048xf32>
        %min3A_416 = arith.minimumf %min3A_414, %slice3A_415 : vector<8x2048xf32>
        %slice3A_417 = vector.extract_strided_slice %dot_general3A_299 {offsets = [480, 0], sizes = [8, 2048], strides = [1, 1]} : vector<512x2048xf32> to vector<8x2048xf32>
        %min3A_418 = arith.minimumf %min3A_416, %slice3A_417 : vector<8x2048xf32>
        %slice3A_419 = vector.extract_strided_slice %dot_general3A_299 {offsets = [488, 0], sizes = [8, 2048], strides = [1, 1]} : vector<512x2048xf32> to vector<8x2048xf32>
        %min3A_420 = arith.minimumf %min3A_418, %slice3A_419 : vector<8x2048xf32>
        %slice3A_421 = vector.extract_strided_slice %dot_general3A_299 {offsets = [496, 0], sizes = [8, 2048], strides = [1, 1]} : vector<512x2048xf32> to vector<8x2048xf32>
        %min3A_422 = arith.minimumf %min3A_420, %slice3A_421 : vector<8x2048xf32>
        %slice3A_423 = vector.extract_strided_slice %dot_general3A_299 {offsets = [504, 0], sizes = [8, 2048], strides = [1, 1]} : vector<512x2048xf32> to vector<8x2048xf32>
        %min3A_424 = arith.minimumf %min3A_422, %slice3A_423 : vector<8x2048xf32>
        %get3A_425 = arith.constant 0 : index
        %get3A_426 = arith.constant 0 : index
        %get3A_427 = vector.load %arg7[%get3A_425, %get3A_426] : memref<8x8192xf32, #tpu.memory_space<vmem>>, vector<8x2048xf32>
        %min3A_428 = arith.minimumf %get3A_427, %min3A_424 : vector<8x2048xf32>
        %swap3A_429 = arith.constant 0 : index
        %swap3A_430 = arith.constant 0 : index
        %swap3A_431 = vector.load %arg7[%swap3A_429, %swap3A_430] : memref<8x8192xf32, #tpu.memory_space<vmem>>, vector<8x2048xf32>
        tpu.vector_store %arg7[%swap3A_429, %swap3A_430], %min3A_428 {strides = array<i32>} : memref<8x8192xf32, #tpu.memory_space<vmem>>, vector<8x2048xf32>,
        %slice3A_432 = vector.extract_strided_slice %dot_general3A_299 {offsets = [0, 0], sizes = [512, 128], strides = [1, 1]} : vector<512x2048xf32> to vector<512x128xf32>
        %slice3A_433 = vector.extract_strided_slice %dot_general3A_299 {offsets = [0, 128], sizes = [512, 128], strides = [1, 1]} : vector<512x2048xf32> to vector<512x128xf32>
        %min3A_434 = arith.minimumf %slice3A_432, %slice3A_433 : vector<512x128xf32>
        %slice3A_435 = vector.extract_strided_slice %dot_general3A_299 {offsets = [0, 256], sizes = [512, 128], strides = [1, 1]} : vector<512x2048xf32> to vector<512x128xf32>
        %min3A_436 = arith.minimumf %min3A_434, %slice3A_435 : vector<512x128xf32>
        %slice3A_437 = vector.extract_strided_slice %dot_general3A_299 {offsets = [0, 384], sizes = [512, 128], strides = [1, 1]} : vector<512x2048xf32> to vector<512x128xf32>
        %min3A_438 = arith.minimumf %min3A_436, %slice3A_437 : vector<512x128xf32>
        %slice3A_439 = vector.extract_strided_slice %dot_general3A_299 {offsets = [0, 512], sizes = [512, 128], strides = [1, 1]} : vector<512x2048xf32> to vector<512x128xf32>
        %min3A_440 = arith.minimumf %min3A_438, %slice3A_439 : vector<512x128xf32>
        %slice3A_441 = vector.extract_strided_slice %dot_general3A_299 {offsets = [0, 640], sizes = [512, 128], strides = [1, 1]} : vector<512x2048xf32> to vector<512x128xf32>
        %min3A_442 = arith.minimumf %min3A_440, %slice3A_441 : vector<512x128xf32>
        %slice3A_443 = vector.extract_strided_slice %dot_general3A_299 {offsets = [0, 768], sizes = [512, 128], strides = [1, 1]} : vector<512x2048xf32> to vector<512x128xf32>
        %min3A_444 = arith.minimumf %min3A_442, %slice3A_443 : vector<512x128xf32>
        %slice3A_445 = vector.extract_strided_slice %dot_general3A_299 {offsets = [0, 896], sizes = [512, 128], strides = [1, 1]} : vector<512x2048xf32> to vector<512x128xf32>
        %min3A_446 = arith.minimumf %min3A_444, %slice3A_445 : vector<512x128xf32>
        %slice3A_447 = vector.extract_strided_slice %dot_general3A_299 {offsets = [0, 1024], sizes = [512, 128], strides = [1, 1]} : vector<512x2048xf32> to vector<512x128xf32>
        %min3A_448 = arith.minimumf %min3A_446, %slice3A_447 : vector<512x128xf32>
        %slice3A_449 = vector.extract_strided_slice %dot_general3A_299 {offsets = [0, 1152], sizes = [512, 128], strides = [1, 1]} : vector<512x2048xf32> to vector<512x128xf32>
        %min3A_450 = arith.minimumf %min3A_448, %slice3A_449 : vector<512x128xf32>
        %slice3A_451 = vector.extract_strided_slice %dot_general3A_299 {offsets = [0, 1280], sizes = [512, 128], strides = [1, 1]} : vector<512x2048xf32> to vector<512x128xf32>
        %min3A_452 = arith.minimumf %min3A_450, %slice3A_451 : vector<512x128xf32>
        %slice3A_453 = vector.extract_strided_slice %dot_general3A_299 {offsets = [0, 1408], sizes = [512, 128], strides = [1, 1]} : vector<512x2048xf32> to vector<512x128xf32>
        %min3A_454 = arith.minimumf %min3A_452, %slice3A_453 : vector<512x128xf32>
        %slice3A_455 = vector.extract_strided_slice %dot_general3A_299 {offsets = [0, 1536], sizes = [512, 128], strides = [1, 1]} : vector<512x2048xf32> to vector<512x128xf32>
        %min3A_456 = arith.minimumf %min3A_454, %slice3A_455 : vector<512x128xf32>
        %slice3A_457 = vector.extract_strided_slice %dot_general3A_299 {offsets = [0, 1664], sizes = [512, 128], strides = [1, 1]} : vector<512x2048xf32> to vector<512x128xf32>
        %min3A_458 = arith.minimumf %min3A_456, %slice3A_457 : vector<512x128xf32>
        %slice3A_459 = vector.extract_strided_slice %dot_general3A_299 {offsets = [0, 1792], sizes = [512, 128], strides = [1, 1]} : vector<512x2048xf32> to vector<512x128xf32>
        %min3A_460 = arith.minimumf %min3A_458, %slice3A_459 : vector<512x128xf32>
        %slice3A_461 = vector.extract_strided_slice %dot_general3A_299 {offsets = [0, 1920], sizes = [512, 128], strides = [1, 1]} : vector<512x2048xf32> to vector<512x128xf32>
        %min3A_462 = arith.minimumf %min3A_460, %slice3A_461 : vector<512x128xf32>
        %get3A_463 = arith.constant 0 : index
        %get3A_464 = arith.constant 0 : index
        %get3A_465 = vector.load %arg8[%get3A_463, %get3A_464] : memref<512x128xf32, #tpu.memory_space<vmem>>, vector<512x128xf32>
        %min3A_466 = arith.minimumf %get3A_465, %min3A_462 : vector<512x128xf32>
        %swap3A_467 = arith.constant 0 : index
        %swap3A_468 = arith.constant 0 : index
        %swap3A_469 = vector.load %arg8[%swap3A_467, %swap3A_468] : memref<512x128xf32, #tpu.memory_space<vmem>>, vector<512x128xf32>
        tpu.vector_store %arg8[%swap3A_467, %swap3A_468], %min3A_466 {strides = array<i32>} : memref<512x128xf32, #tpu.memory_space<vmem>>, vector<512x128xf32>,
      } else {
      }
      %gt3A_255 = arith.constant 2048 : i32
      %gt3A_256 = arith.cmpi sgt, %get3A_19, %gt3A_255 : i32
      %convert_element_type3A_257 = arith.extui %gt3A_256 : i1 to i32
      %cond3A_258 = arith.constant 0 : i32
      %cond3A_259 = arith.cmpi ne, %convert_element_type3A_257, %cond3A_258 : i32
      scf.if %cond3A_259 {
        %get3A_296 = arith.constant 0 : index
        %get3A_297 = arith.constant 2048 : index
        %get3A_298 = vector.load %arg6[%get3A_296, %get3A_297] : memref<16x8192xbf16, #tpu.memory_space<vmem>>, vector<16x2048xbf16>
        %dot_general3A = arith.constant dense<0.000000e+00> : vector<512x2048xf32>
        %dot_general3A_299 = tpu.matmul %get3A_245, %get3A_298, %dot_general3A {dimension_numbers = #tpu.dot_dimension_numbers<[0], [0], [1], [1], [0, 1, 1, 1], [], []>, transpose_lhs_hint = false} : vector<16x512xbf16>, vector<16x2048xbf16>, vector<512x2048xf32> -> vector<512x2048xf32>
        %slice3A = vector.extract_strided_slice %dot_general3A_299 {offsets = [0, 0], sizes = [8, 2048], strides = [1, 1]} : vector<512x2048xf32> to vector<8x2048xf32>
        %slice3A_300 = vector.extract_strided_slice %dot_general3A_299 {offsets = [8, 0], sizes = [8, 2048], strides = [1, 1]} : vector<512x2048xf32> to vector<8x2048xf32>
        %min3A = arith.minimumf %slice3A, %slice3A_300 : vector<8x2048xf32>
        %slice3A_301 = vector.extract_strided_slice %dot_general3A_299 {offsets = [16, 0], sizes = [8, 2048], strides = [1, 1]} : vector<512x2048xf32> to vector<8x2048xf32>
        %min3A_302 = arith.minimumf %min3A, %slice3A_301 : vector<8x2048xf32>
        %slice3A_303 = vector.extract_strided_slice %dot_general3A_299 {offsets = [24, 0], sizes = [8, 2048], strides = [1, 1]} : vector<512x2048xf32> to vector<8x2048xf32>
        %min3A_304 = arith.minimumf %min3A_302, %slice3A_303 : vector<8x2048xf32>
        %slice3A_305 = vector.extract_strided_slice %dot_general3A_299 {offsets = [32, 0], sizes = [8, 2048], strides = [1, 1]} : vector<512x2048xf32> to vector<8x2048xf32>
        %min3A_306 = arith.minimumf %min3A_304, %slice3A_305 : vector<8x2048xf32>
        %slice3A_307 = vector.extract_strided_slice %dot_general3A_299 {offsets = [40, 0], sizes = [8, 2048], strides = [1, 1]} : vector<512x2048xf32> to vector<8x2048xf32>
        %min3A_308 = arith.minimumf %min3A_306, %slice3A_307 : vector<8x2048xf32>
        %slice3A_309 = vector.extract_strided_slice %dot_general3A_299 {offsets = [48, 0], sizes = [8, 2048], strides = [1, 1]} : vector<512x2048xf32> to vector<8x2048xf32>
        %min3A_310 = arith.minimumf %min3A_308, %slice3A_309 : vector<8x2048xf32>
        %slice3A_311 = vector.extract_strided_slice %dot_general3A_299 {offsets = [56, 0], sizes = [8, 2048], strides = [1, 1]} : vector<512x2048xf32> to vector<8x2048xf32>
        %min3A_312 = arith.minimumf %min3A_310, %slice3A_311 : vector<8x2048xf32>
        %slice3A_313 = vector.extract_strided_slice %dot_general3A_299 {offsets = [64, 0], sizes = [8, 2048], strides = [1, 1]} : vector<512x2048xf32> to vector<8x2048xf32>
        %min3A_314 = arith.minimumf %min3A_312, %slice3A_313 : vector<8x2048xf32>
        %slice3A_315 = vector.extract_strided_slice %dot_general3A_299 {offsets = [72, 0], sizes = [8, 2048], strides = [1, 1]} : vector<512x2048xf32> to vector<8x2048xf32>
        %min3A_316 = arith.minimumf %min3A_314, %slice3A_315 : vector<8x2048xf32>
        %slice3A_317 = vector.extract_strided_slice %dot_general3A_299 {offsets = [80, 0], sizes = [8, 2048], strides = [1, 1]} : vector<512x2048xf32> to vector<8x2048xf32>
        %min3A_318 = arith.minimumf %min3A_316, %slice3A_317 : vector<8x2048xf32>
        %slice3A_319 = vector.extract_strided_slice %dot_general3A_299 {offsets = [88, 0], sizes = [8, 2048], strides = [1, 1]} : vector<512x2048xf32> to vector<8x2048xf32>
        %min3A_320 = arith.minimumf %min3A_318, %slice3A_319 : vector<8x2048xf32>
        %slice3A_321 = vector.extract_strided_slice %dot_general3A_299 {offsets = [96, 0], sizes = [8, 2048], strides = [1, 1]} : vector<512x2048xf32> to vector<8x2048xf32>
        %min3A_322 = arith.minimumf %min3A_320, %slice3A_321 : vector<8x2048xf32>
        %slice3A_323 = vector.extract_strided_slice %dot_general3A_299 {offsets = [104, 0], sizes = [8, 2048], strides = [1, 1]} : vector<512x2048xf32> to vector<8x2048xf32>
        %min3A_324 = arith.minimumf %min3A_322, %slice3A_323 : vector<8x2048xf32>
        %slice3A_325 = vector.extract_strided_slice %dot_general3A_299 {offsets = [112, 0], sizes = [8, 2048], strides = [1, 1]} : vector<512x2048xf32> to vector<8x2048xf32>
        %min3A_326 = arith.minimumf %min3A_324, %slice3A_325 : vector<8x2048xf32>
        %slice3A_327 = vector.extract_strided_slice %dot_general3A_299 {offsets = [120, 0], sizes = [8, 2048], strides = [1, 1]} : vector<512x2048xf32> to vector<8x2048xf32>
        %min3A_328 = arith.minimumf %min3A_326, %slice3A_327 : vector<8x2048xf32>
        %slice3A_329 = vector.extract_strided_slice %dot_general3A_299 {offsets = [128, 0], sizes = [8, 2048], strides = [1, 1]} : vector<512x2048xf32> to vector<8x2048xf32>
        %min3A_330 = arith.minimumf %min3A_328, %slice3A_329 : vector<8x2048xf32>
        %slice3A_331 = vector.extract_strided_slice %dot_general3A_299 {offsets = [136, 0], sizes = [8, 2048], strides = [1, 1]} : vector<512x2048xf32> to vector<8x2048xf32>
        %min3A_332 = arith.minimumf %min3A_330, %slice3A_331 : vector<8x2048xf32>
        %slice3A_333 = vector.extract_strided_slice %dot_general3A_299 {offsets = [144, 0], sizes = [8, 2048], strides = [1, 1]} : vector<512x2048xf32> to vector<8x2048xf32>
        %min3A_334 = arith.minimumf %min3A_332, %slice3A_333 : vector<8x2048xf32>
        %slice3A_335 = vector.extract_strided_slice %dot_general3A_299 {offsets = [152, 0], sizes = [8, 2048], strides = [1, 1]} : vector<512x2048xf32> to vector<8x2048xf32>
        %min3A_336 = arith.minimumf %min3A_334, %slice3A_335 : vector<8x2048xf32>
        %slice3A_337 = vector.extract_strided_slice %dot_general3A_299 {offsets = [160, 0], sizes = [8, 2048], strides = [1, 1]} : vector<512x2048xf32> to vector<8x2048xf32>
        %min3A_338 = arith.minimumf %min3A_336, %slice3A_337 : vector<8x2048xf32>
        %slice3A_339 = vector.extract_strided_slice %dot_general3A_299 {offsets = [168, 0], sizes = [8, 2048], strides = [1, 1]} : vector<512x2048xf32> to vector<8x2048xf32>
        %min3A_340 = arith.minimumf %min3A_338, %slice3A_339 : vector<8x2048xf32>
        %slice3A_341 = vector.extract_strided_slice %dot_general3A_299 {offsets = [176, 0], sizes = [8, 2048], strides = [1, 1]} : vector<512x2048xf32> to vector<8x2048xf32>
        %min3A_342 = arith.minimumf %min3A_340, %slice3A_341 : vector<8x2048xf32>
        %slice3A_343 = vector.extract_strided_slice %dot_general3A_299 {offsets = [184, 0], sizes = [8, 2048], strides = [1, 1]} : vector<512x2048xf32> to vector<8x2048xf32>
        %min3A_344 = arith.minimumf %min3A_342, %slice3A_343 : vector<8x2048xf32>
        %slice3A_345 = vector.extract_strided_slice %dot_general3A_299 {offsets = [192, 0], sizes = [8, 2048], strides = [1, 1]} : vector<512x2048xf32> to vector<8x2048xf32>
        %min3A_346 = arith.minimumf %min3A_344, %slice3A_345 : vector<8x2048xf32>
        %slice3A_347 = vector.extract_strided_slice %dot_general3A_299 {offsets = [200, 0], sizes = [8, 2048], strides = [1, 1]} : vector<512x2048xf32> to vector<8x2048xf32>
        %min3A_348 = arith.minimumf %min3A_346, %slice3A_347 : vector<8x2048xf32>
        %slice3A_349 = vector.extract_strided_slice %dot_general3A_299 {offsets = [208, 0], sizes = [8, 2048], strides = [1, 1]} : vector<512x2048xf32> to vector<8x2048xf32>
        %min3A_350 = arith.minimumf %min3A_348, %slice3A_349 : vector<8x2048xf32>
        %slice3A_351 = vector.extract_strided_slice %dot_general3A_299 {offsets = [216, 0], sizes = [8, 2048], strides = [1, 1]} : vector<512x2048xf32> to vector<8x2048xf32>
        %min3A_352 = arith.minimumf %min3A_350, %slice3A_351 : vector<8x2048xf32>
        %slice3A_353 = vector.extract_strided_slice %dot_general3A_299 {offsets = [224, 0], sizes = [8, 2048], strides = [1, 1]} : vector<512x2048xf32> to vector<8x2048xf32>
        %min3A_354 = arith.minimumf %min3A_352, %slice3A_353 : vector<8x2048xf32>
        %slice3A_355 = vector.extract_strided_slice %dot_general3A_299 {offsets = [232, 0], sizes = [8, 2048], strides = [1, 1]} : vector<512x2048xf32> to vector<8x2048xf32>
        %min3A_356 = arith.minimumf %min3A_354, %slice3A_355 : vector<8x2048xf32>
        %slice3A_357 = vector.extract_strided_slice %dot_general3A_299 {offsets = [240, 0], sizes = [8, 2048], strides = [1, 1]} : vector<512x2048xf32> to vector<8x2048xf32>
        %min3A_358 = arith.minimumf %min3A_356, %slice3A_357 : vector<8x2048xf32>
        %slice3A_359 = vector.extract_strided_slice %dot_general3A_299 {offsets = [248, 0], sizes = [8, 2048], strides = [1, 1]} : vector<512x2048xf32> to vector<8x2048xf32>
        %min3A_360 = arith.minimumf %min3A_358, %slice3A_359 : vector<8x2048xf32>
        %slice3A_361 = vector.extract_strided_slice %dot_general3A_299 {offsets = [256, 0], sizes = [8, 2048], strides = [1, 1]} : vector<512x2048xf32> to vector<8x2048xf32>
        %min3A_362 = arith.minimumf %min3A_360, %slice3A_361 : vector<8x2048xf32>
        %slice3A_363 = vector.extract_strided_slice %dot_general3A_299 {offsets = [264, 0], sizes = [8, 2048], strides = [1, 1]} : vector<512x2048xf32> to vector<8x2048xf32>
        %min3A_364 = arith.minimumf %min3A_362, %slice3A_363 : vector<8x2048xf32>
        %slice3A_365 = vector.extract_strided_slice %dot_general3A_299 {offsets = [272, 0], sizes = [8, 2048], strides = [1, 1]} : vector<512x2048xf32> to vector<8x2048xf32>
        %min3A_366 = arith.minimumf %min3A_364, %slice3A_365 : vector<8x2048xf32>
        %slice3A_367 = vector.extract_strided_slice %dot_general3A_299 {offsets = [280, 0], sizes = [8, 2048], strides = [1, 1]} : vector<512x2048xf32> to vector<8x2048xf32>
        %min3A_368 = arith.minimumf %min3A_366, %slice3A_367 : vector<8x2048xf32>
        %slice3A_369 = vector.extract_strided_slice %dot_general3A_299 {offsets = [288, 0], sizes = [8, 2048], strides = [1, 1]} : vector<512x2048xf32> to vector<8x2048xf32>
        %min3A_370 = arith.minimumf %min3A_368, %slice3A_369 : vector<8x2048xf32>
        %slice3A_371 = vector.extract_strided_slice %dot_general3A_299 {offsets = [296, 0], sizes = [8, 2048], strides = [1, 1]} : vector<512x2048xf32> to vector<8x2048xf32>
        %min3A_372 = arith.minimumf %min3A_370, %slice3A_371 : vector<8x2048xf32>
        %slice3A_373 = vector.extract_strided_slice %dot_general3A_299 {offsets = [304, 0], sizes = [8, 2048], strides = [1, 1]} : vector<512x2048xf32> to vector<8x2048xf32>
        %min3A_374 = arith.minimumf %min3A_372, %slice3A_373 : vector<8x2048xf32>
        %slice3A_375 = vector.extract_strided_slice %dot_general3A_299 {offsets = [312, 0], sizes = [8, 2048], strides = [1, 1]} : vector<512x2048xf32> to vector<8x2048xf32>
        %min3A_376 = arith.minimumf %min3A_374, %slice3A_375 : vector<8x2048xf32>
        %slice3A_377 = vector.extract_strided_slice %dot_general3A_299 {offsets = [320, 0], sizes = [8, 2048], strides = [1, 1]} : vector<512x2048xf32> to vector<8x2048xf32>
        %min3A_378 = arith.minimumf %min3A_376, %slice3A_377 : vector<8x2048xf32>
        %slice3A_379 = vector.extract_strided_slice %dot_general3A_299 {offsets = [328, 0], sizes = [8, 2048], strides = [1, 1]} : vector<512x2048xf32> to vector<8x2048xf32>
        %min3A_380 = arith.minimumf %min3A_378, %slice3A_379 : vector<8x2048xf32>
        %slice3A_381 = vector.extract_strided_slice %dot_general3A_299 {offsets = [336, 0], sizes = [8, 2048], strides = [1, 1]} : vector<512x2048xf32> to vector<8x2048xf32>
        %min3A_382 = arith.minimumf %min3A_380, %slice3A_381 : vector<8x2048xf32>
        %slice3A_383 = vector.extract_strided_slice %dot_general3A_299 {offsets = [344, 0], sizes = [8, 2048], strides = [1, 1]} : vector<512x2048xf32> to vector<8x2048xf32>
        %min3A_384 = arith.minimumf %min3A_382, %slice3A_383 : vector<8x2048xf32>
        %slice3A_385 = vector.extract_strided_slice %dot_general3A_299 {offsets = [352, 0], sizes = [8, 2048], strides = [1, 1]} : vector<512x2048xf32> to vector<8x2048xf32>
        %min3A_386 = arith.minimumf %min3A_384, %slice3A_385 : vector<8x2048xf32>
        %slice3A_387 = vector.extract_strided_slice %dot_general3A_299 {offsets = [360, 0], sizes = [8, 2048], strides = [1, 1]} : vector<512x2048xf32> to vector<8x2048xf32>
        %min3A_388 = arith.minimumf %min3A_386, %slice3A_387 : vector<8x2048xf32>
        %slice3A_389 = vector.extract_strided_slice %dot_general3A_299 {offsets = [368, 0], sizes = [8, 2048], strides = [1, 1]} : vector<512x2048xf32> to vector<8x2048xf32>
        %min3A_390 = arith.minimumf %min3A_388, %slice3A_389 : vector<8x2048xf32>
        %slice3A_391 = vector.extract_strided_slice %dot_general3A_299 {offsets = [376, 0], sizes = [8, 2048], strides = [1, 1]} : vector<512x2048xf32> to vector<8x2048xf32>
        %min3A_392 = arith.minimumf %min3A_390, %slice3A_391 : vector<8x2048xf32>
        %slice3A_393 = vector.extract_strided_slice %dot_general3A_299 {offsets = [384, 0], sizes = [8, 2048], strides = [1, 1]} : vector<512x2048xf32> to vector<8x2048xf32>
        %min3A_394 = arith.minimumf %min3A_392, %slice3A_393 : vector<8x2048xf32>
        %slice3A_395 = vector.extract_strided_slice %dot_general3A_299 {offsets = [392, 0], sizes = [8, 2048], strides = [1, 1]} : vector<512x2048xf32> to vector<8x2048xf32>
        %min3A_396 = arith.minimumf %min3A_394, %slice3A_395 : vector<8x2048xf32>
        %slice3A_397 = vector.extract_strided_slice %dot_general3A_299 {offsets = [400, 0], sizes = [8, 2048], strides = [1, 1]} : vector<512x2048xf32> to vector<8x2048xf32>
        %min3A_398 = arith.minimumf %min3A_396, %slice3A_397 : vector<8x2048xf32>
        %slice3A_399 = vector.extract_strided_slice %dot_general3A_299 {offsets = [408, 0], sizes = [8, 2048], strides = [1, 1]} : vector<512x2048xf32> to vector<8x2048xf32>
        %min3A_400 = arith.minimumf %min3A_398, %slice3A_399 : vector<8x2048xf32>
        %slice3A_401 = vector.extract_strided_slice %dot_general3A_299 {offsets = [416, 0], sizes = [8, 2048], strides = [1, 1]} : vector<512x2048xf32> to vector<8x2048xf32>
        %min3A_402 = arith.minimumf %min3A_400, %slice3A_401 : vector<8x2048xf32>
        %slice3A_403 = vector.extract_strided_slice %dot_general3A_299 {offsets = [424, 0], sizes = [8, 2048], strides = [1, 1]} : vector<512x2048xf32> to vector<8x2048xf32>
        %min3A_404 = arith.minimumf %min3A_402, %slice3A_403 : vector<8x2048xf32>
        %slice3A_405 = vector.extract_strided_slice %dot_general3A_299 {offsets = [432, 0], sizes = [8, 2048], strides = [1, 1]} : vector<512x2048xf32> to vector<8x2048xf32>
        %min3A_406 = arith.minimumf %min3A_404, %slice3A_405 : vector<8x2048xf32>
        %slice3A_407 = vector.extract_strided_slice %dot_general3A_299 {offsets = [440, 0], sizes = [8, 2048], strides = [1, 1]} : vector<512x2048xf32> to vector<8x2048xf32>
        %min3A_408 = arith.minimumf %min3A_406, %slice3A_407 : vector<8x2048xf32>
        %slice3A_409 = vector.extract_strided_slice %dot_general3A_299 {offsets = [448, 0], sizes = [8, 2048], strides = [1, 1]} : vector<512x2048xf32> to vector<8x2048xf32>
        %min3A_410 = arith.minimumf %min3A_408, %slice3A_409 : vector<8x2048xf32>
        %slice3A_411 = vector.extract_strided_slice %dot_general3A_299 {offsets = [456, 0], sizes = [8, 2048], strides = [1, 1]} : vector<512x2048xf32> to vector<8x2048xf32>
        %min3A_412 = arith.minimumf %min3A_410, %slice3A_411 : vector<8x2048xf32>
        %slice3A_413 = vector.extract_strided_slice %dot_general3A_299 {offsets = [464, 0], sizes = [8, 2048], strides = [1, 1]} : vector<512x2048xf32> to vector<8x2048xf32>
        %min3A_414 = arith.minimumf %min3A_412, %slice3A_413 : vector<8x2048xf32>
        %slice3A_415 = vector.extract_strided_slice %dot_general3A_299 {offsets = [472, 0], sizes = [8, 2048], strides = [1, 1]} : vector<512x2048xf32> to vector<8x2048xf32>
        %min3A_416 = arith.minimumf %min3A_414, %slice3A_415 : vector<8x2048xf32>
        %slice3A_417 = vector.extract_strided_slice %dot_general3A_299 {offsets = [480, 0], sizes = [8, 2048], strides = [1, 1]} : vector<512x2048xf32> to vector<8x2048xf32>
        %min3A_418 = arith.minimumf %min3A_416, %slice3A_417 : vector<8x2048xf32>
        %slice3A_419 = vector.extract_strided_slice %dot_general3A_299 {offsets = [488, 0], sizes = [8, 2048], strides = [1, 1]} : vector<512x2048xf32> to vector<8x2048xf32>
        %min3A_420 = arith.minimumf %min3A_418, %slice3A_419 : vector<8x2048xf32>
        %slice3A_421 = vector.extract_strided_slice %dot_general3A_299 {offsets = [496, 0], sizes = [8, 2048], strides = [1, 1]} : vector<512x2048xf32> to vector<8x2048xf32>
        %min3A_422 = arith.minimumf %min3A_420, %slice3A_421 : vector<8x2048xf32>
        %slice3A_423 = vector.extract_strided_slice %dot_general3A_299 {offsets = [504, 0], sizes = [8, 2048], strides = [1, 1]} : vector<512x2048xf32> to vector<8x2048xf32>
        %min3A_424 = arith.minimumf %min3A_422, %slice3A_423 : vector<8x2048xf32>
        %get3A_425 = arith.constant 0 : index
        %get3A_426 = arith.constant 2048 : index
        %get3A_427 = vector.load %arg7[%get3A_425, %get3A_426] : memref<8x8192xf32, #tpu.memory_space<vmem>>, vector<8x2048xf32>
        %min3A_428 = arith.minimumf %get3A_427, %min3A_424 : vector<8x2048xf32>
        %swap3A_429 = arith.constant 0 : index
        %swap3A_430 = arith.constant 2048 : index
        %swap3A_431 = vector.load %arg7[%swap3A_429, %swap3A_430] : memref<8x8192xf32, #tpu.memory_space<vmem>>, vector<8x2048xf32>
        tpu.vector_store %arg7[%swap3A_429, %swap3A_430], %min3A_428 {strides = array<i32>} : memref<8x8192xf32, #tpu.memory_space<vmem>>, vector<8x2048xf32>,
        %slice3A_432 = vector.extract_strided_slice %dot_general3A_299 {offsets = [0, 0], sizes = [512, 128], strides = [1, 1]} : vector<512x2048xf32> to vector<512x128xf32>
        %slice3A_433 = vector.extract_strided_slice %dot_general3A_299 {offsets = [0, 128], sizes = [512, 128], strides = [1, 1]} : vector<512x2048xf32> to vector<512x128xf32>
        %min3A_434 = arith.minimumf %slice3A_432, %slice3A_433 : vector<512x128xf32>
        %slice3A_435 = vector.extract_strided_slice %dot_general3A_299 {offsets = [0, 256], sizes = [512, 128], strides = [1, 1]} : vector<512x2048xf32> to vector<512x128xf32>
        %min3A_436 = arith.minimumf %min3A_434, %slice3A_435 : vector<512x128xf32>
        %slice3A_437 = vector.extract_strided_slice %dot_general3A_299 {offsets = [0, 384], sizes = [512, 128], strides = [1, 1]} : vector<512x2048xf32> to vector<512x128xf32>
        %min3A_438 = arith.minimumf %min3A_436, %slice3A_437 : vector<512x128xf32>
        %slice3A_439 = vector.extract_strided_slice %dot_general3A_299 {offsets = [0, 512], sizes = [512, 128], strides = [1, 1]} : vector<512x2048xf32> to vector<512x128xf32>
        %min3A_440 = arith.minimumf %min3A_438, %slice3A_439 : vector<512x128xf32>
        %slice3A_441 = vector.extract_strided_slice %dot_general3A_299 {offsets = [0, 640], sizes = [512, 128], strides = [1, 1]} : vector<512x2048xf32> to vector<512x128xf32>
        %min3A_442 = arith.minimumf %min3A_440, %slice3A_441 : vector<512x128xf32>
        %slice3A_443 = vector.extract_strided_slice %dot_general3A_299 {offsets = [0, 768], sizes = [512, 128], strides = [1, 1]} : vector<512x2048xf32> to vector<512x128xf32>
        %min3A_444 = arith.minimumf %min3A_442, %slice3A_443 : vector<512x128xf32>
        %slice3A_445 = vector.extract_strided_slice %dot_general3A_299 {offsets = [0, 896], sizes = [512, 128], strides = [1, 1]} : vector<512x2048xf32> to vector<512x128xf32>
        %min3A_446 = arith.minimumf %min3A_444, %slice3A_445 : vector<512x128xf32>
        %slice3A_447 = vector.extract_strided_slice %dot_general3A_299 {offsets = [0, 1024], sizes = [512, 128], strides = [1, 1]} : vector<512x2048xf32> to vector<512x128xf32>
        %min3A_448 = arith.minimumf %min3A_446, %slice3A_447 : vector<512x128xf32>
        %slice3A_449 = vector.extract_strided_slice %dot_general3A_299 {offsets = [0, 1152], sizes = [512, 128], strides = [1, 1]} : vector<512x2048xf32> to vector<512x128xf32>
        %min3A_450 = arith.minimumf %min3A_448, %slice3A_449 : vector<512x128xf32>
        %slice3A_451 = vector.extract_strided_slice %dot_general3A_299 {offsets = [0, 1280], sizes = [512, 128], strides = [1, 1]} : vector<512x2048xf32> to vector<512x128xf32>
        %min3A_452 = arith.minimumf %min3A_450, %slice3A_451 : vector<512x128xf32>
        %slice3A_453 = vector.extract_strided_slice %dot_general3A_299 {offsets = [0, 1408], sizes = [512, 128], strides = [1, 1]} : vector<512x2048xf32> to vector<512x128xf32>
        %min3A_454 = arith.minimumf %min3A_452, %slice3A_453 : vector<512x128xf32>
        %slice3A_455 = vector.extract_strided_slice %dot_general3A_299 {offsets = [0, 1536], sizes = [512, 128], strides = [1, 1]} : vector<512x2048xf32> to vector<512x128xf32>
        %min3A_456 = arith.minimumf %min3A_454, %slice3A_455 : vector<512x128xf32>
        %slice3A_457 = vector.extract_strided_slice %dot_general3A_299 {offsets = [0, 1664], sizes = [512, 128], strides = [1, 1]} : vector<512x2048xf32> to vector<512x128xf32>
        %min3A_458 = arith.minimumf %min3A_456, %slice3A_457 : vector<512x128xf32>
        %slice3A_459 = vector.extract_strided_slice %dot_general3A_299 {offsets = [0, 1792], sizes = [512, 128], strides = [1, 1]} : vector<512x2048xf32> to vector<512x128xf32>
        %min3A_460 = arith.minimumf %min3A_458, %slice3A_459 : vector<512x128xf32>
        %slice3A_461 = vector.extract_strided_slice %dot_general3A_299 {offsets = [0, 1920], sizes = [512, 128], strides = [1, 1]} : vector<512x2048xf32> to vector<512x128xf32>
        %min3A_462 = arith.minimumf %min3A_460, %slice3A_461 : vector<512x128xf32>
        %get3A_463 = arith.constant 0 : index
        %get3A_464 = arith.constant 0 : index
        %get3A_465 = vector.load %arg8[%get3A_463, %get3A_464] : memref<512x128xf32, #tpu.memory_space<vmem>>, vector<512x128xf32>
        %min3A_466 = arith.minimumf %get3A_465, %min3A_462 : vector<512x128xf32>
        %swap3A_467 = arith.constant 0 : index
        %swap3A_468 = arith.constant 0 : index
        %swap3A_469 = vector.load %arg8[%swap3A_467, %swap3A_468] : memref<512x128xf32, #tpu.memory_space<vmem>>, vector<512x128xf32>
        tpu.vector_store %arg8[%swap3A_467, %swap3A_468], %min3A_466 {strides = array<i32>} : memref<512x128xf32, #tpu.memory_space<vmem>>, vector<512x128xf32>,
      } else {
      }
      %gt3A_260 = arith.constant 0 : i32
      %gt3A_261 = arith.cmpi sgt, %get3A_28, %gt3A_260 : i32
      %convert_element_type3A_262 = arith.extui %gt3A_261 : i1 to i32
      %cond3A_263 = arith.constant 0 : i32
      %cond3A_264 = arith.cmpi ne, %convert_element_type3A_262, %cond3A_263 : i32
      scf.if %cond3A_264 {
        %get3A_296 = arith.constant 0 : index
        %get3A_297 = arith.constant 4096 : index
        %get3A_298 = vector.load %arg6[%get3A_296, %get3A_297] : memref<16x8192xbf16, #tpu.memory_space<vmem>>, vector<16x2048xbf16>
        %dot_general3A = arith.constant dense<0.000000e+00> : vector<512x2048xf32>
        %dot_general3A_299 = tpu.matmul %get3A_245, %get3A_298, %dot_general3A {dimension_numbers = #tpu.dot_dimension_numbers<[0], [0], [1], [1], [0, 1, 1, 1], [], []>, transpose_lhs_hint = false} : vector<16x512xbf16>, vector<16x2048xbf16>, vector<512x2048xf32> -> vector<512x2048xf32>
        %slice3A = vector.extract_strided_slice %dot_general3A_299 {offsets = [0, 0], sizes = [8, 2048], strides = [1, 1]} : vector<512x2048xf32> to vector<8x2048xf32>
        %slice3A_300 = vector.extract_strided_slice %dot_general3A_299 {offsets = [8, 0], sizes = [8, 2048], strides = [1, 1]} : vector<512x2048xf32> to vector<8x2048xf32>
        %min3A = arith.minimumf %slice3A, %slice3A_300 : vector<8x2048xf32>
        %slice3A_301 = vector.extract_strided_slice %dot_general3A_299 {offsets = [16, 0], sizes = [8, 2048], strides = [1, 1]} : vector<512x2048xf32> to vector<8x2048xf32>
        %min3A_302 = arith.minimumf %min3A, %slice3A_301 : vector<8x2048xf32>
        %slice3A_303 = vector.extract_strided_slice %dot_general3A_299 {offsets = [24, 0], sizes = [8, 2048], strides = [1, 1]} : vector<512x2048xf32> to vector<8x2048xf32>
        %min3A_304 = arith.minimumf %min3A_302, %slice3A_303 : vector<8x2048xf32>
        %slice3A_305 = vector.extract_strided_slice %dot_general3A_299 {offsets = [32, 0], sizes = [8, 2048], strides = [1, 1]} : vector<512x2048xf32> to vector<8x2048xf32>
        %min3A_306 = arith.minimumf %min3A_304, %slice3A_305 : vector<8x2048xf32>
        %slice3A_307 = vector.extract_strided_slice %dot_general3A_299 {offsets = [40, 0], sizes = [8, 2048], strides = [1, 1]} : vector<512x2048xf32> to vector<8x2048xf32>
        %min3A_308 = arith.minimumf %min3A_306, %slice3A_307 : vector<8x2048xf32>
        %slice3A_309 = vector.extract_strided_slice %dot_general3A_299 {offsets = [48, 0], sizes = [8, 2048], strides = [1, 1]} : vector<512x2048xf32> to vector<8x2048xf32>
        %min3A_310 = arith.minimumf %min3A_308, %slice3A_309 : vector<8x2048xf32>
        %slice3A_311 = vector.extract_strided_slice %dot_general3A_299 {offsets = [56, 0], sizes = [8, 2048], strides = [1, 1]} : vector<512x2048xf32> to vector<8x2048xf32>
        %min3A_312 = arith.minimumf %min3A_310, %slice3A_311 : vector<8x2048xf32>
        %slice3A_313 = vector.extract_strided_slice %dot_general3A_299 {offsets = [64, 0], sizes = [8, 2048], strides = [1, 1]} : vector<512x2048xf32> to vector<8x2048xf32>
        %min3A_314 = arith.minimumf %min3A_312, %slice3A_313 : vector<8x2048xf32>
        %slice3A_315 = vector.extract_strided_slice %dot_general3A_299 {offsets = [72, 0], sizes = [8, 2048], strides = [1, 1]} : vector<512x2048xf32> to vector<8x2048xf32>
        %min3A_316 = arith.minimumf %min3A_314, %slice3A_315 : vector<8x2048xf32>
        %slice3A_317 = vector.extract_strided_slice %dot_general3A_299 {offsets = [80, 0], sizes = [8, 2048], strides = [1, 1]} : vector<512x2048xf32> to vector<8x2048xf32>
        %min3A_318 = arith.minimumf %min3A_316, %slice3A_317 : vector<8x2048xf32>
        %slice3A_319 = vector.extract_strided_slice %dot_general3A_299 {offsets = [88, 0], sizes = [8, 2048], strides = [1, 1]} : vector<512x2048xf32> to vector<8x2048xf32>
        %min3A_320 = arith.minimumf %min3A_318, %slice3A_319 : vector<8x2048xf32>
        %slice3A_321 = vector.extract_strided_slice %dot_general3A_299 {offsets = [96, 0], sizes = [8, 2048], strides = [1, 1]} : vector<512x2048xf32> to vector<8x2048xf32>
        %min3A_322 = arith.minimumf %min3A_320, %slice3A_321 : vector<8x2048xf32>
        %slice3A_323 = vector.extract_strided_slice %dot_general3A_299 {offsets = [104, 0], sizes = [8, 2048], strides = [1, 1]} : vector<512x2048xf32> to vector<8x2048xf32>
        %min3A_324 = arith.minimumf %min3A_322, %slice3A_323 : vector<8x2048xf32>
        %slice3A_325 = vector.extract_strided_slice %dot_general3A_299 {offsets = [112, 0], sizes = [8, 2048], strides = [1, 1]} : vector<512x2048xf32> to vector<8x2048xf32>
        %min3A_326 = arith.minimumf %min3A_324, %slice3A_325 : vector<8x2048xf32>
        %slice3A_327 = vector.extract_strided_slice %dot_general3A_299 {offsets = [120, 0], sizes = [8, 2048], strides = [1, 1]} : vector<512x2048xf32> to vector<8x2048xf32>
        %min3A_328 = arith.minimumf %min3A_326, %slice3A_327 : vector<8x2048xf32>
        %slice3A_329 = vector.extract_strided_slice %dot_general3A_299 {offsets = [128, 0], sizes = [8, 2048], strides = [1, 1]} : vector<512x2048xf32> to vector<8x2048xf32>
        %min3A_330 = arith.minimumf %min3A_328, %slice3A_329 : vector<8x2048xf32>
        %slice3A_331 = vector.extract_strided_slice %dot_general3A_299 {offsets = [136, 0], sizes = [8, 2048], strides = [1, 1]} : vector<512x2048xf32> to vector<8x2048xf32>
        %min3A_332 = arith.minimumf %min3A_330, %slice3A_331 : vector<8x2048xf32>
        %slice3A_333 = vector.extract_strided_slice %dot_general3A_299 {offsets = [144, 0], sizes = [8, 2048], strides = [1, 1]} : vector<512x2048xf32> to vector<8x2048xf32>
        %min3A_334 = arith.minimumf %min3A_332, %slice3A_333 : vector<8x2048xf32>
        %slice3A_335 = vector.extract_strided_slice %dot_general3A_299 {offsets = [152, 0], sizes = [8, 2048], strides = [1, 1]} : vector<512x2048xf32> to vector<8x2048xf32>
        %min3A_336 = arith.minimumf %min3A_334, %slice3A_335 : vector<8x2048xf32>
        %slice3A_337 = vector.extract_strided_slice %dot_general3A_299 {offsets = [160, 0], sizes = [8, 2048], strides = [1, 1]} : vector<512x2048xf32> to vector<8x2048xf32>
        %min3A_338 = arith.minimumf %min3A_336, %slice3A_337 : vector<8x2048xf32>
        %slice3A_339 = vector.extract_strided_slice %dot_general3A_299 {offsets = [168, 0], sizes = [8, 2048], strides = [1, 1]} : vector<512x2048xf32> to vector<8x2048xf32>
        %min3A_340 = arith.minimumf %min3A_338, %slice3A_339 : vector<8x2048xf32>
        %slice3A_341 = vector.extract_strided_slice %dot_general3A_299 {offsets = [176, 0], sizes = [8, 2048], strides = [1, 1]} : vector<512x2048xf32> to vector<8x2048xf32>
        %min3A_342 = arith.minimumf %min3A_340, %slice3A_341 : vector<8x2048xf32>
        %slice3A_343 = vector.extract_strided_slice %dot_general3A_299 {offsets = [184, 0], sizes = [8, 2048], strides = [1, 1]} : vector<512x2048xf32> to vector<8x2048xf32>
        %min3A_344 = arith.minimumf %min3A_342, %slice3A_343 : vector<8x2048xf32>
        %slice3A_345 = vector.extract_strided_slice %dot_general3A_299 {offsets = [192, 0], sizes = [8, 2048], strides = [1, 1]} : vector<512x2048xf32> to vector<8x2048xf32>
        %min3A_346 = arith.minimumf %min3A_344, %slice3A_345 : vector<8x2048xf32>
        %slice3A_347 = vector.extract_strided_slice %dot_general3A_299 {offsets = [200, 0], sizes = [8, 2048], strides = [1, 1]} : vector<512x2048xf32> to vector<8x2048xf32>
        %min3A_348 = arith.minimumf %min3A_346, %slice3A_347 : vector<8x2048xf32>
        %slice3A_349 = vector.extract_strided_slice %dot_general3A_299 {offsets = [208, 0], sizes = [8, 2048], strides = [1, 1]} : vector<512x2048xf32> to vector<8x2048xf32>
        %min3A_350 = arith.minimumf %min3A_348, %slice3A_349 : vector<8x2048xf32>
        %slice3A_351 = vector.extract_strided_slice %dot_general3A_299 {offsets = [216, 0], sizes = [8, 2048], strides = [1, 1]} : vector<512x2048xf32> to vector<8x2048xf32>
        %min3A_352 = arith.minimumf %min3A_350, %slice3A_351 : vector<8x2048xf32>
        %slice3A_353 = vector.extract_strided_slice %dot_general3A_299 {offsets = [224, 0], sizes = [8, 2048], strides = [1, 1]} : vector<512x2048xf32> to vector<8x2048xf32>
        %min3A_354 = arith.minimumf %min3A_352, %slice3A_353 : vector<8x2048xf32>
        %slice3A_355 = vector.extract_strided_slice %dot_general3A_299 {offsets = [232, 0], sizes = [8, 2048], strides = [1, 1]} : vector<512x2048xf32> to vector<8x2048xf32>
        %min3A_356 = arith.minimumf %min3A_354, %slice3A_355 : vector<8x2048xf32>
        %slice3A_357 = vector.extract_strided_slice %dot_general3A_299 {offsets = [240, 0], sizes = [8, 2048], strides = [1, 1]} : vector<512x2048xf32> to vector<8x2048xf32>
        %min3A_358 = arith.minimumf %min3A_356, %slice3A_357 : vector<8x2048xf32>
        %slice3A_359 = vector.extract_strided_slice %dot_general3A_299 {offsets = [248, 0], sizes = [8, 2048], strides = [1, 1]} : vector<512x2048xf32> to vector<8x2048xf32>
        %min3A_360 = arith.minimumf %min3A_358, %slice3A_359 : vector<8x2048xf32>
        %slice3A_361 = vector.extract_strided_slice %dot_general3A_299 {offsets = [256, 0], sizes = [8, 2048], strides = [1, 1]} : vector<512x2048xf32> to vector<8x2048xf32>
        %min3A_362 = arith.minimumf %min3A_360, %slice3A_361 : vector<8x2048xf32>
        %slice3A_363 = vector.extract_strided_slice %dot_general3A_299 {offsets = [264, 0], sizes = [8, 2048], strides = [1, 1]} : vector<512x2048xf32> to vector<8x2048xf32>
        %min3A_364 = arith.minimumf %min3A_362, %slice3A_363 : vector<8x2048xf32>
        %slice3A_365 = vector.extract_strided_slice %dot_general3A_299 {offsets = [272, 0], sizes = [8, 2048], strides = [1, 1]} : vector<512x2048xf32> to vector<8x2048xf32>
        %min3A_366 = arith.minimumf %min3A_364, %slice3A_365 : vector<8x2048xf32>
        %slice3A_367 = vector.extract_strided_slice %dot_general3A_299 {offsets = [280, 0], sizes = [8, 2048], strides = [1, 1]} : vector<512x2048xf32> to vector<8x2048xf32>
        %min3A_368 = arith.minimumf %min3A_366, %slice3A_367 : vector<8x2048xf32>
        %slice3A_369 = vector.extract_strided_slice %dot_general3A_299 {offsets = [288, 0], sizes = [8, 2048], strides = [1, 1]} : vector<512x2048xf32> to vector<8x2048xf32>
        %min3A_370 = arith.minimumf %min3A_368, %slice3A_369 : vector<8x2048xf32>
        %slice3A_371 = vector.extract_strided_slice %dot_general3A_299 {offsets = [296, 0], sizes = [8, 2048], strides = [1, 1]} : vector<512x2048xf32> to vector<8x2048xf32>
        %min3A_372 = arith.minimumf %min3A_370, %slice3A_371 : vector<8x2048xf32>
        %slice3A_373 = vector.extract_strided_slice %dot_general3A_299 {offsets = [304, 0], sizes = [8, 2048], strides = [1, 1]} : vector<512x2048xf32> to vector<8x2048xf32>
        %min3A_374 = arith.minimumf %min3A_372, %slice3A_373 : vector<8x2048xf32>
        %slice3A_375 = vector.extract_strided_slice %dot_general3A_299 {offsets = [312, 0], sizes = [8, 2048], strides = [1, 1]} : vector<512x2048xf32> to vector<8x2048xf32>
        %min3A_376 = arith.minimumf %min3A_374, %slice3A_375 : vector<8x2048xf32>
        %slice3A_377 = vector.extract_strided_slice %dot_general3A_299 {offsets = [320, 0], sizes = [8, 2048], strides = [1, 1]} : vector<512x2048xf32> to vector<8x2048xf32>
        %min3A_378 = arith.minimumf %min3A_376, %slice3A_377 : vector<8x2048xf32>
        %slice3A_379 = vector.extract_strided_slice %dot_general3A_299 {offsets = [328, 0], sizes = [8, 2048], strides = [1, 1]} : vector<512x2048xf32> to vector<8x2048xf32>
        %min3A_380 = arith.minimumf %min3A_378, %slice3A_379 : vector<8x2048xf32>
        %slice3A_381 = vector.extract_strided_slice %dot_general3A_299 {offsets = [336, 0], sizes = [8, 2048], strides = [1, 1]} : vector<512x2048xf32> to vector<8x2048xf32>
        %min3A_382 = arith.minimumf %min3A_380, %slice3A_381 : vector<8x2048xf32>
        %slice3A_383 = vector.extract_strided_slice %dot_general3A_299 {offsets = [344, 0], sizes = [8, 2048], strides = [1, 1]} : vector<512x2048xf32> to vector<8x2048xf32>
        %min3A_384 = arith.minimumf %min3A_382, %slice3A_383 : vector<8x2048xf32>
        %slice3A_385 = vector.extract_strided_slice %dot_general3A_299 {offsets = [352, 0], sizes = [8, 2048], strides = [1, 1]} : vector<512x2048xf32> to vector<8x2048xf32>
        %min3A_386 = arith.minimumf %min3A_384, %slice3A_385 : vector<8x2048xf32>
        %slice3A_387 = vector.extract_strided_slice %dot_general3A_299 {offsets = [360, 0], sizes = [8, 2048], strides = [1, 1]} : vector<512x2048xf32> to vector<8x2048xf32>
        %min3A_388 = arith.minimumf %min3A_386, %slice3A_387 : vector<8x2048xf32>
        %slice3A_389 = vector.extract_strided_slice %dot_general3A_299 {offsets = [368, 0], sizes = [8, 2048], strides = [1, 1]} : vector<512x2048xf32> to vector<8x2048xf32>
        %min3A_390 = arith.minimumf %min3A_388, %slice3A_389 : vector<8x2048xf32>
        %slice3A_391 = vector.extract_strided_slice %dot_general3A_299 {offsets = [376, 0], sizes = [8, 2048], strides = [1, 1]} : vector<512x2048xf32> to vector<8x2048xf32>
        %min3A_392 = arith.minimumf %min3A_390, %slice3A_391 : vector<8x2048xf32>
        %slice3A_393 = vector.extract_strided_slice %dot_general3A_299 {offsets = [384, 0], sizes = [8, 2048], strides = [1, 1]} : vector<512x2048xf32> to vector<8x2048xf32>
        %min3A_394 = arith.minimumf %min3A_392, %slice3A_393 : vector<8x2048xf32>
        %slice3A_395 = vector.extract_strided_slice %dot_general3A_299 {offsets = [392, 0], sizes = [8, 2048], strides = [1, 1]} : vector<512x2048xf32> to vector<8x2048xf32>
        %min3A_396 = arith.minimumf %min3A_394, %slice3A_395 : vector<8x2048xf32>
        %slice3A_397 = vector.extract_strided_slice %dot_general3A_299 {offsets = [400, 0], sizes = [8, 2048], strides = [1, 1]} : vector<512x2048xf32> to vector<8x2048xf32>
        %min3A_398 = arith.minimumf %min3A_396, %slice3A_397 : vector<8x2048xf32>
        %slice3A_399 = vector.extract_strided_slice %dot_general3A_299 {offsets = [408, 0], sizes = [8, 2048], strides = [1, 1]} : vector<512x2048xf32> to vector<8x2048xf32>
        %min3A_400 = arith.minimumf %min3A_398, %slice3A_399 : vector<8x2048xf32>
        %slice3A_401 = vector.extract_strided_slice %dot_general3A_299 {offsets = [416, 0], sizes = [8, 2048], strides = [1, 1]} : vector<512x2048xf32> to vector<8x2048xf32>
        %min3A_402 = arith.minimumf %min3A_400, %slice3A_401 : vector<8x2048xf32>
        %slice3A_403 = vector.extract_strided_slice %dot_general3A_299 {offsets = [424, 0], sizes = [8, 2048], strides = [1, 1]} : vector<512x2048xf32> to vector<8x2048xf32>
        %min3A_404 = arith.minimumf %min3A_402, %slice3A_403 : vector<8x2048xf32>
        %slice3A_405 = vector.extract_strided_slice %dot_general3A_299 {offsets = [432, 0], sizes = [8, 2048], strides = [1, 1]} : vector<512x2048xf32> to vector<8x2048xf32>
        %min3A_406 = arith.minimumf %min3A_404, %slice3A_405 : vector<8x2048xf32>
        %slice3A_407 = vector.extract_strided_slice %dot_general3A_299 {offsets = [440, 0], sizes = [8, 2048], strides = [1, 1]} : vector<512x2048xf32> to vector<8x2048xf32>
        %min3A_408 = arith.minimumf %min3A_406, %slice3A_407 : vector<8x2048xf32>
        %slice3A_409 = vector.extract_strided_slice %dot_general3A_299 {offsets = [448, 0], sizes = [8, 2048], strides = [1, 1]} : vector<512x2048xf32> to vector<8x2048xf32>
        %min3A_410 = arith.minimumf %min3A_408, %slice3A_409 : vector<8x2048xf32>
        %slice3A_411 = vector.extract_strided_slice %dot_general3A_299 {offsets = [456, 0], sizes = [8, 2048], strides = [1, 1]} : vector<512x2048xf32> to vector<8x2048xf32>
        %min3A_412 = arith.minimumf %min3A_410, %slice3A_411 : vector<8x2048xf32>
        %slice3A_413 = vector.extract_strided_slice %dot_general3A_299 {offsets = [464, 0], sizes = [8, 2048], strides = [1, 1]} : vector<512x2048xf32> to vector<8x2048xf32>
        %min3A_414 = arith.minimumf %min3A_412, %slice3A_413 : vector<8x2048xf32>
        %slice3A_415 = vector.extract_strided_slice %dot_general3A_299 {offsets = [472, 0], sizes = [8, 2048], strides = [1, 1]} : vector<512x2048xf32> to vector<8x2048xf32>
        %min3A_416 = arith.minimumf %min3A_414, %slice3A_415 : vector<8x2048xf32>
        %slice3A_417 = vector.extract_strided_slice %dot_general3A_299 {offsets = [480, 0], sizes = [8, 2048], strides = [1, 1]} : vector<512x2048xf32> to vector<8x2048xf32>
        %min3A_418 = arith.minimumf %min3A_416, %slice3A_417 : vector<8x2048xf32>
        %slice3A_419 = vector.extract_strided_slice %dot_general3A_299 {offsets = [488, 0], sizes = [8, 2048], strides = [1, 1]} : vector<512x2048xf32> to vector<8x2048xf32>
        %min3A_420 = arith.minimumf %min3A_418, %slice3A_419 : vector<8x2048xf32>
        %slice3A_421 = vector.extract_strided_slice %dot_general3A_299 {offsets = [496, 0], sizes = [8, 2048], strides = [1, 1]} : vector<512x2048xf32> to vector<8x2048xf32>
        %min3A_422 = arith.minimumf %min3A_420, %slice3A_421 : vector<8x2048xf32>
        %slice3A_423 = vector.extract_strided_slice %dot_general3A_299 {offsets = [504, 0], sizes = [8, 2048], strides = [1, 1]} : vector<512x2048xf32> to vector<8x2048xf32>
        %min3A_424 = arith.minimumf %min3A_422, %slice3A_423 : vector<8x2048xf32>
        %get3A_425 = arith.constant 0 : index
        %get3A_426 = arith.constant 4096 : index
        %get3A_427 = vector.load %arg7[%get3A_425, %get3A_426] : memref<8x8192xf32, #tpu.memory_space<vmem>>, vector<8x2048xf32>
        %min3A_428 = arith.minimumf %get3A_427, %min3A_424 : vector<8x2048xf32>
        %swap3A_429 = arith.constant 0 : index
        %swap3A_430 = arith.constant 4096 : index
        %swap3A_431 = vector.load %arg7[%swap3A_429, %swap3A_430] : memref<8x8192xf32, #tpu.memory_space<vmem>>, vector<8x2048xf32>
        tpu.vector_store %arg7[%swap3A_429, %swap3A_430], %min3A_428 {strides = array<i32>} : memref<8x8192xf32, #tpu.memory_space<vmem>>, vector<8x2048xf32>,
        %slice3A_432 = vector.extract_strided_slice %dot_general3A_299 {offsets = [0, 0], sizes = [512, 128], strides = [1, 1]} : vector<512x2048xf32> to vector<512x128xf32>
        %slice3A_433 = vector.extract_strided_slice %dot_general3A_299 {offsets = [0, 128], sizes = [512, 128], strides = [1, 1]} : vector<512x2048xf32> to vector<512x128xf32>
        %min3A_434 = arith.minimumf %slice3A_432, %slice3A_433 : vector<512x128xf32>
        %slice3A_435 = vector.extract_strided_slice %dot_general3A_299 {offsets = [0, 256], sizes = [512, 128], strides = [1, 1]} : vector<512x2048xf32> to vector<512x128xf32>
        %min3A_436 = arith.minimumf %min3A_434, %slice3A_435 : vector<512x128xf32>
        %slice3A_437 = vector.extract_strided_slice %dot_general3A_299 {offsets = [0, 384], sizes = [512, 128], strides = [1, 1]} : vector<512x2048xf32> to vector<512x128xf32>
        %min3A_438 = arith.minimumf %min3A_436, %slice3A_437 : vector<512x128xf32>
        %slice3A_439 = vector.extract_strided_slice %dot_general3A_299 {offsets = [0, 512], sizes = [512, 128], strides = [1, 1]} : vector<512x2048xf32> to vector<512x128xf32>
        %min3A_440 = arith.minimumf %min3A_438, %slice3A_439 : vector<512x128xf32>
        %slice3A_441 = vector.extract_strided_slice %dot_general3A_299 {offsets = [0, 640], sizes = [512, 128], strides = [1, 1]} : vector<512x2048xf32> to vector<512x128xf32>
        %min3A_442 = arith.minimumf %min3A_440, %slice3A_441 : vector<512x128xf32>
        %slice3A_443 = vector.extract_strided_slice %dot_general3A_299 {offsets = [0, 768], sizes = [512, 128], strides = [1, 1]} : vector<512x2048xf32> to vector<512x128xf32>
        %min3A_444 = arith.minimumf %min3A_442, %slice3A_443 : vector<512x128xf32>
        %slice3A_445 = vector.extract_strided_slice %dot_general3A_299 {offsets = [0, 896], sizes = [512, 128], strides = [1, 1]} : vector<512x2048xf32> to vector<512x128xf32>
        %min3A_446 = arith.minimumf %min3A_444, %slice3A_445 : vector<512x128xf32>
        %slice3A_447 = vector.extract_strided_slice %dot_general3A_299 {offsets = [0, 1024], sizes = [512, 128], strides = [1, 1]} : vector<512x2048xf32> to vector<512x128xf32>
        %min3A_448 = arith.minimumf %min3A_446, %slice3A_447 : vector<512x128xf32>
        %slice3A_449 = vector.extract_strided_slice %dot_general3A_299 {offsets = [0, 1152], sizes = [512, 128], strides = [1, 1]} : vector<512x2048xf32> to vector<512x128xf32>
        %min3A_450 = arith.minimumf %min3A_448, %slice3A_449 : vector<512x128xf32>
        %slice3A_451 = vector.extract_strided_slice %dot_general3A_299 {offsets = [0, 1280], sizes = [512, 128], strides = [1, 1]} : vector<512x2048xf32> to vector<512x128xf32>
        %min3A_452 = arith.minimumf %min3A_450, %slice3A_451 : vector<512x128xf32>
        %slice3A_453 = vector.extract_strided_slice %dot_general3A_299 {offsets = [0, 1408], sizes = [512, 128], strides = [1, 1]} : vector<512x2048xf32> to vector<512x128xf32>
        %min3A_454 = arith.minimumf %min3A_452, %slice3A_453 : vector<512x128xf32>
        %slice3A_455 = vector.extract_strided_slice %dot_general3A_299 {offsets = [0, 1536], sizes = [512, 128], strides = [1, 1]} : vector<512x2048xf32> to vector<512x128xf32>
        %min3A_456 = arith.minimumf %min3A_454, %slice3A_455 : vector<512x128xf32>
        %slice3A_457 = vector.extract_strided_slice %dot_general3A_299 {offsets = [0, 1664], sizes = [512, 128], strides = [1, 1]} : vector<512x2048xf32> to vector<512x128xf32>
        %min3A_458 = arith.minimumf %min3A_456, %slice3A_457 : vector<512x128xf32>
        %slice3A_459 = vector.extract_strided_slice %dot_general3A_299 {offsets = [0, 1792], sizes = [512, 128], strides = [1, 1]} : vector<512x2048xf32> to vector<512x128xf32>
        %min3A_460 = arith.minimumf %min3A_458, %slice3A_459 : vector<512x128xf32>
        %slice3A_461 = vector.extract_strided_slice %dot_general3A_299 {offsets = [0, 1920], sizes = [512, 128], strides = [1, 1]} : vector<512x2048xf32> to vector<512x128xf32>
        %min3A_462 = arith.minimumf %min3A_460, %slice3A_461 : vector<512x128xf32>
        %get3A_463 = arith.constant 0 : index
        %get3A_464 = arith.constant 0 : index
        %get3A_465 = vector.load %arg8[%get3A_463, %get3A_464] : memref<512x128xf32, #tpu.memory_space<vmem>>, vector<512x128xf32>
        %min3A_466 = arith.minimumf %get3A_465, %min3A_462 : vector<512x128xf32>
        %swap3A_467 = arith.constant 0 : index
        %swap3A_468 = arith.constant 0 : index
        %swap3A_469 = vector.load %arg8[%swap3A_467, %swap3A_468] : memref<512x128xf32, #tpu.memory_space<vmem>>, vector<512x128xf32>
        tpu.vector_store %arg8[%swap3A_467, %swap3A_468], %min3A_466 {strides = array<i32>} : memref<512x128xf32, #tpu.memory_space<vmem>>, vector<512x128xf32>,
      } else {
      }
      %gt3A_265 = arith.constant 2048 : i32
      %gt3A_266 = arith.cmpi sgt, %get3A_28, %gt3A_265 : i32
      %convert_element_type3A_267 = arith.extui %gt3A_266 : i1 to i32
      %cond3A_268 = arith.constant 0 : i32
      %cond3A_269 = arith.cmpi ne, %convert_element_type3A_267, %cond3A_268 : i32
      scf.if %cond3A_269 {
        %get3A_296 = arith.constant 0 : index
        %get3A_297 = arith.constant 6144 : index
        %get3A_298 = vector.load %arg6[%get3A_296, %get3A_297] : memref<16x8192xbf16, #tpu.memory_space<vmem>>, vector<16x2048xbf16>
        %dot_general3A = arith.constant dense<0.000000e+00> : vector<512x2048xf32>
        %dot_general3A_299 = tpu.matmul %get3A_245, %get3A_298, %dot_general3A {dimension_numbers = #tpu.dot_dimension_numbers<[0], [0], [1], [1], [0, 1, 1, 1], [], []>, transpose_lhs_hint = false} : vector<16x512xbf16>, vector<16x2048xbf16>, vector<512x2048xf32> -> vector<512x2048xf32>
        %slice3A = vector.extract_strided_slice %dot_general3A_299 {offsets = [0, 0], sizes = [8, 2048], strides = [1, 1]} : vector<512x2048xf32> to vector<8x2048xf32>
        %slice3A_300 = vector.extract_strided_slice %dot_general3A_299 {offsets = [8, 0], sizes = [8, 2048], strides = [1, 1]} : vector<512x2048xf32> to vector<8x2048xf32>
        %min3A = arith.minimumf %slice3A, %slice3A_300 : vector<8x2048xf32>
        %slice3A_301 = vector.extract_strided_slice %dot_general3A_299 {offsets = [16, 0], sizes = [8, 2048], strides = [1, 1]} : vector<512x2048xf32> to vector<8x2048xf32>
        %min3A_302 = arith.minimumf %min3A, %slice3A_301 : vector<8x2048xf32>
        %slice3A_303 = vector.extract_strided_slice %dot_general3A_299 {offsets = [24, 0], sizes = [8, 2048], strides = [1, 1]} : vector<512x2048xf32> to vector<8x2048xf32>
        %min3A_304 = arith.minimumf %min3A_302, %slice3A_303 : vector<8x2048xf32>
        %slice3A_305 = vector.extract_strided_slice %dot_general3A_299 {offsets = [32, 0], sizes = [8, 2048], strides = [1, 1]} : vector<512x2048xf32> to vector<8x2048xf32>
        %min3A_306 = arith.minimumf %min3A_304, %slice3A_305 : vector<8x2048xf32>
        %slice3A_307 = vector.extract_strided_slice %dot_general3A_299 {offsets = [40, 0], sizes = [8, 2048], strides = [1, 1]} : vector<512x2048xf32> to vector<8x2048xf32>
        %min3A_308 = arith.minimumf %min3A_306, %slice3A_307 : vector<8x2048xf32>
        %slice3A_309 = vector.extract_strided_slice %dot_general3A_299 {offsets = [48, 0], sizes = [8, 2048], strides = [1, 1]} : vector<512x2048xf32> to vector<8x2048xf32>
        %min3A_310 = arith.minimumf %min3A_308, %slice3A_309 : vector<8x2048xf32>
        %slice3A_311 = vector.extract_strided_slice %dot_general3A_299 {offsets = [56, 0], sizes = [8, 2048], strides = [1, 1]} : vector<512x2048xf32> to vector<8x2048xf32>
        %min3A_312 = arith.minimumf %min3A_310, %slice3A_311 : vector<8x2048xf32>
        %slice3A_313 = vector.extract_strided_slice %dot_general3A_299 {offsets = [64, 0], sizes = [8, 2048], strides = [1, 1]} : vector<512x2048xf32> to vector<8x2048xf32>
        %min3A_314 = arith.minimumf %min3A_312, %slice3A_313 : vector<8x2048xf32>
        %slice3A_315 = vector.extract_strided_slice %dot_general3A_299 {offsets = [72, 0], sizes = [8, 2048], strides = [1, 1]} : vector<512x2048xf32> to vector<8x2048xf32>
        %min3A_316 = arith.minimumf %min3A_314, %slice3A_315 : vector<8x2048xf32>
        %slice3A_317 = vector.extract_strided_slice %dot_general3A_299 {offsets = [80, 0], sizes = [8, 2048], strides = [1, 1]} : vector<512x2048xf32> to vector<8x2048xf32>
        %min3A_318 = arith.minimumf %min3A_316, %slice3A_317 : vector<8x2048xf32>
        %slice3A_319 = vector.extract_strided_slice %dot_general3A_299 {offsets = [88, 0], sizes = [8, 2048], strides = [1, 1]} : vector<512x2048xf32> to vector<8x2048xf32>
        %min3A_320 = arith.minimumf %min3A_318, %slice3A_319 : vector<8x2048xf32>
        %slice3A_321 = vector.extract_strided_slice %dot_general3A_299 {offsets = [96, 0], sizes = [8, 2048], strides = [1, 1]} : vector<512x2048xf32> to vector<8x2048xf32>
        %min3A_322 = arith.minimumf %min3A_320, %slice3A_321 : vector<8x2048xf32>
        %slice3A_323 = vector.extract_strided_slice %dot_general3A_299 {offsets = [104, 0], sizes = [8, 2048], strides = [1, 1]} : vector<512x2048xf32> to vector<8x2048xf32>
        %min3A_324 = arith.minimumf %min3A_322, %slice3A_323 : vector<8x2048xf32>
        %slice3A_325 = vector.extract_strided_slice %dot_general3A_299 {offsets = [112, 0], sizes = [8, 2048], strides = [1, 1]} : vector<512x2048xf32> to vector<8x2048xf32>
        %min3A_326 = arith.minimumf %min3A_324, %slice3A_325 : vector<8x2048xf32>
        %slice3A_327 = vector.extract_strided_slice %dot_general3A_299 {offsets = [120, 0], sizes = [8, 2048], strides = [1, 1]} : vector<512x2048xf32> to vector<8x2048xf32>
        %min3A_328 = arith.minimumf %min3A_326, %slice3A_327 : vector<8x2048xf32>
        %slice3A_329 = vector.extract_strided_slice %dot_general3A_299 {offsets = [128, 0], sizes = [8, 2048], strides = [1, 1]} : vector<512x2048xf32> to vector<8x2048xf32>
        %min3A_330 = arith.minimumf %min3A_328, %slice3A_329 : vector<8x2048xf32>
        %slice3A_331 = vector.extract_strided_slice %dot_general3A_299 {offsets = [136, 0], sizes = [8, 2048], strides = [1, 1]} : vector<512x2048xf32> to vector<8x2048xf32>
        %min3A_332 = arith.minimumf %min3A_330, %slice3A_331 : vector<8x2048xf32>
        %slice3A_333 = vector.extract_strided_slice %dot_general3A_299 {offsets = [144, 0], sizes = [8, 2048], strides = [1, 1]} : vector<512x2048xf32> to vector<8x2048xf32>
        %min3A_334 = arith.minimumf %min3A_332, %slice3A_333 : vector<8x2048xf32>
        %slice3A_335 = vector.extract_strided_slice %dot_general3A_299 {offsets = [152, 0], sizes = [8, 2048], strides = [1, 1]} : vector<512x2048xf32> to vector<8x2048xf32>
        %min3A_336 = arith.minimumf %min3A_334, %slice3A_335 : vector<8x2048xf32>
        %slice3A_337 = vector.extract_strided_slice %dot_general3A_299 {offsets = [160, 0], sizes = [8, 2048], strides = [1, 1]} : vector<512x2048xf32> to vector<8x2048xf32>
        %min3A_338 = arith.minimumf %min3A_336, %slice3A_337 : vector<8x2048xf32>
        %slice3A_339 = vector.extract_strided_slice %dot_general3A_299 {offsets = [168, 0], sizes = [8, 2048], strides = [1, 1]} : vector<512x2048xf32> to vector<8x2048xf32>
        %min3A_340 = arith.minimumf %min3A_338, %slice3A_339 : vector<8x2048xf32>
        %slice3A_341 = vector.extract_strided_slice %dot_general3A_299 {offsets = [176, 0], sizes = [8, 2048], strides = [1, 1]} : vector<512x2048xf32> to vector<8x2048xf32>
        %min3A_342 = arith.minimumf %min3A_340, %slice3A_341 : vector<8x2048xf32>
        %slice3A_343 = vector.extract_strided_slice %dot_general3A_299 {offsets = [184, 0], sizes = [8, 2048], strides = [1, 1]} : vector<512x2048xf32> to vector<8x2048xf32>
        %min3A_344 = arith.minimumf %min3A_342, %slice3A_343 : vector<8x2048xf32>
        %slice3A_345 = vector.extract_strided_slice %dot_general3A_299 {offsets = [192, 0], sizes = [8, 2048], strides = [1, 1]} : vector<512x2048xf32> to vector<8x2048xf32>
        %min3A_346 = arith.minimumf %min3A_344, %slice3A_345 : vector<8x2048xf32>
        %slice3A_347 = vector.extract_strided_slice %dot_general3A_299 {offsets = [200, 0], sizes = [8, 2048], strides = [1, 1]} : vector<512x2048xf32> to vector<8x2048xf32>
        %min3A_348 = arith.minimumf %min3A_346, %slice3A_347 : vector<8x2048xf32>
        %slice3A_349 = vector.extract_strided_slice %dot_general3A_299 {offsets = [208, 0], sizes = [8, 2048], strides = [1, 1]} : vector<512x2048xf32> to vector<8x2048xf32>
        %min3A_350 = arith.minimumf %min3A_348, %slice3A_349 : vector<8x2048xf32>
        %slice3A_351 = vector.extract_strided_slice %dot_general3A_299 {offsets = [216, 0], sizes = [8, 2048], strides = [1, 1]} : vector<512x2048xf32> to vector<8x2048xf32>
        %min3A_352 = arith.minimumf %min3A_350, %slice3A_351 : vector<8x2048xf32>
        %slice3A_353 = vector.extract_strided_slice %dot_general3A_299 {offsets = [224, 0], sizes = [8, 2048], strides = [1, 1]} : vector<512x2048xf32> to vector<8x2048xf32>
        %min3A_354 = arith.minimumf %min3A_352, %slice3A_353 : vector<8x2048xf32>
        %slice3A_355 = vector.extract_strided_slice %dot_general3A_299 {offsets = [232, 0], sizes = [8, 2048], strides = [1, 1]} : vector<512x2048xf32> to vector<8x2048xf32>
        %min3A_356 = arith.minimumf %min3A_354, %slice3A_355 : vector<8x2048xf32>
        %slice3A_357 = vector.extract_strided_slice %dot_general3A_299 {offsets = [240, 0], sizes = [8, 2048], strides = [1, 1]} : vector<512x2048xf32> to vector<8x2048xf32>
        %min3A_358 = arith.minimumf %min3A_356, %slice3A_357 : vector<8x2048xf32>
        %slice3A_359 = vector.extract_strided_slice %dot_general3A_299 {offsets = [248, 0], sizes = [8, 2048], strides = [1, 1]} : vector<512x2048xf32> to vector<8x2048xf32>
        %min3A_360 = arith.minimumf %min3A_358, %slice3A_359 : vector<8x2048xf32>
        %slice3A_361 = vector.extract_strided_slice %dot_general3A_299 {offsets = [256, 0], sizes = [8, 2048], strides = [1, 1]} : vector<512x2048xf32> to vector<8x2048xf32>
        %min3A_362 = arith.minimumf %min3A_360, %slice3A_361 : vector<8x2048xf32>
        %slice3A_363 = vector.extract_strided_slice %dot_general3A_299 {offsets = [264, 0], sizes = [8, 2048], strides = [1, 1]} : vector<512x2048xf32> to vector<8x2048xf32>
        %min3A_364 = arith.minimumf %min3A_362, %slice3A_363 : vector<8x2048xf32>
        %slice3A_365 = vector.extract_strided_slice %dot_general3A_299 {offsets = [272, 0], sizes = [8, 2048], strides = [1, 1]} : vector<512x2048xf32> to vector<8x2048xf32>
        %min3A_366 = arith.minimumf %min3A_364, %slice3A_365 : vector<8x2048xf32>
        %slice3A_367 = vector.extract_strided_slice %dot_general3A_299 {offsets = [280, 0], sizes = [8, 2048], strides = [1, 1]} : vector<512x2048xf32> to vector<8x2048xf32>
        %min3A_368 = arith.minimumf %min3A_366, %slice3A_367 : vector<8x2048xf32>
        %slice3A_369 = vector.extract_strided_slice %dot_general3A_299 {offsets = [288, 0], sizes = [8, 2048], strides = [1, 1]} : vector<512x2048xf32> to vector<8x2048xf32>
        %min3A_370 = arith.minimumf %min3A_368, %slice3A_369 : vector<8x2048xf32>
        %slice3A_371 = vector.extract_strided_slice %dot_general3A_299 {offsets = [296, 0], sizes = [8, 2048], strides = [1, 1]} : vector<512x2048xf32> to vector<8x2048xf32>
        %min3A_372 = arith.minimumf %min3A_370, %slice3A_371 : vector<8x2048xf32>
        %slice3A_373 = vector.extract_strided_slice %dot_general3A_299 {offsets = [304, 0], sizes = [8, 2048], strides = [1, 1]} : vector<512x2048xf32> to vector<8x2048xf32>
        %min3A_374 = arith.minimumf %min3A_372, %slice3A_373 : vector<8x2048xf32>
        %slice3A_375 = vector.extract_strided_slice %dot_general3A_299 {offsets = [312, 0], sizes = [8, 2048], strides = [1, 1]} : vector<512x2048xf32> to vector<8x2048xf32>
        %min3A_376 = arith.minimumf %min3A_374, %slice3A_375 : vector<8x2048xf32>
        %slice3A_377 = vector.extract_strided_slice %dot_general3A_299 {offsets = [320, 0], sizes = [8, 2048], strides = [1, 1]} : vector<512x2048xf32> to vector<8x2048xf32>
        %min3A_378 = arith.minimumf %min3A_376, %slice3A_377 : vector<8x2048xf32>
        %slice3A_379 = vector.extract_strided_slice %dot_general3A_299 {offsets = [328, 0], sizes = [8, 2048], strides = [1, 1]} : vector<512x2048xf32> to vector<8x2048xf32>
        %min3A_380 = arith.minimumf %min3A_378, %slice3A_379 : vector<8x2048xf32>
        %slice3A_381 = vector.extract_strided_slice %dot_general3A_299 {offsets = [336, 0], sizes = [8, 2048], strides = [1, 1]} : vector<512x2048xf32> to vector<8x2048xf32>
        %min3A_382 = arith.minimumf %min3A_380, %slice3A_381 : vector<8x2048xf32>
        %slice3A_383 = vector.extract_strided_slice %dot_general3A_299 {offsets = [344, 0], sizes = [8, 2048], strides = [1, 1]} : vector<512x2048xf32> to vector<8x2048xf32>
        %min3A_384 = arith.minimumf %min3A_382, %slice3A_383 : vector<8x2048xf32>
        %slice3A_385 = vector.extract_strided_slice %dot_general3A_299 {offsets = [352, 0], sizes = [8, 2048], strides = [1, 1]} : vector<512x2048xf32> to vector<8x2048xf32>
        %min3A_386 = arith.minimumf %min3A_384, %slice3A_385 : vector<8x2048xf32>
        %slice3A_387 = vector.extract_strided_slice %dot_general3A_299 {offsets = [360, 0], sizes = [8, 2048], strides = [1, 1]} : vector<512x2048xf32> to vector<8x2048xf32>
        %min3A_388 = arith.minimumf %min3A_386, %slice3A_387 : vector<8x2048xf32>
        %slice3A_389 = vector.extract_strided_slice %dot_general3A_299 {offsets = [368, 0], sizes = [8, 2048], strides = [1, 1]} : vector<512x2048xf32> to vector<8x2048xf32>
        %min3A_390 = arith.minimumf %min3A_388, %slice3A_389 : vector<8x2048xf32>
        %slice3A_391 = vector.extract_strided_slice %dot_general3A_299 {offsets = [376, 0], sizes = [8, 2048], strides = [1, 1]} : vector<512x2048xf32> to vector<8x2048xf32>
        %min3A_392 = arith.minimumf %min3A_390, %slice3A_391 : vector<8x2048xf32>
        %slice3A_393 = vector.extract_strided_slice %dot_general3A_299 {offsets = [384, 0], sizes = [8, 2048], strides = [1, 1]} : vector<512x2048xf32> to vector<8x2048xf32>
        %min3A_394 = arith.minimumf %min3A_392, %slice3A_393 : vector<8x2048xf32>
        %slice3A_395 = vector.extract_strided_slice %dot_general3A_299 {offsets = [392, 0], sizes = [8, 2048], strides = [1, 1]} : vector<512x2048xf32> to vector<8x2048xf32>
        %min3A_396 = arith.minimumf %min3A_394, %slice3A_395 : vector<8x2048xf32>
        %slice3A_397 = vector.extract_strided_slice %dot_general3A_299 {offsets = [400, 0], sizes = [8, 2048], strides = [1, 1]} : vector<512x2048xf32> to vector<8x2048xf32>
        %min3A_398 = arith.minimumf %min3A_396, %slice3A_397 : vector<8x2048xf32>
        %slice3A_399 = vector.extract_strided_slice %dot_general3A_299 {offsets = [408, 0], sizes = [8, 2048], strides = [1, 1]} : vector<512x2048xf32> to vector<8x2048xf32>
        %min3A_400 = arith.minimumf %min3A_398, %slice3A_399 : vector<8x2048xf32>
        %slice3A_401 = vector.extract_strided_slice %dot_general3A_299 {offsets = [416, 0], sizes = [8, 2048], strides = [1, 1]} : vector<512x2048xf32> to vector<8x2048xf32>
        %min3A_402 = arith.minimumf %min3A_400, %slice3A_401 : vector<8x2048xf32>
        %slice3A_403 = vector.extract_strided_slice %dot_general3A_299 {offsets = [424, 0], sizes = [8, 2048], strides = [1, 1]} : vector<512x2048xf32> to vector<8x2048xf32>
        %min3A_404 = arith.minimumf %min3A_402, %slice3A_403 : vector<8x2048xf32>
        %slice3A_405 = vector.extract_strided_slice %dot_general3A_299 {offsets = [432, 0], sizes = [8, 2048], strides = [1, 1]} : vector<512x2048xf32> to vector<8x2048xf32>
        %min3A_406 = arith.minimumf %min3A_404, %slice3A_405 : vector<8x2048xf32>
        %slice3A_407 = vector.extract_strided_slice %dot_general3A_299 {offsets = [440, 0], sizes = [8, 2048], strides = [1, 1]} : vector<512x2048xf32> to vector<8x2048xf32>
        %min3A_408 = arith.minimumf %min3A_406, %slice3A_407 : vector<8x2048xf32>
        %slice3A_409 = vector.extract_strided_slice %dot_general3A_299 {offsets = [448, 0], sizes = [8, 2048], strides = [1, 1]} : vector<512x2048xf32> to vector<8x2048xf32>
        %min3A_410 = arith.minimumf %min3A_408, %slice3A_409 : vector<8x2048xf32>
        %slice3A_411 = vector.extract_strided_slice %dot_general3A_299 {offsets = [456, 0], sizes = [8, 2048], strides = [1, 1]} : vector<512x2048xf32> to vector<8x2048xf32>
        %min3A_412 = arith.minimumf %min3A_410, %slice3A_411 : vector<8x2048xf32>
        %slice3A_413 = vector.extract_strided_slice %dot_general3A_299 {offsets = [464, 0], sizes = [8, 2048], strides = [1, 1]} : vector<512x2048xf32> to vector<8x2048xf32>
        %min3A_414 = arith.minimumf %min3A_412, %slice3A_413 : vector<8x2048xf32>
        %slice3A_415 = vector.extract_strided_slice %dot_general3A_299 {offsets = [472, 0], sizes = [8, 2048], strides = [1, 1]} : vector<512x2048xf32> to vector<8x2048xf32>
        %min3A_416 = arith.minimumf %min3A_414, %slice3A_415 : vector<8x2048xf32>
        %slice3A_417 = vector.extract_strided_slice %dot_general3A_299 {offsets = [480, 0], sizes = [8, 2048], strides = [1, 1]} : vector<512x2048xf32> to vector<8x2048xf32>
        %min3A_418 = arith.minimumf %min3A_416, %slice3A_417 : vector<8x2048xf32>
        %slice3A_419 = vector.extract_strided_slice %dot_general3A_299 {offsets = [488, 0], sizes = [8, 2048], strides = [1, 1]} : vector<512x2048xf32> to vector<8x2048xf32>
        %min3A_420 = arith.minimumf %min3A_418, %slice3A_419 : vector<8x2048xf32>
        %slice3A_421 = vector.extract_strided_slice %dot_general3A_299 {offsets = [496, 0], sizes = [8, 2048], strides = [1, 1]} : vector<512x2048xf32> to vector<8x2048xf32>
        %min3A_422 = arith.minimumf %min3A_420, %slice3A_421 : vector<8x2048xf32>
        %slice3A_423 = vector.extract_strided_slice %dot_general3A_299 {offsets = [504, 0], sizes = [8, 2048], strides = [1, 1]} : vector<512x2048xf32> to vector<8x2048xf32>
        %min3A_424 = arith.minimumf %min3A_422, %slice3A_423 : vector<8x2048xf32>
        %get3A_425 = arith.constant 0 : index
        %get3A_426 = arith.constant 6144 : index
        %get3A_427 = vector.load %arg7[%get3A_425, %get3A_426] : memref<8x8192xf32, #tpu.memory_space<vmem>>, vector<8x2048xf32>
        %min3A_428 = arith.minimumf %get3A_427, %min3A_424 : vector<8x2048xf32>
        %swap3A_429 = arith.constant 0 : index
        %swap3A_430 = arith.constant 6144 : index
        %swap3A_431 = vector.load %arg7[%swap3A_429, %swap3A_430] : memref<8x8192xf32, #tpu.memory_space<vmem>>, vector<8x2048xf32>
        tpu.vector_store %arg7[%swap3A_429, %swap3A_430], %min3A_428 {strides = array<i32>} : memref<8x8192xf32, #tpu.memory_space<vmem>>, vector<8x2048xf32>,
        %slice3A_432 = vector.extract_strided_slice %dot_general3A_299 {offsets = [0, 0], sizes = [512, 128], strides = [1, 1]} : vector<512x2048xf32> to vector<512x128xf32>
        %slice3A_433 = vector.extract_strided_slice %dot_general3A_299 {offsets = [0, 128], sizes = [512, 128], strides = [1, 1]} : vector<512x2048xf32> to vector<512x128xf32>
        %min3A_434 = arith.minimumf %slice3A_432, %slice3A_433 : vector<512x128xf32>
        %slice3A_435 = vector.extract_strided_slice %dot_general3A_299 {offsets = [0, 256], sizes = [512, 128], strides = [1, 1]} : vector<512x2048xf32> to vector<512x128xf32>
        %min3A_436 = arith.minimumf %min3A_434, %slice3A_435 : vector<512x128xf32>
        %slice3A_437 = vector.extract_strided_slice %dot_general3A_299 {offsets = [0, 384], sizes = [512, 128], strides = [1, 1]} : vector<512x2048xf32> to vector<512x128xf32>
        %min3A_438 = arith.minimumf %min3A_436, %slice3A_437 : vector<512x128xf32>
        %slice3A_439 = vector.extract_strided_slice %dot_general3A_299 {offsets = [0, 512], sizes = [512, 128], strides = [1, 1]} : vector<512x2048xf32> to vector<512x128xf32>
        %min3A_440 = arith.minimumf %min3A_438, %slice3A_439 : vector<512x128xf32>
        %slice3A_441 = vector.extract_strided_slice %dot_general3A_299 {offsets = [0, 640], sizes = [512, 128], strides = [1, 1]} : vector<512x2048xf32> to vector<512x128xf32>
        %min3A_442 = arith.minimumf %min3A_440, %slice3A_441 : vector<512x128xf32>
        %slice3A_443 = vector.extract_strided_slice %dot_general3A_299 {offsets = [0, 768], sizes = [512, 128], strides = [1, 1]} : vector<512x2048xf32> to vector<512x128xf32>
        %min3A_444 = arith.minimumf %min3A_442, %slice3A_443 : vector<512x128xf32>
        %slice3A_445 = vector.extract_strided_slice %dot_general3A_299 {offsets = [0, 896], sizes = [512, 128], strides = [1, 1]} : vector<512x2048xf32> to vector<512x128xf32>
        %min3A_446 = arith.minimumf %min3A_444, %slice3A_445 : vector<512x128xf32>
        %slice3A_447 = vector.extract_strided_slice %dot_general3A_299 {offsets = [0, 1024], sizes = [512, 128], strides = [1, 1]} : vector<512x2048xf32> to vector<512x128xf32>
        %min3A_448 = arith.minimumf %min3A_446, %slice3A_447 : vector<512x128xf32>
        %slice3A_449 = vector.extract_strided_slice %dot_general3A_299 {offsets = [0, 1152], sizes = [512, 128], strides = [1, 1]} : vector<512x2048xf32> to vector<512x128xf32>
        %min3A_450 = arith.minimumf %min3A_448, %slice3A_449 : vector<512x128xf32>
        %slice3A_451 = vector.extract_strided_slice %dot_general3A_299 {offsets = [0, 1280], sizes = [512, 128], strides = [1, 1]} : vector<512x2048xf32> to vector<512x128xf32>
        %min3A_452 = arith.minimumf %min3A_450, %slice3A_451 : vector<512x128xf32>
        %slice3A_453 = vector.extract_strided_slice %dot_general3A_299 {offsets = [0, 1408], sizes = [512, 128], strides = [1, 1]} : vector<512x2048xf32> to vector<512x128xf32>
        %min3A_454 = arith.minimumf %min3A_452, %slice3A_453 : vector<512x128xf32>
        %slice3A_455 = vector.extract_strided_slice %dot_general3A_299 {offsets = [0, 1536], sizes = [512, 128], strides = [1, 1]} : vector<512x2048xf32> to vector<512x128xf32>
        %min3A_456 = arith.minimumf %min3A_454, %slice3A_455 : vector<512x128xf32>
        %slice3A_457 = vector.extract_strided_slice %dot_general3A_299 {offsets = [0, 1664], sizes = [512, 128], strides = [1, 1]} : vector<512x2048xf32> to vector<512x128xf32>
        %min3A_458 = arith.minimumf %min3A_456, %slice3A_457 : vector<512x128xf32>
        %slice3A_459 = vector.extract_strided_slice %dot_general3A_299 {offsets = [0, 1792], sizes = [512, 128], strides = [1, 1]} : vector<512x2048xf32> to vector<512x128xf32>
        %min3A_460 = arith.minimumf %min3A_458, %slice3A_459 : vector<512x128xf32>
        %slice3A_461 = vector.extract_strided_slice %dot_general3A_299 {offsets = [0, 1920], sizes = [512, 128], strides = [1, 1]} : vector<512x2048xf32> to vector<512x128xf32>
        %min3A_462 = arith.minimumf %min3A_460, %slice3A_461 : vector<512x128xf32>
        %get3A_463 = arith.constant 0 : index
        %get3A_464 = arith.constant 0 : index
        %get3A_465 = vector.load %arg8[%get3A_463, %get3A_464] : memref<512x128xf32, #tpu.memory_space<vmem>>, vector<512x128xf32>
        %min3A_466 = arith.minimumf %get3A_465, %min3A_462 : vector<512x128xf32>
        %swap3A_467 = arith.constant 0 : index
        %swap3A_468 = arith.constant 0 : index
        %swap3A_469 = vector.load %arg8[%swap3A_467, %swap3A_468] : memref<512x128xf32, #tpu.memory_space<vmem>>, vector<512x128xf32>
        tpu.vector_store %arg8[%swap3A_467, %swap3A_468], %min3A_466 {strides = array<i32>} : memref<512x128xf32, #tpu.memory_space<vmem>>, vector<512x128xf32>,
      } else {
      }
      %get3A_270 = arith.constant 0 : index
      %get3A_271 = arith.constant 0 : index
      %get3A_272 = vector.load %arg8[%get3A_270, %get3A_271] : memref<512x128xf32, #tpu.memory_space<vmem>>, vector<512x128xf32>
      %reduce_min3A_273 = arith.constant dense<0x7F800000> : vector<512xf32>
      %reduce_min3A_274 = vector.multi_reduction <minimumf>, %get3A_272, %reduce_min3A_273 [1] : vector<512x128xf32> to vector<512xf32>
      %broadcast_in_dim3A_275 = vector.shape_cast %reduce_min3A_274 : vector<512xf32> to vector<512x1xf32>
      %lt3A_276 = arith.constant 3.330000e+00 : f32
      %lt3A_277 = vector.broadcast %lt3A_276 : f32 to vector<512x1xf32>
      %lt3A_278 = arith.cmpf olt, %broadcast_in_dim3A_275, %lt3A_277 : vector<512x1xf32>
      %jit3A_279 = arith.constant 0.000000e+00 : f32
      %broadcast_in_dim3A_280 = vector.broadcast %jit3A_279 : f32 to vector<512x1xf32>
      %select_n3A_281 = arith.select %lt3A_278, %broadcast_in_dim3A_275, %broadcast_in_dim3A_280 : vector<512x1xi1>, vector<512x1xf32>
      %reduce_sum3A_282 = vector.shape_cast %select_n3A_281 : vector<512x1xf32> to vector<1x512x1xf32>
      %reduce_sum3A_283 = arith.constant dense<0.000000e+00> : vector<1xf32>
      %reduce_sum3A_284 = vector.multi_reduction <add>, %reduce_sum3A_282, %reduce_sum3A_283 [1, 2] : vector<1x512x1xf32> to vector<1xf32>
      %reduce_sum3A_285 = vector.shape_cast %reduce_sum3A_284 : vector<1xf32> to vector<1x1x1xf32>
      %reduce_sum3A_286 = vector.extract %reduce_sum3A_285[0, 0, 0] : f32 from vector<1x1x1xf32>
      %add3A_287 = arith.addf %while3A_237, %reduce_sum3A_286 : f32
      %convert_element_type3A_288 = arith.extui %lt3A_278 : vector<512x1xi1> to vector<512x1xi32>
      %convert_element_type3A_289 = arith.sitofp %convert_element_type3A_288 : vector<512x1xi32> to vector<512x1xf32>
      %reduce_sum3A_290 = vector.shape_cast %convert_element_type3A_289 : vector<512x1xf32> to vector<1x512x1xf32>
      %reduce_sum3A_291 = arith.constant dense<0.000000e+00> : vector<1xf32>
      %reduce_sum3A_292 = vector.multi_reduction <add>, %reduce_sum3A_290, %reduce_sum3A_291 [1, 2] : vector<1x512x1xf32> to vector<1xf32>
      %reduce_sum3A_293 = vector.shape_cast %reduce_sum3A_292 : vector<1xf32> to vector<1x1x1xf32>
      %reduce_sum3A_294 = vector.extract %reduce_sum3A_293[0, 0, 0] : f32 from vector<1x1x1xf32>
      %add3A_295 = arith.addf %while3A_238, %reduce_sum3A_294 : f32
      scf.yield %add3A_287, %add3A_295 : f32, f32
    }
    %while3A_199 = arith.constant 1 : i32
    %while3A_200:2 = scf.for %while3A_236 = %while3A_196 to %while3A_192 step %while3A_199 iter_args(%while3A_237 = %while3A_198#0, %while3A_238 = %while3A_198#1) -> (f32, f32)  : i32 {
      %add3A_239 = arith.constant 8 : i32
      %add3A_240 = arith.addi %add3A_239, %while3A_236 : i32
      %mul3A_241 = arith.constant 512 : i32
      %mul3A_242 = arith.muli %add3A_240, %mul3A_241 : i32
      %get3A_243 = arith.constant 0 : index
      %get3A_244 = arith.index_cast %mul3A_242 : i32 to index
      %get3A_245 = vector.load %arg5[%get3A_243, %get3A_244] : memref<16x8192xbf16, #tpu.memory_space<vmem>>, vector<16x512xbf16>
      %broadcast_in_dim3A_246 = arith.constant 0x7F800000 : f32
      %broadcast_in_dim3A_247 = vector.broadcast %broadcast_in_dim3A_246 : f32 to vector<512x128xf32>
      %swap3A_248 = arith.constant 0 : index
      %swap3A_249 = arith.constant 0 : index
      %swap3A_250 = vector.load %arg8[%swap3A_248, %swap3A_249] : memref<512x128xf32, #tpu.memory_space<vmem>>, vector<512x128xf32>
      tpu.vector_store %arg8[%swap3A_248, %swap3A_249], %broadcast_in_dim3A_247 {strides = array<i32>} : memref<512x128xf32, #tpu.memory_space<vmem>>, vector<512x128xf32>,
      %gt3A = arith.constant 0 : i32
      %gt3A_251 = arith.cmpi sgt, %get3A_19, %gt3A : i32
      %convert_element_type3A_252 = arith.extui %gt3A_251 : i1 to i32
      %cond3A_253 = arith.constant 0 : i32
      %cond3A_254 = arith.cmpi ne, %convert_element_type3A_252, %cond3A_253 : i32
      scf.if %cond3A_254 {
        %get3A_296 = arith.constant 0 : index
        %get3A_297 = arith.constant 0 : index
        %get3A_298 = vector.load %arg6[%get3A_296, %get3A_297] : memref<16x8192xbf16, #tpu.memory_space<vmem>>, vector<16x2048xbf16>
        %dot_general3A = arith.constant dense<0.000000e+00> : vector<512x2048xf32>
        %dot_general3A_299 = tpu.matmul %get3A_245, %get3A_298, %dot_general3A {dimension_numbers = #tpu.dot_dimension_numbers<[0], [0], [1], [1], [0, 1, 1, 1], [], []>, transpose_lhs_hint = false} : vector<16x512xbf16>, vector<16x2048xbf16>, vector<512x2048xf32> -> vector<512x2048xf32>
        %slice3A = vector.extract_strided_slice %dot_general3A_299 {offsets = [0, 0], sizes = [8, 2048], strides = [1, 1]} : vector<512x2048xf32> to vector<8x2048xf32>
        %slice3A_300 = vector.extract_strided_slice %dot_general3A_299 {offsets = [8, 0], sizes = [8, 2048], strides = [1, 1]} : vector<512x2048xf32> to vector<8x2048xf32>
        %min3A = arith.minimumf %slice3A, %slice3A_300 : vector<8x2048xf32>
        %slice3A_301 = vector.extract_strided_slice %dot_general3A_299 {offsets = [16, 0], sizes = [8, 2048], strides = [1, 1]} : vector<512x2048xf32> to vector<8x2048xf32>
        %min3A_302 = arith.minimumf %min3A, %slice3A_301 : vector<8x2048xf32>
        %slice3A_303 = vector.extract_strided_slice %dot_general3A_299 {offsets = [24, 0], sizes = [8, 2048], strides = [1, 1]} : vector<512x2048xf32> to vector<8x2048xf32>
        %min3A_304 = arith.minimumf %min3A_302, %slice3A_303 : vector<8x2048xf32>
        %slice3A_305 = vector.extract_strided_slice %dot_general3A_299 {offsets = [32, 0], sizes = [8, 2048], strides = [1, 1]} : vector<512x2048xf32> to vector<8x2048xf32>
        %min3A_306 = arith.minimumf %min3A_304, %slice3A_305 : vector<8x2048xf32>
        %slice3A_307 = vector.extract_strided_slice %dot_general3A_299 {offsets = [40, 0], sizes = [8, 2048], strides = [1, 1]} : vector<512x2048xf32> to vector<8x2048xf32>
        %min3A_308 = arith.minimumf %min3A_306, %slice3A_307 : vector<8x2048xf32>
        %slice3A_309 = vector.extract_strided_slice %dot_general3A_299 {offsets = [48, 0], sizes = [8, 2048], strides = [1, 1]} : vector<512x2048xf32> to vector<8x2048xf32>
        %min3A_310 = arith.minimumf %min3A_308, %slice3A_309 : vector<8x2048xf32>
        %slice3A_311 = vector.extract_strided_slice %dot_general3A_299 {offsets = [56, 0], sizes = [8, 2048], strides = [1, 1]} : vector<512x2048xf32> to vector<8x2048xf32>
        %min3A_312 = arith.minimumf %min3A_310, %slice3A_311 : vector<8x2048xf32>
        %slice3A_313 = vector.extract_strided_slice %dot_general3A_299 {offsets = [64, 0], sizes = [8, 2048], strides = [1, 1]} : vector<512x2048xf32> to vector<8x2048xf32>
        %min3A_314 = arith.minimumf %min3A_312, %slice3A_313 : vector<8x2048xf32>
        %slice3A_315 = vector.extract_strided_slice %dot_general3A_299 {offsets = [72, 0], sizes = [8, 2048], strides = [1, 1]} : vector<512x2048xf32> to vector<8x2048xf32>
        %min3A_316 = arith.minimumf %min3A_314, %slice3A_315 : vector<8x2048xf32>
        %slice3A_317 = vector.extract_strided_slice %dot_general3A_299 {offsets = [80, 0], sizes = [8, 2048], strides = [1, 1]} : vector<512x2048xf32> to vector<8x2048xf32>
        %min3A_318 = arith.minimumf %min3A_316, %slice3A_317 : vector<8x2048xf32>
        %slice3A_319 = vector.extract_strided_slice %dot_general3A_299 {offsets = [88, 0], sizes = [8, 2048], strides = [1, 1]} : vector<512x2048xf32> to vector<8x2048xf32>
        %min3A_320 = arith.minimumf %min3A_318, %slice3A_319 : vector<8x2048xf32>
        %slice3A_321 = vector.extract_strided_slice %dot_general3A_299 {offsets = [96, 0], sizes = [8, 2048], strides = [1, 1]} : vector<512x2048xf32> to vector<8x2048xf32>
        %min3A_322 = arith.minimumf %min3A_320, %slice3A_321 : vector<8x2048xf32>
        %slice3A_323 = vector.extract_strided_slice %dot_general3A_299 {offsets = [104, 0], sizes = [8, 2048], strides = [1, 1]} : vector<512x2048xf32> to vector<8x2048xf32>
        %min3A_324 = arith.minimumf %min3A_322, %slice3A_323 : vector<8x2048xf32>
        %slice3A_325 = vector.extract_strided_slice %dot_general3A_299 {offsets = [112, 0], sizes = [8, 2048], strides = [1, 1]} : vector<512x2048xf32> to vector<8x2048xf32>
        %min3A_326 = arith.minimumf %min3A_324, %slice3A_325 : vector<8x2048xf32>
        %slice3A_327 = vector.extract_strided_slice %dot_general3A_299 {offsets = [120, 0], sizes = [8, 2048], strides = [1, 1]} : vector<512x2048xf32> to vector<8x2048xf32>
        %min3A_328 = arith.minimumf %min3A_326, %slice3A_327 : vector<8x2048xf32>
        %slice3A_329 = vector.extract_strided_slice %dot_general3A_299 {offsets = [128, 0], sizes = [8, 2048], strides = [1, 1]} : vector<512x2048xf32> to vector<8x2048xf32>
        %min3A_330 = arith.minimumf %min3A_328, %slice3A_329 : vector<8x2048xf32>
        %slice3A_331 = vector.extract_strided_slice %dot_general3A_299 {offsets = [136, 0], sizes = [8, 2048], strides = [1, 1]} : vector<512x2048xf32> to vector<8x2048xf32>
        %min3A_332 = arith.minimumf %min3A_330, %slice3A_331 : vector<8x2048xf32>
        %slice3A_333 = vector.extract_strided_slice %dot_general3A_299 {offsets = [144, 0], sizes = [8, 2048], strides = [1, 1]} : vector<512x2048xf32> to vector<8x2048xf32>
        %min3A_334 = arith.minimumf %min3A_332, %slice3A_333 : vector<8x2048xf32>
        %slice3A_335 = vector.extract_strided_slice %dot_general3A_299 {offsets = [152, 0], sizes = [8, 2048], strides = [1, 1]} : vector<512x2048xf32> to vector<8x2048xf32>
        %min3A_336 = arith.minimumf %min3A_334, %slice3A_335 : vector<8x2048xf32>
        %slice3A_337 = vector.extract_strided_slice %dot_general3A_299 {offsets = [160, 0], sizes = [8, 2048], strides = [1, 1]} : vector<512x2048xf32> to vector<8x2048xf32>
        %min3A_338 = arith.minimumf %min3A_336, %slice3A_337 : vector<8x2048xf32>
        %slice3A_339 = vector.extract_strided_slice %dot_general3A_299 {offsets = [168, 0], sizes = [8, 2048], strides = [1, 1]} : vector<512x2048xf32> to vector<8x2048xf32>
        %min3A_340 = arith.minimumf %min3A_338, %slice3A_339 : vector<8x2048xf32>
        %slice3A_341 = vector.extract_strided_slice %dot_general3A_299 {offsets = [176, 0], sizes = [8, 2048], strides = [1, 1]} : vector<512x2048xf32> to vector<8x2048xf32>
        %min3A_342 = arith.minimumf %min3A_340, %slice3A_341 : vector<8x2048xf32>
        %slice3A_343 = vector.extract_strided_slice %dot_general3A_299 {offsets = [184, 0], sizes = [8, 2048], strides = [1, 1]} : vector<512x2048xf32> to vector<8x2048xf32>
        %min3A_344 = arith.minimumf %min3A_342, %slice3A_343 : vector<8x2048xf32>
        %slice3A_345 = vector.extract_strided_slice %dot_general3A_299 {offsets = [192, 0], sizes = [8, 2048], strides = [1, 1]} : vector<512x2048xf32> to vector<8x2048xf32>
        %min3A_346 = arith.minimumf %min3A_344, %slice3A_345 : vector<8x2048xf32>
        %slice3A_347 = vector.extract_strided_slice %dot_general3A_299 {offsets = [200, 0], sizes = [8, 2048], strides = [1, 1]} : vector<512x2048xf32> to vector<8x2048xf32>
        %min3A_348 = arith.minimumf %min3A_346, %slice3A_347 : vector<8x2048xf32>
        %slice3A_349 = vector.extract_strided_slice %dot_general3A_299 {offsets = [208, 0], sizes = [8, 2048], strides = [1, 1]} : vector<512x2048xf32> to vector<8x2048xf32>
        %min3A_350 = arith.minimumf %min3A_348, %slice3A_349 : vector<8x2048xf32>
        %slice3A_351 = vector.extract_strided_slice %dot_general3A_299 {offsets = [216, 0], sizes = [8, 2048], strides = [1, 1]} : vector<512x2048xf32> to vector<8x2048xf32>
        %min3A_352 = arith.minimumf %min3A_350, %slice3A_351 : vector<8x2048xf32>
        %slice3A_353 = vector.extract_strided_slice %dot_general3A_299 {offsets = [224, 0], sizes = [8, 2048], strides = [1, 1]} : vector<512x2048xf32> to vector<8x2048xf32>
        %min3A_354 = arith.minimumf %min3A_352, %slice3A_353 : vector<8x2048xf32>
        %slice3A_355 = vector.extract_strided_slice %dot_general3A_299 {offsets = [232, 0], sizes = [8, 2048], strides = [1, 1]} : vector<512x2048xf32> to vector<8x2048xf32>
        %min3A_356 = arith.minimumf %min3A_354, %slice3A_355 : vector<8x2048xf32>
        %slice3A_357 = vector.extract_strided_slice %dot_general3A_299 {offsets = [240, 0], sizes = [8, 2048], strides = [1, 1]} : vector<512x2048xf32> to vector<8x2048xf32>
        %min3A_358 = arith.minimumf %min3A_356, %slice3A_357 : vector<8x2048xf32>
        %slice3A_359 = vector.extract_strided_slice %dot_general3A_299 {offsets = [248, 0], sizes = [8, 2048], strides = [1, 1]} : vector<512x2048xf32> to vector<8x2048xf32>
        %min3A_360 = arith.minimumf %min3A_358, %slice3A_359 : vector<8x2048xf32>
        %slice3A_361 = vector.extract_strided_slice %dot_general3A_299 {offsets = [256, 0], sizes = [8, 2048], strides = [1, 1]} : vector<512x2048xf32> to vector<8x2048xf32>
        %min3A_362 = arith.minimumf %min3A_360, %slice3A_361 : vector<8x2048xf32>
        %slice3A_363 = vector.extract_strided_slice %dot_general3A_299 {offsets = [264, 0], sizes = [8, 2048], strides = [1, 1]} : vector<512x2048xf32> to vector<8x2048xf32>
        %min3A_364 = arith.minimumf %min3A_362, %slice3A_363 : vector<8x2048xf32>
        %slice3A_365 = vector.extract_strided_slice %dot_general3A_299 {offsets = [272, 0], sizes = [8, 2048], strides = [1, 1]} : vector<512x2048xf32> to vector<8x2048xf32>
        %min3A_366 = arith.minimumf %min3A_364, %slice3A_365 : vector<8x2048xf32>
        %slice3A_367 = vector.extract_strided_slice %dot_general3A_299 {offsets = [280, 0], sizes = [8, 2048], strides = [1, 1]} : vector<512x2048xf32> to vector<8x2048xf32>
        %min3A_368 = arith.minimumf %min3A_366, %slice3A_367 : vector<8x2048xf32>
        %slice3A_369 = vector.extract_strided_slice %dot_general3A_299 {offsets = [288, 0], sizes = [8, 2048], strides = [1, 1]} : vector<512x2048xf32> to vector<8x2048xf32>
        %min3A_370 = arith.minimumf %min3A_368, %slice3A_369 : vector<8x2048xf32>
        %slice3A_371 = vector.extract_strided_slice %dot_general3A_299 {offsets = [296, 0], sizes = [8, 2048], strides = [1, 1]} : vector<512x2048xf32> to vector<8x2048xf32>
        %min3A_372 = arith.minimumf %min3A_370, %slice3A_371 : vector<8x2048xf32>
        %slice3A_373 = vector.extract_strided_slice %dot_general3A_299 {offsets = [304, 0], sizes = [8, 2048], strides = [1, 1]} : vector<512x2048xf32> to vector<8x2048xf32>
        %min3A_374 = arith.minimumf %min3A_372, %slice3A_373 : vector<8x2048xf32>
        %slice3A_375 = vector.extract_strided_slice %dot_general3A_299 {offsets = [312, 0], sizes = [8, 2048], strides = [1, 1]} : vector<512x2048xf32> to vector<8x2048xf32>
        %min3A_376 = arith.minimumf %min3A_374, %slice3A_375 : vector<8x2048xf32>
        %slice3A_377 = vector.extract_strided_slice %dot_general3A_299 {offsets = [320, 0], sizes = [8, 2048], strides = [1, 1]} : vector<512x2048xf32> to vector<8x2048xf32>
        %min3A_378 = arith.minimumf %min3A_376, %slice3A_377 : vector<8x2048xf32>
        %slice3A_379 = vector.extract_strided_slice %dot_general3A_299 {offsets = [328, 0], sizes = [8, 2048], strides = [1, 1]} : vector<512x2048xf32> to vector<8x2048xf32>
        %min3A_380 = arith.minimumf %min3A_378, %slice3A_379 : vector<8x2048xf32>
        %slice3A_381 = vector.extract_strided_slice %dot_general3A_299 {offsets = [336, 0], sizes = [8, 2048], strides = [1, 1]} : vector<512x2048xf32> to vector<8x2048xf32>
        %min3A_382 = arith.minimumf %min3A_380, %slice3A_381 : vector<8x2048xf32>
        %slice3A_383 = vector.extract_strided_slice %dot_general3A_299 {offsets = [344, 0], sizes = [8, 2048], strides = [1, 1]} : vector<512x2048xf32> to vector<8x2048xf32>
        %min3A_384 = arith.minimumf %min3A_382, %slice3A_383 : vector<8x2048xf32>
        %slice3A_385 = vector.extract_strided_slice %dot_general3A_299 {offsets = [352, 0], sizes = [8, 2048], strides = [1, 1]} : vector<512x2048xf32> to vector<8x2048xf32>
        %min3A_386 = arith.minimumf %min3A_384, %slice3A_385 : vector<8x2048xf32>
        %slice3A_387 = vector.extract_strided_slice %dot_general3A_299 {offsets = [360, 0], sizes = [8, 2048], strides = [1, 1]} : vector<512x2048xf32> to vector<8x2048xf32>
        %min3A_388 = arith.minimumf %min3A_386, %slice3A_387 : vector<8x2048xf32>
        %slice3A_389 = vector.extract_strided_slice %dot_general3A_299 {offsets = [368, 0], sizes = [8, 2048], strides = [1, 1]} : vector<512x2048xf32> to vector<8x2048xf32>
        %min3A_390 = arith.minimumf %min3A_388, %slice3A_389 : vector<8x2048xf32>
        %slice3A_391 = vector.extract_strided_slice %dot_general3A_299 {offsets = [376, 0], sizes = [8, 2048], strides = [1, 1]} : vector<512x2048xf32> to vector<8x2048xf32>
        %min3A_392 = arith.minimumf %min3A_390, %slice3A_391 : vector<8x2048xf32>
        %slice3A_393 = vector.extract_strided_slice %dot_general3A_299 {offsets = [384, 0], sizes = [8, 2048], strides = [1, 1]} : vector<512x2048xf32> to vector<8x2048xf32>
        %min3A_394 = arith.minimumf %min3A_392, %slice3A_393 : vector<8x2048xf32>
        %slice3A_395 = vector.extract_strided_slice %dot_general3A_299 {offsets = [392, 0], sizes = [8, 2048], strides = [1, 1]} : vector<512x2048xf32> to vector<8x2048xf32>
        %min3A_396 = arith.minimumf %min3A_394, %slice3A_395 : vector<8x2048xf32>
        %slice3A_397 = vector.extract_strided_slice %dot_general3A_299 {offsets = [400, 0], sizes = [8, 2048], strides = [1, 1]} : vector<512x2048xf32> to vector<8x2048xf32>
        %min3A_398 = arith.minimumf %min3A_396, %slice3A_397 : vector<8x2048xf32>
        %slice3A_399 = vector.extract_strided_slice %dot_general3A_299 {offsets = [408, 0], sizes = [8, 2048], strides = [1, 1]} : vector<512x2048xf32> to vector<8x2048xf32>
        %min3A_400 = arith.minimumf %min3A_398, %slice3A_399 : vector<8x2048xf32>
        %slice3A_401 = vector.extract_strided_slice %dot_general3A_299 {offsets = [416, 0], sizes = [8, 2048], strides = [1, 1]} : vector<512x2048xf32> to vector<8x2048xf32>
        %min3A_402 = arith.minimumf %min3A_400, %slice3A_401 : vector<8x2048xf32>
        %slice3A_403 = vector.extract_strided_slice %dot_general3A_299 {offsets = [424, 0], sizes = [8, 2048], strides = [1, 1]} : vector<512x2048xf32> to vector<8x2048xf32>
        %min3A_404 = arith.minimumf %min3A_402, %slice3A_403 : vector<8x2048xf32>
        %slice3A_405 = vector.extract_strided_slice %dot_general3A_299 {offsets = [432, 0], sizes = [8, 2048], strides = [1, 1]} : vector<512x2048xf32> to vector<8x2048xf32>
        %min3A_406 = arith.minimumf %min3A_404, %slice3A_405 : vector<8x2048xf32>
        %slice3A_407 = vector.extract_strided_slice %dot_general3A_299 {offsets = [440, 0], sizes = [8, 2048], strides = [1, 1]} : vector<512x2048xf32> to vector<8x2048xf32>
        %min3A_408 = arith.minimumf %min3A_406, %slice3A_407 : vector<8x2048xf32>
        %slice3A_409 = vector.extract_strided_slice %dot_general3A_299 {offsets = [448, 0], sizes = [8, 2048], strides = [1, 1]} : vector<512x2048xf32> to vector<8x2048xf32>
        %min3A_410 = arith.minimumf %min3A_408, %slice3A_409 : vector<8x2048xf32>
        %slice3A_411 = vector.extract_strided_slice %dot_general3A_299 {offsets = [456, 0], sizes = [8, 2048], strides = [1, 1]} : vector<512x2048xf32> to vector<8x2048xf32>
        %min3A_412 = arith.minimumf %min3A_410, %slice3A_411 : vector<8x2048xf32>
        %slice3A_413 = vector.extract_strided_slice %dot_general3A_299 {offsets = [464, 0], sizes = [8, 2048], strides = [1, 1]} : vector<512x2048xf32> to vector<8x2048xf32>
        %min3A_414 = arith.minimumf %min3A_412, %slice3A_413 : vector<8x2048xf32>
        %slice3A_415 = vector.extract_strided_slice %dot_general3A_299 {offsets = [472, 0], sizes = [8, 2048], strides = [1, 1]} : vector<512x2048xf32> to vector<8x2048xf32>
        %min3A_416 = arith.minimumf %min3A_414, %slice3A_415 : vector<8x2048xf32>
        %slice3A_417 = vector.extract_strided_slice %dot_general3A_299 {offsets = [480, 0], sizes = [8, 2048], strides = [1, 1]} : vector<512x2048xf32> to vector<8x2048xf32>
        %min3A_418 = arith.minimumf %min3A_416, %slice3A_417 : vector<8x2048xf32>
        %slice3A_419 = vector.extract_strided_slice %dot_general3A_299 {offsets = [488, 0], sizes = [8, 2048], strides = [1, 1]} : vector<512x2048xf32> to vector<8x2048xf32>
        %min3A_420 = arith.minimumf %min3A_418, %slice3A_419 : vector<8x2048xf32>
        %slice3A_421 = vector.extract_strided_slice %dot_general3A_299 {offsets = [496, 0], sizes = [8, 2048], strides = [1, 1]} : vector<512x2048xf32> to vector<8x2048xf32>
        %min3A_422 = arith.minimumf %min3A_420, %slice3A_421 : vector<8x2048xf32>
        %slice3A_423 = vector.extract_strided_slice %dot_general3A_299 {offsets = [504, 0], sizes = [8, 2048], strides = [1, 1]} : vector<512x2048xf32> to vector<8x2048xf32>
        %min3A_424 = arith.minimumf %min3A_422, %slice3A_423 : vector<8x2048xf32>
        %get3A_425 = arith.constant 0 : index
        %get3A_426 = arith.constant 0 : index
        %get3A_427 = vector.load %arg7[%get3A_425, %get3A_426] : memref<8x8192xf32, #tpu.memory_space<vmem>>, vector<8x2048xf32>
        %min3A_428 = arith.minimumf %get3A_427, %min3A_424 : vector<8x2048xf32>
        %swap3A_429 = arith.constant 0 : index
        %swap3A_430 = arith.constant 0 : index
        %swap3A_431 = vector.load %arg7[%swap3A_429, %swap3A_430] : memref<8x8192xf32, #tpu.memory_space<vmem>>, vector<8x2048xf32>
        tpu.vector_store %arg7[%swap3A_429, %swap3A_430], %min3A_428 {strides = array<i32>} : memref<8x8192xf32, #tpu.memory_space<vmem>>, vector<8x2048xf32>,
        %slice3A_432 = vector.extract_strided_slice %dot_general3A_299 {offsets = [0, 0], sizes = [512, 128], strides = [1, 1]} : vector<512x2048xf32> to vector<512x128xf32>
        %slice3A_433 = vector.extract_strided_slice %dot_general3A_299 {offsets = [0, 128], sizes = [512, 128], strides = [1, 1]} : vector<512x2048xf32> to vector<512x128xf32>
        %min3A_434 = arith.minimumf %slice3A_432, %slice3A_433 : vector<512x128xf32>
        %slice3A_435 = vector.extract_strided_slice %dot_general3A_299 {offsets = [0, 256], sizes = [512, 128], strides = [1, 1]} : vector<512x2048xf32> to vector<512x128xf32>
        %min3A_436 = arith.minimumf %min3A_434, %slice3A_435 : vector<512x128xf32>
        %slice3A_437 = vector.extract_strided_slice %dot_general3A_299 {offsets = [0, 384], sizes = [512, 128], strides = [1, 1]} : vector<512x2048xf32> to vector<512x128xf32>
        %min3A_438 = arith.minimumf %min3A_436, %slice3A_437 : vector<512x128xf32>
        %slice3A_439 = vector.extract_strided_slice %dot_general3A_299 {offsets = [0, 512], sizes = [512, 128], strides = [1, 1]} : vector<512x2048xf32> to vector<512x128xf32>
        %min3A_440 = arith.minimumf %min3A_438, %slice3A_439 : vector<512x128xf32>
        %slice3A_441 = vector.extract_strided_slice %dot_general3A_299 {offsets = [0, 640], sizes = [512, 128], strides = [1, 1]} : vector<512x2048xf32> to vector<512x128xf32>
        %min3A_442 = arith.minimumf %min3A_440, %slice3A_441 : vector<512x128xf32>
        %slice3A_443 = vector.extract_strided_slice %dot_general3A_299 {offsets = [0, 768], sizes = [512, 128], strides = [1, 1]} : vector<512x2048xf32> to vector<512x128xf32>
        %min3A_444 = arith.minimumf %min3A_442, %slice3A_443 : vector<512x128xf32>
        %slice3A_445 = vector.extract_strided_slice %dot_general3A_299 {offsets = [0, 896], sizes = [512, 128], strides = [1, 1]} : vector<512x2048xf32> to vector<512x128xf32>
        %min3A_446 = arith.minimumf %min3A_444, %slice3A_445 : vector<512x128xf32>
        %slice3A_447 = vector.extract_strided_slice %dot_general3A_299 {offsets = [0, 1024], sizes = [512, 128], strides = [1, 1]} : vector<512x2048xf32> to vector<512x128xf32>
        %min3A_448 = arith.minimumf %min3A_446, %slice3A_447 : vector<512x128xf32>
        %slice3A_449 = vector.extract_strided_slice %dot_general3A_299 {offsets = [0, 1152], sizes = [512, 128], strides = [1, 1]} : vector<512x2048xf32> to vector<512x128xf32>
        %min3A_450 = arith.minimumf %min3A_448, %slice3A_449 : vector<512x128xf32>
        %slice3A_451 = vector.extract_strided_slice %dot_general3A_299 {offsets = [0, 1280], sizes = [512, 128], strides = [1, 1]} : vector<512x2048xf32> to vector<512x128xf32>
        %min3A_452 = arith.minimumf %min3A_450, %slice3A_451 : vector<512x128xf32>
        %slice3A_453 = vector.extract_strided_slice %dot_general3A_299 {offsets = [0, 1408], sizes = [512, 128], strides = [1, 1]} : vector<512x2048xf32> to vector<512x128xf32>
        %min3A_454 = arith.minimumf %min3A_452, %slice3A_453 : vector<512x128xf32>
        %slice3A_455 = vector.extract_strided_slice %dot_general3A_299 {offsets = [0, 1536], sizes = [512, 128], strides = [1, 1]} : vector<512x2048xf32> to vector<512x128xf32>
        %min3A_456 = arith.minimumf %min3A_454, %slice3A_455 : vector<512x128xf32>
        %slice3A_457 = vector.extract_strided_slice %dot_general3A_299 {offsets = [0, 1664], sizes = [512, 128], strides = [1, 1]} : vector<512x2048xf32> to vector<512x128xf32>
        %min3A_458 = arith.minimumf %min3A_456, %slice3A_457 : vector<512x128xf32>
        %slice3A_459 = vector.extract_strided_slice %dot_general3A_299 {offsets = [0, 1792], sizes = [512, 128], strides = [1, 1]} : vector<512x2048xf32> to vector<512x128xf32>
        %min3A_460 = arith.minimumf %min3A_458, %slice3A_459 : vector<512x128xf32>
        %slice3A_461 = vector.extract_strided_slice %dot_general3A_299 {offsets = [0, 1920], sizes = [512, 128], strides = [1, 1]} : vector<512x2048xf32> to vector<512x128xf32>
        %min3A_462 = arith.minimumf %min3A_460, %slice3A_461 : vector<512x128xf32>
        %get3A_463 = arith.constant 0 : index
        %get3A_464 = arith.constant 0 : index
        %get3A_465 = vector.load %arg8[%get3A_463, %get3A_464] : memref<512x128xf32, #tpu.memory_space<vmem>>, vector<512x128xf32>
        %min3A_466 = arith.minimumf %get3A_465, %min3A_462 : vector<512x128xf32>
        %swap3A_467 = arith.constant 0 : index
        %swap3A_468 = arith.constant 0 : index
        %swap3A_469 = vector.load %arg8[%swap3A_467, %swap3A_468] : memref<512x128xf32, #tpu.memory_space<vmem>>, vector<512x128xf32>
        tpu.vector_store %arg8[%swap3A_467, %swap3A_468], %min3A_466 {strides = array<i32>} : memref<512x128xf32, #tpu.memory_space<vmem>>, vector<512x128xf32>,
      } else {
      }
      %gt3A_255 = arith.constant 2048 : i32
      %gt3A_256 = arith.cmpi sgt, %get3A_19, %gt3A_255 : i32
      %convert_element_type3A_257 = arith.extui %gt3A_256 : i1 to i32
      %cond3A_258 = arith.constant 0 : i32
      %cond3A_259 = arith.cmpi ne, %convert_element_type3A_257, %cond3A_258 : i32
      scf.if %cond3A_259 {
        %get3A_296 = arith.constant 0 : index
        %get3A_297 = arith.constant 2048 : index
        %get3A_298 = vector.load %arg6[%get3A_296, %get3A_297] : memref<16x8192xbf16, #tpu.memory_space<vmem>>, vector<16x2048xbf16>
        %dot_general3A = arith.constant dense<0.000000e+00> : vector<512x2048xf32>
        %dot_general3A_299 = tpu.matmul %get3A_245, %get3A_298, %dot_general3A {dimension_numbers = #tpu.dot_dimension_numbers<[0], [0], [1], [1], [0, 1, 1, 1], [], []>, transpose_lhs_hint = false} : vector<16x512xbf16>, vector<16x2048xbf16>, vector<512x2048xf32> -> vector<512x2048xf32>
        %slice3A = vector.extract_strided_slice %dot_general3A_299 {offsets = [0, 0], sizes = [8, 2048], strides = [1, 1]} : vector<512x2048xf32> to vector<8x2048xf32>
        %slice3A_300 = vector.extract_strided_slice %dot_general3A_299 {offsets = [8, 0], sizes = [8, 2048], strides = [1, 1]} : vector<512x2048xf32> to vector<8x2048xf32>
        %min3A = arith.minimumf %slice3A, %slice3A_300 : vector<8x2048xf32>
        %slice3A_301 = vector.extract_strided_slice %dot_general3A_299 {offsets = [16, 0], sizes = [8, 2048], strides = [1, 1]} : vector<512x2048xf32> to vector<8x2048xf32>
        %min3A_302 = arith.minimumf %min3A, %slice3A_301 : vector<8x2048xf32>
        %slice3A_303 = vector.extract_strided_slice %dot_general3A_299 {offsets = [24, 0], sizes = [8, 2048], strides = [1, 1]} : vector<512x2048xf32> to vector<8x2048xf32>
        %min3A_304 = arith.minimumf %min3A_302, %slice3A_303 : vector<8x2048xf32>
        %slice3A_305 = vector.extract_strided_slice %dot_general3A_299 {offsets = [32, 0], sizes = [8, 2048], strides = [1, 1]} : vector<512x2048xf32> to vector<8x2048xf32>
        %min3A_306 = arith.minimumf %min3A_304, %slice3A_305 : vector<8x2048xf32>
        %slice3A_307 = vector.extract_strided_slice %dot_general3A_299 {offsets = [40, 0], sizes = [8, 2048], strides = [1, 1]} : vector<512x2048xf32> to vector<8x2048xf32>
        %min3A_308 = arith.minimumf %min3A_306, %slice3A_307 : vector<8x2048xf32>
        %slice3A_309 = vector.extract_strided_slice %dot_general3A_299 {offsets = [48, 0], sizes = [8, 2048], strides = [1, 1]} : vector<512x2048xf32> to vector<8x2048xf32>
        %min3A_310 = arith.minimumf %min3A_308, %slice3A_309 : vector<8x2048xf32>
        %slice3A_311 = vector.extract_strided_slice %dot_general3A_299 {offsets = [56, 0], sizes = [8, 2048], strides = [1, 1]} : vector<512x2048xf32> to vector<8x2048xf32>
        %min3A_312 = arith.minimumf %min3A_310, %slice3A_311 : vector<8x2048xf32>
        %slice3A_313 = vector.extract_strided_slice %dot_general3A_299 {offsets = [64, 0], sizes = [8, 2048], strides = [1, 1]} : vector<512x2048xf32> to vector<8x2048xf32>
        %min3A_314 = arith.minimumf %min3A_312, %slice3A_313 : vector<8x2048xf32>
        %slice3A_315 = vector.extract_strided_slice %dot_general3A_299 {offsets = [72, 0], sizes = [8, 2048], strides = [1, 1]} : vector<512x2048xf32> to vector<8x2048xf32>
        %min3A_316 = arith.minimumf %min3A_314, %slice3A_315 : vector<8x2048xf32>
        %slice3A_317 = vector.extract_strided_slice %dot_general3A_299 {offsets = [80, 0], sizes = [8, 2048], strides = [1, 1]} : vector<512x2048xf32> to vector<8x2048xf32>
        %min3A_318 = arith.minimumf %min3A_316, %slice3A_317 : vector<8x2048xf32>
        %slice3A_319 = vector.extract_strided_slice %dot_general3A_299 {offsets = [88, 0], sizes = [8, 2048], strides = [1, 1]} : vector<512x2048xf32> to vector<8x2048xf32>
        %min3A_320 = arith.minimumf %min3A_318, %slice3A_319 : vector<8x2048xf32>
        %slice3A_321 = vector.extract_strided_slice %dot_general3A_299 {offsets = [96, 0], sizes = [8, 2048], strides = [1, 1]} : vector<512x2048xf32> to vector<8x2048xf32>
        %min3A_322 = arith.minimumf %min3A_320, %slice3A_321 : vector<8x2048xf32>
        %slice3A_323 = vector.extract_strided_slice %dot_general3A_299 {offsets = [104, 0], sizes = [8, 2048], strides = [1, 1]} : vector<512x2048xf32> to vector<8x2048xf32>
        %min3A_324 = arith.minimumf %min3A_322, %slice3A_323 : vector<8x2048xf32>
        %slice3A_325 = vector.extract_strided_slice %dot_general3A_299 {offsets = [112, 0], sizes = [8, 2048], strides = [1, 1]} : vector<512x2048xf32> to vector<8x2048xf32>
        %min3A_326 = arith.minimumf %min3A_324, %slice3A_325 : vector<8x2048xf32>
        %slice3A_327 = vector.extract_strided_slice %dot_general3A_299 {offsets = [120, 0], sizes = [8, 2048], strides = [1, 1]} : vector<512x2048xf32> to vector<8x2048xf32>
        %min3A_328 = arith.minimumf %min3A_326, %slice3A_327 : vector<8x2048xf32>
        %slice3A_329 = vector.extract_strided_slice %dot_general3A_299 {offsets = [128, 0], sizes = [8, 2048], strides = [1, 1]} : vector<512x2048xf32> to vector<8x2048xf32>
        %min3A_330 = arith.minimumf %min3A_328, %slice3A_329 : vector<8x2048xf32>
        %slice3A_331 = vector.extract_strided_slice %dot_general3A_299 {offsets = [136, 0], sizes = [8, 2048], strides = [1, 1]} : vector<512x2048xf32> to vector<8x2048xf32>
        %min3A_332 = arith.minimumf %min3A_330, %slice3A_331 : vector<8x2048xf32>
        %slice3A_333 = vector.extract_strided_slice %dot_general3A_299 {offsets = [144, 0], sizes = [8, 2048], strides = [1, 1]} : vector<512x2048xf32> to vector<8x2048xf32>
        %min3A_334 = arith.minimumf %min3A_332, %slice3A_333 : vector<8x2048xf32>
        %slice3A_335 = vector.extract_strided_slice %dot_general3A_299 {offsets = [152, 0], sizes = [8, 2048], strides = [1, 1]} : vector<512x2048xf32> to vector<8x2048xf32>
        %min3A_336 = arith.minimumf %min3A_334, %slice3A_335 : vector<8x2048xf32>
        %slice3A_337 = vector.extract_strided_slice %dot_general3A_299 {offsets = [160, 0], sizes = [8, 2048], strides = [1, 1]} : vector<512x2048xf32> to vector<8x2048xf32>
        %min3A_338 = arith.minimumf %min3A_336, %slice3A_337 : vector<8x2048xf32>
        %slice3A_339 = vector.extract_strided_slice %dot_general3A_299 {offsets = [168, 0], sizes = [8, 2048], strides = [1, 1]} : vector<512x2048xf32> to vector<8x2048xf32>
        %min3A_340 = arith.minimumf %min3A_338, %slice3A_339 : vector<8x2048xf32>
        %slice3A_341 = vector.extract_strided_slice %dot_general3A_299 {offsets = [176, 0], sizes = [8, 2048], strides = [1, 1]} : vector<512x2048xf32> to vector<8x2048xf32>
        %min3A_342 = arith.minimumf %min3A_340, %slice3A_341 : vector<8x2048xf32>
        %slice3A_343 = vector.extract_strided_slice %dot_general3A_299 {offsets = [184, 0], sizes = [8, 2048], strides = [1, 1]} : vector<512x2048xf32> to vector<8x2048xf32>
        %min3A_344 = arith.minimumf %min3A_342, %slice3A_343 : vector<8x2048xf32>
        %slice3A_345 = vector.extract_strided_slice %dot_general3A_299 {offsets = [192, 0], sizes = [8, 2048], strides = [1, 1]} : vector<512x2048xf32> to vector<8x2048xf32>
        %min3A_346 = arith.minimumf %min3A_344, %slice3A_345 : vector<8x2048xf32>
        %slice3A_347 = vector.extract_strided_slice %dot_general3A_299 {offsets = [200, 0], sizes = [8, 2048], strides = [1, 1]} : vector<512x2048xf32> to vector<8x2048xf32>
        %min3A_348 = arith.minimumf %min3A_346, %slice3A_347 : vector<8x2048xf32>
        %slice3A_349 = vector.extract_strided_slice %dot_general3A_299 {offsets = [208, 0], sizes = [8, 2048], strides = [1, 1]} : vector<512x2048xf32> to vector<8x2048xf32>
        %min3A_350 = arith.minimumf %min3A_348, %slice3A_349 : vector<8x2048xf32>
        %slice3A_351 = vector.extract_strided_slice %dot_general3A_299 {offsets = [216, 0], sizes = [8, 2048], strides = [1, 1]} : vector<512x2048xf32> to vector<8x2048xf32>
        %min3A_352 = arith.minimumf %min3A_350, %slice3A_351 : vector<8x2048xf32>
        %slice3A_353 = vector.extract_strided_slice %dot_general3A_299 {offsets = [224, 0], sizes = [8, 2048], strides = [1, 1]} : vector<512x2048xf32> to vector<8x2048xf32>
        %min3A_354 = arith.minimumf %min3A_352, %slice3A_353 : vector<8x2048xf32>
        %slice3A_355 = vector.extract_strided_slice %dot_general3A_299 {offsets = [232, 0], sizes = [8, 2048], strides = [1, 1]} : vector<512x2048xf32> to vector<8x2048xf32>
        %min3A_356 = arith.minimumf %min3A_354, %slice3A_355 : vector<8x2048xf32>
        %slice3A_357 = vector.extract_strided_slice %dot_general3A_299 {offsets = [240, 0], sizes = [8, 2048], strides = [1, 1]} : vector<512x2048xf32> to vector<8x2048xf32>
        %min3A_358 = arith.minimumf %min3A_356, %slice3A_357 : vector<8x2048xf32>
        %slice3A_359 = vector.extract_strided_slice %dot_general3A_299 {offsets = [248, 0], sizes = [8, 2048], strides = [1, 1]} : vector<512x2048xf32> to vector<8x2048xf32>
        %min3A_360 = arith.minimumf %min3A_358, %slice3A_359 : vector<8x2048xf32>
        %slice3A_361 = vector.extract_strided_slice %dot_general3A_299 {offsets = [256, 0], sizes = [8, 2048], strides = [1, 1]} : vector<512x2048xf32> to vector<8x2048xf32>
        %min3A_362 = arith.minimumf %min3A_360, %slice3A_361 : vector<8x2048xf32>
        %slice3A_363 = vector.extract_strided_slice %dot_general3A_299 {offsets = [264, 0], sizes = [8, 2048], strides = [1, 1]} : vector<512x2048xf32> to vector<8x2048xf32>
        %min3A_364 = arith.minimumf %min3A_362, %slice3A_363 : vector<8x2048xf32>
        %slice3A_365 = vector.extract_strided_slice %dot_general3A_299 {offsets = [272, 0], sizes = [8, 2048], strides = [1, 1]} : vector<512x2048xf32> to vector<8x2048xf32>
        %min3A_366 = arith.minimumf %min3A_364, %slice3A_365 : vector<8x2048xf32>
        %slice3A_367 = vector.extract_strided_slice %dot_general3A_299 {offsets = [280, 0], sizes = [8, 2048], strides = [1, 1]} : vector<512x2048xf32> to vector<8x2048xf32>
        %min3A_368 = arith.minimumf %min3A_366, %slice3A_367 : vector<8x2048xf32>
        %slice3A_369 = vector.extract_strided_slice %dot_general3A_299 {offsets = [288, 0], sizes = [8, 2048], strides = [1, 1]} : vector<512x2048xf32> to vector<8x2048xf32>
        %min3A_370 = arith.minimumf %min3A_368, %slice3A_369 : vector<8x2048xf32>
        %slice3A_371 = vector.extract_strided_slice %dot_general3A_299 {offsets = [296, 0], sizes = [8, 2048], strides = [1, 1]} : vector<512x2048xf32> to vector<8x2048xf32>
        %min3A_372 = arith.minimumf %min3A_370, %slice3A_371 : vector<8x2048xf32>
        %slice3A_373 = vector.extract_strided_slice %dot_general3A_299 {offsets = [304, 0], sizes = [8, 2048], strides = [1, 1]} : vector<512x2048xf32> to vector<8x2048xf32>
        %min3A_374 = arith.minimumf %min3A_372, %slice3A_373 : vector<8x2048xf32>
        %slice3A_375 = vector.extract_strided_slice %dot_general3A_299 {offsets = [312, 0], sizes = [8, 2048], strides = [1, 1]} : vector<512x2048xf32> to vector<8x2048xf32>
        %min3A_376 = arith.minimumf %min3A_374, %slice3A_375 : vector<8x2048xf32>
        %slice3A_377 = vector.extract_strided_slice %dot_general3A_299 {offsets = [320, 0], sizes = [8, 2048], strides = [1, 1]} : vector<512x2048xf32> to vector<8x2048xf32>
        %min3A_378 = arith.minimumf %min3A_376, %slice3A_377 : vector<8x2048xf32>
        %slice3A_379 = vector.extract_strided_slice %dot_general3A_299 {offsets = [328, 0], sizes = [8, 2048], strides = [1, 1]} : vector<512x2048xf32> to vector<8x2048xf32>
        %min3A_380 = arith.minimumf %min3A_378, %slice3A_379 : vector<8x2048xf32>
        %slice3A_381 = vector.extract_strided_slice %dot_general3A_299 {offsets = [336, 0], sizes = [8, 2048], strides = [1, 1]} : vector<512x2048xf32> to vector<8x2048xf32>
        %min3A_382 = arith.minimumf %min3A_380, %slice3A_381 : vector<8x2048xf32>
        %slice3A_383 = vector.extract_strided_slice %dot_general3A_299 {offsets = [344, 0], sizes = [8, 2048], strides = [1, 1]} : vector<512x2048xf32> to vector<8x2048xf32>
        %min3A_384 = arith.minimumf %min3A_382, %slice3A_383 : vector<8x2048xf32>
        %slice3A_385 = vector.extract_strided_slice %dot_general3A_299 {offsets = [352, 0], sizes = [8, 2048], strides = [1, 1]} : vector<512x2048xf32> to vector<8x2048xf32>
        %min3A_386 = arith.minimumf %min3A_384, %slice3A_385 : vector<8x2048xf32>
        %slice3A_387 = vector.extract_strided_slice %dot_general3A_299 {offsets = [360, 0], sizes = [8, 2048], strides = [1, 1]} : vector<512x2048xf32> to vector<8x2048xf32>
        %min3A_388 = arith.minimumf %min3A_386, %slice3A_387 : vector<8x2048xf32>
        %slice3A_389 = vector.extract_strided_slice %dot_general3A_299 {offsets = [368, 0], sizes = [8, 2048], strides = [1, 1]} : vector<512x2048xf32> to vector<8x2048xf32>
        %min3A_390 = arith.minimumf %min3A_388, %slice3A_389 : vector<8x2048xf32>
        %slice3A_391 = vector.extract_strided_slice %dot_general3A_299 {offsets = [376, 0], sizes = [8, 2048], strides = [1, 1]} : vector<512x2048xf32> to vector<8x2048xf32>
        %min3A_392 = arith.minimumf %min3A_390, %slice3A_391 : vector<8x2048xf32>
        %slice3A_393 = vector.extract_strided_slice %dot_general3A_299 {offsets = [384, 0], sizes = [8, 2048], strides = [1, 1]} : vector<512x2048xf32> to vector<8x2048xf32>
        %min3A_394 = arith.minimumf %min3A_392, %slice3A_393 : vector<8x2048xf32>
        %slice3A_395 = vector.extract_strided_slice %dot_general3A_299 {offsets = [392, 0], sizes = [8, 2048], strides = [1, 1]} : vector<512x2048xf32> to vector<8x2048xf32>
        %min3A_396 = arith.minimumf %min3A_394, %slice3A_395 : vector<8x2048xf32>
        %slice3A_397 = vector.extract_strided_slice %dot_general3A_299 {offsets = [400, 0], sizes = [8, 2048], strides = [1, 1]} : vector<512x2048xf32> to vector<8x2048xf32>
        %min3A_398 = arith.minimumf %min3A_396, %slice3A_397 : vector<8x2048xf32>
        %slice3A_399 = vector.extract_strided_slice %dot_general3A_299 {offsets = [408, 0], sizes = [8, 2048], strides = [1, 1]} : vector<512x2048xf32> to vector<8x2048xf32>
        %min3A_400 = arith.minimumf %min3A_398, %slice3A_399 : vector<8x2048xf32>
        %slice3A_401 = vector.extract_strided_slice %dot_general3A_299 {offsets = [416, 0], sizes = [8, 2048], strides = [1, 1]} : vector<512x2048xf32> to vector<8x2048xf32>
        %min3A_402 = arith.minimumf %min3A_400, %slice3A_401 : vector<8x2048xf32>
        %slice3A_403 = vector.extract_strided_slice %dot_general3A_299 {offsets = [424, 0], sizes = [8, 2048], strides = [1, 1]} : vector<512x2048xf32> to vector<8x2048xf32>
        %min3A_404 = arith.minimumf %min3A_402, %slice3A_403 : vector<8x2048xf32>
        %slice3A_405 = vector.extract_strided_slice %dot_general3A_299 {offsets = [432, 0], sizes = [8, 2048], strides = [1, 1]} : vector<512x2048xf32> to vector<8x2048xf32>
        %min3A_406 = arith.minimumf %min3A_404, %slice3A_405 : vector<8x2048xf32>
        %slice3A_407 = vector.extract_strided_slice %dot_general3A_299 {offsets = [440, 0], sizes = [8, 2048], strides = [1, 1]} : vector<512x2048xf32> to vector<8x2048xf32>
        %min3A_408 = arith.minimumf %min3A_406, %slice3A_407 : vector<8x2048xf32>
        %slice3A_409 = vector.extract_strided_slice %dot_general3A_299 {offsets = [448, 0], sizes = [8, 2048], strides = [1, 1]} : vector<512x2048xf32> to vector<8x2048xf32>
        %min3A_410 = arith.minimumf %min3A_408, %slice3A_409 : vector<8x2048xf32>
        %slice3A_411 = vector.extract_strided_slice %dot_general3A_299 {offsets = [456, 0], sizes = [8, 2048], strides = [1, 1]} : vector<512x2048xf32> to vector<8x2048xf32>
        %min3A_412 = arith.minimumf %min3A_410, %slice3A_411 : vector<8x2048xf32>
        %slice3A_413 = vector.extract_strided_slice %dot_general3A_299 {offsets = [464, 0], sizes = [8, 2048], strides = [1, 1]} : vector<512x2048xf32> to vector<8x2048xf32>
        %min3A_414 = arith.minimumf %min3A_412, %slice3A_413 : vector<8x2048xf32>
        %slice3A_415 = vector.extract_strided_slice %dot_general3A_299 {offsets = [472, 0], sizes = [8, 2048], strides = [1, 1]} : vector<512x2048xf32> to vector<8x2048xf32>
        %min3A_416 = arith.minimumf %min3A_414, %slice3A_415 : vector<8x2048xf32>
        %slice3A_417 = vector.extract_strided_slice %dot_general3A_299 {offsets = [480, 0], sizes = [8, 2048], strides = [1, 1]} : vector<512x2048xf32> to vector<8x2048xf32>
        %min3A_418 = arith.minimumf %min3A_416, %slice3A_417 : vector<8x2048xf32>
        %slice3A_419 = vector.extract_strided_slice %dot_general3A_299 {offsets = [488, 0], sizes = [8, 2048], strides = [1, 1]} : vector<512x2048xf32> to vector<8x2048xf32>
        %min3A_420 = arith.minimumf %min3A_418, %slice3A_419 : vector<8x2048xf32>
        %slice3A_421 = vector.extract_strided_slice %dot_general3A_299 {offsets = [496, 0], sizes = [8, 2048], strides = [1, 1]} : vector<512x2048xf32> to vector<8x2048xf32>
        %min3A_422 = arith.minimumf %min3A_420, %slice3A_421 : vector<8x2048xf32>
        %slice3A_423 = vector.extract_strided_slice %dot_general3A_299 {offsets = [504, 0], sizes = [8, 2048], strides = [1, 1]} : vector<512x2048xf32> to vector<8x2048xf32>
        %min3A_424 = arith.minimumf %min3A_422, %slice3A_423 : vector<8x2048xf32>
        %get3A_425 = arith.constant 0 : index
        %get3A_426 = arith.constant 2048 : index
        %get3A_427 = vector.load %arg7[%get3A_425, %get3A_426] : memref<8x8192xf32, #tpu.memory_space<vmem>>, vector<8x2048xf32>
        %min3A_428 = arith.minimumf %get3A_427, %min3A_424 : vector<8x2048xf32>
        %swap3A_429 = arith.constant 0 : index
        %swap3A_430 = arith.constant 2048 : index
        %swap3A_431 = vector.load %arg7[%swap3A_429, %swap3A_430] : memref<8x8192xf32, #tpu.memory_space<vmem>>, vector<8x2048xf32>
        tpu.vector_store %arg7[%swap3A_429, %swap3A_430], %min3A_428 {strides = array<i32>} : memref<8x8192xf32, #tpu.memory_space<vmem>>, vector<8x2048xf32>,
        %slice3A_432 = vector.extract_strided_slice %dot_general3A_299 {offsets = [0, 0], sizes = [512, 128], strides = [1, 1]} : vector<512x2048xf32> to vector<512x128xf32>
        %slice3A_433 = vector.extract_strided_slice %dot_general3A_299 {offsets = [0, 128], sizes = [512, 128], strides = [1, 1]} : vector<512x2048xf32> to vector<512x128xf32>
        %min3A_434 = arith.minimumf %slice3A_432, %slice3A_433 : vector<512x128xf32>
        %slice3A_435 = vector.extract_strided_slice %dot_general3A_299 {offsets = [0, 256], sizes = [512, 128], strides = [1, 1]} : vector<512x2048xf32> to vector<512x128xf32>
        %min3A_436 = arith.minimumf %min3A_434, %slice3A_435 : vector<512x128xf32>
        %slice3A_437 = vector.extract_strided_slice %dot_general3A_299 {offsets = [0, 384], sizes = [512, 128], strides = [1, 1]} : vector<512x2048xf32> to vector<512x128xf32>
        %min3A_438 = arith.minimumf %min3A_436, %slice3A_437 : vector<512x128xf32>
        %slice3A_439 = vector.extract_strided_slice %dot_general3A_299 {offsets = [0, 512], sizes = [512, 128], strides = [1, 1]} : vector<512x2048xf32> to vector<512x128xf32>
        %min3A_440 = arith.minimumf %min3A_438, %slice3A_439 : vector<512x128xf32>
        %slice3A_441 = vector.extract_strided_slice %dot_general3A_299 {offsets = [0, 640], sizes = [512, 128], strides = [1, 1]} : vector<512x2048xf32> to vector<512x128xf32>
        %min3A_442 = arith.minimumf %min3A_440, %slice3A_441 : vector<512x128xf32>
        %slice3A_443 = vector.extract_strided_slice %dot_general3A_299 {offsets = [0, 768], sizes = [512, 128], strides = [1, 1]} : vector<512x2048xf32> to vector<512x128xf32>
        %min3A_444 = arith.minimumf %min3A_442, %slice3A_443 : vector<512x128xf32>
        %slice3A_445 = vector.extract_strided_slice %dot_general3A_299 {offsets = [0, 896], sizes = [512, 128], strides = [1, 1]} : vector<512x2048xf32> to vector<512x128xf32>
        %min3A_446 = arith.minimumf %min3A_444, %slice3A_445 : vector<512x128xf32>
        %slice3A_447 = vector.extract_strided_slice %dot_general3A_299 {offsets = [0, 1024], sizes = [512, 128], strides = [1, 1]} : vector<512x2048xf32> to vector<512x128xf32>
        %min3A_448 = arith.minimumf %min3A_446, %slice3A_447 : vector<512x128xf32>
        %slice3A_449 = vector.extract_strided_slice %dot_general3A_299 {offsets = [0, 1152], sizes = [512, 128], strides = [1, 1]} : vector<512x2048xf32> to vector<512x128xf32>
        %min3A_450 = arith.minimumf %min3A_448, %slice3A_449 : vector<512x128xf32>
        %slice3A_451 = vector.extract_strided_slice %dot_general3A_299 {offsets = [0, 1280], sizes = [512, 128], strides = [1, 1]} : vector<512x2048xf32> to vector<512x128xf32>
        %min3A_452 = arith.minimumf %min3A_450, %slice3A_451 : vector<512x128xf32>
        %slice3A_453 = vector.extract_strided_slice %dot_general3A_299 {offsets = [0, 1408], sizes = [512, 128], strides = [1, 1]} : vector<512x2048xf32> to vector<512x128xf32>
        %min3A_454 = arith.minimumf %min3A_452, %slice3A_453 : vector<512x128xf32>
        %slice3A_455 = vector.extract_strided_slice %dot_general3A_299 {offsets = [0, 1536], sizes = [512, 128], strides = [1, 1]} : vector<512x2048xf32> to vector<512x128xf32>
        %min3A_456 = arith.minimumf %min3A_454, %slice3A_455 : vector<512x128xf32>
        %slice3A_457 = vector.extract_strided_slice %dot_general3A_299 {offsets = [0, 1664], sizes = [512, 128], strides = [1, 1]} : vector<512x2048xf32> to vector<512x128xf32>
        %min3A_458 = arith.minimumf %min3A_456, %slice3A_457 : vector<512x128xf32>
        %slice3A_459 = vector.extract_strided_slice %dot_general3A_299 {offsets = [0, 1792], sizes = [512, 128], strides = [1, 1]} : vector<512x2048xf32> to vector<512x128xf32>
        %min3A_460 = arith.minimumf %min3A_458, %slice3A_459 : vector<512x128xf32>
        %slice3A_461 = vector.extract_strided_slice %dot_general3A_299 {offsets = [0, 1920], sizes = [512, 128], strides = [1, 1]} : vector<512x2048xf32> to vector<512x128xf32>
        %min3A_462 = arith.minimumf %min3A_460, %slice3A_461 : vector<512x128xf32>
        %get3A_463 = arith.constant 0 : index
        %get3A_464 = arith.constant 0 : index
        %get3A_465 = vector.load %arg8[%get3A_463, %get3A_464] : memref<512x128xf32, #tpu.memory_space<vmem>>, vector<512x128xf32>
        %min3A_466 = arith.minimumf %get3A_465, %min3A_462 : vector<512x128xf32>
        %swap3A_467 = arith.constant 0 : index
        %swap3A_468 = arith.constant 0 : index
        %swap3A_469 = vector.load %arg8[%swap3A_467, %swap3A_468] : memref<512x128xf32, #tpu.memory_space<vmem>>, vector<512x128xf32>
        tpu.vector_store %arg8[%swap3A_467, %swap3A_468], %min3A_466 {strides = array<i32>} : memref<512x128xf32, #tpu.memory_space<vmem>>, vector<512x128xf32>,
      } else {
      }
      %gt3A_260 = arith.constant 0 : i32
      %gt3A_261 = arith.cmpi sgt, %get3A_28, %gt3A_260 : i32
      %convert_element_type3A_262 = arith.extui %gt3A_261 : i1 to i32
      %cond3A_263 = arith.constant 0 : i32
      %cond3A_264 = arith.cmpi ne, %convert_element_type3A_262, %cond3A_263 : i32
      scf.if %cond3A_264 {
        %get3A_296 = arith.constant 0 : index
        %get3A_297 = arith.constant 4096 : index
        %get3A_298 = vector.load %arg6[%get3A_296, %get3A_297] : memref<16x8192xbf16, #tpu.memory_space<vmem>>, vector<16x2048xbf16>
        %dot_general3A = arith.constant dense<0.000000e+00> : vector<512x2048xf32>
        %dot_general3A_299 = tpu.matmul %get3A_245, %get3A_298, %dot_general3A {dimension_numbers = #tpu.dot_dimension_numbers<[0], [0], [1], [1], [0, 1, 1, 1], [], []>, transpose_lhs_hint = false} : vector<16x512xbf16>, vector<16x2048xbf16>, vector<512x2048xf32> -> vector<512x2048xf32>
        %slice3A = vector.extract_strided_slice %dot_general3A_299 {offsets = [0, 0], sizes = [8, 2048], strides = [1, 1]} : vector<512x2048xf32> to vector<8x2048xf32>
        %slice3A_300 = vector.extract_strided_slice %dot_general3A_299 {offsets = [8, 0], sizes = [8, 2048], strides = [1, 1]} : vector<512x2048xf32> to vector<8x2048xf32>
        %min3A = arith.minimumf %slice3A, %slice3A_300 : vector<8x2048xf32>
        %slice3A_301 = vector.extract_strided_slice %dot_general3A_299 {offsets = [16, 0], sizes = [8, 2048], strides = [1, 1]} : vector<512x2048xf32> to vector<8x2048xf32>
        %min3A_302 = arith.minimumf %min3A, %slice3A_301 : vector<8x2048xf32>
        %slice3A_303 = vector.extract_strided_slice %dot_general3A_299 {offsets = [24, 0], sizes = [8, 2048], strides = [1, 1]} : vector<512x2048xf32> to vector<8x2048xf32>
        %min3A_304 = arith.minimumf %min3A_302, %slice3A_303 : vector<8x2048xf32>
        %slice3A_305 = vector.extract_strided_slice %dot_general3A_299 {offsets = [32, 0], sizes = [8, 2048], strides = [1, 1]} : vector<512x2048xf32> to vector<8x2048xf32>
        %min3A_306 = arith.minimumf %min3A_304, %slice3A_305 : vector<8x2048xf32>
        %slice3A_307 = vector.extract_strided_slice %dot_general3A_299 {offsets = [40, 0], sizes = [8, 2048], strides = [1, 1]} : vector<512x2048xf32> to vector<8x2048xf32>
        %min3A_308 = arith.minimumf %min3A_306, %slice3A_307 : vector<8x2048xf32>
        %slice3A_309 = vector.extract_strided_slice %dot_general3A_299 {offsets = [48, 0], sizes = [8, 2048], strides = [1, 1]} : vector<512x2048xf32> to vector<8x2048xf32>
        %min3A_310 = arith.minimumf %min3A_308, %slice3A_309 : vector<8x2048xf32>
        %slice3A_311 = vector.extract_strided_slice %dot_general3A_299 {offsets = [56, 0], sizes = [8, 2048], strides = [1, 1]} : vector<512x2048xf32> to vector<8x2048xf32>
        %min3A_312 = arith.minimumf %min3A_310, %slice3A_311 : vector<8x2048xf32>
        %slice3A_313 = vector.extract_strided_slice %dot_general3A_299 {offsets = [64, 0], sizes = [8, 2048], strides = [1, 1]} : vector<512x2048xf32> to vector<8x2048xf32>
        %min3A_314 = arith.minimumf %min3A_312, %slice3A_313 : vector<8x2048xf32>
        %slice3A_315 = vector.extract_strided_slice %dot_general3A_299 {offsets = [72, 0], sizes = [8, 2048], strides = [1, 1]} : vector<512x2048xf32> to vector<8x2048xf32>
        %min3A_316 = arith.minimumf %min3A_314, %slice3A_315 : vector<8x2048xf32>
        %slice3A_317 = vector.extract_strided_slice %dot_general3A_299 {offsets = [80, 0], sizes = [8, 2048], strides = [1, 1]} : vector<512x2048xf32> to vector<8x2048xf32>
        %min3A_318 = arith.minimumf %min3A_316, %slice3A_317 : vector<8x2048xf32>
        %slice3A_319 = vector.extract_strided_slice %dot_general3A_299 {offsets = [88, 0], sizes = [8, 2048], strides = [1, 1]} : vector<512x2048xf32> to vector<8x2048xf32>
        %min3A_320 = arith.minimumf %min3A_318, %slice3A_319 : vector<8x2048xf32>
        %slice3A_321 = vector.extract_strided_slice %dot_general3A_299 {offsets = [96, 0], sizes = [8, 2048], strides = [1, 1]} : vector<512x2048xf32> to vector<8x2048xf32>
        %min3A_322 = arith.minimumf %min3A_320, %slice3A_321 : vector<8x2048xf32>
        %slice3A_323 = vector.extract_strided_slice %dot_general3A_299 {offsets = [104, 0], sizes = [8, 2048], strides = [1, 1]} : vector<512x2048xf32> to vector<8x2048xf32>
        %min3A_324 = arith.minimumf %min3A_322, %slice3A_323 : vector<8x2048xf32>
        %slice3A_325 = vector.extract_strided_slice %dot_general3A_299 {offsets = [112, 0], sizes = [8, 2048], strides = [1, 1]} : vector<512x2048xf32> to vector<8x2048xf32>
        %min3A_326 = arith.minimumf %min3A_324, %slice3A_325 : vector<8x2048xf32>
        %slice3A_327 = vector.extract_strided_slice %dot_general3A_299 {offsets = [120, 0], sizes = [8, 2048], strides = [1, 1]} : vector<512x2048xf32> to vector<8x2048xf32>
        %min3A_328 = arith.minimumf %min3A_326, %slice3A_327 : vector<8x2048xf32>
        %slice3A_329 = vector.extract_strided_slice %dot_general3A_299 {offsets = [128, 0], sizes = [8, 2048], strides = [1, 1]} : vector<512x2048xf32> to vector<8x2048xf32>
        %min3A_330 = arith.minimumf %min3A_328, %slice3A_329 : vector<8x2048xf32>
        %slice3A_331 = vector.extract_strided_slice %dot_general3A_299 {offsets = [136, 0], sizes = [8, 2048], strides = [1, 1]} : vector<512x2048xf32> to vector<8x2048xf32>
        %min3A_332 = arith.minimumf %min3A_330, %slice3A_331 : vector<8x2048xf32>
        %slice3A_333 = vector.extract_strided_slice %dot_general3A_299 {offsets = [144, 0], sizes = [8, 2048], strides = [1, 1]} : vector<512x2048xf32> to vector<8x2048xf32>
        %min3A_334 = arith.minimumf %min3A_332, %slice3A_333 : vector<8x2048xf32>
        %slice3A_335 = vector.extract_strided_slice %dot_general3A_299 {offsets = [152, 0], sizes = [8, 2048], strides = [1, 1]} : vector<512x2048xf32> to vector<8x2048xf32>
        %min3A_336 = arith.minimumf %min3A_334, %slice3A_335 : vector<8x2048xf32>
        %slice3A_337 = vector.extract_strided_slice %dot_general3A_299 {offsets = [160, 0], sizes = [8, 2048], strides = [1, 1]} : vector<512x2048xf32> to vector<8x2048xf32>
        %min3A_338 = arith.minimumf %min3A_336, %slice3A_337 : vector<8x2048xf32>
        %slice3A_339 = vector.extract_strided_slice %dot_general3A_299 {offsets = [168, 0], sizes = [8, 2048], strides = [1, 1]} : vector<512x2048xf32> to vector<8x2048xf32>
        %min3A_340 = arith.minimumf %min3A_338, %slice3A_339 : vector<8x2048xf32>
        %slice3A_341 = vector.extract_strided_slice %dot_general3A_299 {offsets = [176, 0], sizes = [8, 2048], strides = [1, 1]} : vector<512x2048xf32> to vector<8x2048xf32>
        %min3A_342 = arith.minimumf %min3A_340, %slice3A_341 : vector<8x2048xf32>
        %slice3A_343 = vector.extract_strided_slice %dot_general3A_299 {offsets = [184, 0], sizes = [8, 2048], strides = [1, 1]} : vector<512x2048xf32> to vector<8x2048xf32>
        %min3A_344 = arith.minimumf %min3A_342, %slice3A_343 : vector<8x2048xf32>
        %slice3A_345 = vector.extract_strided_slice %dot_general3A_299 {offsets = [192, 0], sizes = [8, 2048], strides = [1, 1]} : vector<512x2048xf32> to vector<8x2048xf32>
        %min3A_346 = arith.minimumf %min3A_344, %slice3A_345 : vector<8x2048xf32>
        %slice3A_347 = vector.extract_strided_slice %dot_general3A_299 {offsets = [200, 0], sizes = [8, 2048], strides = [1, 1]} : vector<512x2048xf32> to vector<8x2048xf32>
        %min3A_348 = arith.minimumf %min3A_346, %slice3A_347 : vector<8x2048xf32>
        %slice3A_349 = vector.extract_strided_slice %dot_general3A_299 {offsets = [208, 0], sizes = [8, 2048], strides = [1, 1]} : vector<512x2048xf32> to vector<8x2048xf32>
        %min3A_350 = arith.minimumf %min3A_348, %slice3A_349 : vector<8x2048xf32>
        %slice3A_351 = vector.extract_strided_slice %dot_general3A_299 {offsets = [216, 0], sizes = [8, 2048], strides = [1, 1]} : vector<512x2048xf32> to vector<8x2048xf32>
        %min3A_352 = arith.minimumf %min3A_350, %slice3A_351 : vector<8x2048xf32>
        %slice3A_353 = vector.extract_strided_slice %dot_general3A_299 {offsets = [224, 0], sizes = [8, 2048], strides = [1, 1]} : vector<512x2048xf32> to vector<8x2048xf32>
        %min3A_354 = arith.minimumf %min3A_352, %slice3A_353 : vector<8x2048xf32>
        %slice3A_355 = vector.extract_strided_slice %dot_general3A_299 {offsets = [232, 0], sizes = [8, 2048], strides = [1, 1]} : vector<512x2048xf32> to vector<8x2048xf32>
        %min3A_356 = arith.minimumf %min3A_354, %slice3A_355 : vector<8x2048xf32>
        %slice3A_357 = vector.extract_strided_slice %dot_general3A_299 {offsets = [240, 0], sizes = [8, 2048], strides = [1, 1]} : vector<512x2048xf32> to vector<8x2048xf32>
        %min3A_358 = arith.minimumf %min3A_356, %slice3A_357 : vector<8x2048xf32>
        %slice3A_359 = vector.extract_strided_slice %dot_general3A_299 {offsets = [248, 0], sizes = [8, 2048], strides = [1, 1]} : vector<512x2048xf32> to vector<8x2048xf32>
        %min3A_360 = arith.minimumf %min3A_358, %slice3A_359 : vector<8x2048xf32>
        %slice3A_361 = vector.extract_strided_slice %dot_general3A_299 {offsets = [256, 0], sizes = [8, 2048], strides = [1, 1]} : vector<512x2048xf32> to vector<8x2048xf32>
        %min3A_362 = arith.minimumf %min3A_360, %slice3A_361 : vector<8x2048xf32>
        %slice3A_363 = vector.extract_strided_slice %dot_general3A_299 {offsets = [264, 0], sizes = [8, 2048], strides = [1, 1]} : vector<512x2048xf32> to vector<8x2048xf32>
        %min3A_364 = arith.minimumf %min3A_362, %slice3A_363 : vector<8x2048xf32>
        %slice3A_365 = vector.extract_strided_slice %dot_general3A_299 {offsets = [272, 0], sizes = [8, 2048], strides = [1, 1]} : vector<512x2048xf32> to vector<8x2048xf32>
        %min3A_366 = arith.minimumf %min3A_364, %slice3A_365 : vector<8x2048xf32>
        %slice3A_367 = vector.extract_strided_slice %dot_general3A_299 {offsets = [280, 0], sizes = [8, 2048], strides = [1, 1]} : vector<512x2048xf32> to vector<8x2048xf32>
        %min3A_368 = arith.minimumf %min3A_366, %slice3A_367 : vector<8x2048xf32>
        %slice3A_369 = vector.extract_strided_slice %dot_general3A_299 {offsets = [288, 0], sizes = [8, 2048], strides = [1, 1]} : vector<512x2048xf32> to vector<8x2048xf32>
        %min3A_370 = arith.minimumf %min3A_368, %slice3A_369 : vector<8x2048xf32>
        %slice3A_371 = vector.extract_strided_slice %dot_general3A_299 {offsets = [296, 0], sizes = [8, 2048], strides = [1, 1]} : vector<512x2048xf32> to vector<8x2048xf32>
        %min3A_372 = arith.minimumf %min3A_370, %slice3A_371 : vector<8x2048xf32>
        %slice3A_373 = vector.extract_strided_slice %dot_general3A_299 {offsets = [304, 0], sizes = [8, 2048], strides = [1, 1]} : vector<512x2048xf32> to vector<8x2048xf32>
        %min3A_374 = arith.minimumf %min3A_372, %slice3A_373 : vector<8x2048xf32>
        %slice3A_375 = vector.extract_strided_slice %dot_general3A_299 {offsets = [312, 0], sizes = [8, 2048], strides = [1, 1]} : vector<512x2048xf32> to vector<8x2048xf32>
        %min3A_376 = arith.minimumf %min3A_374, %slice3A_375 : vector<8x2048xf32>
        %slice3A_377 = vector.extract_strided_slice %dot_general3A_299 {offsets = [320, 0], sizes = [8, 2048], strides = [1, 1]} : vector<512x2048xf32> to vector<8x2048xf32>
        %min3A_378 = arith.minimumf %min3A_376, %slice3A_377 : vector<8x2048xf32>
        %slice3A_379 = vector.extract_strided_slice %dot_general3A_299 {offsets = [328, 0], sizes = [8, 2048], strides = [1, 1]} : vector<512x2048xf32> to vector<8x2048xf32>
        %min3A_380 = arith.minimumf %min3A_378, %slice3A_379 : vector<8x2048xf32>
        %slice3A_381 = vector.extract_strided_slice %dot_general3A_299 {offsets = [336, 0], sizes = [8, 2048], strides = [1, 1]} : vector<512x2048xf32> to vector<8x2048xf32>
        %min3A_382 = arith.minimumf %min3A_380, %slice3A_381 : vector<8x2048xf32>
        %slice3A_383 = vector.extract_strided_slice %dot_general3A_299 {offsets = [344, 0], sizes = [8, 2048], strides = [1, 1]} : vector<512x2048xf32> to vector<8x2048xf32>
        %min3A_384 = arith.minimumf %min3A_382, %slice3A_383 : vector<8x2048xf32>
        %slice3A_385 = vector.extract_strided_slice %dot_general3A_299 {offsets = [352, 0], sizes = [8, 2048], strides = [1, 1]} : vector<512x2048xf32> to vector<8x2048xf32>
        %min3A_386 = arith.minimumf %min3A_384, %slice3A_385 : vector<8x2048xf32>
        %slice3A_387 = vector.extract_strided_slice %dot_general3A_299 {offsets = [360, 0], sizes = [8, 2048], strides = [1, 1]} : vector<512x2048xf32> to vector<8x2048xf32>
        %min3A_388 = arith.minimumf %min3A_386, %slice3A_387 : vector<8x2048xf32>
        %slice3A_389 = vector.extract_strided_slice %dot_general3A_299 {offsets = [368, 0], sizes = [8, 2048], strides = [1, 1]} : vector<512x2048xf32> to vector<8x2048xf32>
        %min3A_390 = arith.minimumf %min3A_388, %slice3A_389 : vector<8x2048xf32>
        %slice3A_391 = vector.extract_strided_slice %dot_general3A_299 {offsets = [376, 0], sizes = [8, 2048], strides = [1, 1]} : vector<512x2048xf32> to vector<8x2048xf32>
        %min3A_392 = arith.minimumf %min3A_390, %slice3A_391 : vector<8x2048xf32>
        %slice3A_393 = vector.extract_strided_slice %dot_general3A_299 {offsets = [384, 0], sizes = [8, 2048], strides = [1, 1]} : vector<512x2048xf32> to vector<8x2048xf32>
        %min3A_394 = arith.minimumf %min3A_392, %slice3A_393 : vector<8x2048xf32>
        %slice3A_395 = vector.extract_strided_slice %dot_general3A_299 {offsets = [392, 0], sizes = [8, 2048], strides = [1, 1]} : vector<512x2048xf32> to vector<8x2048xf32>
        %min3A_396 = arith.minimumf %min3A_394, %slice3A_395 : vector<8x2048xf32>
        %slice3A_397 = vector.extract_strided_slice %dot_general3A_299 {offsets = [400, 0], sizes = [8, 2048], strides = [1, 1]} : vector<512x2048xf32> to vector<8x2048xf32>
        %min3A_398 = arith.minimumf %min3A_396, %slice3A_397 : vector<8x2048xf32>
        %slice3A_399 = vector.extract_strided_slice %dot_general3A_299 {offsets = [408, 0], sizes = [8, 2048], strides = [1, 1]} : vector<512x2048xf32> to vector<8x2048xf32>
        %min3A_400 = arith.minimumf %min3A_398, %slice3A_399 : vector<8x2048xf32>
        %slice3A_401 = vector.extract_strided_slice %dot_general3A_299 {offsets = [416, 0], sizes = [8, 2048], strides = [1, 1]} : vector<512x2048xf32> to vector<8x2048xf32>
        %min3A_402 = arith.minimumf %min3A_400, %slice3A_401 : vector<8x2048xf32>
        %slice3A_403 = vector.extract_strided_slice %dot_general3A_299 {offsets = [424, 0], sizes = [8, 2048], strides = [1, 1]} : vector<512x2048xf32> to vector<8x2048xf32>
        %min3A_404 = arith.minimumf %min3A_402, %slice3A_403 : vector<8x2048xf32>
        %slice3A_405 = vector.extract_strided_slice %dot_general3A_299 {offsets = [432, 0], sizes = [8, 2048], strides = [1, 1]} : vector<512x2048xf32> to vector<8x2048xf32>
        %min3A_406 = arith.minimumf %min3A_404, %slice3A_405 : vector<8x2048xf32>
        %slice3A_407 = vector.extract_strided_slice %dot_general3A_299 {offsets = [440, 0], sizes = [8, 2048], strides = [1, 1]} : vector<512x2048xf32> to vector<8x2048xf32>
        %min3A_408 = arith.minimumf %min3A_406, %slice3A_407 : vector<8x2048xf32>
        %slice3A_409 = vector.extract_strided_slice %dot_general3A_299 {offsets = [448, 0], sizes = [8, 2048], strides = [1, 1]} : vector<512x2048xf32> to vector<8x2048xf32>
        %min3A_410 = arith.minimumf %min3A_408, %slice3A_409 : vector<8x2048xf32>
        %slice3A_411 = vector.extract_strided_slice %dot_general3A_299 {offsets = [456, 0], sizes = [8, 2048], strides = [1, 1]} : vector<512x2048xf32> to vector<8x2048xf32>
        %min3A_412 = arith.minimumf %min3A_410, %slice3A_411 : vector<8x2048xf32>
        %slice3A_413 = vector.extract_strided_slice %dot_general3A_299 {offsets = [464, 0], sizes = [8, 2048], strides = [1, 1]} : vector<512x2048xf32> to vector<8x2048xf32>
        %min3A_414 = arith.minimumf %min3A_412, %slice3A_413 : vector<8x2048xf32>
        %slice3A_415 = vector.extract_strided_slice %dot_general3A_299 {offsets = [472, 0], sizes = [8, 2048], strides = [1, 1]} : vector<512x2048xf32> to vector<8x2048xf32>
        %min3A_416 = arith.minimumf %min3A_414, %slice3A_415 : vector<8x2048xf32>
        %slice3A_417 = vector.extract_strided_slice %dot_general3A_299 {offsets = [480, 0], sizes = [8, 2048], strides = [1, 1]} : vector<512x2048xf32> to vector<8x2048xf32>
        %min3A_418 = arith.minimumf %min3A_416, %slice3A_417 : vector<8x2048xf32>
        %slice3A_419 = vector.extract_strided_slice %dot_general3A_299 {offsets = [488, 0], sizes = [8, 2048], strides = [1, 1]} : vector<512x2048xf32> to vector<8x2048xf32>
        %min3A_420 = arith.minimumf %min3A_418, %slice3A_419 : vector<8x2048xf32>
        %slice3A_421 = vector.extract_strided_slice %dot_general3A_299 {offsets = [496, 0], sizes = [8, 2048], strides = [1, 1]} : vector<512x2048xf32> to vector<8x2048xf32>
        %min3A_422 = arith.minimumf %min3A_420, %slice3A_421 : vector<8x2048xf32>
        %slice3A_423 = vector.extract_strided_slice %dot_general3A_299 {offsets = [504, 0], sizes = [8, 2048], strides = [1, 1]} : vector<512x2048xf32> to vector<8x2048xf32>
        %min3A_424 = arith.minimumf %min3A_422, %slice3A_423 : vector<8x2048xf32>
        %get3A_425 = arith.constant 0 : index
        %get3A_426 = arith.constant 4096 : index
        %get3A_427 = vector.load %arg7[%get3A_425, %get3A_426] : memref<8x8192xf32, #tpu.memory_space<vmem>>, vector<8x2048xf32>
        %min3A_428 = arith.minimumf %get3A_427, %min3A_424 : vector<8x2048xf32>
        %swap3A_429 = arith.constant 0 : index
        %swap3A_430 = arith.constant 4096 : index
        %swap3A_431 = vector.load %arg7[%swap3A_429, %swap3A_430] : memref<8x8192xf32, #tpu.memory_space<vmem>>, vector<8x2048xf32>
        tpu.vector_store %arg7[%swap3A_429, %swap3A_430], %min3A_428 {strides = array<i32>} : memref<8x8192xf32, #tpu.memory_space<vmem>>, vector<8x2048xf32>,
        %slice3A_432 = vector.extract_strided_slice %dot_general3A_299 {offsets = [0, 0], sizes = [512, 128], strides = [1, 1]} : vector<512x2048xf32> to vector<512x128xf32>
        %slice3A_433 = vector.extract_strided_slice %dot_general3A_299 {offsets = [0, 128], sizes = [512, 128], strides = [1, 1]} : vector<512x2048xf32> to vector<512x128xf32>
        %min3A_434 = arith.minimumf %slice3A_432, %slice3A_433 : vector<512x128xf32>
        %slice3A_435 = vector.extract_strided_slice %dot_general3A_299 {offsets = [0, 256], sizes = [512, 128], strides = [1, 1]} : vector<512x2048xf32> to vector<512x128xf32>
        %min3A_436 = arith.minimumf %min3A_434, %slice3A_435 : vector<512x128xf32>
        %slice3A_437 = vector.extract_strided_slice %dot_general3A_299 {offsets = [0, 384], sizes = [512, 128], strides = [1, 1]} : vector<512x2048xf32> to vector<512x128xf32>
        %min3A_438 = arith.minimumf %min3A_436, %slice3A_437 : vector<512x128xf32>
        %slice3A_439 = vector.extract_strided_slice %dot_general3A_299 {offsets = [0, 512], sizes = [512, 128], strides = [1, 1]} : vector<512x2048xf32> to vector<512x128xf32>
        %min3A_440 = arith.minimumf %min3A_438, %slice3A_439 : vector<512x128xf32>
        %slice3A_441 = vector.extract_strided_slice %dot_general3A_299 {offsets = [0, 640], sizes = [512, 128], strides = [1, 1]} : vector<512x2048xf32> to vector<512x128xf32>
        %min3A_442 = arith.minimumf %min3A_440, %slice3A_441 : vector<512x128xf32>
        %slice3A_443 = vector.extract_strided_slice %dot_general3A_299 {offsets = [0, 768], sizes = [512, 128], strides = [1, 1]} : vector<512x2048xf32> to vector<512x128xf32>
        %min3A_444 = arith.minimumf %min3A_442, %slice3A_443 : vector<512x128xf32>
        %slice3A_445 = vector.extract_strided_slice %dot_general3A_299 {offsets = [0, 896], sizes = [512, 128], strides = [1, 1]} : vector<512x2048xf32> to vector<512x128xf32>
        %min3A_446 = arith.minimumf %min3A_444, %slice3A_445 : vector<512x128xf32>
        %slice3A_447 = vector.extract_strided_slice %dot_general3A_299 {offsets = [0, 1024], sizes = [512, 128], strides = [1, 1]} : vector<512x2048xf32> to vector<512x128xf32>
        %min3A_448 = arith.minimumf %min3A_446, %slice3A_447 : vector<512x128xf32>
        %slice3A_449 = vector.extract_strided_slice %dot_general3A_299 {offsets = [0, 1152], sizes = [512, 128], strides = [1, 1]} : vector<512x2048xf32> to vector<512x128xf32>
        %min3A_450 = arith.minimumf %min3A_448, %slice3A_449 : vector<512x128xf32>
        %slice3A_451 = vector.extract_strided_slice %dot_general3A_299 {offsets = [0, 1280], sizes = [512, 128], strides = [1, 1]} : vector<512x2048xf32> to vector<512x128xf32>
        %min3A_452 = arith.minimumf %min3A_450, %slice3A_451 : vector<512x128xf32>
        %slice3A_453 = vector.extract_strided_slice %dot_general3A_299 {offsets = [0, 1408], sizes = [512, 128], strides = [1, 1]} : vector<512x2048xf32> to vector<512x128xf32>
        %min3A_454 = arith.minimumf %min3A_452, %slice3A_453 : vector<512x128xf32>
        %slice3A_455 = vector.extract_strided_slice %dot_general3A_299 {offsets = [0, 1536], sizes = [512, 128], strides = [1, 1]} : vector<512x2048xf32> to vector<512x128xf32>
        %min3A_456 = arith.minimumf %min3A_454, %slice3A_455 : vector<512x128xf32>
        %slice3A_457 = vector.extract_strided_slice %dot_general3A_299 {offsets = [0, 1664], sizes = [512, 128], strides = [1, 1]} : vector<512x2048xf32> to vector<512x128xf32>
        %min3A_458 = arith.minimumf %min3A_456, %slice3A_457 : vector<512x128xf32>
        %slice3A_459 = vector.extract_strided_slice %dot_general3A_299 {offsets = [0, 1792], sizes = [512, 128], strides = [1, 1]} : vector<512x2048xf32> to vector<512x128xf32>
        %min3A_460 = arith.minimumf %min3A_458, %slice3A_459 : vector<512x128xf32>
        %slice3A_461 = vector.extract_strided_slice %dot_general3A_299 {offsets = [0, 1920], sizes = [512, 128], strides = [1, 1]} : vector<512x2048xf32> to vector<512x128xf32>
        %min3A_462 = arith.minimumf %min3A_460, %slice3A_461 : vector<512x128xf32>
        %get3A_463 = arith.constant 0 : index
        %get3A_464 = arith.constant 0 : index
        %get3A_465 = vector.load %arg8[%get3A_463, %get3A_464] : memref<512x128xf32, #tpu.memory_space<vmem>>, vector<512x128xf32>
        %min3A_466 = arith.minimumf %get3A_465, %min3A_462 : vector<512x128xf32>
        %swap3A_467 = arith.constant 0 : index
        %swap3A_468 = arith.constant 0 : index
        %swap3A_469 = vector.load %arg8[%swap3A_467, %swap3A_468] : memref<512x128xf32, #tpu.memory_space<vmem>>, vector<512x128xf32>
        tpu.vector_store %arg8[%swap3A_467, %swap3A_468], %min3A_466 {strides = array<i32>} : memref<512x128xf32, #tpu.memory_space<vmem>>, vector<512x128xf32>,
      } else {
      }
      %gt3A_265 = arith.constant 2048 : i32
      %gt3A_266 = arith.cmpi sgt, %get3A_28, %gt3A_265 : i32
      %convert_element_type3A_267 = arith.extui %gt3A_266 : i1 to i32
      %cond3A_268 = arith.constant 0 : i32
      %cond3A_269 = arith.cmpi ne, %convert_element_type3A_267, %cond3A_268 : i32
      scf.if %cond3A_269 {
        %get3A_296 = arith.constant 0 : index
        %get3A_297 = arith.constant 6144 : index
        %get3A_298 = vector.load %arg6[%get3A_296, %get3A_297] : memref<16x8192xbf16, #tpu.memory_space<vmem>>, vector<16x2048xbf16>
        %dot_general3A = arith.constant dense<0.000000e+00> : vector<512x2048xf32>
        %dot_general3A_299 = tpu.matmul %get3A_245, %get3A_298, %dot_general3A {dimension_numbers = #tpu.dot_dimension_numbers<[0], [0], [1], [1], [0, 1, 1, 1], [], []>, transpose_lhs_hint = false} : vector<16x512xbf16>, vector<16x2048xbf16>, vector<512x2048xf32> -> vector<512x2048xf32>
        %slice3A = vector.extract_strided_slice %dot_general3A_299 {offsets = [0, 0], sizes = [8, 2048], strides = [1, 1]} : vector<512x2048xf32> to vector<8x2048xf32>
        %slice3A_300 = vector.extract_strided_slice %dot_general3A_299 {offsets = [8, 0], sizes = [8, 2048], strides = [1, 1]} : vector<512x2048xf32> to vector<8x2048xf32>
        %min3A = arith.minimumf %slice3A, %slice3A_300 : vector<8x2048xf32>
        %slice3A_301 = vector.extract_strided_slice %dot_general3A_299 {offsets = [16, 0], sizes = [8, 2048], strides = [1, 1]} : vector<512x2048xf32> to vector<8x2048xf32>
        %min3A_302 = arith.minimumf %min3A, %slice3A_301 : vector<8x2048xf32>
        %slice3A_303 = vector.extract_strided_slice %dot_general3A_299 {offsets = [24, 0], sizes = [8, 2048], strides = [1, 1]} : vector<512x2048xf32> to vector<8x2048xf32>
        %min3A_304 = arith.minimumf %min3A_302, %slice3A_303 : vector<8x2048xf32>
        %slice3A_305 = vector.extract_strided_slice %dot_general3A_299 {offsets = [32, 0], sizes = [8, 2048], strides = [1, 1]} : vector<512x2048xf32> to vector<8x2048xf32>
        %min3A_306 = arith.minimumf %min3A_304, %slice3A_305 : vector<8x2048xf32>
        %slice3A_307 = vector.extract_strided_slice %dot_general3A_299 {offsets = [40, 0], sizes = [8, 2048], strides = [1, 1]} : vector<512x2048xf32> to vector<8x2048xf32>
        %min3A_308 = arith.minimumf %min3A_306, %slice3A_307 : vector<8x2048xf32>
        %slice3A_309 = vector.extract_strided_slice %dot_general3A_299 {offsets = [48, 0], sizes = [8, 2048], strides = [1, 1]} : vector<512x2048xf32> to vector<8x2048xf32>
        %min3A_310 = arith.minimumf %min3A_308, %slice3A_309 : vector<8x2048xf32>
        %slice3A_311 = vector.extract_strided_slice %dot_general3A_299 {offsets = [56, 0], sizes = [8, 2048], strides = [1, 1]} : vector<512x2048xf32> to vector<8x2048xf32>
        %min3A_312 = arith.minimumf %min3A_310, %slice3A_311 : vector<8x2048xf32>
        %slice3A_313 = vector.extract_strided_slice %dot_general3A_299 {offsets = [64, 0], sizes = [8, 2048], strides = [1, 1]} : vector<512x2048xf32> to vector<8x2048xf32>
        %min3A_314 = arith.minimumf %min3A_312, %slice3A_313 : vector<8x2048xf32>
        %slice3A_315 = vector.extract_strided_slice %dot_general3A_299 {offsets = [72, 0], sizes = [8, 2048], strides = [1, 1]} : vector<512x2048xf32> to vector<8x2048xf32>
        %min3A_316 = arith.minimumf %min3A_314, %slice3A_315 : vector<8x2048xf32>
        %slice3A_317 = vector.extract_strided_slice %dot_general3A_299 {offsets = [80, 0], sizes = [8, 2048], strides = [1, 1]} : vector<512x2048xf32> to vector<8x2048xf32>
        %min3A_318 = arith.minimumf %min3A_316, %slice3A_317 : vector<8x2048xf32>
        %slice3A_319 = vector.extract_strided_slice %dot_general3A_299 {offsets = [88, 0], sizes = [8, 2048], strides = [1, 1]} : vector<512x2048xf32> to vector<8x2048xf32>
        %min3A_320 = arith.minimumf %min3A_318, %slice3A_319 : vector<8x2048xf32>
        %slice3A_321 = vector.extract_strided_slice %dot_general3A_299 {offsets = [96, 0], sizes = [8, 2048], strides = [1, 1]} : vector<512x2048xf32> to vector<8x2048xf32>
        %min3A_322 = arith.minimumf %min3A_320, %slice3A_321 : vector<8x2048xf32>
        %slice3A_323 = vector.extract_strided_slice %dot_general3A_299 {offsets = [104, 0], sizes = [8, 2048], strides = [1, 1]} : vector<512x2048xf32> to vector<8x2048xf32>
        %min3A_324 = arith.minimumf %min3A_322, %slice3A_323 : vector<8x2048xf32>
        %slice3A_325 = vector.extract_strided_slice %dot_general3A_299 {offsets = [112, 0], sizes = [8, 2048], strides = [1, 1]} : vector<512x2048xf32> to vector<8x2048xf32>
        %min3A_326 = arith.minimumf %min3A_324, %slice3A_325 : vector<8x2048xf32>
        %slice3A_327 = vector.extract_strided_slice %dot_general3A_299 {offsets = [120, 0], sizes = [8, 2048], strides = [1, 1]} : vector<512x2048xf32> to vector<8x2048xf32>
        %min3A_328 = arith.minimumf %min3A_326, %slice3A_327 : vector<8x2048xf32>
        %slice3A_329 = vector.extract_strided_slice %dot_general3A_299 {offsets = [128, 0], sizes = [8, 2048], strides = [1, 1]} : vector<512x2048xf32> to vector<8x2048xf32>
        %min3A_330 = arith.minimumf %min3A_328, %slice3A_329 : vector<8x2048xf32>
        %slice3A_331 = vector.extract_strided_slice %dot_general3A_299 {offsets = [136, 0], sizes = [8, 2048], strides = [1, 1]} : vector<512x2048xf32> to vector<8x2048xf32>
        %min3A_332 = arith.minimumf %min3A_330, %slice3A_331 : vector<8x2048xf32>
        %slice3A_333 = vector.extract_strided_slice %dot_general3A_299 {offsets = [144, 0], sizes = [8, 2048], strides = [1, 1]} : vector<512x2048xf32> to vector<8x2048xf32>
        %min3A_334 = arith.minimumf %min3A_332, %slice3A_333 : vector<8x2048xf32>
        %slice3A_335 = vector.extract_strided_slice %dot_general3A_299 {offsets = [152, 0], sizes = [8, 2048], strides = [1, 1]} : vector<512x2048xf32> to vector<8x2048xf32>
        %min3A_336 = arith.minimumf %min3A_334, %slice3A_335 : vector<8x2048xf32>
        %slice3A_337 = vector.extract_strided_slice %dot_general3A_299 {offsets = [160, 0], sizes = [8, 2048], strides = [1, 1]} : vector<512x2048xf32> to vector<8x2048xf32>
        %min3A_338 = arith.minimumf %min3A_336, %slice3A_337 : vector<8x2048xf32>
        %slice3A_339 = vector.extract_strided_slice %dot_general3A_299 {offsets = [168, 0], sizes = [8, 2048], strides = [1, 1]} : vector<512x2048xf32> to vector<8x2048xf32>
        %min3A_340 = arith.minimumf %min3A_338, %slice3A_339 : vector<8x2048xf32>
        %slice3A_341 = vector.extract_strided_slice %dot_general3A_299 {offsets = [176, 0], sizes = [8, 2048], strides = [1, 1]} : vector<512x2048xf32> to vector<8x2048xf32>
        %min3A_342 = arith.minimumf %min3A_340, %slice3A_341 : vector<8x2048xf32>
        %slice3A_343 = vector.extract_strided_slice %dot_general3A_299 {offsets = [184, 0], sizes = [8, 2048], strides = [1, 1]} : vector<512x2048xf32> to vector<8x2048xf32>
        %min3A_344 = arith.minimumf %min3A_342, %slice3A_343 : vector<8x2048xf32>
        %slice3A_345 = vector.extract_strided_slice %dot_general3A_299 {offsets = [192, 0], sizes = [8, 2048], strides = [1, 1]} : vector<512x2048xf32> to vector<8x2048xf32>
        %min3A_346 = arith.minimumf %min3A_344, %slice3A_345 : vector<8x2048xf32>
        %slice3A_347 = vector.extract_strided_slice %dot_general3A_299 {offsets = [200, 0], sizes = [8, 2048], strides = [1, 1]} : vector<512x2048xf32> to vector<8x2048xf32>
        %min3A_348 = arith.minimumf %min3A_346, %slice3A_347 : vector<8x2048xf32>
        %slice3A_349 = vector.extract_strided_slice %dot_general3A_299 {offsets = [208, 0], sizes = [8, 2048], strides = [1, 1]} : vector<512x2048xf32> to vector<8x2048xf32>
        %min3A_350 = arith.minimumf %min3A_348, %slice3A_349 : vector<8x2048xf32>
        %slice3A_351 = vector.extract_strided_slice %dot_general3A_299 {offsets = [216, 0], sizes = [8, 2048], strides = [1, 1]} : vector<512x2048xf32> to vector<8x2048xf32>
        %min3A_352 = arith.minimumf %min3A_350, %slice3A_351 : vector<8x2048xf32>
        %slice3A_353 = vector.extract_strided_slice %dot_general3A_299 {offsets = [224, 0], sizes = [8, 2048], strides = [1, 1]} : vector<512x2048xf32> to vector<8x2048xf32>
        %min3A_354 = arith.minimumf %min3A_352, %slice3A_353 : vector<8x2048xf32>
        %slice3A_355 = vector.extract_strided_slice %dot_general3A_299 {offsets = [232, 0], sizes = [8, 2048], strides = [1, 1]} : vector<512x2048xf32> to vector<8x2048xf32>
        %min3A_356 = arith.minimumf %min3A_354, %slice3A_355 : vector<8x2048xf32>
        %slice3A_357 = vector.extract_strided_slice %dot_general3A_299 {offsets = [240, 0], sizes = [8, 2048], strides = [1, 1]} : vector<512x2048xf32> to vector<8x2048xf32>
        %min3A_358 = arith.minimumf %min3A_356, %slice3A_357 : vector<8x2048xf32>
        %slice3A_359 = vector.extract_strided_slice %dot_general3A_299 {offsets = [248, 0], sizes = [8, 2048], strides = [1, 1]} : vector<512x2048xf32> to vector<8x2048xf32>
        %min3A_360 = arith.minimumf %min3A_358, %slice3A_359 : vector<8x2048xf32>
        %slice3A_361 = vector.extract_strided_slice %dot_general3A_299 {offsets = [256, 0], sizes = [8, 2048], strides = [1, 1]} : vector<512x2048xf32> to vector<8x2048xf32>
        %min3A_362 = arith.minimumf %min3A_360, %slice3A_361 : vector<8x2048xf32>
        %slice3A_363 = vector.extract_strided_slice %dot_general3A_299 {offsets = [264, 0], sizes = [8, 2048], strides = [1, 1]} : vector<512x2048xf32> to vector<8x2048xf32>
        %min3A_364 = arith.minimumf %min3A_362, %slice3A_363 : vector<8x2048xf32>
        %slice3A_365 = vector.extract_strided_slice %dot_general3A_299 {offsets = [272, 0], sizes = [8, 2048], strides = [1, 1]} : vector<512x2048xf32> to vector<8x2048xf32>
        %min3A_366 = arith.minimumf %min3A_364, %slice3A_365 : vector<8x2048xf32>
        %slice3A_367 = vector.extract_strided_slice %dot_general3A_299 {offsets = [280, 0], sizes = [8, 2048], strides = [1, 1]} : vector<512x2048xf32> to vector<8x2048xf32>
        %min3A_368 = arith.minimumf %min3A_366, %slice3A_367 : vector<8x2048xf32>
        %slice3A_369 = vector.extract_strided_slice %dot_general3A_299 {offsets = [288, 0], sizes = [8, 2048], strides = [1, 1]} : vector<512x2048xf32> to vector<8x2048xf32>
        %min3A_370 = arith.minimumf %min3A_368, %slice3A_369 : vector<8x2048xf32>
        %slice3A_371 = vector.extract_strided_slice %dot_general3A_299 {offsets = [296, 0], sizes = [8, 2048], strides = [1, 1]} : vector<512x2048xf32> to vector<8x2048xf32>
        %min3A_372 = arith.minimumf %min3A_370, %slice3A_371 : vector<8x2048xf32>
        %slice3A_373 = vector.extract_strided_slice %dot_general3A_299 {offsets = [304, 0], sizes = [8, 2048], strides = [1, 1]} : vector<512x2048xf32> to vector<8x2048xf32>
        %min3A_374 = arith.minimumf %min3A_372, %slice3A_373 : vector<8x2048xf32>
        %slice3A_375 = vector.extract_strided_slice %dot_general3A_299 {offsets = [312, 0], sizes = [8, 2048], strides = [1, 1]} : vector<512x2048xf32> to vector<8x2048xf32>
        %min3A_376 = arith.minimumf %min3A_374, %slice3A_375 : vector<8x2048xf32>
        %slice3A_377 = vector.extract_strided_slice %dot_general3A_299 {offsets = [320, 0], sizes = [8, 2048], strides = [1, 1]} : vector<512x2048xf32> to vector<8x2048xf32>
        %min3A_378 = arith.minimumf %min3A_376, %slice3A_377 : vector<8x2048xf32>
        %slice3A_379 = vector.extract_strided_slice %dot_general3A_299 {offsets = [328, 0], sizes = [8, 2048], strides = [1, 1]} : vector<512x2048xf32> to vector<8x2048xf32>
        %min3A_380 = arith.minimumf %min3A_378, %slice3A_379 : vector<8x2048xf32>
        %slice3A_381 = vector.extract_strided_slice %dot_general3A_299 {offsets = [336, 0], sizes = [8, 2048], strides = [1, 1]} : vector<512x2048xf32> to vector<8x2048xf32>
        %min3A_382 = arith.minimumf %min3A_380, %slice3A_381 : vector<8x2048xf32>
        %slice3A_383 = vector.extract_strided_slice %dot_general3A_299 {offsets = [344, 0], sizes = [8, 2048], strides = [1, 1]} : vector<512x2048xf32> to vector<8x2048xf32>
        %min3A_384 = arith.minimumf %min3A_382, %slice3A_383 : vector<8x2048xf32>
        %slice3A_385 = vector.extract_strided_slice %dot_general3A_299 {offsets = [352, 0], sizes = [8, 2048], strides = [1, 1]} : vector<512x2048xf32> to vector<8x2048xf32>
        %min3A_386 = arith.minimumf %min3A_384, %slice3A_385 : vector<8x2048xf32>
        %slice3A_387 = vector.extract_strided_slice %dot_general3A_299 {offsets = [360, 0], sizes = [8, 2048], strides = [1, 1]} : vector<512x2048xf32> to vector<8x2048xf32>
        %min3A_388 = arith.minimumf %min3A_386, %slice3A_387 : vector<8x2048xf32>
        %slice3A_389 = vector.extract_strided_slice %dot_general3A_299 {offsets = [368, 0], sizes = [8, 2048], strides = [1, 1]} : vector<512x2048xf32> to vector<8x2048xf32>
        %min3A_390 = arith.minimumf %min3A_388, %slice3A_389 : vector<8x2048xf32>
        %slice3A_391 = vector.extract_strided_slice %dot_general3A_299 {offsets = [376, 0], sizes = [8, 2048], strides = [1, 1]} : vector<512x2048xf32> to vector<8x2048xf32>
        %min3A_392 = arith.minimumf %min3A_390, %slice3A_391 : vector<8x2048xf32>
        %slice3A_393 = vector.extract_strided_slice %dot_general3A_299 {offsets = [384, 0], sizes = [8, 2048], strides = [1, 1]} : vector<512x2048xf32> to vector<8x2048xf32>
        %min3A_394 = arith.minimumf %min3A_392, %slice3A_393 : vector<8x2048xf32>
        %slice3A_395 = vector.extract_strided_slice %dot_general3A_299 {offsets = [392, 0], sizes = [8, 2048], strides = [1, 1]} : vector<512x2048xf32> to vector<8x2048xf32>
        %min3A_396 = arith.minimumf %min3A_394, %slice3A_395 : vector<8x2048xf32>
        %slice3A_397 = vector.extract_strided_slice %dot_general3A_299 {offsets = [400, 0], sizes = [8, 2048], strides = [1, 1]} : vector<512x2048xf32> to vector<8x2048xf32>
        %min3A_398 = arith.minimumf %min3A_396, %slice3A_397 : vector<8x2048xf32>
        %slice3A_399 = vector.extract_strided_slice %dot_general3A_299 {offsets = [408, 0], sizes = [8, 2048], strides = [1, 1]} : vector<512x2048xf32> to vector<8x2048xf32>
        %min3A_400 = arith.minimumf %min3A_398, %slice3A_399 : vector<8x2048xf32>
        %slice3A_401 = vector.extract_strided_slice %dot_general3A_299 {offsets = [416, 0], sizes = [8, 2048], strides = [1, 1]} : vector<512x2048xf32> to vector<8x2048xf32>
        %min3A_402 = arith.minimumf %min3A_400, %slice3A_401 : vector<8x2048xf32>
        %slice3A_403 = vector.extract_strided_slice %dot_general3A_299 {offsets = [424, 0], sizes = [8, 2048], strides = [1, 1]} : vector<512x2048xf32> to vector<8x2048xf32>
        %min3A_404 = arith.minimumf %min3A_402, %slice3A_403 : vector<8x2048xf32>
        %slice3A_405 = vector.extract_strided_slice %dot_general3A_299 {offsets = [432, 0], sizes = [8, 2048], strides = [1, 1]} : vector<512x2048xf32> to vector<8x2048xf32>
        %min3A_406 = arith.minimumf %min3A_404, %slice3A_405 : vector<8x2048xf32>
        %slice3A_407 = vector.extract_strided_slice %dot_general3A_299 {offsets = [440, 0], sizes = [8, 2048], strides = [1, 1]} : vector<512x2048xf32> to vector<8x2048xf32>
        %min3A_408 = arith.minimumf %min3A_406, %slice3A_407 : vector<8x2048xf32>
        %slice3A_409 = vector.extract_strided_slice %dot_general3A_299 {offsets = [448, 0], sizes = [8, 2048], strides = [1, 1]} : vector<512x2048xf32> to vector<8x2048xf32>
        %min3A_410 = arith.minimumf %min3A_408, %slice3A_409 : vector<8x2048xf32>
        %slice3A_411 = vector.extract_strided_slice %dot_general3A_299 {offsets = [456, 0], sizes = [8, 2048], strides = [1, 1]} : vector<512x2048xf32> to vector<8x2048xf32>
        %min3A_412 = arith.minimumf %min3A_410, %slice3A_411 : vector<8x2048xf32>
        %slice3A_413 = vector.extract_strided_slice %dot_general3A_299 {offsets = [464, 0], sizes = [8, 2048], strides = [1, 1]} : vector<512x2048xf32> to vector<8x2048xf32>
        %min3A_414 = arith.minimumf %min3A_412, %slice3A_413 : vector<8x2048xf32>
        %slice3A_415 = vector.extract_strided_slice %dot_general3A_299 {offsets = [472, 0], sizes = [8, 2048], strides = [1, 1]} : vector<512x2048xf32> to vector<8x2048xf32>
        %min3A_416 = arith.minimumf %min3A_414, %slice3A_415 : vector<8x2048xf32>
        %slice3A_417 = vector.extract_strided_slice %dot_general3A_299 {offsets = [480, 0], sizes = [8, 2048], strides = [1, 1]} : vector<512x2048xf32> to vector<8x2048xf32>
        %min3A_418 = arith.minimumf %min3A_416, %slice3A_417 : vector<8x2048xf32>
        %slice3A_419 = vector.extract_strided_slice %dot_general3A_299 {offsets = [488, 0], sizes = [8, 2048], strides = [1, 1]} : vector<512x2048xf32> to vector<8x2048xf32>
        %min3A_420 = arith.minimumf %min3A_418, %slice3A_419 : vector<8x2048xf32>
        %slice3A_421 = vector.extract_strided_slice %dot_general3A_299 {offsets = [496, 0], sizes = [8, 2048], strides = [1, 1]} : vector<512x2048xf32> to vector<8x2048xf32>
        %min3A_422 = arith.minimumf %min3A_420, %slice3A_421 : vector<8x2048xf32>
        %slice3A_423 = vector.extract_strided_slice %dot_general3A_299 {offsets = [504, 0], sizes = [8, 2048], strides = [1, 1]} : vector<512x2048xf32> to vector<8x2048xf32>
        %min3A_424 = arith.minimumf %min3A_422, %slice3A_423 : vector<8x2048xf32>
        %get3A_425 = arith.constant 0 : index
        %get3A_426 = arith.constant 6144 : index
        %get3A_427 = vector.load %arg7[%get3A_425, %get3A_426] : memref<8x8192xf32, #tpu.memory_space<vmem>>, vector<8x2048xf32>
        %min3A_428 = arith.minimumf %get3A_427, %min3A_424 : vector<8x2048xf32>
        %swap3A_429 = arith.constant 0 : index
        %swap3A_430 = arith.constant 6144 : index
        %swap3A_431 = vector.load %arg7[%swap3A_429, %swap3A_430] : memref<8x8192xf32, #tpu.memory_space<vmem>>, vector<8x2048xf32>
        tpu.vector_store %arg7[%swap3A_429, %swap3A_430], %min3A_428 {strides = array<i32>} : memref<8x8192xf32, #tpu.memory_space<vmem>>, vector<8x2048xf32>,
        %slice3A_432 = vector.extract_strided_slice %dot_general3A_299 {offsets = [0, 0], sizes = [512, 128], strides = [1, 1]} : vector<512x2048xf32> to vector<512x128xf32>
        %slice3A_433 = vector.extract_strided_slice %dot_general3A_299 {offsets = [0, 128], sizes = [512, 128], strides = [1, 1]} : vector<512x2048xf32> to vector<512x128xf32>
        %min3A_434 = arith.minimumf %slice3A_432, %slice3A_433 : vector<512x128xf32>
        %slice3A_435 = vector.extract_strided_slice %dot_general3A_299 {offsets = [0, 256], sizes = [512, 128], strides = [1, 1]} : vector<512x2048xf32> to vector<512x128xf32>
        %min3A_436 = arith.minimumf %min3A_434, %slice3A_435 : vector<512x128xf32>
        %slice3A_437 = vector.extract_strided_slice %dot_general3A_299 {offsets = [0, 384], sizes = [512, 128], strides = [1, 1]} : vector<512x2048xf32> to vector<512x128xf32>
        %min3A_438 = arith.minimumf %min3A_436, %slice3A_437 : vector<512x128xf32>
        %slice3A_439 = vector.extract_strided_slice %dot_general3A_299 {offsets = [0, 512], sizes = [512, 128], strides = [1, 1]} : vector<512x2048xf32> to vector<512x128xf32>
        %min3A_440 = arith.minimumf %min3A_438, %slice3A_439 : vector<512x128xf32>
        %slice3A_441 = vector.extract_strided_slice %dot_general3A_299 {offsets = [0, 640], sizes = [512, 128], strides = [1, 1]} : vector<512x2048xf32> to vector<512x128xf32>
        %min3A_442 = arith.minimumf %min3A_440, %slice3A_441 : vector<512x128xf32>
        %slice3A_443 = vector.extract_strided_slice %dot_general3A_299 {offsets = [0, 768], sizes = [512, 128], strides = [1, 1]} : vector<512x2048xf32> to vector<512x128xf32>
        %min3A_444 = arith.minimumf %min3A_442, %slice3A_443 : vector<512x128xf32>
        %slice3A_445 = vector.extract_strided_slice %dot_general3A_299 {offsets = [0, 896], sizes = [512, 128], strides = [1, 1]} : vector<512x2048xf32> to vector<512x128xf32>
        %min3A_446 = arith.minimumf %min3A_444, %slice3A_445 : vector<512x128xf32>
        %slice3A_447 = vector.extract_strided_slice %dot_general3A_299 {offsets = [0, 1024], sizes = [512, 128], strides = [1, 1]} : vector<512x2048xf32> to vector<512x128xf32>
        %min3A_448 = arith.minimumf %min3A_446, %slice3A_447 : vector<512x128xf32>
        %slice3A_449 = vector.extract_strided_slice %dot_general3A_299 {offsets = [0, 1152], sizes = [512, 128], strides = [1, 1]} : vector<512x2048xf32> to vector<512x128xf32>
        %min3A_450 = arith.minimumf %min3A_448, %slice3A_449 : vector<512x128xf32>
        %slice3A_451 = vector.extract_strided_slice %dot_general3A_299 {offsets = [0, 1280], sizes = [512, 128], strides = [1, 1]} : vector<512x2048xf32> to vector<512x128xf32>
        %min3A_452 = arith.minimumf %min3A_450, %slice3A_451 : vector<512x128xf32>
        %slice3A_453 = vector.extract_strided_slice %dot_general3A_299 {offsets = [0, 1408], sizes = [512, 128], strides = [1, 1]} : vector<512x2048xf32> to vector<512x128xf32>
        %min3A_454 = arith.minimumf %min3A_452, %slice3A_453 : vector<512x128xf32>
        %slice3A_455 = vector.extract_strided_slice %dot_general3A_299 {offsets = [0, 1536], sizes = [512, 128], strides = [1, 1]} : vector<512x2048xf32> to vector<512x128xf32>
        %min3A_456 = arith.minimumf %min3A_454, %slice3A_455 : vector<512x128xf32>
        %slice3A_457 = vector.extract_strided_slice %dot_general3A_299 {offsets = [0, 1664], sizes = [512, 128], strides = [1, 1]} : vector<512x2048xf32> to vector<512x128xf32>
        %min3A_458 = arith.minimumf %min3A_456, %slice3A_457 : vector<512x128xf32>
        %slice3A_459 = vector.extract_strided_slice %dot_general3A_299 {offsets = [0, 1792], sizes = [512, 128], strides = [1, 1]} : vector<512x2048xf32> to vector<512x128xf32>
        %min3A_460 = arith.minimumf %min3A_458, %slice3A_459 : vector<512x128xf32>
        %slice3A_461 = vector.extract_strided_slice %dot_general3A_299 {offsets = [0, 1920], sizes = [512, 128], strides = [1, 1]} : vector<512x2048xf32> to vector<512x128xf32>
        %min3A_462 = arith.minimumf %min3A_460, %slice3A_461 : vector<512x128xf32>
        %get3A_463 = arith.constant 0 : index
        %get3A_464 = arith.constant 0 : index
        %get3A_465 = vector.load %arg8[%get3A_463, %get3A_464] : memref<512x128xf32, #tpu.memory_space<vmem>>, vector<512x128xf32>
        %min3A_466 = arith.minimumf %get3A_465, %min3A_462 : vector<512x128xf32>
        %swap3A_467 = arith.constant 0 : index
        %swap3A_468 = arith.constant 0 : index
        %swap3A_469 = vector.load %arg8[%swap3A_467, %swap3A_468] : memref<512x128xf32, #tpu.memory_space<vmem>>, vector<512x128xf32>
        tpu.vector_store %arg8[%swap3A_467, %swap3A_468], %min3A_466 {strides = array<i32>} : memref<512x128xf32, #tpu.memory_space<vmem>>, vector<512x128xf32>,
      } else {
      }
      %get3A_270 = arith.constant 0 : index
      %get3A_271 = arith.constant 0 : index
      %get3A_272 = vector.load %arg8[%get3A_270, %get3A_271] : memref<512x128xf32, #tpu.memory_space<vmem>>, vector<512x128xf32>
      %reduce_min3A_273 = arith.constant dense<0x7F800000> : vector<512xf32>
      %reduce_min3A_274 = vector.multi_reduction <minimumf>, %get3A_272, %reduce_min3A_273 [1] : vector<512x128xf32> to vector<512xf32>
      %broadcast_in_dim3A_275 = vector.shape_cast %reduce_min3A_274 : vector<512xf32> to vector<512x1xf32>
      %lt3A_276 = arith.constant 3.330000e+00 : f32
      %lt3A_277 = vector.broadcast %lt3A_276 : f32 to vector<512x1xf32>
      %lt3A_278 = arith.cmpf olt, %broadcast_in_dim3A_275, %lt3A_277 : vector<512x1xf32>
      %jit3A_279 = arith.constant 0.000000e+00 : f32
      %broadcast_in_dim3A_280 = vector.broadcast %jit3A_279 : f32 to vector<512x1xf32>
      %select_n3A_281 = arith.select %lt3A_278, %broadcast_in_dim3A_275, %broadcast_in_dim3A_280 : vector<512x1xi1>, vector<512x1xf32>
      %reduce_sum3A_282 = vector.shape_cast %select_n3A_281 : vector<512x1xf32> to vector<1x512x1xf32>
      %reduce_sum3A_283 = arith.constant dense<0.000000e+00> : vector<1xf32>
      %reduce_sum3A_284 = vector.multi_reduction <add>, %reduce_sum3A_282, %reduce_sum3A_283 [1, 2] : vector<1x512x1xf32> to vector<1xf32>
      %reduce_sum3A_285 = vector.shape_cast %reduce_sum3A_284 : vector<1xf32> to vector<1x1x1xf32>
      %reduce_sum3A_286 = vector.extract %reduce_sum3A_285[0, 0, 0] : f32 from vector<1x1x1xf32>
      %add3A_287 = arith.addf %while3A_237, %reduce_sum3A_286 : f32
      %convert_element_type3A_288 = arith.extui %lt3A_278 : vector<512x1xi1> to vector<512x1xi32>
      %convert_element_type3A_289 = arith.sitofp %convert_element_type3A_288 : vector<512x1xi32> to vector<512x1xf32>
      %reduce_sum3A_290 = vector.shape_cast %convert_element_type3A_289 : vector<512x1xf32> to vector<1x512x1xf32>
      %reduce_sum3A_291 = arith.constant dense<0.000000e+00> : vector<1xf32>
      %reduce_sum3A_292 = vector.multi_reduction <add>, %reduce_sum3A_290, %reduce_sum3A_291 [1, 2] : vector<1x512x1xf32> to vector<1xf32>
      %reduce_sum3A_293 = vector.shape_cast %reduce_sum3A_292 : vector<1xf32> to vector<1x1x1xf32>
      %reduce_sum3A_294 = vector.extract %reduce_sum3A_293[0, 0, 0] : f32 from vector<1x1x1xf32>
      %add3A_295 = arith.addf %while3A_238, %reduce_sum3A_294 : f32
      scf.yield %add3A_287, %add3A_295 : f32, f32
    }
    %get3A_201 = arith.constant 0 : index
    %get3A_202 = arith.constant 0 : index
    %get3A_203 = vector.load %arg7[%get3A_201, %get3A_202] : memref<8x8192xf32, #tpu.memory_space<vmem>>, vector<8x8192xf32>
    %reduce_min3A = arith.constant dense<0x7F800000> : vector<8192xf32>
    %reduce_min3A_204 = vector.multi_reduction <minimumf>, %get3A_203, %reduce_min3A [0] : vector<8x8192xf32> to vector<8192xf32>
    %broadcast_in_dim3A_205 = vector.shape_cast %reduce_min3A_204 : vector<8192xf32> to vector<1x8192xf32>
    %lt3A_206 = arith.constant 3.330000e+00 : f32
    %lt3A_207 = vector.broadcast %lt3A_206 : f32 to vector<1x8192xf32>
    %lt3A_208 = arith.cmpf olt, %broadcast_in_dim3A_205, %lt3A_207 : vector<1x8192xf32>
    %jit3A_209 = arith.constant 0.000000e+00 : f32
    %broadcast_in_dim3A_210 = vector.broadcast %jit3A_209 : f32 to vector<1x8192xf32>
    %select_n3A_211 = arith.select %lt3A_208, %broadcast_in_dim3A_205, %broadcast_in_dim3A_210 : vector<1x8192xi1>, vector<1x8192xf32>
    %reduce_sum3A_212 = vector.shape_cast %select_n3A_211 : vector<1x8192xf32> to vector<1x1x8192xf32>
    %reduce_sum3A_213 = arith.constant dense<0.000000e+00> : vector<1xf32>
    %reduce_sum3A_214 = vector.multi_reduction <add>, %reduce_sum3A_212, %reduce_sum3A_213 [1, 2] : vector<1x1x8192xf32> to vector<1xf32>
    %reduce_sum3A_215 = vector.shape_cast %reduce_sum3A_214 : vector<1xf32> to vector<1x1x1xf32>
    %reduce_sum3A_216 = vector.extract %reduce_sum3A_215[0, 0, 0] : f32 from vector<1x1x1xf32>
    %convert_element_type3A_217 = arith.extui %lt3A_208 : vector<1x8192xi1> to vector<1x8192xi32>
    %convert_element_type3A_218 = arith.sitofp %convert_element_type3A_217 : vector<1x8192xi32> to vector<1x8192xf32>
    %reduce_sum3A_219 = vector.shape_cast %convert_element_type3A_218 : vector<1x8192xf32> to vector<1x1x8192xf32>
    %reduce_sum3A_220 = arith.constant dense<0.000000e+00> : vector<1xf32>
    %reduce_sum3A_221 = vector.multi_reduction <add>, %reduce_sum3A_219, %reduce_sum3A_220 [1, 2] : vector<1x1x8192xf32> to vector<1xf32>
    %reduce_sum3A_222 = vector.shape_cast %reduce_sum3A_221 : vector<1xf32> to vector<1x1x1xf32>
    %reduce_sum3A_223 = vector.extract %reduce_sum3A_222[0, 0, 0] : f32 from vector<1x1x1xf32>
    %div3A_224 = arith.divf %while3A_200#0, %while3A_200#1 : f32
    %div3A_225 = arith.divf %reduce_sum3A_216, %reduce_sum3A_223 : f32
    %add3A_226 = arith.addf %div3A_224, %div3A_225 : f32
    %eq3A_227 = arith.constant 0 : i32
    %eq3A_228 = arith.cmpi eq, %arg0, %eq3A_227 : i32
    %convert_element_type3A_229 = arith.extui %eq3A_228 : i1 to i32
    %cond3A = arith.constant 0 : i32
    %cond3A_230 = arith.cmpi ne, %convert_element_type3A_229, %cond3A : i32
    scf.if %cond3A_230 {
      %swap3A_236 = arith.constant 0 : index
      %swap3A_237 = arith.constant 0 : index
      %swap3A_238 = memref.load %arg4[%swap3A_236, %swap3A_237] : memref<1x1xf32, #tpu.memory_space<smem>>
      memref.store %add3A_226, %arg4[%swap3A_236, %swap3A_237] : memref<1x1xf32, #tpu.memory_space<smem>>
    } else {
    }
    %ne3A_231 = arith.constant 0 : i32
    %ne3A_232 = arith.cmpi ne, %arg0, %ne3A_231 : i32
    %convert_element_type3A_233 = arith.extui %ne3A_232 : i1 to i32
    %cond3A_234 = arith.constant 0 : i32
    %cond3A_235 = arith.cmpi ne, %convert_element_type3A_233, %cond3A_234 : i32
    scf.if %cond3A_235 {
      %get3A_236 = arith.constant 0 : index
      %get3A_237 = arith.constant 0 : index
      %get3A_238 = memref.load %arg4[%get3A_236, %get3A_237] : memref<1x1xf32, #tpu.memory_space<smem>>
      %add3A_239 = arith.addf %get3A_238, %add3A_226 : f32
      %swap3A_240 = arith.constant 0 : index
      %swap3A_241 = arith.constant 0 : index
      %swap3A_242 = memref.load %arg4[%swap3A_240, %swap3A_241] : memref<1x1xf32, #tpu.memory_space<smem>>
      memref.store %add3A_239, %arg4[%swap3A_240, %swap3A_241] : memref<1x1xf32, #tpu.memory_space<smem>>
    } else {
    }
    return
  }
  func.func @transform_0(%arg0: i32) -> (i32, i32) {
    %c0_i32 = arith.constant 0 : i32
    %c0_i32_0 = arith.constant 0 : i32
    %c0_i32_1 = arith.constant 0 : i32
    return %c0_i32, %c0_i32_0 : i32, i32
  }
  func.func @transform_1(%arg0: i32) -> (i32, i32, i32) {
    %c0_i32 = arith.constant 0 : i32
    %c0_i32_0 = arith.constant 0 : i32
    %c0_i32_1 = arith.constant 0 : i32
    return %arg0, %c0_i32, %c0_i32_0 : i32, i32, i32
  }
  func.func @transform_2(%arg0: i32) -> (i32, i32, i32) {
    %add3A = arith.constant 2 : i32
    %add3A_0 = arith.addi %add3A, %arg0 : i32
    %c0_i32 = arith.constant 0 : i32
    %c0_i32_1 = arith.constant 0 : i32
    %c0_i32_2 = arith.constant 0 : i32
    return %add3A_0, %c0_i32, %c0_i32_1 : i32, i32, i32
  }
  func.func @transform_3(%arg0: i32) -> (i32, i32) {
    %c0_i32 = arith.constant 0 : i32
    %c0_i32_0 = arith.constant 0 : i32
    %c0_i32_1 = arith.constant 0 : i32
    return %c0_i32, %c0_i32_0 : i32, i32
  }
}

</mosaic_0001>

<sc_bundles>
// kernel: kernel.4.cloned.1.call-start
scs
__scs_entry_jumppad:
0x0: {  	(pc) =	sbr.rel $0x88, $3  }
0x1: {  	(tag) =	ssettag $0x0;
	lr =	simm.s32 $0x1  }
0x2: {  	[smem:$0x3F9C] =	sst lr;
	_ =	strace $0xD0000000  }
0x3: {  	_ = 	snop  }
0x4: {  	_ = 	snop  }
0x5: {  	_ = 	snop  }
0x6: {  	_ = 	snop  }
0x7: {  	_ = 	snop  }
__scs_overlays_trampoline_lowered:
0x8: {  	[smem:$0x3FAB] =	sst s0  }
0x9: {  	[smem:$0x3FAC] =	sst s1  }
0xa: {  	[smem:$0x3FAD] =	sst s2  }
0xb: {  	[smem:$0x3FAE] =	sst s3  }
0xc: {  	[smem:$0x3FAF] =	sst s4  }
0xd: {  	[smem:$0x3FB0] =	sst s5  }
0xe: {  	[smem:$0x3FB1] =	sst s6  }
0xf: {  	[smem:$0x3FB2] =	sst s7  }
0x10: {  	[smem:$0x3FB3] =	sst s8  }
0x11: {  	[smem:$0x3FB4] =	sst s9;
	s0 =	simm.s32 @!p0 $0x0  }
0x12: {  	s1 =	sld [smem:$0x3F9A];
	s0 =	simm.s32 @p0 $0x1  }
0x13: {  	[smem:$0x3FB5] =	sst s0;
	s0 =	simm.s32 @!p1 $0x0  }
0x14: {  	s2 =	sld [smem:$0x3F99];
	s0 =	simm.s32 @p1 $0x1  }
0x15: {  	[smem:$0x3FB6] =	sst s0;
	s0 =	simm.s32 @!p2 $0x0  }
0x16: {  	s3 =	sld [smem:$0x3FDB];
	s0 =	simm.s32 @p2 $0x1  }
0x17: {  	s4 =	simm.s32 $0x1BF5;
	[smem:$0x3FB8] =	sst s0  }
0x18: {  	s0 =	sld [smem:$0x3F9B];
	_ =	swait.ge [sflag:s4], $0x0  }
0x19: {  	s7 =	sld [smem:$0x3F9C]  }
0x1a: {  	s8 =	sadd.s32 $0xFFFFE003, lr  }
0x1b: {  	s9 =	sadd.s32 $0xFFFFFEF7, lr;
	s5 =	simm.s32 $0xFFFFFFFF;
	p2 =	slt.u32 s8, $0xFFFFF086  }
0x1c: {  	p1 =	slt.u32 s9, $0xF7A;
	s5 =	simm.s32 @!p2 $0x0  }
0x1d: {  	s5 =	simm.s32 @p1 $0x1;
	p0 =	seq.s32 s7, s2  }
0x1e: {  	s7 =	smul.u32 @!p0 $0xF7A, s2;
	p2 =	seq.s32 @!p0 s5, $0x0  }
0x1f: {  	s9 =	smul.u32 $0xF7A, s1;
	s8 =	simm.s32 @!p0 $0x1BF5;
	p2 =	por !p2, p0  }
0x20: {  	[sflag:s8] =	ssyncset.s32 @!p0 $0xFFFFF086;
	s6 =	sadd.s32 @!p0 s3, s7;
	s7 =	simm.s32 @!p0 $0x108  }
0x21: {  	s3 =	sadd.s32 s3, s9;
	s6 =	sadd.s32 @!p0 $0x88, s6;
	s7 =	simm.s32 @p2 $0x1082  }
0x22: {  	[simem:s7], [sflag:s8] =	dma.local @!p0 [hbm:s6], $0xF7A  }
0x23: {  	s9 =	sor.u32 $0xD0000000, s2;
	s6 =	simm.s32 $0x108;
	_ =	swait.ge @!p0 [sflag:s8], $0x0  }
0x24: {  	s3 =	sadd.s32 $0x88, s3;
	s6 =	simm.s32 @!p1 $0x1082;
	[sflag:s4] =	ssyncset.s32 $0xFFFFF086  }
0x25: {  	[simem:s6], [sflag:s4] =	dma.local [hbm:s3], $0xF7A  }
0x26: {  	[smem:$0x3F9C] =	sst s1;
	(tag) =	ssettag s2;
	_ =	strace s9  }
0x27: {  	s1 =	sld [smem:$0x3FAC]  }
0x28: {  	s2 =	sld [smem:$0x3FAD]  }
0x29: {  	s4 =	sld [smem:$0x3FAF]  }
0x2a: {  	p0 =	seq.s32 s5, $0x0;
	s5 =	sld [smem:$0x3FB0]  }
0x2b: {  	s6 =	sld [smem:$0x3FB1]  }
0x2c: {  	s7 =	sld [smem:$0x3FB2]  }
0x2d: {  	s3 =	simm.s32 $0x108;
	s8 =	sld [smem:$0x3FB3]  }
0x2e: {  	s3 =	simm.s32 @!p0 $0x1082;
	s9 =	sld [smem:$0x3FB4]  }
0x2f: {  	lr =	sadd.s32 s0, s3;
	s0 =	sld [smem:$0x3FAB]  }
0x30: {  	s3 =	sld [smem:$0x3FAE]  }
0x31: {  	[smem:$0x3FB7] =	sst s10  }
0x32: {  	s10 =	sld [smem:$0x3FB5];
	_ =	sdelay $0x3  }
0x33: {  	p0 =	seq.s32 s10, $0x1;
	s10 =	sld [smem:$0x3FB7];
	_ =	sdelay $0x3  }
0x34: {  	[smem:$0x3FB7] =	sst s10  }
0x35: {  	s10 =	sld [smem:$0x3FB6];
	_ =	sdelay $0x3  }
0x36: {  	p1 =	seq.s32 s10, $0x1;
	s10 =	sld [smem:$0x3FB7];
	_ =	sdelay $0x3  }
0x37: {  	[smem:$0x3FB7] =	sst s10  }
0x38: {  	s10 =	sld [smem:$0x3FB8]  }
0x39: {  	_ = 	snop;
	(pc) =	sbr.ind lr, $3  }
0x3a: {  	_ = 	snop  }
0x3b: {  	_ = 	snop  }
0x3c: {  	p2 =	seq.s32 s10, $0x1;
	s10 =	sld [smem:$0x3FB7]  }
0x3d: {  	_ =	shalt  }
0x3e: {  	_ =	shalt  }
0x3f: {  	_ =	shalt  }
0x40: {  	_ =	shalt  }
0x41: {  	_ =	shalt  }
0x42: {  	_ =	shalt  }
0x43: {  	_ =	shalt  }
0x44: {  	_ =	shalt  }
0x45: {  	_ =	shalt  }
0x46: {  	_ =	shalt  }
0x47: {  	_ =	shalt  }
0x48: {  	_ =	shalt  }
0x49: {  	_ =	shalt  }
0x4a: {  	_ =	shalt  }
0x4b: {  	_ =	shalt  }
0x4c: {  	_ =	shalt  }
0x4d: {  	_ =	shalt  }
0x4e: {  	_ =	shalt  }
0x4f: {  	_ =	shalt  }
0x50: {  	_ =	shalt  }
0x51: {  	_ =	shalt  }
0x52: {  	_ =	shalt  }
0x53: {  	_ =	shalt  }
0x54: {  	_ =	shalt  }
0x55: {  	_ =	shalt  }
0x56: {  	_ =	shalt  }
0x57: {  	_ =	shalt  }
0x58: {  	_ =	shalt  }
0x59: {  	_ =	shalt  }
0x5a: {  	_ =	shalt  }
0x5b: {  	_ =	shalt  }
0x5c: {  	_ =	shalt  }
0x5d: {  	_ =	shalt  }
0x5e: {  	_ =	shalt  }
0x5f: {  	_ =	shalt  }
0x60: {  	_ =	shalt  }
0x61: {  	_ =	shalt  }
0x62: {  	_ =	shalt  }
0x63: {  	_ =	shalt  }
0x64: {  	_ =	shalt  }
0x65: {  	_ =	shalt  }
0x66: {  	_ =	shalt  }
0x67: {  	_ =	shalt  }
0x68: {  	_ =	shalt  }
0x69: {  	_ =	shalt  }
0x6a: {  	_ =	shalt  }
0x6b: {  	_ =	shalt  }
0x6c: {  	_ =	shalt  }
0x6d: {  	_ =	shalt  }
0x6e: {  	_ =	shalt  }
0x6f: {  	_ =	shalt  }
0x70: {  	_ =	shalt  }
0x71: {  	_ =	shalt  }
0x72: {  	_ =	shalt  }
0x73: {  	_ =	shalt  }
0x74: {  	_ =	shalt  }
0x75: {  	_ =	shalt  }
0x76: {  	_ =	shalt  }
0x77: {  	_ =	shalt  }
0x78: {  	_ =	shalt  }
0x79: {  	_ =	shalt  }
0x7a: {  	_ =	shalt  }
0x7b: {  	_ =	shalt  }
0x7c: {  	_ =	shalt  }
0x7d: {  	_ =	shalt  }
0x7e: {  	_ =	shalt  }
0x7f: {  	_ =	shalt  }
0x80: {  	_ =	shalt  }
0x81: {  	_ =	shalt  }
0x82: {  	_ =	shalt  }
0x83: {  	_ =	shalt  }
0x84: {  	_ =	shalt  }
0x85: {  	_ =	shalt  }
0x86: {  	_ =	shalt  }
0x87: {  	_ =	shalt  }
.Lfunc_end0:
.L_simem_size_0:
called_computation_lowered:
.L_overlay_start_0:
0x88: {  	s2 =	sld [smem:$0x3FD9]  }
0x89: {  	s3 =	sld [smem:$0x3FFE];
	_ =	sdelay $0x1  }
0x8a: {  	s1 =	srdreg.scid  }
0x8b: {  	s0 =	sand.u32 $0x1, s1  }
0x8c: {  	s17 =	sshll.u32 s0, $0xA;
	s2 =	sadd.s32 s3, s2  }
0x8d: {  	s2 =	sadd.s32 s2, s17  }
0x8e: {  	[smem:$0x3FC3] =	sst s2  }
0x8f: {  	_ = 	snop  }
0x90: {  	s2 =	sld [smem:$0x3FD0];
	(tm) =	ssettm $0x1  }
0x91: {  	s18 =	sld [smem:$0x3FFB];
	_ =	sdelay $0x3  }
0x92: {  	_ =	strace s18  }
0x93: {  	s3 =	sld [smem:$0x3FFC];
	_ =	sdelay $0x3  }
0x94: {  	_ =	strace s3  }
0x95: {  	s3 =	sld [smem:$0x3FFD];
	_ =	sdelay $0x3  }
0x96: {  	_ =	strace s3  }
0x97: {  	_ =	strace $0x8FFFFFFF  }
0x98: {  	s19 =	sld [smem:$0x3FDB];
	_ =	sdelay $0x1  }
0x99: {  	s4 =	simm.s32 $_scs_section_size  }
0x9a: {  	s5 =	simm.s32 $_size__tile_overlayer_lowered;
	s6 =	simm.s32 $_tile_overlayer_lowered  }
0x9b: {  	s22 =	simm.s32 $0x1BFF;
	s21 =	sshll.u32 s6, $0x1;
	s3 =	sadd.s32 s4, s19  }
0x9c: {  	s7 =	simm.s32 $0x0;
	s20 =	sshll.u32 s5, $0x1;
	s5 =	sadd.s32 s21, s3  }
0x9d: {  	[timem:s7], [sflag:s22] =	dma.local [hbm:s5], s20  }
0x9e: {  	_ =	swait.ge [sflag:s22], s20  }
0x9f: {  	s4 =	ssub.s32 $0x0, s20;
	[sflag:s22] =	ssyncset.done $0x0  }
0xa0: {  	[sflag:s22] =	ssyncadd.s32 s4;
	_ =	sdelay $0x1  }
0xa1: {  	s23 =	simm.s32 $0x1B8B  }
0xa2: {  	_ =	swait.ge [sflag:s23], $0x1  }
0xa3: {  	[sflag:s23] =	ssyncset.done $0x0  }
0xa4: {  	s25 =	simm.s32 $0x1B8E;
	s24 =	sld [smem:$0x3FFE];
	[sflag:s23] =	ssyncadd.s32 $0xFFFFFFFF  }
0xa5: {  	s26 =	simm.s32 $execute0_lowered;
	[smem:$0x3FD2] =	sst s25  }
0xa6: {  	s5 =	sshll.u32 s26, $0x1;
	_ =	strace $0x80000046;
	[dreg:$0x1] =	wrdreg $0xFFFFFFFF  }
0xa7: {  	s28 =	simm.s32 $_size_execute0_lowered;
	s3 =	sadd.s32 s3, s5;
	[dreg:$0x0] =	wrdreg $0x0  }
0xa8: {  	s5 =	sshll.u32 s28, $0x1;
	[dreg:$0x2] =	wrdreg s3  }
0xa9: {  	[dreg:$0x3] =	wrdreg s5  }
0xaa: {  	[dreg:$0x4] =	wrdreg $0xC0  }
0xab: {  	_ =	task [dreg:s7], $0x5FFFF  }
0xac: {  	[dreg:$0x1] =	wrdreg $0xFFFFFFFF  }
0xad: {  	[dreg:$0x0] =	wrdreg $0x60  }
0xae: {  	[dreg:$0x2] =	wrdreg s24  }
0xaf: {  	[dreg:$0x3] =	wrdreg s2  }
0xb0: {  	[dreg:$0x4] =	wrdreg $0x9  }
0xb1: {  	_ =	task.clear_ibuf [dreg:s7], $0x5FFFF;
	_ =	strace $0x90000046  }
0xb2: {  	s29 =	simm.s32 $0x9;
	_ =	strace $0x80000048  }
0xb3: {  	_ =	swait.ge [sflag:s29], $0x1  }
0xb4: {  	[sflag:s29] =	ssyncadd.s32 $0xFFFFFFFF  }
0xb5: {  	_ =	strace $0x90000048  }
0xb6: {  	_ =	sfence  }
0xb7: {  	s30 =	sld [smem:$0x0];
	_ =	sdelay $0x2  }
0xb8: {  	s31 =	sshll.u32 s1, $0xD;
	s1 =	sshrl.u32 s1, $0x2  }
0xb9: {  	s3 =	sand.u32 $0x4000, s31;
	s1 =	sadd.s32 s1, s30  }
0xba: {  	s0 =	sor.u32 s3, s0;
	s1 =	sshll.u32 s1, $0x11  }
0xbb: {  	s0 =	sor.u32 s1, s0  }
0xbc: {  	s0 =	sadd.s32 $0x8F2B, s0  }
0xbd: {  	[sflag:s0] =	ssyncadd.remote.s32 $0x1  }
0xbe: {  	_ =	sfence.sel $0xFFFF  }
0xbf: {  	[dreg:$0x0] =	wrdreg $0xFFFFFFFF;
	(pc) =	sbr.abs _section_cstart, $3  }
0xc0: {  	[dreg:$0x1] =	wrdreg $0xFFFFFFFF  }
0xc1: {  	_ =	task.clear_ibuf [dreg:s7], $0x2FFFF;
	_ =	strace $0x9FFFFFFF  }
0xc2: {  	(tm) =	ssettm $0x7FFFFFFF  }
0xc3: {  	_ =	shalt  }
tec
execute0_lowered:
.L_overlay_start_1:
0x0: {  	(tag) =	ssettag $0x1  }
0x1: {  	s1 =	stileid.u32  }
0x2: {  	p0 =	sgt.u32 s1, $0x3  }
.Ltmp0:
0x3: {  	_ = 	snop;
	(pc) =	sbr.rel @p0 .LBB2_5-.Ltmp0, $4  }
0x4: {  	s4 =	rddreg [dreg:$0x0]  }
0x5: {  	s13 =	rddreg [dreg:$0x1];
	s2 =	simm.s32 $0x0  }
0x6: {  	[smem:$0x7FF] =	sst s2  }
0x7: {  	s0 =	rddreg [dreg:$0x2];
	_ =	strace $0x80000047  }
0x8: {  	s3 =	srdreg.scid  }
0x9: {  	s26 =	sshll.u32 s1, $0x1;
	s15 =	sadd.s32 $0xC00, s4;
	s8 =	sadd.s32 $0x3C00, s4  }
0xa: {  	s12 =	sadd.s32 $0x7C00, s4;
	s20 =	simm.s32 $0x5000;
	s10 =	sand.u32 $0x1, s3  }
0xb: {  	s21 =	simm.s32 $0x6000;
	s22 =	simm.s32 $0xA080;
	s14 =	sor.u32 s10, s26  }
0xc: {  	s23 =	simm.s32 $0x7000;
	p1 =	seq.s32 s10, $0x1;
	p0 =	seq.s32 s14, $0x0  }
0xd: {  	s24 =	simm.s32 $0x8000;
	s25 =	simm.s32 $0x9000;
	p0 =	por !p0, !p1  }
0xe: {  	v0 =	vimm.s32 $0x65432100;
	v1 =	vimm.s32 $0xEDCBA987;
	s28 =	simm.s32 $0x0;
	s3 =	simm.s32 $0x1;
	p0 =	por !p0, !p0  }
0xf: {  	v2 =	vimm.s32 $0xDCBA9876;
	v3 =	vimm.s32 $0x54321000;
	s5 =	sshll.u32 s10, $0xC;
	s18 =	ssub.s32 $0x2, s10;
	s3 =	simm.s32 @!p0 $0x0  }
0x10: {  	v4 =	vimm.s32 $0xBA987654;
	v5 =	vimm.s32 $0xE40000;
	v6 =	vimm.s32 $0x32100000;
	s26 =	simm.s32 $0xA000;
	s19 =	sshrl.u32 s18, $0x1;
	s3 =	ssub.s32 s1, s3  }
0x11: {  	v0 =	vunpack.c.l.s4.s8 v0;
	v1 =	vunpack.c.l.s4.s8 v1;
	v2 =	vunpack.c.l.s4.s8 v2;
	s14 =	sshll.u32 s14, $0x1;
	s31 =	ssub.s32 s18, s19;
	s6 =	sshll.u32 s3, $0xD  }
0x12: {  	v3 =	vunpack.c.l.s4.s8 v3;
	v4 =	vunpack.c.l.s4.s8 v4;
	v5 =	vunpack.c.l.s2.s4 v5;
	s13 =	sadd.s32 s13, s14;
	s7 =	smul.u32 $0x6000, s3;
	s6 =	sor.u32 s5, s6  }
0x13: {  	v6 =	vunpack.c.l.s4.s8 v6;
	v1 =	vunpack.c.0.s8.s32 v1;
	v2 =	vunpack.c.0.s8.s32 v2;
	s18 =	simm.s32 $0x4000;
	s19 =	simm.s32 $0x2000;
	s6 =	sshrl.u32 s6, $0x3  }
0x14: {  	v0 =	vunpack.c.0.s8.s32 v0;
	v3 =	vunpack.c.0.s8.s32 v3;
	v5 =	vunpack.c.l.s4.s8 v5;
	s3 =	simm.s32 $0x1;
	s29 =	sor.u32 s5, s7;
	s9 =	sadd.s32 s6, s4  }
0x15: {  	v4 =	vunpack.c.0.s8.s32 v4;
	v1 =	vand.u32 $0xF, v1;
	v2 =	vand.u32 $0xF, v2;
	s16 =	sshrl.u32 s29, $0x3;
	s5 =	sadd.s32 $0x2000, s29;
	s30 =	sadd.s32 $0x4000, s29  }
0x16: {  	v5 =	vunpack.c.0.s8.s32 v5;
	v0 =	vcombine.low v0, v1;
	v1 =	vcombine.low v3, v2;
	s4 =	sadd.s32 s8, s16;
	s11 =	sshrl.u32 s5, $0x3;
	s17 =	sshrl.u32 s30, $0x3  }
0x17: {  	v2 =	vunpack.c.0.s8.s32 v6;
	v3 =	vand.u32 $0xF, v4;
	v4 =	vimm.s32 $0x7060504;
	s9 =	sadd.s32 $0x6C00, s9;
	s10 =	sadd.s32 s12, s16;
	s14 =	sadd.s32 s15, s16  }
0x18: {  	vm0 =	vmmov $0x3;
	vm2 =	vcmask $0x3F30;
	v4 =	vunpack.c.0.s8.s32 v4;
	s16 =	simm.s32 $0x3000;
	s5 =	sadd.s32 s15, s11;
	s6 =	sadd.s32 s8, s11  }
0x19: {  	vm1 =	vmmov $0xf;
	v5 =	vand.u32 $0x3, v5;
	v2 =	vcombine.low v2, v3;
	s7 =	sadd.s32 s15, s17;
	s8 =	sadd.s32 s8, s17;
	s11 =	sadd.s32 s12, s11  }
0x1a: {  	v3 =	vlaneseq.u32;
	v4 =	vsel vm2, v4, v5;
	vm2 =	vmmov $0xff;
	s12 =	sadd.s32 s12, s17;
	s15 =	smax.u32 s31, $0x1;
	s17 =	simm.s32 $0x1000  }
.LBB2_2:
0x1b: {  	s29 =	simm.s32 $0x0  }
0x1c: {  	[tilespmem:s29], [sflag:$0x1] =	stream.linear.gather [hbm4b:s14+s29], $0x1000, $0x38;
	[tilespmem:$0xA100] =	vst v63  }
0x1d: {  	_ =	swait.ge [sflag:s3], $0x1000  }
0x1e: {  	[sflag:s3] =	ssyncset.done $0x0  }
0x1f: {  	[sflag:s3] =	ssyncadd.s32 $0xFFFFF000  }
0x20: {  	[tilespmem:s16], [sflag:$0x1] =	stream.linear.gather [hbm4b:s4+s29], $0x1000, $0x38;
	[tilespmem:$0xA100] =	vst v63  }
0x21: {  	_ =	swait.ge [sflag:s3], $0x1000  }
0x22: {  	[sflag:s3] =	ssyncset.done $0x0  }
0x23: {  	[sflag:s3] =	ssyncadd.s32 $0xFFFFF000  }
0x24: {  	[tilespmem:s17], [sflag:$0x1] =	stream.linear.gather [hbm4b:s5+s29], $0x1000, $0x38;
	[tilespmem:$0xA100] =	vst v63  }
0x25: {  	_ =	swait.ge [sflag:s3], $0x1000  }
0x26: {  	[sflag:s3] =	ssyncset.done $0x0  }
0x27: {  	[sflag:s3] =	ssyncadd.s32 $0xFFFFF000  }
0x28: {  	[tilespmem:s18], [sflag:$0x1] =	stream.linear.gather [hbm4b:s6+s29], $0x1000, $0x38;
	[tilespmem:$0xA100] =	vst v63  }
0x29: {  	_ =	swait.ge [sflag:s3], $0x1000  }
0x2a: {  	[sflag:s3] =	ssyncset.done $0x0  }
0x2b: {  	[sflag:s3] =	ssyncadd.s32 $0xFFFFF000  }
0x2c: {  	[tilespmem:s19], [sflag:$0x1] =	stream.linear.gather [hbm4b:s7+s29], $0x1000, $0x38;
	[tilespmem:$0xA100] =	vst v63  }
0x2d: {  	_ =	swait.ge [sflag:s3], $0x1000  }
0x2e: {  	[sflag:s3] =	ssyncset.done $0x0  }
0x2f: {  	[sflag:s3] =	ssyncadd.s32 $0xFFFFF000  }
0x30: {  	[tilespmem:s20], [sflag:$0x1] =	stream.linear.gather [hbm4b:s8+s29], $0x1000, $0x38;
	[tilespmem:$0xA100] =	vst v63  }
0x31: {  	_ =	swait.ge [sflag:s3], $0x1000  }
0x32: {  	[sflag:s3] =	ssyncset.done $0x0  }
0x33: {  	[sflag:s3] =	ssyncadd.s32 $0xFFFFF000  }
0x34: {  	[tilespmem:s21], [sflag:$0x1] =	stream.linear.gather [hbm4b:s9+s29], $0x1000, $0x38;
	[tilespmem:$0xA100] =	vst v63  }
0x35: {  	_ =	swait.ge [sflag:s3], $0x1000  }
0x36: {  	[sflag:s3] =	ssyncset.done $0x0  }
0x37: {  	s30 =	simm.s32 $0x0;
	[sflag:s3] =	ssyncadd.s32 $0xFFFFF000  }
0x38: {  	v5 =	vld [tilespmem:s30+$0x6000];
	_ =	sdelay $0x4  }
0x39: {  	[tilespmem:$0xA080] =	vst v5  }
0x3a: {  	v6 =	vld.idx.msk [tilespmem:v0+s22+$0x0], $0xffff;
	_ =	sdelay $0x3  }
0x3b: {  	vm3 =	veq.s32 v3, $0x0  }
0x3c: {  	v6 =	vsel vm3, $0x0, v6  }
0x3d: {  	v6 =	vadd.s32 v5, v6  }
0x3e: {  	[tilespmem:$0xA080] =	vst v6  }
0x3f: {  	v7 =	vld.idx.msk [tilespmem:v1+s22+$0x0], $0xffff;
	_ =	sdelay $0x4  }
0x40: {  	v7 =	vsel vm0, $0x0, v7  }
0x41: {  	v6 =	vadd.s32 v6, v7  }
0x42: {  	[tilespmem:$0xA080] =	vst v6  }
0x43: {  	v7 =	vld.idx.msk [tilespmem:v2+s22+$0x0], $0xffff;
	_ =	sdelay $0x4  }
0x44: {  	v7 =	vsel vm1, $0x0, v7  }
0x45: {  	v6 =	vadd.s32 v6, v7  }
0x46: {  	[tilespmem:$0xA080] =	vst v6  }
0x47: {  	v7 =	vld.idx.msk [tilespmem:v4+s22+$0x0], $0xffff;
	_ =	sdelay $0x3  }
0x48: {  	v8 =	vimm.s32 $0x0;
	v9 =	vld [tilespmem:s30+$0x0]  }
0x49: {  	v6 =	vadd.s32 v6, v8;
	v10 =	vld [tilespmem:s30+$0x3000];
	v7 =	vsel vm2, $0x0, v7  }
0x4a: {  	vm4 =	vgt.s32 v5, $0x0;
	v5 =	vadd.s32 v7, v6  }
0x4b: {  	v6 =	vadd.s32 $0xFFFFFFFF, v5;
	_ =	sdelay $0x2  }
0x4c: {  	v5 =	vadd.f32 v10, v9;
	_ =	sdelay $0x1  }
0x4d: {  	[tilespmem:v6+s23+$0x0] =	vst.idx.msk vm4, v5  }
0x4e: {  	v5 =	vld [tilespmem:s30+$0x1000]  }
0x4f: {  	v7 =	vld [tilespmem:s30+$0x4000];
	_ =	sdelay $0x4  }
0x50: {  	v5 =	vadd.f32 v7, v5;
	_ =	sdelay $0x1  }
0x51: {  	v9 =	vmpcnt.ones.xlane vm4;
	[tilespmem:v6+s24+$0x0] =	vst.idx.msk vm4, v5  }
0x52: {  	v7 =	vld [tilespmem:s30+$0x2000]  }
0x53: {  	s29 =	simm.s32 $0x40;
	v5 =	vadd.s32 v8, v9;
	v8 =	vld [tilespmem:s30+$0x5000]  }
.LBB2_3:
0x54: {  	_ =	sdelay $0x3  }
0x55: {  	p0 =	sne.s32 s29, $0x3FC0;
	s30 =	smov.u32 s29;
	s29 =	sadd.s32 $0x40, s29;
	v7 =	vadd.f32 v8, v7  }
0x56: {  	_ = 	snop  }
0x57: {  	s30 =	sshra.s32 s30, $0x2;
	[tilespmem:v6+s25+$0x0] =	vst.idx.msk vm4, v7  }
0x58: {  	v6 =	vld [tilespmem:s30+$0x6000];
	_ =	sdelay $0x4  }
0x59: {  	[tilespmem:$0xA080] =	vst v6  }
0x5a: {  	v7 =	vld.idx.msk [tilespmem:v0+s22+$0x0], $0xffff;
	_ =	sdelay $0x5  }
0x5b: {  	v7 =	vsel vm3, $0x0, v7  }
0x5c: {  	v7 =	vadd.s32 v6, v7  }
0x5d: {  	[tilespmem:$0xA080] =	vst v7  }
0x5e: {  	v8 =	vld.idx.msk [tilespmem:v1+s22+$0x0], $0xffff;
	_ =	sdelay $0x5  }
0x5f: {  	v8 =	vsel vm0, $0x0, v8  }
0x60: {  	v7 =	vadd.s32 v7, v8  }
0x61: {  	[tilespmem:$0xA080] =	vst v7  }
0x62: {  	v8 =	vld.idx.msk [tilespmem:v2+s22+$0x0], $0xffff;
	_ =	sdelay $0x5  }
0x63: {  	v8 =	vsel vm1, $0x0, v8  }
0x64: {  	v7 =	vadd.s32 v7, v8  }
0x65: {  	[tilespmem:$0xA080] =	vst v7  }
0x66: {  	v8 =	vld.idx.msk [tilespmem:v4+s22+$0x0], $0xffff  }
0x67: {  	v9 =	vld [tilespmem:s30+$0x0]  }
0x68: {  	v10 =	vld [tilespmem:s30+$0x3000];
	_ =	sdelay $0x3  }
0x69: {  	v7 =	vadd.s32 v7, v5;
	v8 =	vsel vm2, $0x0, v8  }
0x6a: {  	vm4 =	vgt.s32 v6, $0x0;
	v6 =	vadd.s32 v8, v7  }
0x6b: {  	v7 =	vmpcnt.ones.xlane vm4;
	v6 =	vadd.s32 $0xFFFFFFFF, v6;
	_ =	sdelay $0x1  }
0x6c: {  	v5 =	vadd.s32 v5, v7  }
0x6d: {  	v7 =	vadd.f32 v10, v9;
	_ =	sdelay $0x1  }
0x6e: {  	[tilespmem:v6+s23+$0x0] =	vst.idx.msk vm4, v7  }
0x6f: {  	v7 =	vld [tilespmem:s30+$0x1000]  }
0x70: {  	v8 =	vld [tilespmem:s30+$0x4000];
	_ =	sdelay $0x4  }
.Ltmp1:
0x71: {  	v7 =	vadd.f32 v8, v7;
	(pc) =	sbr.rel @p0 .LBB2_3-.Ltmp1, $4  }
0x72: {  	_ = 	snop  }
0x73: {  	[tilespmem:v6+s24+$0x0] =	vst.idx.msk vm4, v7  }
0x74: {  	v7 =	vld [tilespmem:s30+$0x2000]  }
0x75: {  	v8 =	vld [tilespmem:s30+$0x5000]  }
0x76: {  	_ =	sdelay $0x3  }
0x77: {  	v7 =	vadd.f32 v8, v7;
	_ =	sdelay $0x1  }
0x78: {  	[tilespmem:v6+s25+$0x0] =	vst.idx.msk vm4, v7  }
0x79: {  	[tilespmem:$0xA000] =	vst v5  }
0x7a: {  	[hbm4b:s10+s2] =	stream.linear.scatter [tilespmem:s23], [sflag:$0x1], $0x1000, $0x38;
	[tilespmem:$0xA100] =	vst v63  }
0x7b: {  	_ =	swait.ge [sflag:s3], $0x1000  }
0x7c: {  	[sflag:s3] =	ssyncset.done $0x0  }
0x7d: {  	[sflag:s3] =	ssyncadd.s32 $0xFFFFF000  }
0x7e: {  	[hbm4b:s11+s2] =	stream.linear.scatter [tilespmem:s24], [sflag:$0x1], $0x1000, $0x38;
	[tilespmem:$0xA100] =	vst v63  }
0x7f: {  	_ =	swait.ge [sflag:s3], $0x1000  }
0x80: {  	[sflag:s3] =	ssyncset.done $0x0  }
0x81: {  	[sflag:s3] =	ssyncadd.s32 $0xFFFFF000  }
0x82: {  	[hbm4b:s12+s2] =	stream.linear.scatter [tilespmem:s25], [sflag:$0x1], $0x1000, $0x38;
	[tilespmem:$0xA100] =	vst v63  }
0x83: {  	s28 =	sadd.s32 $0x1, s28;
	_ =	swait.ge [sflag:s3], $0x1000  }
0x84: {  	p0 =	sne.s32 s28, s15;
	[sflag:s3] =	ssyncset.done $0x0  }
.Ltmp2:
0x85: {  	[sflag:s3] =	ssyncadd.s32 $0xFFFFF000;
	(pc) =	sbr.rel @p0 .LBB2_2-.Ltmp2, $4  }
0x86: {  	[hbm4b:s13+s2] =	stream.linear.scatter [tilespmem:s26], [sflag:$0x1], $0x10, $0x38;
	[tilespmem:$0xA100] =	vst v63  }
0x87: {  	_ =	swait.ge [sflag:s3], $0x10  }
0x88: {  	[sflag:s3] =	ssyncset.done $0x0  }
0x89: {  	[sflag:s3] =	ssyncadd.s32 $0xFFFFFFF0  }
.LBB2_5:
0x8a: {  	_ =	sfence.sel $0x180000  }
0x8b: {  	[bflag:$0x0] =	sbarrier.arrive $0xFFFF  }
0x8c: {  	p0 =	sne.s32 s1, $0x0;
	_ =	strace $0x90000047  }
0x8d: {  	s0 =	sadd.s32 @!p0 $0x100000, s0;
	[bflag:$0x2] =	sbarrier.arrive $0xFFFF  }
0x8e: {  	[sflag:s0] =	ssyncadd.tile.s32 @!p0 $0x1;
	_ =	shalt  }
.Lfunc_end2:
_tile_overlayer_lowered:
.L_overlay_start_2:
0x8f: {  	(tag) =	ssettag $0x2  }
0x90: {  	s0 =	rddreg [dreg:$0x0];
	s2 =	stileid.u32  }
0x91: {  	s1 =	rddreg [dreg:$0x1];
	p0 =	sne.s32 s2, $0x0  }
0x92: {  	s3 =	rddreg [dreg:$0x2];
	[bflag:$0x3] =	sbarrier.arrive $0xFFFF;
	s2 =	simm.s32 @!p0 $0x1C01  }
0x93: {  	[timem:s3], [sflag:s2] =	dma.local @!p0 [hbm:s0], s1  }
0x94: {  	s0 =	simm.s32 @!p0 $0x1  }
0x95: {  	_ =	swait.ge @!p0 [sflag:s0], s1  }
0x96: {  	s1 =	ssub.s32 @!p0 $0x0, s1;
	[sflag:s0] =	ssyncset.done @!p0 $0x0  }
0x97: {  	[sflag:s0] =	ssyncadd.s32 @!p0 s1  }
0x98: {  	[bflag:$0x3] =	sbarrier.arrive $0xFFFF  }
0x99: {  	_ =	shalt  }

</sc_bundles>
